<compile_context>
chip_gen: v7x
topology: tpu7x:2x2x1
jax: 0.10.2.dev20260603
libtpu: 0.0.44.dev20260713+nightly
codegen_flags: <defaults>
</compile_context>

<pallas_src>
import functools

import jax
import jax.numpy as jnp
from jax import lax
from jax.experimental import pallas as pl
from jax.experimental.pallas import tpu as pltpu
from jax.experimental.pallas import tpu_sc as plsc

NN = 10000
NE = 320000
D = 128
NG = 64

NC = 2
NS = 16
NW = NC * NS
CH = 80
EPT = NE // NW
NCH = EPT // CH
CHP = 88
EPTP = 10032
NCHP = EPTP // CHP
PAD_PT = EPTP - EPT
NNP = 10240
ROWS_PT = NNP // NS
DRAIN = 80
DEGP = 10240
DEG_PT = DEGP // NS


@functools.lru_cache(maxsize=None)
def _build_deg_kernel():
    mesh = plsc.VectorSubcoreMesh(core_axis_name="c", subcore_axis_name="s")

    @functools.partial(
        pl.kernel,
        mesh=mesh,
        out_type=jax.ShapeDtypeStruct((NC * DEGP,), jnp.float32),
        scratch_types=[
            pltpu.VMEM((NCH, CH), jnp.int32),
            pltpu.VMEM((CH,), jnp.float32),
            pltpu.VMEM((DEG_PT,), jnp.float32),
            pltpu.VMEM_SHARED((DEGP,), jnp.float32),
        ],
    )
    def _deg_kernel(dst_hbm, ones_hbm, zeros_hbm, out_hbm, dst_v, ones_v, buf_v, acc_sh):
        c = lax.axis_index("c")
        s = lax.axis_index("s")
        wid = c * NS + s
        pltpu.sync_copy(zeros_hbm, buf_v)
        pltpu.sync_copy(buf_v, acc_sh.at[pl.ds(s * DEG_PT, DEG_PT)])
        pltpu.sync_copy(ones_hbm, ones_v)
        pltpu.sync_copy(dst_hbm.at[wid], dst_v)
        plsc.subcore_barrier()

        def body(i, carry):
            pltpu.sync_copy(ones_v, acc_sh.at[dst_v.at[i]], add=True)
            return carry

        lax.fori_loop(0, NCH, body, 0)
        plsc.subcore_barrier()

        pltpu.sync_copy(acc_sh.at[pl.ds(s * DEG_PT, DEG_PT)], buf_v)
        pltpu.sync_copy(buf_v, out_hbm.at[pl.ds(c * DEGP + s * DEG_PT, DEG_PT)])

    return _deg_kernel


@functools.lru_cache(maxsize=None)
def _build_agg_kernel():
    mesh = plsc.VectorSubcoreMesh(core_axis_name="c", subcore_axis_name="s")

    @functools.partial(
        pl.kernel,
        mesh=mesh,
        out_type=jax.ShapeDtypeStruct((NC * NNP, D), jnp.float32),
        scratch_types=[
            pltpu.VMEM((CHP,), jnp.int32),
            pltpu.VMEM((CHP,), jnp.int32),
            pltpu.VMEM((CHP,), jnp.int32),
            pltpu.VMEM((CHP,), jnp.int32),
            pltpu.VMEM((CHP,), jnp.int32),
            pltpu.VMEM((CHP,), jnp.int32),
            pltpu.VMEM((CHP, D), jnp.float32),
            pltpu.VMEM((CHP, D), jnp.float32),
            pltpu.VMEM((CHP, D), jnp.float32),
            pltpu.VMEM_SHARED((NNP, D), jnp.float32),
            pltpu.SemaphoreType.DMA,
            pltpu.SemaphoreType.DMA,
            pltpu.SemaphoreType.DMA,
            pltpu.SemaphoreType.DMA,
            pltpu.SemaphoreType.DMA,
            pltpu.SemaphoreType.DMA,
            pltpu.SemaphoreType.DMA,
            pltpu.SemaphoreType.DMA,
            pltpu.SemaphoreType.DMA,
        ],
    )
    def _agg_kernel(g_hbm, src_hbm, dst_hbm, zeros_hbm, out_hbm,
                    s0_v, d0_v, s1_v, d1_v, s2_v, d2_v, r0_v, r1_v, r2_v, acc_sh,
                    isem0, isem1, isem2, gsem0, gsem1, gsem2, ssem0, ssem1, ssem2):
        c = lax.axis_index("c")
        s = lax.axis_index("s")
        eb = (c * NS + s) * EPTP
        sv = (s0_v, s1_v, s2_v)
        dv = (d0_v, d1_v, d2_v)
        rv = (r0_v, r1_v, r2_v)
        isem = (isem0, isem1, isem2)
        gsem = (gsem0, gsem1, gsem2)
        ssem = (ssem0, ssem1, ssem2)

        def idx_start(ch, k):
            pltpu.async_copy(src_hbm.at[pl.ds(eb + ch * CHP, CHP)], sv[k], isem[k])
            pltpu.async_copy(dst_hbm.at[pl.ds(eb + ch * CHP, CHP)], dv[k], isem[k])

        def idx_wait(ch, k):
            pltpu.make_async_copy(src_hbm.at[pl.ds(eb + ch * CHP, CHP)], sv[k], isem[k]).wait()
            pltpu.make_async_copy(dst_hbm.at[pl.ds(eb + ch * CHP, CHP)], dv[k], isem[k]).wait()

        def gather_start(k):
            pltpu.async_copy(g_hbm.at[sv[k]], rv[k], gsem[k])

        def gather_wait(k):
            pltpu.make_async_copy(g_hbm.at[sv[k]], rv[k], gsem[k]).wait()

        def scatter_start(k):
            pltpu.async_copy(rv[k], acc_sh.at[dv[k]], ssem[k], add=True)

        def scatter_wait(k):
            pltpu.make_async_copy(rv[k], acc_sh.at[dv[k]], ssem[k]).wait()

        zb = r0_v.at[pl.ds(0, DRAIN)]
        pltpu.sync_copy(zeros_hbm, zb)
        for k in range(ROWS_PT // DRAIN):
            pltpu.async_copy(zb, acc_sh.at[pl.ds(s * ROWS_PT + k * DRAIN, DRAIN)], gsem0)
        for k in range(ROWS_PT // DRAIN):
            pltpu.make_async_copy(
                zb, acc_sh.at[pl.ds(s * ROWS_PT + k * DRAIN, DRAIN)], gsem0).wait()
        plsc.subcore_barrier()

        def step(ch, a, first=False):
            cc = (a + 2) % 3
            gather_wait(a)
            scatter_start(a)
            if not first:
                scatter_wait(cc)
            nxt = jnp.minimum(ch + 2, NCHP - 1)
            idx_start(nxt, cc)
            idx_wait(nxt, cc)
            gather_start(cc)

        idx_start(0, 0)
        idx_start(1, 1)
        idx_wait(0, 0)
        gather_start(0)
        idx_wait(1, 1)
        gather_start(1)
        step(0, 0, first=True)
        step(1, 1)
        step(2, 2)

        def body(i, carry):
            ch = 3 * i
            step(ch, 0)
            step(ch + 1, 1)
            step(ch + 2, 2)
            return carry

        lax.fori_loop(1, NCHP // 3, body, 0)
        scatter_wait(2)
        gather_wait(0)
        gather_wait(1)
        plsc.subcore_barrier()

        b0 = r0_v.at[pl.ds(0, DRAIN)]
        b1 = r1_v.at[pl.ds(0, DRAIN)]
        for k in range(ROWS_PT // DRAIN):
            r = s * ROWS_PT + k * DRAIN
            rb = b0 if k % 2 == 0 else b1
            sm = gsem0 if k % 2 == 0 else gsem1
            if k >= 2:
                rp = s * ROWS_PT + (k - 2) * DRAIN
                pltpu.make_async_copy(rb, out_hbm.at[pl.ds(c * NNP + rp, DRAIN)], sm).wait()
            pltpu.sync_copy(acc_sh.at[pl.ds(r, DRAIN)], rb)
            pltpu.async_copy(rb, out_hbm.at[pl.ds(c * NNP + r, DRAIN)], sm)
        for k in range(ROWS_PT // DRAIN - 2, ROWS_PT // DRAIN):
            r = s * ROWS_PT + k * DRAIN
            rb = b0 if k % 2 == 0 else b1
            sm = gsem0 if k % 2 == 0 else gsem1
            pltpu.make_async_copy(rb, out_hbm.at[pl.ds(c * NNP + r, DRAIN)], sm).wait()

    return _agg_kernel



def _dense1_body(x_ref, w_ref, d0_ref, d1_ref, g_ref):
    dinv = lax.rsqrt(d0_ref[...] + d1_ref[...] + 1.0)
    h = jnp.dot(x_ref[...], w_ref[...], preferred_element_type=jnp.float32)
    g_ref[...] = h * dinv


def _dense2_body(agg_ref, g1_ref, d0_ref, d1_ref, w_ref, b_ref, g2_ref):
    dinv = lax.rsqrt(d0_ref[...] + d1_ref[...] + 1.0)
    a = agg_ref[pl.ds(0, NN), :] + agg_ref[pl.ds(NNP, NN), :] + g1_ref[...]
    out1 = jnp.maximum(a * dinv + b_ref[...], 0.0)
    h2 = jnp.dot(out1, w_ref[...], preferred_element_type=jnp.float32)
    g2_ref[...] = h2 * dinv


def _final_body(agg_ref, g2_ref, d0_ref, d1_ref, b_ref, batch_ref, out_ref):
    dinv = lax.rsqrt(d0_ref[...] + d1_ref[...] + 1.0)
    a = agg_ref[pl.ds(0, NN), :] + agg_ref[pl.ds(NNP, NN), :] + g2_ref[...]
    out2 = jnp.maximum(a * dinv + b_ref[...], 0.0)
    gids = lax.broadcasted_iota(jnp.int32, (NG, NN), 0)
    p = (gids == batch_ref[...]).astype(jnp.float32)
    sums = jnp.dot(p, out2, preferred_element_type=jnp.float32)
    counts = jnp.sum(p, axis=1, keepdims=True)
    out_ref[...] = sums / jnp.maximum(counts, 1.0)


_dense1 = pl.pallas_call(
    _dense1_body, out_shape=jax.ShapeDtypeStruct((NN, D), jnp.float32))
_dense2 = pl.pallas_call(
    _dense2_body, out_shape=jax.ShapeDtypeStruct((NN, D), jnp.float32))
_final = pl.pallas_call(
    _final_body, out_shape=jax.ShapeDtypeStruct((NG, D), jnp.float32))



def kernel(x, edge_index, batch, W1, b1, W2, b2):
    src = edge_index[0].astype(jnp.int32)
    dst = edge_index[1].astype(jnp.int32)
    dst3 = dst.reshape(NW, NCH, CH)
    pad_iota = jnp.arange(NW * PAD_PT, dtype=jnp.int32)
    pad_src = ((pad_iota * 41) % NN).reshape(NW, PAD_PT)
    pad_dst = (NN + (pad_iota % (NNP - NN))).reshape(NW, PAD_PT)
    srcp = jnp.concatenate([src.reshape(NW, EPT), pad_src], axis=1).reshape(-1)
    dstp = jnp.concatenate([dst.reshape(NW, EPT), pad_dst], axis=1).reshape(-1)
    batch2d = batch.astype(jnp.int32).reshape(1, NN)
    ones_ch = jnp.ones((CH,), jnp.float32)
    zeros_deg = jnp.zeros((DEG_PT,), jnp.float32)
    zeros_agg = jnp.zeros((DRAIN, D), jnp.float32)
    b1r = b1.reshape(1, D)
    b2r = b2.reshape(1, D)

    deg_k = _build_deg_kernel()
    agg_k = _build_agg_kernel()

    deg2 = deg_k(dst3, ones_ch, zeros_deg)
    d0 = deg2[:NN].reshape(NN, 1)
    d1 = deg2[DEGP:DEGP + NN].reshape(NN, 1)

    g1 = _dense1(x, W1, d0, d1)
    a1 = agg_k(g1, srcp, dstp, zeros_agg)
    g2 = _dense2(a1, g1, d0, d1, W2, b1r)
    a2 = agg_k(g2, srcp, dstp, zeros_agg)
    return _final(a2, g2, d0, d1, b2r, batch2d)

# --- scband reference (transcript-rebuilt; emitter-appended) ---
"""Pipeline reference for scband-gnnencoder-77996606095605 (READ-ONLY COPY).

The authoritative reference and input builder live on the scoring server;
editing this copy changes nothing except your own understanding.
"""

import jax, jax.numpy as jnp
import numpy as np

N_NODES = 10000
N_EDGES = 320000
D_IN = 128
D_HID = 128
D_OUT = 128
N_GRAPHS = 64


def setup_inputs(seed: int = 0) -> dict:
    key = jax.random.key(seed)
    k1, k2, k3, k4, k5, k6, k7 = jax.random.split(key, 7)
    x = jax.random.normal(k1, (N_NODES, D_IN), dtype=jnp.float32)
    edge_index = jax.random.randint(k2, (2, N_EDGES), 0, N_NODES, dtype=jnp.int64)
    batch = jnp.sort(jax.random.randint(k3, (N_NODES,), 0, N_GRAPHS, dtype=jnp.int64))
    W1 = jax.random.normal(k4, (D_IN, D_HID), dtype=jnp.float32) * (1.0 / np.sqrt(D_IN))
    b1 = jnp.zeros((D_HID,), dtype=jnp.float32)
    W2 = jax.random.normal(k5, (D_HID, D_OUT), dtype=jnp.float32) * (1.0 / np.sqrt(D_HID))
    b2 = jnp.zeros((D_OUT,), dtype=jnp.float32)
    return {"x": x, "edge_index": edge_index, "batch": batch, "W1": W1, "b1": b1, "W2": W2, "b2": b2}


def _gcn_conv(x, edge_index, W, b):
    # GCNConv: add self-loops, symmetric normalization, linear transform, scatter-add aggregate
    n = x.shape[0]
    loop = jnp.arange(n, dtype=edge_index.dtype)
    src = jnp.concatenate([edge_index[0], loop])
    dst = jnp.concatenate([edge_index[1], loop])
    deg = jnp.zeros((n,), dtype=x.dtype).at[dst].add(1.0)
    dinv = 1.0 / jnp.sqrt(jnp.clip(deg, 1.0))
    h = x @ W
    norm = dinv[src] * dinv[dst]
    msg = h[src] * norm[:, None]
    out = jnp.zeros((n, W.shape[1]), dtype=x.dtype).at[dst].add(msg)
    return out + b


def _global_mean_pool(x, batch, num_graphs):
    sums = jax.ops.segment_sum(x, batch, num_segments=num_graphs)
    counts = jax.ops.segment_sum(jnp.ones((x.shape[0],), dtype=x.dtype), batch, num_segments=num_graphs)
    return sums / jnp.clip(counts, 1.0)[:, None]


def reference(x, edge_index, batch, W1, b1, W2, b2):
    h = jax.nn.relu(_gcn_conv(x, edge_index, W1, b1))
    h = jax.nn.relu(_gcn_conv(h, edge_index, W2, b2))
    return _global_mean_pool(h, batch, N_GRAPHS)

if __name__ == "__main__":
    import jax
    _d = setup_inputs()
    print(jax.jit(kernel)(*tuple(_d.values())))

</pallas_src>

<mosaic_0001>
#map = affine_map<(d0, d1) -> (0, 0)>
#map1 = affine_map<(d0, d1) -> (0)>
module attributes {stable_mosaic.version = 14 : i64} {
  func.func @_agg_kernel(%arg0: i32, %arg1: i32, %arg2: memref<10000x128xf32, #tpu.memory_space<hbm>>, %arg3: memref<321024xi32, #tpu.memory_space<hbm>>, %arg4: memref<321024xi32, #tpu.memory_space<hbm>>, %arg5: memref<80x128xf32, #tpu.memory_space<hbm>>, %arg6: memref<20480x128xf32, #tpu.memory_space<hbm>>, %arg7: memref<88xi32, #tpu.memory_space<vmem>>, %arg8: memref<88xi32, #tpu.memory_space<vmem>>, %arg9: memref<88xi32, #tpu.memory_space<vmem>>, %arg10: memref<88xi32, #tpu.memory_space<vmem>>, %arg11: memref<88xi32, #tpu.memory_space<vmem>>, %arg12: memref<88xi32, #tpu.memory_space<vmem>>, %arg13: memref<88x128xf32, #tpu.memory_space<vmem>>, %arg14: memref<88x128xf32, #tpu.memory_space<vmem>>, %arg15: memref<88x128xf32, #tpu.memory_space<vmem>>, %arg16: memref<10240x128xf32, #tpu.memory_space<vmem_shared>>, %arg17: memref<!tpu.dma_semaphore, #tpu.memory_space<semaphore_mem>>, %arg18: memref<!tpu.dma_semaphore, #tpu.memory_space<semaphore_mem>>, %arg19: memref<!tpu.dma_semaphore, #tpu.memory_space<semaphore_mem>>, %arg20: memref<!tpu.dma_semaphore, #tpu.memory_space<semaphore_mem>>, %arg21: memref<!tpu.dma_semaphore, #tpu.memory_space<semaphore_mem>>, %arg22: memref<!tpu.dma_semaphore, #tpu.memory_space<semaphore_mem>>, %arg23: memref<!tpu.dma_semaphore, #tpu.memory_space<semaphore_mem>>, %arg24: memref<!tpu.dma_semaphore, #tpu.memory_space<semaphore_mem>>, %arg25: memref<!tpu.dma_semaphore, #tpu.memory_space<semaphore_mem>>) attributes {dimension_semantics = [#tpu.dimension_semantics<core_parallel>, #tpu.dimension_semantics<subcore_parallel>], iteration_bounds = array<i64: 2, 16>, scalar_prefetch = 0 : i64, scratch_operands = 19 : i64, tpu.core_type = #tpu.core_type<sc_vector_subcore>, window_params = [{transform_indices = #map}, {transform_indices = #map1}, {transform_indices = #map1}, {transform_indices = #map}, {transform_indices = #map}]} {
    %mul3A = arith.constant 16 : i32
    %mul3A_0 = arith.muli %arg0, %mul3A : i32
    %add3A = arith.addi %mul3A_0, %arg1 : i32
    %mul3A_1 = arith.constant 10032 : i32
    %mul3A_2 = arith.muli %add3A, %mul3A_1 : i32
    "tpu.region"() ({
      %run_scoped3A = tpu.sem_alloc : memref<!tpu.dma_semaphore, #tpu.memory_space<semaphore_mem>>
      %dma_start3A_651 = arith.constant 0 : i32
      %dma_start3A_652 = arith.constant 0 : i32
      %dma_start3A_653 = tpu.memref_slice %arg13[%dma_start3A_651, %dma_start3A_652] : memref<88x128xf32, #tpu.memory_space<vmem>> -> memref<80x128xf32, #tpu.memory_space<vmem>>
      %dma_start3A_654 = arith.constant 0 : i32
      %dma_start3A_655 = arith.constant 0 : i32
      %dma_start3A_656 = tpu.memref_slice %arg13[%dma_start3A_654, %dma_start3A_655] : memref<88x128xf32, #tpu.memory_space<vmem>> -> memref<80x128xf32, #tpu.memory_space<vmem>>
      tpu.enqueue_dma source(%arg5 : memref<80x128xf32, #tpu.memory_space<hbm>>) target(%dma_start3A_656 : memref<80x128xf32, #tpu.memory_space<vmem>>) target_semaphore(%run_scoped3A : memref<!tpu.dma_semaphore, #tpu.memory_space<semaphore_mem>>)
      %dma_wait3A_657 = arith.constant 0 : i32
      %dma_wait3A_658 = arith.constant 0 : i32
      %dma_wait3A_659 = tpu.memref_slice %arg13[%dma_wait3A_657, %dma_wait3A_658] : memref<88x128xf32, #tpu.memory_space<vmem>> -> memref<80x128xf32, #tpu.memory_space<vmem>>
      %dma_wait3A_660 = arith.constant 0 : i32
      %dma_wait3A_661 = arith.constant 0 : i32
      %dma_wait3A_662 = tpu.memref_slice %arg13[%dma_wait3A_660, %dma_wait3A_661] : memref<88x128xf32, #tpu.memory_space<vmem>> -> memref<80x128xf32, #tpu.memory_space<vmem>>
      tpu.wait_dma2 semaphore(%run_scoped3A : memref<!tpu.dma_semaphore, #tpu.memory_space<semaphore_mem>>) src(%arg5 : memref<80x128xf32, #tpu.memory_space<hbm>>) dst(%dma_wait3A_662 : memref<80x128xf32, #tpu.memory_space<vmem>>)
      tpu.yield
    }) : () -> ()
    %mul3A_3 = arith.constant 640 : i32
    %mul3A_4 = arith.muli %arg1, %mul3A_3 : i32
    %add3A_5 = arith.constant 0 : i32
    %add3A_6 = arith.addi %mul3A_4, %add3A_5 : i32
    %dma_start3A = arith.constant 0 : i32
    %dma_start3A_7 = arith.constant 0 : i32
    %dma_start3A_8 = tpu.memref_slice %arg13[%dma_start3A, %dma_start3A_7] : memref<88x128xf32, #tpu.memory_space<vmem>> -> memref<80x128xf32, #tpu.memory_space<vmem>>
    %dma_start3A_9 = arith.constant 0 : i32
    %dma_start3A_10 = tpu.memref_slice %arg16[%add3A_6, %dma_start3A_9] : memref<10240x128xf32, #tpu.memory_space<vmem_shared>> -> memref<80x128xf32, #tpu.memory_space<vmem_shared>>
    %dma_start3A_11 = arith.constant 0 : i32
    %dma_start3A_12 = tpu.memref_slice %arg16[%add3A_6, %dma_start3A_11] : memref<10240x128xf32, #tpu.memory_space<vmem_shared>> -> memref<80x128xf32, #tpu.memory_space<vmem_shared>>
    %dma_start3A_13 = arith.constant 0 : i32
    %dma_start3A_14 = arith.constant 0 : i32
    %dma_start3A_15 = tpu.memref_slice %arg13[%dma_start3A_13, %dma_start3A_14] : memref<88x128xf32, #tpu.memory_space<vmem>> -> memref<80x128xf32, #tpu.memory_space<vmem>>
    tpu.enqueue_dma source(%dma_start3A_15 : memref<80x128xf32, #tpu.memory_space<vmem>>) target(%dma_start3A_12 : memref<80x128xf32, #tpu.memory_space<vmem_shared>>) target_semaphore(%arg20 : memref<!tpu.dma_semaphore, #tpu.memory_space<semaphore_mem>>)
    %mul3A_16 = arith.constant 640 : i32
    %mul3A_17 = arith.muli %arg1, %mul3A_16 : i32
    %add3A_18 = arith.constant 80 : i32
    %add3A_19 = arith.addi %mul3A_17, %add3A_18 : i32
    %dma_start3A_20 = arith.constant 0 : i32
    %dma_start3A_21 = arith.constant 0 : i32
    %dma_start3A_22 = tpu.memref_slice %arg13[%dma_start3A_20, %dma_start3A_21] : memref<88x128xf32, #tpu.memory_space<vmem>> -> memref<80x128xf32, #tpu.memory_space<vmem>>
    %dma_start3A_23 = arith.constant 0 : i32
    %dma_start3A_24 = tpu.memref_slice %arg16[%add3A_19, %dma_start3A_23] : memref<10240x128xf32, #tpu.memory_space<vmem_shared>> -> memref<80x128xf32, #tpu.memory_space<vmem_shared>>
    %dma_start3A_25 = arith.constant 0 : i32
    %dma_start3A_26 = tpu.memref_slice %arg16[%add3A_19, %dma_start3A_25] : memref<10240x128xf32, #tpu.memory_space<vmem_shared>> -> memref<80x128xf32, #tpu.memory_space<vmem_shared>>
    %dma_start3A_27 = arith.constant 0 : i32
    %dma_start3A_28 = arith.constant 0 : i32
    %dma_start3A_29 = tpu.memref_slice %arg13[%dma_start3A_27, %dma_start3A_28] : memref<88x128xf32, #tpu.memory_space<vmem>> -> memref<80x128xf32, #tpu.memory_space<vmem>>
    tpu.enqueue_dma source(%dma_start3A_29 : memref<80x128xf32, #tpu.memory_space<vmem>>) target(%dma_start3A_26 : memref<80x128xf32, #tpu.memory_space<vmem_shared>>) target_semaphore(%arg20 : memref<!tpu.dma_semaphore, #tpu.memory_space<semaphore_mem>>)
    %mul3A_30 = arith.constant 640 : i32
    %mul3A_31 = arith.muli %arg1, %mul3A_30 : i32
    %add3A_32 = arith.constant 160 : i32
    %add3A_33 = arith.addi %mul3A_31, %add3A_32 : i32
    %dma_start3A_34 = arith.constant 0 : i32
    %dma_start3A_35 = arith.constant 0 : i32
    %dma_start3A_36 = tpu.memref_slice %arg13[%dma_start3A_34, %dma_start3A_35] : memref<88x128xf32, #tpu.memory_space<vmem>> -> memref<80x128xf32, #tpu.memory_space<vmem>>
    %dma_start3A_37 = arith.constant 0 : i32
    %dma_start3A_38 = tpu.memref_slice %arg16[%add3A_33, %dma_start3A_37] : memref<10240x128xf32, #tpu.memory_space<vmem_shared>> -> memref<80x128xf32, #tpu.memory_space<vmem_shared>>
    %dma_start3A_39 = arith.constant 0 : i32
    %dma_start3A_40 = tpu.memref_slice %arg16[%add3A_33, %dma_start3A_39] : memref<10240x128xf32, #tpu.memory_space<vmem_shared>> -> memref<80x128xf32, #tpu.memory_space<vmem_shared>>
    %dma_start3A_41 = arith.constant 0 : i32
    %dma_start3A_42 = arith.constant 0 : i32
    %dma_start3A_43 = tpu.memref_slice %arg13[%dma_start3A_41, %dma_start3A_42] : memref<88x128xf32, #tpu.memory_space<vmem>> -> memref<80x128xf32, #tpu.memory_space<vmem>>
    tpu.enqueue_dma source(%dma_start3A_43 : memref<80x128xf32, #tpu.memory_space<vmem>>) target(%dma_start3A_40 : memref<80x128xf32, #tpu.memory_space<vmem_shared>>) target_semaphore(%arg20 : memref<!tpu.dma_semaphore, #tpu.memory_space<semaphore_mem>>)
    %mul3A_44 = arith.constant 640 : i32
    %mul3A_45 = arith.muli %arg1, %mul3A_44 : i32
    %add3A_46 = arith.constant 240 : i32
    %add3A_47 = arith.addi %mul3A_45, %add3A_46 : i32
    %dma_start3A_48 = arith.constant 0 : i32
    %dma_start3A_49 = arith.constant 0 : i32
    %dma_start3A_50 = tpu.memref_slice %arg13[%dma_start3A_48, %dma_start3A_49] : memref<88x128xf32, #tpu.memory_space<vmem>> -> memref<80x128xf32, #tpu.memory_space<vmem>>
    %dma_start3A_51 = arith.constant 0 : i32
    %dma_start3A_52 = tpu.memref_slice %arg16[%add3A_47, %dma_start3A_51] : memref<10240x128xf32, #tpu.memory_space<vmem_shared>> -> memref<80x128xf32, #tpu.memory_space<vmem_shared>>
    %dma_start3A_53 = arith.constant 0 : i32
    %dma_start3A_54 = tpu.memref_slice %arg16[%add3A_47, %dma_start3A_53] : memref<10240x128xf32, #tpu.memory_space<vmem_shared>> -> memref<80x128xf32, #tpu.memory_space<vmem_shared>>
    %dma_start3A_55 = arith.constant 0 : i32
    %dma_start3A_56 = arith.constant 0 : i32
    %dma_start3A_57 = tpu.memref_slice %arg13[%dma_start3A_55, %dma_start3A_56] : memref<88x128xf32, #tpu.memory_space<vmem>> -> memref<80x128xf32, #tpu.memory_space<vmem>>
    tpu.enqueue_dma source(%dma_start3A_57 : memref<80x128xf32, #tpu.memory_space<vmem>>) target(%dma_start3A_54 : memref<80x128xf32, #tpu.memory_space<vmem_shared>>) target_semaphore(%arg20 : memref<!tpu.dma_semaphore, #tpu.memory_space<semaphore_mem>>)
    %mul3A_58 = arith.constant 640 : i32
    %mul3A_59 = arith.muli %arg1, %mul3A_58 : i32
    %add3A_60 = arith.constant 320 : i32
    %add3A_61 = arith.addi %mul3A_59, %add3A_60 : i32
    %dma_start3A_62 = arith.constant 0 : i32
    %dma_start3A_63 = arith.constant 0 : i32
    %dma_start3A_64 = tpu.memref_slice %arg13[%dma_start3A_62, %dma_start3A_63] : memref<88x128xf32, #tpu.memory_space<vmem>> -> memref<80x128xf32, #tpu.memory_space<vmem>>
    %dma_start3A_65 = arith.constant 0 : i32
    %dma_start3A_66 = tpu.memref_slice %arg16[%add3A_61, %dma_start3A_65] : memref<10240x128xf32, #tpu.memory_space<vmem_shared>> -> memref<80x128xf32, #tpu.memory_space<vmem_shared>>
    %dma_start3A_67 = arith.constant 0 : i32
    %dma_start3A_68 = tpu.memref_slice %arg16[%add3A_61, %dma_start3A_67] : memref<10240x128xf32, #tpu.memory_space<vmem_shared>> -> memref<80x128xf32, #tpu.memory_space<vmem_shared>>
    %dma_start3A_69 = arith.constant 0 : i32
    %dma_start3A_70 = arith.constant 0 : i32
    %dma_start3A_71 = tpu.memref_slice %arg13[%dma_start3A_69, %dma_start3A_70] : memref<88x128xf32, #tpu.memory_space<vmem>> -> memref<80x128xf32, #tpu.memory_space<vmem>>
    tpu.enqueue_dma source(%dma_start3A_71 : memref<80x128xf32, #tpu.memory_space<vmem>>) target(%dma_start3A_68 : memref<80x128xf32, #tpu.memory_space<vmem_shared>>) target_semaphore(%arg20 : memref<!tpu.dma_semaphore, #tpu.memory_space<semaphore_mem>>)
    %mul3A_72 = arith.constant 640 : i32
    %mul3A_73 = arith.muli %arg1, %mul3A_72 : i32
    %add3A_74 = arith.constant 400 : i32
    %add3A_75 = arith.addi %mul3A_73, %add3A_74 : i32
    %dma_start3A_76 = arith.constant 0 : i32
    %dma_start3A_77 = arith.constant 0 : i32
    %dma_start3A_78 = tpu.memref_slice %arg13[%dma_start3A_76, %dma_start3A_77] : memref<88x128xf32, #tpu.memory_space<vmem>> -> memref<80x128xf32, #tpu.memory_space<vmem>>
    %dma_start3A_79 = arith.constant 0 : i32
    %dma_start3A_80 = tpu.memref_slice %arg16[%add3A_75, %dma_start3A_79] : memref<10240x128xf32, #tpu.memory_space<vmem_shared>> -> memref<80x128xf32, #tpu.memory_space<vmem_shared>>
    %dma_start3A_81 = arith.constant 0 : i32
    %dma_start3A_82 = tpu.memref_slice %arg16[%add3A_75, %dma_start3A_81] : memref<10240x128xf32, #tpu.memory_space<vmem_shared>> -> memref<80x128xf32, #tpu.memory_space<vmem_shared>>
    %dma_start3A_83 = arith.constant 0 : i32
    %dma_start3A_84 = arith.constant 0 : i32
    %dma_start3A_85 = tpu.memref_slice %arg13[%dma_start3A_83, %dma_start3A_84] : memref<88x128xf32, #tpu.memory_space<vmem>> -> memref<80x128xf32, #tpu.memory_space<vmem>>
    tpu.enqueue_dma source(%dma_start3A_85 : memref<80x128xf32, #tpu.memory_space<vmem>>) target(%dma_start3A_82 : memref<80x128xf32, #tpu.memory_space<vmem_shared>>) target_semaphore(%arg20 : memref<!tpu.dma_semaphore, #tpu.memory_space<semaphore_mem>>)
    %mul3A_86 = arith.constant 640 : i32
    %mul3A_87 = arith.muli %arg1, %mul3A_86 : i32
    %add3A_88 = arith.constant 480 : i32
    %add3A_89 = arith.addi %mul3A_87, %add3A_88 : i32
    %dma_start3A_90 = arith.constant 0 : i32
    %dma_start3A_91 = arith.constant 0 : i32
    %dma_start3A_92 = tpu.memref_slice %arg13[%dma_start3A_90, %dma_start3A_91] : memref<88x128xf32, #tpu.memory_space<vmem>> -> memref<80x128xf32, #tpu.memory_space<vmem>>
    %dma_start3A_93 = arith.constant 0 : i32
    %dma_start3A_94 = tpu.memref_slice %arg16[%add3A_89, %dma_start3A_93] : memref<10240x128xf32, #tpu.memory_space<vmem_shared>> -> memref<80x128xf32, #tpu.memory_space<vmem_shared>>
    %dma_start3A_95 = arith.constant 0 : i32
    %dma_start3A_96 = tpu.memref_slice %arg16[%add3A_89, %dma_start3A_95] : memref<10240x128xf32, #tpu.memory_space<vmem_shared>> -> memref<80x128xf32, #tpu.memory_space<vmem_shared>>
    %dma_start3A_97 = arith.constant 0 : i32
    %dma_start3A_98 = arith.constant 0 : i32
    %dma_start3A_99 = tpu.memref_slice %arg13[%dma_start3A_97, %dma_start3A_98] : memref<88x128xf32, #tpu.memory_space<vmem>> -> memref<80x128xf32, #tpu.memory_space<vmem>>
    tpu.enqueue_dma source(%dma_start3A_99 : memref<80x128xf32, #tpu.memory_space<vmem>>) target(%dma_start3A_96 : memref<80x128xf32, #tpu.memory_space<vmem_shared>>) target_semaphore(%arg20 : memref<!tpu.dma_semaphore, #tpu.memory_space<semaphore_mem>>)
    %mul3A_100 = arith.constant 640 : i32
    %mul3A_101 = arith.muli %arg1, %mul3A_100 : i32
    %add3A_102 = arith.constant 560 : i32
    %add3A_103 = arith.addi %mul3A_101, %add3A_102 : i32
    %dma_start3A_104 = arith.constant 0 : i32
    %dma_start3A_105 = arith.constant 0 : i32
    %dma_start3A_106 = tpu.memref_slice %arg13[%dma_start3A_104, %dma_start3A_105] : memref<88x128xf32, #tpu.memory_space<vmem>> -> memref<80x128xf32, #tpu.memory_space<vmem>>
    %dma_start3A_107 = arith.constant 0 : i32
    %dma_start3A_108 = tpu.memref_slice %arg16[%add3A_103, %dma_start3A_107] : memref<10240x128xf32, #tpu.memory_space<vmem_shared>> -> memref<80x128xf32, #tpu.memory_space<vmem_shared>>
    %dma_start3A_109 = arith.constant 0 : i32
    %dma_start3A_110 = tpu.memref_slice %arg16[%add3A_103, %dma_start3A_109] : memref<10240x128xf32, #tpu.memory_space<vmem_shared>> -> memref<80x128xf32, #tpu.memory_space<vmem_shared>>
    %dma_start3A_111 = arith.constant 0 : i32
    %dma_start3A_112 = arith.constant 0 : i32
    %dma_start3A_113 = tpu.memref_slice %arg13[%dma_start3A_111, %dma_start3A_112] : memref<88x128xf32, #tpu.memory_space<vmem>> -> memref<80x128xf32, #tpu.memory_space<vmem>>
    tpu.enqueue_dma source(%dma_start3A_113 : memref<80x128xf32, #tpu.memory_space<vmem>>) target(%dma_start3A_110 : memref<80x128xf32, #tpu.memory_space<vmem_shared>>) target_semaphore(%arg20 : memref<!tpu.dma_semaphore, #tpu.memory_space<semaphore_mem>>)
    %mul3A_114 = arith.constant 640 : i32
    %mul3A_115 = arith.muli %arg1, %mul3A_114 : i32
    %add3A_116 = arith.constant 0 : i32
    %add3A_117 = arith.addi %mul3A_115, %add3A_116 : i32
    %dma_wait3A = arith.constant 0 : i32
    %dma_wait3A_118 = arith.constant 0 : i32
    %dma_wait3A_119 = tpu.memref_slice %arg13[%dma_wait3A, %dma_wait3A_118] : memref<88x128xf32, #tpu.memory_space<vmem>> -> memref<80x128xf32, #tpu.memory_space<vmem>>
    %dma_wait3A_120 = arith.constant 0 : i32
    %dma_wait3A_121 = tpu.memref_slice %arg16[%add3A_117, %dma_wait3A_120] : memref<10240x128xf32, #tpu.memory_space<vmem_shared>> -> memref<80x128xf32, #tpu.memory_space<vmem_shared>>
    %dma_wait3A_122 = arith.constant 0 : i32
    %dma_wait3A_123 = tpu.memref_slice %arg16[%add3A_117, %dma_wait3A_122] : memref<10240x128xf32, #tpu.memory_space<vmem_shared>> -> memref<80x128xf32, #tpu.memory_space<vmem_shared>>
    %dma_wait3A_124 = arith.constant 0 : i32
    %dma_wait3A_125 = arith.constant 0 : i32
    %dma_wait3A_126 = tpu.memref_slice %arg13[%dma_wait3A_124, %dma_wait3A_125] : memref<88x128xf32, #tpu.memory_space<vmem>> -> memref<80x128xf32, #tpu.memory_space<vmem>>
    tpu.wait_dma2 semaphore(%arg20 : memref<!tpu.dma_semaphore, #tpu.memory_space<semaphore_mem>>) src(%dma_wait3A_126 : memref<80x128xf32, #tpu.memory_space<vmem>>) dst(%dma_wait3A_123 : memref<80x128xf32, #tpu.memory_space<vmem_shared>>)
    %mul3A_127 = arith.constant 640 : i32
    %mul3A_128 = arith.muli %arg1, %mul3A_127 : i32
    %add3A_129 = arith.constant 80 : i32
    %add3A_130 = arith.addi %mul3A_128, %add3A_129 : i32
    %dma_wait3A_131 = arith.constant 0 : i32
    %dma_wait3A_132 = arith.constant 0 : i32
    %dma_wait3A_133 = tpu.memref_slice %arg13[%dma_wait3A_131, %dma_wait3A_132] : memref<88x128xf32, #tpu.memory_space<vmem>> -> memref<80x128xf32, #tpu.memory_space<vmem>>
    %dma_wait3A_134 = arith.constant 0 : i32
    %dma_wait3A_135 = tpu.memref_slice %arg16[%add3A_130, %dma_wait3A_134] : memref<10240x128xf32, #tpu.memory_space<vmem_shared>> -> memref<80x128xf32, #tpu.memory_space<vmem_shared>>
    %dma_wait3A_136 = arith.constant 0 : i32
    %dma_wait3A_137 = tpu.memref_slice %arg16[%add3A_130, %dma_wait3A_136] : memref<10240x128xf32, #tpu.memory_space<vmem_shared>> -> memref<80x128xf32, #tpu.memory_space<vmem_shared>>
    %dma_wait3A_138 = arith.constant 0 : i32
    %dma_wait3A_139 = arith.constant 0 : i32
    %dma_wait3A_140 = tpu.memref_slice %arg13[%dma_wait3A_138, %dma_wait3A_139] : memref<88x128xf32, #tpu.memory_space<vmem>> -> memref<80x128xf32, #tpu.memory_space<vmem>>
    tpu.wait_dma2 semaphore(%arg20 : memref<!tpu.dma_semaphore, #tpu.memory_space<semaphore_mem>>) src(%dma_wait3A_140 : memref<80x128xf32, #tpu.memory_space<vmem>>) dst(%dma_wait3A_137 : memref<80x128xf32, #tpu.memory_space<vmem_shared>>)
    %mul3A_141 = arith.constant 640 : i32
    %mul3A_142 = arith.muli %arg1, %mul3A_141 : i32
    %add3A_143 = arith.constant 160 : i32
    %add3A_144 = arith.addi %mul3A_142, %add3A_143 : i32
    %dma_wait3A_145 = arith.constant 0 : i32
    %dma_wait3A_146 = arith.constant 0 : i32
    %dma_wait3A_147 = tpu.memref_slice %arg13[%dma_wait3A_145, %dma_wait3A_146] : memref<88x128xf32, #tpu.memory_space<vmem>> -> memref<80x128xf32, #tpu.memory_space<vmem>>
    %dma_wait3A_148 = arith.constant 0 : i32
    %dma_wait3A_149 = tpu.memref_slice %arg16[%add3A_144, %dma_wait3A_148] : memref<10240x128xf32, #tpu.memory_space<vmem_shared>> -> memref<80x128xf32, #tpu.memory_space<vmem_shared>>
    %dma_wait3A_150 = arith.constant 0 : i32
    %dma_wait3A_151 = tpu.memref_slice %arg16[%add3A_144, %dma_wait3A_150] : memref<10240x128xf32, #tpu.memory_space<vmem_shared>> -> memref<80x128xf32, #tpu.memory_space<vmem_shared>>
    %dma_wait3A_152 = arith.constant 0 : i32
    %dma_wait3A_153 = arith.constant 0 : i32
    %dma_wait3A_154 = tpu.memref_slice %arg13[%dma_wait3A_152, %dma_wait3A_153] : memref<88x128xf32, #tpu.memory_space<vmem>> -> memref<80x128xf32, #tpu.memory_space<vmem>>
    tpu.wait_dma2 semaphore(%arg20 : memref<!tpu.dma_semaphore, #tpu.memory_space<semaphore_mem>>) src(%dma_wait3A_154 : memref<80x128xf32, #tpu.memory_space<vmem>>) dst(%dma_wait3A_151 : memref<80x128xf32, #tpu.memory_space<vmem_shared>>)
    %mul3A_155 = arith.constant 640 : i32
    %mul3A_156 = arith.muli %arg1, %mul3A_155 : i32
    %add3A_157 = arith.constant 240 : i32
    %add3A_158 = arith.addi %mul3A_156, %add3A_157 : i32
    %dma_wait3A_159 = arith.constant 0 : i32
    %dma_wait3A_160 = arith.constant 0 : i32
    %dma_wait3A_161 = tpu.memref_slice %arg13[%dma_wait3A_159, %dma_wait3A_160] : memref<88x128xf32, #tpu.memory_space<vmem>> -> memref<80x128xf32, #tpu.memory_space<vmem>>
    %dma_wait3A_162 = arith.constant 0 : i32
    %dma_wait3A_163 = tpu.memref_slice %arg16[%add3A_158, %dma_wait3A_162] : memref<10240x128xf32, #tpu.memory_space<vmem_shared>> -> memref<80x128xf32, #tpu.memory_space<vmem_shared>>
    %dma_wait3A_164 = arith.constant 0 : i32
    %dma_wait3A_165 = tpu.memref_slice %arg16[%add3A_158, %dma_wait3A_164] : memref<10240x128xf32, #tpu.memory_space<vmem_shared>> -> memref<80x128xf32, #tpu.memory_space<vmem_shared>>
    %dma_wait3A_166 = arith.constant 0 : i32
    %dma_wait3A_167 = arith.constant 0 : i32
    %dma_wait3A_168 = tpu.memref_slice %arg13[%dma_wait3A_166, %dma_wait3A_167] : memref<88x128xf32, #tpu.memory_space<vmem>> -> memref<80x128xf32, #tpu.memory_space<vmem>>
    tpu.wait_dma2 semaphore(%arg20 : memref<!tpu.dma_semaphore, #tpu.memory_space<semaphore_mem>>) src(%dma_wait3A_168 : memref<80x128xf32, #tpu.memory_space<vmem>>) dst(%dma_wait3A_165 : memref<80x128xf32, #tpu.memory_space<vmem_shared>>)
    %mul3A_169 = arith.constant 640 : i32
    %mul3A_170 = arith.muli %arg1, %mul3A_169 : i32
    %add3A_171 = arith.constant 320 : i32
    %add3A_172 = arith.addi %mul3A_170, %add3A_171 : i32
    %dma_wait3A_173 = arith.constant 0 : i32
    %dma_wait3A_174 = arith.constant 0 : i32
    %dma_wait3A_175 = tpu.memref_slice %arg13[%dma_wait3A_173, %dma_wait3A_174] : memref<88x128xf32, #tpu.memory_space<vmem>> -> memref<80x128xf32, #tpu.memory_space<vmem>>
    %dma_wait3A_176 = arith.constant 0 : i32
    %dma_wait3A_177 = tpu.memref_slice %arg16[%add3A_172, %dma_wait3A_176] : memref<10240x128xf32, #tpu.memory_space<vmem_shared>> -> memref<80x128xf32, #tpu.memory_space<vmem_shared>>
    %dma_wait3A_178 = arith.constant 0 : i32
    %dma_wait3A_179 = tpu.memref_slice %arg16[%add3A_172, %dma_wait3A_178] : memref<10240x128xf32, #tpu.memory_space<vmem_shared>> -> memref<80x128xf32, #tpu.memory_space<vmem_shared>>
    %dma_wait3A_180 = arith.constant 0 : i32
    %dma_wait3A_181 = arith.constant 0 : i32
    %dma_wait3A_182 = tpu.memref_slice %arg13[%dma_wait3A_180, %dma_wait3A_181] : memref<88x128xf32, #tpu.memory_space<vmem>> -> memref<80x128xf32, #tpu.memory_space<vmem>>
    tpu.wait_dma2 semaphore(%arg20 : memref<!tpu.dma_semaphore, #tpu.memory_space<semaphore_mem>>) src(%dma_wait3A_182 : memref<80x128xf32, #tpu.memory_space<vmem>>) dst(%dma_wait3A_179 : memref<80x128xf32, #tpu.memory_space<vmem_shared>>)
    %mul3A_183 = arith.constant 640 : i32
    %mul3A_184 = arith.muli %arg1, %mul3A_183 : i32
    %add3A_185 = arith.constant 400 : i32
    %add3A_186 = arith.addi %mul3A_184, %add3A_185 : i32
    %dma_wait3A_187 = arith.constant 0 : i32
    %dma_wait3A_188 = arith.constant 0 : i32
    %dma_wait3A_189 = tpu.memref_slice %arg13[%dma_wait3A_187, %dma_wait3A_188] : memref<88x128xf32, #tpu.memory_space<vmem>> -> memref<80x128xf32, #tpu.memory_space<vmem>>
    %dma_wait3A_190 = arith.constant 0 : i32
    %dma_wait3A_191 = tpu.memref_slice %arg16[%add3A_186, %dma_wait3A_190] : memref<10240x128xf32, #tpu.memory_space<vmem_shared>> -> memref<80x128xf32, #tpu.memory_space<vmem_shared>>
    %dma_wait3A_192 = arith.constant 0 : i32
    %dma_wait3A_193 = tpu.memref_slice %arg16[%add3A_186, %dma_wait3A_192] : memref<10240x128xf32, #tpu.memory_space<vmem_shared>> -> memref<80x128xf32, #tpu.memory_space<vmem_shared>>
    %dma_wait3A_194 = arith.constant 0 : i32
    %dma_wait3A_195 = arith.constant 0 : i32
    %dma_wait3A_196 = tpu.memref_slice %arg13[%dma_wait3A_194, %dma_wait3A_195] : memref<88x128xf32, #tpu.memory_space<vmem>> -> memref<80x128xf32, #tpu.memory_space<vmem>>
    tpu.wait_dma2 semaphore(%arg20 : memref<!tpu.dma_semaphore, #tpu.memory_space<semaphore_mem>>) src(%dma_wait3A_196 : memref<80x128xf32, #tpu.memory_space<vmem>>) dst(%dma_wait3A_193 : memref<80x128xf32, #tpu.memory_space<vmem_shared>>)
    %mul3A_197 = arith.constant 640 : i32
    %mul3A_198 = arith.muli %arg1, %mul3A_197 : i32
    %add3A_199 = arith.constant 480 : i32
    %add3A_200 = arith.addi %mul3A_198, %add3A_199 : i32
    %dma_wait3A_201 = arith.constant 0 : i32
    %dma_wait3A_202 = arith.constant 0 : i32
    %dma_wait3A_203 = tpu.memref_slice %arg13[%dma_wait3A_201, %dma_wait3A_202] : memref<88x128xf32, #tpu.memory_space<vmem>> -> memref<80x128xf32, #tpu.memory_space<vmem>>
    %dma_wait3A_204 = arith.constant 0 : i32
    %dma_wait3A_205 = tpu.memref_slice %arg16[%add3A_200, %dma_wait3A_204] : memref<10240x128xf32, #tpu.memory_space<vmem_shared>> -> memref<80x128xf32, #tpu.memory_space<vmem_shared>>
    %dma_wait3A_206 = arith.constant 0 : i32
    %dma_wait3A_207 = tpu.memref_slice %arg16[%add3A_200, %dma_wait3A_206] : memref<10240x128xf32, #tpu.memory_space<vmem_shared>> -> memref<80x128xf32, #tpu.memory_space<vmem_shared>>
    %dma_wait3A_208 = arith.constant 0 : i32
    %dma_wait3A_209 = arith.constant 0 : i32
    %dma_wait3A_210 = tpu.memref_slice %arg13[%dma_wait3A_208, %dma_wait3A_209] : memref<88x128xf32, #tpu.memory_space<vmem>> -> memref<80x128xf32, #tpu.memory_space<vmem>>
    tpu.wait_dma2 semaphore(%arg20 : memref<!tpu.dma_semaphore, #tpu.memory_space<semaphore_mem>>) src(%dma_wait3A_210 : memref<80x128xf32, #tpu.memory_space<vmem>>) dst(%dma_wait3A_207 : memref<80x128xf32, #tpu.memory_space<vmem_shared>>)
    %mul3A_211 = arith.constant 640 : i32
    %mul3A_212 = arith.muli %arg1, %mul3A_211 : i32
    %add3A_213 = arith.constant 560 : i32
    %add3A_214 = arith.addi %mul3A_212, %add3A_213 : i32
    %dma_wait3A_215 = arith.constant 0 : i32
    %dma_wait3A_216 = arith.constant 0 : i32
    %dma_wait3A_217 = tpu.memref_slice %arg13[%dma_wait3A_215, %dma_wait3A_216] : memref<88x128xf32, #tpu.memory_space<vmem>> -> memref<80x128xf32, #tpu.memory_space<vmem>>
    %dma_wait3A_218 = arith.constant 0 : i32
    %dma_wait3A_219 = tpu.memref_slice %arg16[%add3A_214, %dma_wait3A_218] : memref<10240x128xf32, #tpu.memory_space<vmem_shared>> -> memref<80x128xf32, #tpu.memory_space<vmem_shared>>
    %dma_wait3A_220 = arith.constant 0 : i32
    %dma_wait3A_221 = tpu.memref_slice %arg16[%add3A_214, %dma_wait3A_220] : memref<10240x128xf32, #tpu.memory_space<vmem_shared>> -> memref<80x128xf32, #tpu.memory_space<vmem_shared>>
    %dma_wait3A_222 = arith.constant 0 : i32
    %dma_wait3A_223 = arith.constant 0 : i32
    %dma_wait3A_224 = tpu.memref_slice %arg13[%dma_wait3A_222, %dma_wait3A_223] : memref<88x128xf32, #tpu.memory_space<vmem>> -> memref<80x128xf32, #tpu.memory_space<vmem>>
    tpu.wait_dma2 semaphore(%arg20 : memref<!tpu.dma_semaphore, #tpu.memory_space<semaphore_mem>>) src(%dma_wait3A_224 : memref<80x128xf32, #tpu.memory_space<vmem>>) dst(%dma_wait3A_221 : memref<80x128xf32, #tpu.memory_space<vmem_shared>>)
    %barrier3A = arith.constant 0 : index
    tpu.barrier barrier_id(%barrier3A)
    %add3A_225 = arith.constant 0 : i32
    %add3A_226 = arith.addi %mul3A_2, %add3A_225 : i32
    %dma_start3A_227 = tpu.memref_slice %arg3[%add3A_226] : memref<321024xi32, #tpu.memory_space<hbm>> -> memref<88xi32, #tpu.memory_space<hbm>>
    %dma_start3A_228 = tpu.memref_slice %arg3[%add3A_226] : memref<321024xi32, #tpu.memory_space<hbm>> -> memref<88xi32, #tpu.memory_space<hbm>>
    tpu.enqueue_dma source(%dma_start3A_228 : memref<88xi32, #tpu.memory_space<hbm>>) target(%arg7 : memref<88xi32, #tpu.memory_space<vmem>>) target_semaphore(%arg17 : memref<!tpu.dma_semaphore, #tpu.memory_space<semaphore_mem>>)
    %add3A_229 = arith.constant 0 : i32
    %add3A_230 = arith.addi %mul3A_2, %add3A_229 : i32
    %dma_start3A_231 = tpu.memref_slice %arg4[%add3A_230] : memref<321024xi32, #tpu.memory_space<hbm>> -> memref<88xi32, #tpu.memory_space<hbm>>
    %dma_start3A_232 = tpu.memref_slice %arg4[%add3A_230] : memref<321024xi32, #tpu.memory_space<hbm>> -> memref<88xi32, #tpu.memory_space<hbm>>
    tpu.enqueue_dma source(%dma_start3A_232 : memref<88xi32, #tpu.memory_space<hbm>>) target(%arg8 : memref<88xi32, #tpu.memory_space<vmem>>) target_semaphore(%arg17 : memref<!tpu.dma_semaphore, #tpu.memory_space<semaphore_mem>>)
    %add3A_233 = arith.constant 88 : i32
    %add3A_234 = arith.addi %mul3A_2, %add3A_233 : i32
    %dma_start3A_235 = tpu.memref_slice %arg3[%add3A_234] : memref<321024xi32, #tpu.memory_space<hbm>> -> memref<88xi32, #tpu.memory_space<hbm>>
    %dma_start3A_236 = tpu.memref_slice %arg3[%add3A_234] : memref<321024xi32, #tpu.memory_space<hbm>> -> memref<88xi32, #tpu.memory_space<hbm>>
    tpu.enqueue_dma source(%dma_start3A_236 : memref<88xi32, #tpu.memory_space<hbm>>) target(%arg9 : memref<88xi32, #tpu.memory_space<vmem>>) target_semaphore(%arg18 : memref<!tpu.dma_semaphore, #tpu.memory_space<semaphore_mem>>)
    %add3A_237 = arith.constant 88 : i32
    %add3A_238 = arith.addi %mul3A_2, %add3A_237 : i32
    %dma_start3A_239 = tpu.memref_slice %arg4[%add3A_238] : memref<321024xi32, #tpu.memory_space<hbm>> -> memref<88xi32, #tpu.memory_space<hbm>>
    %dma_start3A_240 = tpu.memref_slice %arg4[%add3A_238] : memref<321024xi32, #tpu.memory_space<hbm>> -> memref<88xi32, #tpu.memory_space<hbm>>
    tpu.enqueue_dma source(%dma_start3A_240 : memref<88xi32, #tpu.memory_space<hbm>>) target(%arg10 : memref<88xi32, #tpu.memory_space<vmem>>) target_semaphore(%arg18 : memref<!tpu.dma_semaphore, #tpu.memory_space<semaphore_mem>>)
    %add3A_241 = arith.constant 0 : i32
    %add3A_242 = arith.addi %mul3A_2, %add3A_241 : i32
    %dma_wait3A_243 = tpu.memref_slice %arg3[%add3A_242] : memref<321024xi32, #tpu.memory_space<hbm>> -> memref<88xi32, #tpu.memory_space<hbm>>
    %dma_wait3A_244 = tpu.memref_slice %arg3[%add3A_242] : memref<321024xi32, #tpu.memory_space<hbm>> -> memref<88xi32, #tpu.memory_space<hbm>>
    tpu.wait_dma2 semaphore(%arg17 : memref<!tpu.dma_semaphore, #tpu.memory_space<semaphore_mem>>) src(%dma_wait3A_244 : memref<88xi32, #tpu.memory_space<hbm>>) dst(%arg7 : memref<88xi32, #tpu.memory_space<vmem>>)
    %add3A_245 = arith.constant 0 : i32
    %add3A_246 = arith.addi %mul3A_2, %add3A_245 : i32
    %dma_wait3A_247 = tpu.memref_slice %arg4[%add3A_246] : memref<321024xi32, #tpu.memory_space<hbm>> -> memref<88xi32, #tpu.memory_space<hbm>>
    %dma_wait3A_248 = tpu.memref_slice %arg4[%add3A_246] : memref<321024xi32, #tpu.memory_space<hbm>> -> memref<88xi32, #tpu.memory_space<hbm>>
    tpu.wait_dma2 semaphore(%arg17 : memref<!tpu.dma_semaphore, #tpu.memory_space<semaphore_mem>>) src(%dma_wait3A_248 : memref<88xi32, #tpu.memory_space<hbm>>) dst(%arg8 : memref<88xi32, #tpu.memory_space<vmem>>)
    %dma_start3A_249 = arith.constant 0 : i32
    %dma_start3A_250 = arith.constant 0 : i32
    %dma_start3A_251 = tpu.memref_slice %arg2[%dma_start3A_249, %dma_start3A_250] : memref<10000x128xf32, #tpu.memory_space<hbm>> -> memref<10000x128xf32, #tpu.memory_space<hbm>>
    tpu.enqueue_indirect_dma source(%dma_start3A_251 : memref<10000x128xf32, #tpu.memory_space<hbm>>) target(%arg13 : memref<88x128xf32, #tpu.memory_space<vmem>>) offsets(%arg7 : memref<88xi32, #tpu.memory_space<vmem>>) semaphore(%arg20 : memref<!tpu.dma_semaphore, #tpu.memory_space<semaphore_mem>>)
    %add3A_252 = arith.constant 88 : i32
    %add3A_253 = arith.addi %mul3A_2, %add3A_252 : i32
    %dma_wait3A_254 = tpu.memref_slice %arg3[%add3A_253] : memref<321024xi32, #tpu.memory_space<hbm>> -> memref<88xi32, #tpu.memory_space<hbm>>
    %dma_wait3A_255 = tpu.memref_slice %arg3[%add3A_253] : memref<321024xi32, #tpu.memory_space<hbm>> -> memref<88xi32, #tpu.memory_space<hbm>>
    tpu.wait_dma2 semaphore(%arg18 : memref<!tpu.dma_semaphore, #tpu.memory_space<semaphore_mem>>) src(%dma_wait3A_255 : memref<88xi32, #tpu.memory_space<hbm>>) dst(%arg9 : memref<88xi32, #tpu.memory_space<vmem>>)
    %add3A_256 = arith.constant 88 : i32
    %add3A_257 = arith.addi %mul3A_2, %add3A_256 : i32
    %dma_wait3A_258 = tpu.memref_slice %arg4[%add3A_257] : memref<321024xi32, #tpu.memory_space<hbm>> -> memref<88xi32, #tpu.memory_space<hbm>>
    %dma_wait3A_259 = tpu.memref_slice %arg4[%add3A_257] : memref<321024xi32, #tpu.memory_space<hbm>> -> memref<88xi32, #tpu.memory_space<hbm>>
    tpu.wait_dma2 semaphore(%arg18 : memref<!tpu.dma_semaphore, #tpu.memory_space<semaphore_mem>>) src(%dma_wait3A_259 : memref<88xi32, #tpu.memory_space<hbm>>) dst(%arg10 : memref<88xi32, #tpu.memory_space<vmem>>)
    %dma_start3A_260 = arith.constant 0 : i32
    %dma_start3A_261 = arith.constant 0 : i32
    %dma_start3A_262 = tpu.memref_slice %arg2[%dma_start3A_260, %dma_start3A_261] : memref<10000x128xf32, #tpu.memory_space<hbm>> -> memref<10000x128xf32, #tpu.memory_space<hbm>>
    tpu.enqueue_indirect_dma source(%dma_start3A_262 : memref<10000x128xf32, #tpu.memory_space<hbm>>) target(%arg14 : memref<88x128xf32, #tpu.memory_space<vmem>>) offsets(%arg9 : memref<88xi32, #tpu.memory_space<vmem>>) semaphore(%arg21 : memref<!tpu.dma_semaphore, #tpu.memory_space<semaphore_mem>>)
    %dma_wait3A_263 = arith.constant 0 : i32
    %dma_wait3A_264 = arith.constant 0 : i32
    %dma_wait3A_265 = tpu.memref_slice %arg2[%dma_wait3A_263, %dma_wait3A_264] : memref<10000x128xf32, #tpu.memory_space<hbm>> -> memref<10000x128xf32, #tpu.memory_space<hbm>>
    tpu.wait_indirect_dma semaphore(%arg20 : memref<!tpu.dma_semaphore, #tpu.memory_space<semaphore_mem>>) src(%dma_wait3A_265 : memref<10000x128xf32, #tpu.memory_space<hbm>>) dst(%arg13 : memref<88x128xf32, #tpu.memory_space<vmem>>)
    %dma_start3A_266 = arith.constant 0 : i32
    %dma_start3A_267 = arith.constant 0 : i32
    %dma_start3A_268 = tpu.memref_slice %arg16[%dma_start3A_266, %dma_start3A_267] : memref<10240x128xf32, #tpu.memory_space<vmem_shared>> -> memref<10240x128xf32, #tpu.memory_space<vmem_shared>>
    tpu.enqueue_indirect_dma source(%arg13 : memref<88x128xf32, #tpu.memory_space<vmem>>) target(%dma_start3A_268 : memref<10240x128xf32, #tpu.memory_space<vmem_shared>>) offsets(%arg8 : memref<88xi32, #tpu.memory_space<vmem>>) semaphore(%arg23 : memref<!tpu.dma_semaphore, #tpu.memory_space<semaphore_mem>>) {add = true}
    %min3A = arith.constant 2 : i32
    %min3A_269 = arith.constant 113 : i32
    %min3A_270 = arith.minsi %min3A, %min3A_269 : i32
    %mul3A_271 = arith.constant 88 : i32
    %mul3A_272 = arith.muli %min3A_270, %mul3A_271 : i32
    %add3A_273 = arith.addi %mul3A_2, %mul3A_272 : i32
    %dma_start3A_274 = tpu.memref_slice %arg3[%add3A_273] : memref<321024xi32, #tpu.memory_space<hbm>> -> memref<88xi32, #tpu.memory_space<hbm>>
    %dma_start3A_275 = tpu.memref_slice %arg3[%add3A_273] : memref<321024xi32, #tpu.memory_space<hbm>> -> memref<88xi32, #tpu.memory_space<hbm>>
    tpu.enqueue_dma source(%dma_start3A_275 : memref<88xi32, #tpu.memory_space<hbm>>) target(%arg11 : memref<88xi32, #tpu.memory_space<vmem>>) target_semaphore(%arg19 : memref<!tpu.dma_semaphore, #tpu.memory_space<semaphore_mem>>)
    %mul3A_276 = arith.constant 88 : i32
    %mul3A_277 = arith.muli %min3A_270, %mul3A_276 : i32
    %add3A_278 = arith.addi %mul3A_2, %mul3A_277 : i32
    %dma_start3A_279 = tpu.memref_slice %arg4[%add3A_278] : memref<321024xi32, #tpu.memory_space<hbm>> -> memref<88xi32, #tpu.memory_space<hbm>>
    %dma_start3A_280 = tpu.memref_slice %arg4[%add3A_278] : memref<321024xi32, #tpu.memory_space<hbm>> -> memref<88xi32, #tpu.memory_space<hbm>>
    tpu.enqueue_dma source(%dma_start3A_280 : memref<88xi32, #tpu.memory_space<hbm>>) target(%arg12 : memref<88xi32, #tpu.memory_space<vmem>>) target_semaphore(%arg19 : memref<!tpu.dma_semaphore, #tpu.memory_space<semaphore_mem>>)
    %mul3A_281 = arith.constant 88 : i32
    %mul3A_282 = arith.muli %min3A_270, %mul3A_281 : i32
    %add3A_283 = arith.addi %mul3A_2, %mul3A_282 : i32
    %dma_wait3A_284 = tpu.memref_slice %arg3[%add3A_283] : memref<321024xi32, #tpu.memory_space<hbm>> -> memref<88xi32, #tpu.memory_space<hbm>>
    %dma_wait3A_285 = tpu.memref_slice %arg3[%add3A_283] : memref<321024xi32, #tpu.memory_space<hbm>> -> memref<88xi32, #tpu.memory_space<hbm>>
    tpu.wait_dma2 semaphore(%arg19 : memref<!tpu.dma_semaphore, #tpu.memory_space<semaphore_mem>>) src(%dma_wait3A_285 : memref<88xi32, #tpu.memory_space<hbm>>) dst(%arg11 : memref<88xi32, #tpu.memory_space<vmem>>)
    %mul3A_286 = arith.constant 88 : i32
    %mul3A_287 = arith.muli %min3A_270, %mul3A_286 : i32
    %add3A_288 = arith.addi %mul3A_2, %mul3A_287 : i32
    %dma_wait3A_289 = tpu.memref_slice %arg4[%add3A_288] : memref<321024xi32, #tpu.memory_space<hbm>> -> memref<88xi32, #tpu.memory_space<hbm>>
    %dma_wait3A_290 = tpu.memref_slice %arg4[%add3A_288] : memref<321024xi32, #tpu.memory_space<hbm>> -> memref<88xi32, #tpu.memory_space<hbm>>
    tpu.wait_dma2 semaphore(%arg19 : memref<!tpu.dma_semaphore, #tpu.memory_space<semaphore_mem>>) src(%dma_wait3A_290 : memref<88xi32, #tpu.memory_space<hbm>>) dst(%arg12 : memref<88xi32, #tpu.memory_space<vmem>>)
    %dma_start3A_291 = arith.constant 0 : i32
    %dma_start3A_292 = arith.constant 0 : i32
    %dma_start3A_293 = tpu.memref_slice %arg2[%dma_start3A_291, %dma_start3A_292] : memref<10000x128xf32, #tpu.memory_space<hbm>> -> memref<10000x128xf32, #tpu.memory_space<hbm>>
    tpu.enqueue_indirect_dma source(%dma_start3A_293 : memref<10000x128xf32, #tpu.memory_space<hbm>>) target(%arg15 : memref<88x128xf32, #tpu.memory_space<vmem>>) offsets(%arg11 : memref<88xi32, #tpu.memory_space<vmem>>) semaphore(%arg22 : memref<!tpu.dma_semaphore, #tpu.memory_space<semaphore_mem>>)
    %dma_wait3A_294 = arith.constant 0 : i32
    %dma_wait3A_295 = arith.constant 0 : i32
    %dma_wait3A_296 = tpu.memref_slice %arg2[%dma_wait3A_294, %dma_wait3A_295] : memref<10000x128xf32, #tpu.memory_space<hbm>> -> memref<10000x128xf32, #tpu.memory_space<hbm>>
    tpu.wait_indirect_dma semaphore(%arg21 : memref<!tpu.dma_semaphore, #tpu.memory_space<semaphore_mem>>) src(%dma_wait3A_296 : memref<10000x128xf32, #tpu.memory_space<hbm>>) dst(%arg14 : memref<88x128xf32, #tpu.memory_space<vmem>>)
    %dma_start3A_297 = arith.constant 0 : i32
    %dma_start3A_298 = arith.constant 0 : i32
    %dma_start3A_299 = tpu.memref_slice %arg16[%dma_start3A_297, %dma_start3A_298] : memref<10240x128xf32, #tpu.memory_space<vmem_shared>> -> memref<10240x128xf32, #tpu.memory_space<vmem_shared>>
    tpu.enqueue_indirect_dma source(%arg14 : memref<88x128xf32, #tpu.memory_space<vmem>>) target(%dma_start3A_299 : memref<10240x128xf32, #tpu.memory_space<vmem_shared>>) offsets(%arg10 : memref<88xi32, #tpu.memory_space<vmem>>) semaphore(%arg24 : memref<!tpu.dma_semaphore, #tpu.memory_space<semaphore_mem>>) {add = true}
    %dma_wait3A_300 = arith.constant 0 : i32
    %dma_wait3A_301 = arith.constant 0 : i32
    %dma_wait3A_302 = tpu.memref_slice %arg16[%dma_wait3A_300, %dma_wait3A_301] : memref<10240x128xf32, #tpu.memory_space<vmem_shared>> -> memref<10240x128xf32, #tpu.memory_space<vmem_shared>>
    tpu.wait_indirect_dma semaphore(%arg23 : memref<!tpu.dma_semaphore, #tpu.memory_space<semaphore_mem>>) src(%arg13 : memref<88x128xf32, #tpu.memory_space<vmem>>) dst(%dma_wait3A_302 : memref<10240x128xf32, #tpu.memory_space<vmem_shared>>)
    %min3A_303 = arith.constant 3 : i32
    %min3A_304 = arith.constant 113 : i32
    %min3A_305 = arith.minsi %min3A_303, %min3A_304 : i32
    %mul3A_306 = arith.constant 88 : i32
    %mul3A_307 = arith.muli %min3A_305, %mul3A_306 : i32
    %add3A_308 = arith.addi %mul3A_2, %mul3A_307 : i32
    %dma_start3A_309 = tpu.memref_slice %arg3[%add3A_308] : memref<321024xi32, #tpu.memory_space<hbm>> -> memref<88xi32, #tpu.memory_space<hbm>>
    %dma_start3A_310 = tpu.memref_slice %arg3[%add3A_308] : memref<321024xi32, #tpu.memory_space<hbm>> -> memref<88xi32, #tpu.memory_space<hbm>>
    tpu.enqueue_dma source(%dma_start3A_310 : memref<88xi32, #tpu.memory_space<hbm>>) target(%arg7 : memref<88xi32, #tpu.memory_space<vmem>>) target_semaphore(%arg17 : memref<!tpu.dma_semaphore, #tpu.memory_space<semaphore_mem>>)
    %mul3A_311 = arith.constant 88 : i32
    %mul3A_312 = arith.muli %min3A_305, %mul3A_311 : i32
    %add3A_313 = arith.addi %mul3A_2, %mul3A_312 : i32
    %dma_start3A_314 = tpu.memref_slice %arg4[%add3A_313] : memref<321024xi32, #tpu.memory_space<hbm>> -> memref<88xi32, #tpu.memory_space<hbm>>
    %dma_start3A_315 = tpu.memref_slice %arg4[%add3A_313] : memref<321024xi32, #tpu.memory_space<hbm>> -> memref<88xi32, #tpu.memory_space<hbm>>
    tpu.enqueue_dma source(%dma_start3A_315 : memref<88xi32, #tpu.memory_space<hbm>>) target(%arg8 : memref<88xi32, #tpu.memory_space<vmem>>) target_semaphore(%arg17 : memref<!tpu.dma_semaphore, #tpu.memory_space<semaphore_mem>>)
    %mul3A_316 = arith.constant 88 : i32
    %mul3A_317 = arith.muli %min3A_305, %mul3A_316 : i32
    %add3A_318 = arith.addi %mul3A_2, %mul3A_317 : i32
    %dma_wait3A_319 = tpu.memref_slice %arg3[%add3A_318] : memref<321024xi32, #tpu.memory_space<hbm>> -> memref<88xi32, #tpu.memory_space<hbm>>
    %dma_wait3A_320 = tpu.memref_slice %arg3[%add3A_318] : memref<321024xi32, #tpu.memory_space<hbm>> -> memref<88xi32, #tpu.memory_space<hbm>>
    tpu.wait_dma2 semaphore(%arg17 : memref<!tpu.dma_semaphore, #tpu.memory_space<semaphore_mem>>) src(%dma_wait3A_320 : memref<88xi32, #tpu.memory_space<hbm>>) dst(%arg7 : memref<88xi32, #tpu.memory_space<vmem>>)
    %mul3A_321 = arith.constant 88 : i32
    %mul3A_322 = arith.muli %min3A_305, %mul3A_321 : i32
    %add3A_323 = arith.addi %mul3A_2, %mul3A_322 : i32
    %dma_wait3A_324 = tpu.memref_slice %arg4[%add3A_323] : memref<321024xi32, #tpu.memory_space<hbm>> -> memref<88xi32, #tpu.memory_space<hbm>>
    %dma_wait3A_325 = tpu.memref_slice %arg4[%add3A_323] : memref<321024xi32, #tpu.memory_space<hbm>> -> memref<88xi32, #tpu.memory_space<hbm>>
    tpu.wait_dma2 semaphore(%arg17 : memref<!tpu.dma_semaphore, #tpu.memory_space<semaphore_mem>>) src(%dma_wait3A_325 : memref<88xi32, #tpu.memory_space<hbm>>) dst(%arg8 : memref<88xi32, #tpu.memory_space<vmem>>)
    %dma_start3A_326 = arith.constant 0 : i32
    %dma_start3A_327 = arith.constant 0 : i32
    %dma_start3A_328 = tpu.memref_slice %arg2[%dma_start3A_326, %dma_start3A_327] : memref<10000x128xf32, #tpu.memory_space<hbm>> -> memref<10000x128xf32, #tpu.memory_space<hbm>>
    tpu.enqueue_indirect_dma source(%dma_start3A_328 : memref<10000x128xf32, #tpu.memory_space<hbm>>) target(%arg13 : memref<88x128xf32, #tpu.memory_space<vmem>>) offsets(%arg7 : memref<88xi32, #tpu.memory_space<vmem>>) semaphore(%arg20 : memref<!tpu.dma_semaphore, #tpu.memory_space<semaphore_mem>>)
    %dma_wait3A_329 = arith.constant 0 : i32
    %dma_wait3A_330 = arith.constant 0 : i32
    %dma_wait3A_331 = tpu.memref_slice %arg2[%dma_wait3A_329, %dma_wait3A_330] : memref<10000x128xf32, #tpu.memory_space<hbm>> -> memref<10000x128xf32, #tpu.memory_space<hbm>>
    tpu.wait_indirect_dma semaphore(%arg22 : memref<!tpu.dma_semaphore, #tpu.memory_space<semaphore_mem>>) src(%dma_wait3A_331 : memref<10000x128xf32, #tpu.memory_space<hbm>>) dst(%arg15 : memref<88x128xf32, #tpu.memory_space<vmem>>)
    %dma_start3A_332 = arith.constant 0 : i32
    %dma_start3A_333 = arith.constant 0 : i32
    %dma_start3A_334 = tpu.memref_slice %arg16[%dma_start3A_332, %dma_start3A_333] : memref<10240x128xf32, #tpu.memory_space<vmem_shared>> -> memref<10240x128xf32, #tpu.memory_space<vmem_shared>>
    tpu.enqueue_indirect_dma source(%arg15 : memref<88x128xf32, #tpu.memory_space<vmem>>) target(%dma_start3A_334 : memref<10240x128xf32, #tpu.memory_space<vmem_shared>>) offsets(%arg12 : memref<88xi32, #tpu.memory_space<vmem>>) semaphore(%arg25 : memref<!tpu.dma_semaphore, #tpu.memory_space<semaphore_mem>>) {add = true}
    %dma_wait3A_335 = arith.constant 0 : i32
    %dma_wait3A_336 = arith.constant 0 : i32
    %dma_wait3A_337 = tpu.memref_slice %arg16[%dma_wait3A_335, %dma_wait3A_336] : memref<10240x128xf32, #tpu.memory_space<vmem_shared>> -> memref<10240x128xf32, #tpu.memory_space<vmem_shared>>
    tpu.wait_indirect_dma semaphore(%arg24 : memref<!tpu.dma_semaphore, #tpu.memory_space<semaphore_mem>>) src(%arg14 : memref<88x128xf32, #tpu.memory_space<vmem>>) dst(%dma_wait3A_337 : memref<10240x128xf32, #tpu.memory_space<vmem_shared>>)
    %min3A_338 = arith.constant 4 : i32
    %min3A_339 = arith.constant 113 : i32
    %min3A_340 = arith.minsi %min3A_338, %min3A_339 : i32
    %mul3A_341 = arith.constant 88 : i32
    %mul3A_342 = arith.muli %min3A_340, %mul3A_341 : i32
    %add3A_343 = arith.addi %mul3A_2, %mul3A_342 : i32
    %dma_start3A_344 = tpu.memref_slice %arg3[%add3A_343] : memref<321024xi32, #tpu.memory_space<hbm>> -> memref<88xi32, #tpu.memory_space<hbm>>
    %dma_start3A_345 = tpu.memref_slice %arg3[%add3A_343] : memref<321024xi32, #tpu.memory_space<hbm>> -> memref<88xi32, #tpu.memory_space<hbm>>
    tpu.enqueue_dma source(%dma_start3A_345 : memref<88xi32, #tpu.memory_space<hbm>>) target(%arg9 : memref<88xi32, #tpu.memory_space<vmem>>) target_semaphore(%arg18 : memref<!tpu.dma_semaphore, #tpu.memory_space<semaphore_mem>>)
    %mul3A_346 = arith.constant 88 : i32
    %mul3A_347 = arith.muli %min3A_340, %mul3A_346 : i32
    %add3A_348 = arith.addi %mul3A_2, %mul3A_347 : i32
    %dma_start3A_349 = tpu.memref_slice %arg4[%add3A_348] : memref<321024xi32, #tpu.memory_space<hbm>> -> memref<88xi32, #tpu.memory_space<hbm>>
    %dma_start3A_350 = tpu.memref_slice %arg4[%add3A_348] : memref<321024xi32, #tpu.memory_space<hbm>> -> memref<88xi32, #tpu.memory_space<hbm>>
    tpu.enqueue_dma source(%dma_start3A_350 : memref<88xi32, #tpu.memory_space<hbm>>) target(%arg10 : memref<88xi32, #tpu.memory_space<vmem>>) target_semaphore(%arg18 : memref<!tpu.dma_semaphore, #tpu.memory_space<semaphore_mem>>)
    %mul3A_351 = arith.constant 88 : i32
    %mul3A_352 = arith.muli %min3A_340, %mul3A_351 : i32
    %add3A_353 = arith.addi %mul3A_2, %mul3A_352 : i32
    %dma_wait3A_354 = tpu.memref_slice %arg3[%add3A_353] : memref<321024xi32, #tpu.memory_space<hbm>> -> memref<88xi32, #tpu.memory_space<hbm>>
    %dma_wait3A_355 = tpu.memref_slice %arg3[%add3A_353] : memref<321024xi32, #tpu.memory_space<hbm>> -> memref<88xi32, #tpu.memory_space<hbm>>
    tpu.wait_dma2 semaphore(%arg18 : memref<!tpu.dma_semaphore, #tpu.memory_space<semaphore_mem>>) src(%dma_wait3A_355 : memref<88xi32, #tpu.memory_space<hbm>>) dst(%arg9 : memref<88xi32, #tpu.memory_space<vmem>>)
    %mul3A_356 = arith.constant 88 : i32
    %mul3A_357 = arith.muli %min3A_340, %mul3A_356 : i32
    %add3A_358 = arith.addi %mul3A_2, %mul3A_357 : i32
    %dma_wait3A_359 = tpu.memref_slice %arg4[%add3A_358] : memref<321024xi32, #tpu.memory_space<hbm>> -> memref<88xi32, #tpu.memory_space<hbm>>
    %dma_wait3A_360 = tpu.memref_slice %arg4[%add3A_358] : memref<321024xi32, #tpu.memory_space<hbm>> -> memref<88xi32, #tpu.memory_space<hbm>>
    tpu.wait_dma2 semaphore(%arg18 : memref<!tpu.dma_semaphore, #tpu.memory_space<semaphore_mem>>) src(%dma_wait3A_360 : memref<88xi32, #tpu.memory_space<hbm>>) dst(%arg10 : memref<88xi32, #tpu.memory_space<vmem>>)
    %dma_start3A_361 = arith.constant 0 : i32
    %dma_start3A_362 = arith.constant 0 : i32
    %dma_start3A_363 = tpu.memref_slice %arg2[%dma_start3A_361, %dma_start3A_362] : memref<10000x128xf32, #tpu.memory_space<hbm>> -> memref<10000x128xf32, #tpu.memory_space<hbm>>
    tpu.enqueue_indirect_dma source(%dma_start3A_363 : memref<10000x128xf32, #tpu.memory_space<hbm>>) target(%arg14 : memref<88x128xf32, #tpu.memory_space<vmem>>) offsets(%arg9 : memref<88xi32, #tpu.memory_space<vmem>>) semaphore(%arg21 : memref<!tpu.dma_semaphore, #tpu.memory_space<semaphore_mem>>)
    %scan3A = arith.constant 0 : i32
    %scan3A_364 = arith.constant 1 : i32
    %scan3A_365 = arith.constant 37 : i32
    %scan3A_366 = arith.addi %scan3A_364, %scan3A_365 : i32
    %scan3A_367 = arith.constant 1 : i32
    scf.for %scan3A_651 = %scan3A_364 to %scan3A_366 step %scan3A_367  : i32 {
      %mul3A_652 = arith.constant 3 : i32
      %mul3A_653 = arith.muli %mul3A_652, %scan3A_651 : i32
      %dma_wait3A_654 = arith.constant 0 : i32
      %dma_wait3A_655 = arith.constant 0 : i32
      %dma_wait3A_656 = tpu.memref_slice %arg2[%dma_wait3A_654, %dma_wait3A_655] : memref<10000x128xf32, #tpu.memory_space<hbm>> -> memref<10000x128xf32, #tpu.memory_space<hbm>>
      tpu.wait_indirect_dma semaphore(%arg20 : memref<!tpu.dma_semaphore, #tpu.memory_space<semaphore_mem>>) src(%dma_wait3A_656 : memref<10000x128xf32, #tpu.memory_space<hbm>>) dst(%arg13 : memref<88x128xf32, #tpu.memory_space<vmem>>)
      %dma_start3A_657 = arith.constant 0 : i32
      %dma_start3A_658 = arith.constant 0 : i32
      %dma_start3A_659 = tpu.memref_slice %arg16[%dma_start3A_657, %dma_start3A_658] : memref<10240x128xf32, #tpu.memory_space<vmem_shared>> -> memref<10240x128xf32, #tpu.memory_space<vmem_shared>>
      tpu.enqueue_indirect_dma source(%arg13 : memref<88x128xf32, #tpu.memory_space<vmem>>) target(%dma_start3A_659 : memref<10240x128xf32, #tpu.memory_space<vmem_shared>>) offsets(%arg8 : memref<88xi32, #tpu.memory_space<vmem>>) semaphore(%arg23 : memref<!tpu.dma_semaphore, #tpu.memory_space<semaphore_mem>>) {add = true}
      %dma_wait3A_660 = arith.constant 0 : i32
      %dma_wait3A_661 = arith.constant 0 : i32
      %dma_wait3A_662 = tpu.memref_slice %arg16[%dma_wait3A_660, %dma_wait3A_661] : memref<10240x128xf32, #tpu.memory_space<vmem_shared>> -> memref<10240x128xf32, #tpu.memory_space<vmem_shared>>
      tpu.wait_indirect_dma semaphore(%arg25 : memref<!tpu.dma_semaphore, #tpu.memory_space<semaphore_mem>>) src(%arg15 : memref<88x128xf32, #tpu.memory_space<vmem>>) dst(%dma_wait3A_662 : memref<10240x128xf32, #tpu.memory_space<vmem_shared>>)
      %add3A_663 = arith.constant 2 : i32
      %add3A_664 = arith.addi %mul3A_653, %add3A_663 : i32
      %min3A_665 = arith.constant 113 : i32
      %min3A_666 = arith.minsi %add3A_664, %min3A_665 : i32
      %mul3A_667 = arith.constant 88 : i32
      %mul3A_668 = arith.muli %min3A_666, %mul3A_667 : i32
      %add3A_669 = arith.addi %mul3A_2, %mul3A_668 : i32
      %dma_start3A_670 = tpu.memref_slice %arg3[%add3A_669] : memref<321024xi32, #tpu.memory_space<hbm>> -> memref<88xi32, #tpu.memory_space<hbm>>
      %dma_start3A_671 = tpu.memref_slice %arg3[%add3A_669] : memref<321024xi32, #tpu.memory_space<hbm>> -> memref<88xi32, #tpu.memory_space<hbm>>
      tpu.enqueue_dma source(%dma_start3A_671 : memref<88xi32, #tpu.memory_space<hbm>>) target(%arg11 : memref<88xi32, #tpu.memory_space<vmem>>) target_semaphore(%arg19 : memref<!tpu.dma_semaphore, #tpu.memory_space<semaphore_mem>>)
      %mul3A_672 = arith.constant 88 : i32
      %mul3A_673 = arith.muli %min3A_666, %mul3A_672 : i32
      %add3A_674 = arith.addi %mul3A_2, %mul3A_673 : i32
      %dma_start3A_675 = tpu.memref_slice %arg4[%add3A_674] : memref<321024xi32, #tpu.memory_space<hbm>> -> memref<88xi32, #tpu.memory_space<hbm>>
      %dma_start3A_676 = tpu.memref_slice %arg4[%add3A_674] : memref<321024xi32, #tpu.memory_space<hbm>> -> memref<88xi32, #tpu.memory_space<hbm>>
      tpu.enqueue_dma source(%dma_start3A_676 : memref<88xi32, #tpu.memory_space<hbm>>) target(%arg12 : memref<88xi32, #tpu.memory_space<vmem>>) target_semaphore(%arg19 : memref<!tpu.dma_semaphore, #tpu.memory_space<semaphore_mem>>)
      %mul3A_677 = arith.constant 88 : i32
      %mul3A_678 = arith.muli %min3A_666, %mul3A_677 : i32
      %add3A_679 = arith.addi %mul3A_2, %mul3A_678 : i32
      %dma_wait3A_680 = tpu.memref_slice %arg3[%add3A_679] : memref<321024xi32, #tpu.memory_space<hbm>> -> memref<88xi32, #tpu.memory_space<hbm>>
      %dma_wait3A_681 = tpu.memref_slice %arg3[%add3A_679] : memref<321024xi32, #tpu.memory_space<hbm>> -> memref<88xi32, #tpu.memory_space<hbm>>
      tpu.wait_dma2 semaphore(%arg19 : memref<!tpu.dma_semaphore, #tpu.memory_space<semaphore_mem>>) src(%dma_wait3A_681 : memref<88xi32, #tpu.memory_space<hbm>>) dst(%arg11 : memref<88xi32, #tpu.memory_space<vmem>>)
      %mul3A_682 = arith.constant 88 : i32
      %mul3A_683 = arith.muli %min3A_666, %mul3A_682 : i32
      %add3A_684 = arith.addi %mul3A_2, %mul3A_683 : i32
      %dma_wait3A_685 = tpu.memref_slice %arg4[%add3A_684] : memref<321024xi32, #tpu.memory_space<hbm>> -> memref<88xi32, #tpu.memory_space<hbm>>
      %dma_wait3A_686 = tpu.memref_slice %arg4[%add3A_684] : memref<321024xi32, #tpu.memory_space<hbm>> -> memref<88xi32, #tpu.memory_space<hbm>>
      tpu.wait_dma2 semaphore(%arg19 : memref<!tpu.dma_semaphore, #tpu.memory_space<semaphore_mem>>) src(%dma_wait3A_686 : memref<88xi32, #tpu.memory_space<hbm>>) dst(%arg12 : memref<88xi32, #tpu.memory_space<vmem>>)
      %dma_start3A_687 = arith.constant 0 : i32
      %dma_start3A_688 = arith.constant 0 : i32
      %dma_start3A_689 = tpu.memref_slice %arg2[%dma_start3A_687, %dma_start3A_688] : memref<10000x128xf32, #tpu.memory_space<hbm>> -> memref<10000x128xf32, #tpu.memory_space<hbm>>
      tpu.enqueue_indirect_dma source(%dma_start3A_689 : memref<10000x128xf32, #tpu.memory_space<hbm>>) target(%arg15 : memref<88x128xf32, #tpu.memory_space<vmem>>) offsets(%arg11 : memref<88xi32, #tpu.memory_space<vmem>>) semaphore(%arg22 : memref<!tpu.dma_semaphore, #tpu.memory_space<semaphore_mem>>)
      %add3A_690 = arith.constant 1 : i32
      %add3A_691 = arith.addi %mul3A_653, %add3A_690 : i32
      %dma_wait3A_692 = arith.constant 0 : i32
      %dma_wait3A_693 = arith.constant 0 : i32
      %dma_wait3A_694 = tpu.memref_slice %arg2[%dma_wait3A_692, %dma_wait3A_693] : memref<10000x128xf32, #tpu.memory_space<hbm>> -> memref<10000x128xf32, #tpu.memory_space<hbm>>
      tpu.wait_indirect_dma semaphore(%arg21 : memref<!tpu.dma_semaphore, #tpu.memory_space<semaphore_mem>>) src(%dma_wait3A_694 : memref<10000x128xf32, #tpu.memory_space<hbm>>) dst(%arg14 : memref<88x128xf32, #tpu.memory_space<vmem>>)
      %dma_start3A_695 = arith.constant 0 : i32
      %dma_start3A_696 = arith.constant 0 : i32
      %dma_start3A_697 = tpu.memref_slice %arg16[%dma_start3A_695, %dma_start3A_696] : memref<10240x128xf32, #tpu.memory_space<vmem_shared>> -> memref<10240x128xf32, #tpu.memory_space<vmem_shared>>
      tpu.enqueue_indirect_dma source(%arg14 : memref<88x128xf32, #tpu.memory_space<vmem>>) target(%dma_start3A_697 : memref<10240x128xf32, #tpu.memory_space<vmem_shared>>) offsets(%arg10 : memref<88xi32, #tpu.memory_space<vmem>>) semaphore(%arg24 : memref<!tpu.dma_semaphore, #tpu.memory_space<semaphore_mem>>) {add = true}
      %dma_wait3A_698 = arith.constant 0 : i32
      %dma_wait3A_699 = arith.constant 0 : i32
      %dma_wait3A_700 = tpu.memref_slice %arg16[%dma_wait3A_698, %dma_wait3A_699] : memref<10240x128xf32, #tpu.memory_space<vmem_shared>> -> memref<10240x128xf32, #tpu.memory_space<vmem_shared>>
      tpu.wait_indirect_dma semaphore(%arg23 : memref<!tpu.dma_semaphore, #tpu.memory_space<semaphore_mem>>) src(%arg13 : memref<88x128xf32, #tpu.memory_space<vmem>>) dst(%dma_wait3A_700 : memref<10240x128xf32, #tpu.memory_space<vmem_shared>>)
      %add3A_701 = arith.constant 2 : i32
      %add3A_702 = arith.addi %add3A_691, %add3A_701 : i32
      %min3A_703 = arith.constant 113 : i32
      %min3A_704 = arith.minsi %add3A_702, %min3A_703 : i32
      %mul3A_705 = arith.constant 88 : i32
      %mul3A_706 = arith.muli %min3A_704, %mul3A_705 : i32
      %add3A_707 = arith.addi %mul3A_2, %mul3A_706 : i32
      %dma_start3A_708 = tpu.memref_slice %arg3[%add3A_707] : memref<321024xi32, #tpu.memory_space<hbm>> -> memref<88xi32, #tpu.memory_space<hbm>>
      %dma_start3A_709 = tpu.memref_slice %arg3[%add3A_707] : memref<321024xi32, #tpu.memory_space<hbm>> -> memref<88xi32, #tpu.memory_space<hbm>>
      tpu.enqueue_dma source(%dma_start3A_709 : memref<88xi32, #tpu.memory_space<hbm>>) target(%arg7 : memref<88xi32, #tpu.memory_space<vmem>>) target_semaphore(%arg17 : memref<!tpu.dma_semaphore, #tpu.memory_space<semaphore_mem>>)
      %mul3A_710 = arith.constant 88 : i32
      %mul3A_711 = arith.muli %min3A_704, %mul3A_710 : i32
      %add3A_712 = arith.addi %mul3A_2, %mul3A_711 : i32
      %dma_start3A_713 = tpu.memref_slice %arg4[%add3A_712] : memref<321024xi32, #tpu.memory_space<hbm>> -> memref<88xi32, #tpu.memory_space<hbm>>
      %dma_start3A_714 = tpu.memref_slice %arg4[%add3A_712] : memref<321024xi32, #tpu.memory_space<hbm>> -> memref<88xi32, #tpu.memory_space<hbm>>
      tpu.enqueue_dma source(%dma_start3A_714 : memref<88xi32, #tpu.memory_space<hbm>>) target(%arg8 : memref<88xi32, #tpu.memory_space<vmem>>) target_semaphore(%arg17 : memref<!tpu.dma_semaphore, #tpu.memory_space<semaphore_mem>>)
      %mul3A_715 = arith.constant 88 : i32
      %mul3A_716 = arith.muli %min3A_704, %mul3A_715 : i32
      %add3A_717 = arith.addi %mul3A_2, %mul3A_716 : i32
      %dma_wait3A_718 = tpu.memref_slice %arg3[%add3A_717] : memref<321024xi32, #tpu.memory_space<hbm>> -> memref<88xi32, #tpu.memory_space<hbm>>
      %dma_wait3A_719 = tpu.memref_slice %arg3[%add3A_717] : memref<321024xi32, #tpu.memory_space<hbm>> -> memref<88xi32, #tpu.memory_space<hbm>>
      tpu.wait_dma2 semaphore(%arg17 : memref<!tpu.dma_semaphore, #tpu.memory_space<semaphore_mem>>) src(%dma_wait3A_719 : memref<88xi32, #tpu.memory_space<hbm>>) dst(%arg7 : memref<88xi32, #tpu.memory_space<vmem>>)
      %mul3A_720 = arith.constant 88 : i32
      %mul3A_721 = arith.muli %min3A_704, %mul3A_720 : i32
      %add3A_722 = arith.addi %mul3A_2, %mul3A_721 : i32
      %dma_wait3A_723 = tpu.memref_slice %arg4[%add3A_722] : memref<321024xi32, #tpu.memory_space<hbm>> -> memref<88xi32, #tpu.memory_space<hbm>>
      %dma_wait3A_724 = tpu.memref_slice %arg4[%add3A_722] : memref<321024xi32, #tpu.memory_space<hbm>> -> memref<88xi32, #tpu.memory_space<hbm>>
      tpu.wait_dma2 semaphore(%arg17 : memref<!tpu.dma_semaphore, #tpu.memory_space<semaphore_mem>>) src(%dma_wait3A_724 : memref<88xi32, #tpu.memory_space<hbm>>) dst(%arg8 : memref<88xi32, #tpu.memory_space<vmem>>)
      %dma_start3A_725 = arith.constant 0 : i32
      %dma_start3A_726 = arith.constant 0 : i32
      %dma_start3A_727 = tpu.memref_slice %arg2[%dma_start3A_725, %dma_start3A_726] : memref<10000x128xf32, #tpu.memory_space<hbm>> -> memref<10000x128xf32, #tpu.memory_space<hbm>>
      tpu.enqueue_indirect_dma source(%dma_start3A_727 : memref<10000x128xf32, #tpu.memory_space<hbm>>) target(%arg13 : memref<88x128xf32, #tpu.memory_space<vmem>>) offsets(%arg7 : memref<88xi32, #tpu.memory_space<vmem>>) semaphore(%arg20 : memref<!tpu.dma_semaphore, #tpu.memory_space<semaphore_mem>>)
      %add3A_728 = arith.constant 2 : i32
      %add3A_729 = arith.addi %mul3A_653, %add3A_728 : i32
      %dma_wait3A_730 = arith.constant 0 : i32
      %dma_wait3A_731 = arith.constant 0 : i32
      %dma_wait3A_732 = tpu.memref_slice %arg2[%dma_wait3A_730, %dma_wait3A_731] : memref<10000x128xf32, #tpu.memory_space<hbm>> -> memref<10000x128xf32, #tpu.memory_space<hbm>>
      tpu.wait_indirect_dma semaphore(%arg22 : memref<!tpu.dma_semaphore, #tpu.memory_space<semaphore_mem>>) src(%dma_wait3A_732 : memref<10000x128xf32, #tpu.memory_space<hbm>>) dst(%arg15 : memref<88x128xf32, #tpu.memory_space<vmem>>)
      %dma_start3A_733 = arith.constant 0 : i32
      %dma_start3A_734 = arith.constant 0 : i32
      %dma_start3A_735 = tpu.memref_slice %arg16[%dma_start3A_733, %dma_start3A_734] : memref<10240x128xf32, #tpu.memory_space<vmem_shared>> -> memref<10240x128xf32, #tpu.memory_space<vmem_shared>>
      tpu.enqueue_indirect_dma source(%arg15 : memref<88x128xf32, #tpu.memory_space<vmem>>) target(%dma_start3A_735 : memref<10240x128xf32, #tpu.memory_space<vmem_shared>>) offsets(%arg12 : memref<88xi32, #tpu.memory_space<vmem>>) semaphore(%arg25 : memref<!tpu.dma_semaphore, #tpu.memory_space<semaphore_mem>>) {add = true}
      %dma_wait3A_736 = arith.constant 0 : i32
      %dma_wait3A_737 = arith.constant 0 : i32
      %dma_wait3A_738 = tpu.memref_slice %arg16[%dma_wait3A_736, %dma_wait3A_737] : memref<10240x128xf32, #tpu.memory_space<vmem_shared>> -> memref<10240x128xf32, #tpu.memory_space<vmem_shared>>
      tpu.wait_indirect_dma semaphore(%arg24 : memref<!tpu.dma_semaphore, #tpu.memory_space<semaphore_mem>>) src(%arg14 : memref<88x128xf32, #tpu.memory_space<vmem>>) dst(%dma_wait3A_738 : memref<10240x128xf32, #tpu.memory_space<vmem_shared>>)
      %add3A_739 = arith.constant 2 : i32
      %add3A_740 = arith.addi %add3A_729, %add3A_739 : i32
      %min3A_741 = arith.constant 113 : i32
      %min3A_742 = arith.minsi %add3A_740, %min3A_741 : i32
      %mul3A_743 = arith.constant 88 : i32
      %mul3A_744 = arith.muli %min3A_742, %mul3A_743 : i32
      %add3A_745 = arith.addi %mul3A_2, %mul3A_744 : i32
      %dma_start3A_746 = tpu.memref_slice %arg3[%add3A_745] : memref<321024xi32, #tpu.memory_space<hbm>> -> memref<88xi32, #tpu.memory_space<hbm>>
      %dma_start3A_747 = tpu.memref_slice %arg3[%add3A_745] : memref<321024xi32, #tpu.memory_space<hbm>> -> memref<88xi32, #tpu.memory_space<hbm>>
      tpu.enqueue_dma source(%dma_start3A_747 : memref<88xi32, #tpu.memory_space<hbm>>) target(%arg9 : memref<88xi32, #tpu.memory_space<vmem>>) target_semaphore(%arg18 : memref<!tpu.dma_semaphore, #tpu.memory_space<semaphore_mem>>)
      %mul3A_748 = arith.constant 88 : i32
      %mul3A_749 = arith.muli %min3A_742, %mul3A_748 : i32
      %add3A_750 = arith.addi %mul3A_2, %mul3A_749 : i32
      %dma_start3A_751 = tpu.memref_slice %arg4[%add3A_750] : memref<321024xi32, #tpu.memory_space<hbm>> -> memref<88xi32, #tpu.memory_space<hbm>>
      %dma_start3A_752 = tpu.memref_slice %arg4[%add3A_750] : memref<321024xi32, #tpu.memory_space<hbm>> -> memref<88xi32, #tpu.memory_space<hbm>>
      tpu.enqueue_dma source(%dma_start3A_752 : memref<88xi32, #tpu.memory_space<hbm>>) target(%arg10 : memref<88xi32, #tpu.memory_space<vmem>>) target_semaphore(%arg18 : memref<!tpu.dma_semaphore, #tpu.memory_space<semaphore_mem>>)
      %mul3A_753 = arith.constant 88 : i32
      %mul3A_754 = arith.muli %min3A_742, %mul3A_753 : i32
      %add3A_755 = arith.addi %mul3A_2, %mul3A_754 : i32
      %dma_wait3A_756 = tpu.memref_slice %arg3[%add3A_755] : memref<321024xi32, #tpu.memory_space<hbm>> -> memref<88xi32, #tpu.memory_space<hbm>>
      %dma_wait3A_757 = tpu.memref_slice %arg3[%add3A_755] : memref<321024xi32, #tpu.memory_space<hbm>> -> memref<88xi32, #tpu.memory_space<hbm>>
      tpu.wait_dma2 semaphore(%arg18 : memref<!tpu.dma_semaphore, #tpu.memory_space<semaphore_mem>>) src(%dma_wait3A_757 : memref<88xi32, #tpu.memory_space<hbm>>) dst(%arg9 : memref<88xi32, #tpu.memory_space<vmem>>)
      %mul3A_758 = arith.constant 88 : i32
      %mul3A_759 = arith.muli %min3A_742, %mul3A_758 : i32
      %add3A_760 = arith.addi %mul3A_2, %mul3A_759 : i32
      %dma_wait3A_761 = tpu.memref_slice %arg4[%add3A_760] : memref<321024xi32, #tpu.memory_space<hbm>> -> memref<88xi32, #tpu.memory_space<hbm>>
      %dma_wait3A_762 = tpu.memref_slice %arg4[%add3A_760] : memref<321024xi32, #tpu.memory_space<hbm>> -> memref<88xi32, #tpu.memory_space<hbm>>
      tpu.wait_dma2 semaphore(%arg18 : memref<!tpu.dma_semaphore, #tpu.memory_space<semaphore_mem>>) src(%dma_wait3A_762 : memref<88xi32, #tpu.memory_space<hbm>>) dst(%arg10 : memref<88xi32, #tpu.memory_space<vmem>>)
      %dma_start3A_763 = arith.constant 0 : i32
      %dma_start3A_764 = arith.constant 0 : i32
      %dma_start3A_765 = tpu.memref_slice %arg2[%dma_start3A_763, %dma_start3A_764] : memref<10000x128xf32, #tpu.memory_space<hbm>> -> memref<10000x128xf32, #tpu.memory_space<hbm>>
      tpu.enqueue_indirect_dma source(%dma_start3A_765 : memref<10000x128xf32, #tpu.memory_space<hbm>>) target(%arg14 : memref<88x128xf32, #tpu.memory_space<vmem>>) offsets(%arg9 : memref<88xi32, #tpu.memory_space<vmem>>) semaphore(%arg21 : memref<!tpu.dma_semaphore, #tpu.memory_space<semaphore_mem>>)
    }
    %scan3A_368 = arith.constant 37 : i32
    %dma_wait3A_369 = arith.constant 0 : i32
    %dma_wait3A_370 = arith.constant 0 : i32
    %dma_wait3A_371 = tpu.memref_slice %arg16[%dma_wait3A_369, %dma_wait3A_370] : memref<10240x128xf32, #tpu.memory_space<vmem_shared>> -> memref<10240x128xf32, #tpu.memory_space<vmem_shared>>
    tpu.wait_indirect_dma semaphore(%arg25 : memref<!tpu.dma_semaphore, #tpu.memory_space<semaphore_mem>>) src(%arg15 : memref<88x128xf32, #tpu.memory_space<vmem>>) dst(%dma_wait3A_371 : memref<10240x128xf32, #tpu.memory_space<vmem_shared>>)
    %dma_wait3A_372 = arith.constant 0 : i32
    %dma_wait3A_373 = arith.constant 0 : i32
    %dma_wait3A_374 = tpu.memref_slice %arg2[%dma_wait3A_372, %dma_wait3A_373] : memref<10000x128xf32, #tpu.memory_space<hbm>> -> memref<10000x128xf32, #tpu.memory_space<hbm>>
    tpu.wait_indirect_dma semaphore(%arg20 : memref<!tpu.dma_semaphore, #tpu.memory_space<semaphore_mem>>) src(%dma_wait3A_374 : memref<10000x128xf32, #tpu.memory_space<hbm>>) dst(%arg13 : memref<88x128xf32, #tpu.memory_space<vmem>>)
    %dma_wait3A_375 = arith.constant 0 : i32
    %dma_wait3A_376 = arith.constant 0 : i32
    %dma_wait3A_377 = tpu.memref_slice %arg2[%dma_wait3A_375, %dma_wait3A_376] : memref<10000x128xf32, #tpu.memory_space<hbm>> -> memref<10000x128xf32, #tpu.memory_space<hbm>>
    tpu.wait_indirect_dma semaphore(%arg21 : memref<!tpu.dma_semaphore, #tpu.memory_space<semaphore_mem>>) src(%dma_wait3A_377 : memref<10000x128xf32, #tpu.memory_space<hbm>>) dst(%arg14 : memref<88x128xf32, #tpu.memory_space<vmem>>)
    %barrier3A_378 = arith.constant 0 : index
    tpu.barrier barrier_id(%barrier3A_378)
    %mul3A_379 = arith.constant 640 : i32
    %mul3A_380 = arith.muli %arg1, %mul3A_379 : i32
    %add3A_381 = arith.constant 0 : i32
    %add3A_382 = arith.addi %mul3A_380, %add3A_381 : i32
    "tpu.region"() ({
      %run_scoped3A = tpu.sem_alloc : memref<!tpu.dma_semaphore, #tpu.memory_space<semaphore_mem>>
      %dma_start3A_651 = arith.constant 0 : i32
      %dma_start3A_652 = arith.constant 0 : i32
      %dma_start3A_653 = tpu.memref_slice %arg13[%dma_start3A_651, %dma_start3A_652] : memref<88x128xf32, #tpu.memory_space<vmem>> -> memref<80x128xf32, #tpu.memory_space<vmem>>
      %dma_start3A_654 = arith.constant 0 : i32
      %dma_start3A_655 = tpu.memref_slice %arg16[%add3A_382, %dma_start3A_654] : memref<10240x128xf32, #tpu.memory_space<vmem_shared>> -> memref<80x128xf32, #tpu.memory_space<vmem_shared>>
      %dma_start3A_656 = arith.constant 0 : i32
      %dma_start3A_657 = arith.constant 0 : i32
      %dma_start3A_658 = tpu.memref_slice %arg13[%dma_start3A_656, %dma_start3A_657] : memref<88x128xf32, #tpu.memory_space<vmem>> -> memref<80x128xf32, #tpu.memory_space<vmem>>
      %dma_start3A_659 = arith.constant 0 : i32
      %dma_start3A_660 = tpu.memref_slice %arg16[%add3A_382, %dma_start3A_659] : memref<10240x128xf32, #tpu.memory_space<vmem_shared>> -> memref<80x128xf32, #tpu.memory_space<vmem_shared>>
      tpu.enqueue_dma source(%dma_start3A_660 : memref<80x128xf32, #tpu.memory_space<vmem_shared>>) target(%dma_start3A_658 : memref<80x128xf32, #tpu.memory_space<vmem>>) target_semaphore(%run_scoped3A : memref<!tpu.dma_semaphore, #tpu.memory_space<semaphore_mem>>)
      %dma_wait3A_661 = arith.constant 0 : i32
      %dma_wait3A_662 = arith.constant 0 : i32
      %dma_wait3A_663 = tpu.memref_slice %arg13[%dma_wait3A_661, %dma_wait3A_662] : memref<88x128xf32, #tpu.memory_space<vmem>> -> memref<80x128xf32, #tpu.memory_space<vmem>>
      %dma_wait3A_664 = arith.constant 0 : i32
      %dma_wait3A_665 = tpu.memref_slice %arg16[%add3A_382, %dma_wait3A_664] : memref<10240x128xf32, #tpu.memory_space<vmem_shared>> -> memref<80x128xf32, #tpu.memory_space<vmem_shared>>
      %dma_wait3A_666 = arith.constant 0 : i32
      %dma_wait3A_667 = arith.constant 0 : i32
      %dma_wait3A_668 = tpu.memref_slice %arg13[%dma_wait3A_666, %dma_wait3A_667] : memref<88x128xf32, #tpu.memory_space<vmem>> -> memref<80x128xf32, #tpu.memory_space<vmem>>
      %dma_wait3A_669 = arith.constant 0 : i32
      %dma_wait3A_670 = tpu.memref_slice %arg16[%add3A_382, %dma_wait3A_669] : memref<10240x128xf32, #tpu.memory_space<vmem_shared>> -> memref<80x128xf32, #tpu.memory_space<vmem_shared>>
      tpu.wait_dma2 semaphore(%run_scoped3A : memref<!tpu.dma_semaphore, #tpu.memory_space<semaphore_mem>>) src(%dma_wait3A_670 : memref<80x128xf32, #tpu.memory_space<vmem_shared>>) dst(%dma_wait3A_668 : memref<80x128xf32, #tpu.memory_space<vmem>>)
      tpu.yield
    }) : () -> ()
    %mul3A_383 = arith.constant 10240 : i32
    %mul3A_384 = arith.muli %arg0, %mul3A_383 : i32
    %add3A_385 = arith.addi %mul3A_384, %add3A_382 : i32
    %dma_start3A_386 = arith.constant 0 : i32
    %dma_start3A_387 = arith.constant 0 : i32
    %dma_start3A_388 = tpu.memref_slice %arg13[%dma_start3A_386, %dma_start3A_387] : memref<88x128xf32, #tpu.memory_space<vmem>> -> memref<80x128xf32, #tpu.memory_space<vmem>>
    %dma_start3A_389 = arith.constant 0 : i32
    %dma_start3A_390 = tpu.memref_slice %arg6[%add3A_385, %dma_start3A_389] : memref<20480x128xf32, #tpu.memory_space<hbm>> -> memref<80x128xf32, #tpu.memory_space<hbm>>
    %dma_start3A_391 = arith.constant 0 : i32
    %dma_start3A_392 = tpu.memref_slice %arg6[%add3A_385, %dma_start3A_391] : memref<20480x128xf32, #tpu.memory_space<hbm>> -> memref<80x128xf32, #tpu.memory_space<hbm>>
    %dma_start3A_393 = arith.constant 0 : i32
    %dma_start3A_394 = arith.constant 0 : i32
    %dma_start3A_395 = tpu.memref_slice %arg13[%dma_start3A_393, %dma_start3A_394] : memref<88x128xf32, #tpu.memory_space<vmem>> -> memref<80x128xf32, #tpu.memory_space<vmem>>
    tpu.enqueue_dma source(%dma_start3A_395 : memref<80x128xf32, #tpu.memory_space<vmem>>) target(%dma_start3A_392 : memref<80x128xf32, #tpu.memory_space<hbm>>) target_semaphore(%arg20 : memref<!tpu.dma_semaphore, #tpu.memory_space<semaphore_mem>>)
    %mul3A_396 = arith.constant 640 : i32
    %mul3A_397 = arith.muli %arg1, %mul3A_396 : i32
    %add3A_398 = arith.constant 80 : i32
    %add3A_399 = arith.addi %mul3A_397, %add3A_398 : i32
    "tpu.region"() ({
      %run_scoped3A = tpu.sem_alloc : memref<!tpu.dma_semaphore, #tpu.memory_space<semaphore_mem>>
      %dma_start3A_651 = arith.constant 0 : i32
      %dma_start3A_652 = arith.constant 0 : i32
      %dma_start3A_653 = tpu.memref_slice %arg14[%dma_start3A_651, %dma_start3A_652] : memref<88x128xf32, #tpu.memory_space<vmem>> -> memref<80x128xf32, #tpu.memory_space<vmem>>
      %dma_start3A_654 = arith.constant 0 : i32
      %dma_start3A_655 = tpu.memref_slice %arg16[%add3A_399, %dma_start3A_654] : memref<10240x128xf32, #tpu.memory_space<vmem_shared>> -> memref<80x128xf32, #tpu.memory_space<vmem_shared>>
      %dma_start3A_656 = arith.constant 0 : i32
      %dma_start3A_657 = arith.constant 0 : i32
      %dma_start3A_658 = tpu.memref_slice %arg14[%dma_start3A_656, %dma_start3A_657] : memref<88x128xf32, #tpu.memory_space<vmem>> -> memref<80x128xf32, #tpu.memory_space<vmem>>
      %dma_start3A_659 = arith.constant 0 : i32
      %dma_start3A_660 = tpu.memref_slice %arg16[%add3A_399, %dma_start3A_659] : memref<10240x128xf32, #tpu.memory_space<vmem_shared>> -> memref<80x128xf32, #tpu.memory_space<vmem_shared>>
      tpu.enqueue_dma source(%dma_start3A_660 : memref<80x128xf32, #tpu.memory_space<vmem_shared>>) target(%dma_start3A_658 : memref<80x128xf32, #tpu.memory_space<vmem>>) target_semaphore(%run_scoped3A : memref<!tpu.dma_semaphore, #tpu.memory_space<semaphore_mem>>)
      %dma_wait3A_661 = arith.constant 0 : i32
      %dma_wait3A_662 = arith.constant 0 : i32
      %dma_wait3A_663 = tpu.memref_slice %arg14[%dma_wait3A_661, %dma_wait3A_662] : memref<88x128xf32, #tpu.memory_space<vmem>> -> memref<80x128xf32, #tpu.memory_space<vmem>>
      %dma_wait3A_664 = arith.constant 0 : i32
      %dma_wait3A_665 = tpu.memref_slice %arg16[%add3A_399, %dma_wait3A_664] : memref<10240x128xf32, #tpu.memory_space<vmem_shared>> -> memref<80x128xf32, #tpu.memory_space<vmem_shared>>
      %dma_wait3A_666 = arith.constant 0 : i32
      %dma_wait3A_667 = arith.constant 0 : i32
      %dma_wait3A_668 = tpu.memref_slice %arg14[%dma_wait3A_666, %dma_wait3A_667] : memref<88x128xf32, #tpu.memory_space<vmem>> -> memref<80x128xf32, #tpu.memory_space<vmem>>
      %dma_wait3A_669 = arith.constant 0 : i32
      %dma_wait3A_670 = tpu.memref_slice %arg16[%add3A_399, %dma_wait3A_669] : memref<10240x128xf32, #tpu.memory_space<vmem_shared>> -> memref<80x128xf32, #tpu.memory_space<vmem_shared>>
      tpu.wait_dma2 semaphore(%run_scoped3A : memref<!tpu.dma_semaphore, #tpu.memory_space<semaphore_mem>>) src(%dma_wait3A_670 : memref<80x128xf32, #tpu.memory_space<vmem_shared>>) dst(%dma_wait3A_668 : memref<80x128xf32, #tpu.memory_space<vmem>>)
      tpu.yield
    }) : () -> ()
    %mul3A_400 = arith.constant 10240 : i32
    %mul3A_401 = arith.muli %arg0, %mul3A_400 : i32
    %add3A_402 = arith.addi %mul3A_401, %add3A_399 : i32
    %dma_start3A_403 = arith.constant 0 : i32
    %dma_start3A_404 = arith.constant 0 : i32
    %dma_start3A_405 = tpu.memref_slice %arg14[%dma_start3A_403, %dma_start3A_404] : memref<88x128xf32, #tpu.memory_space<vmem>> -> memref<80x128xf32, #tpu.memory_space<vmem>>
    %dma_start3A_406 = arith.constant 0 : i32
    %dma_start3A_407 = tpu.memref_slice %arg6[%add3A_402, %dma_start3A_406] : memref<20480x128xf32, #tpu.memory_space<hbm>> -> memref<80x128xf32, #tpu.memory_space<hbm>>
    %dma_start3A_408 = arith.constant 0 : i32
    %dma_start3A_409 = tpu.memref_slice %arg6[%add3A_402, %dma_start3A_408] : memref<20480x128xf32, #tpu.memory_space<hbm>> -> memref<80x128xf32, #tpu.memory_space<hbm>>
    %dma_start3A_410 = arith.constant 0 : i32
    %dma_start3A_411 = arith.constant 0 : i32
    %dma_start3A_412 = tpu.memref_slice %arg14[%dma_start3A_410, %dma_start3A_411] : memref<88x128xf32, #tpu.memory_space<vmem>> -> memref<80x128xf32, #tpu.memory_space<vmem>>
    tpu.enqueue_dma source(%dma_start3A_412 : memref<80x128xf32, #tpu.memory_space<vmem>>) target(%dma_start3A_409 : memref<80x128xf32, #tpu.memory_space<hbm>>) target_semaphore(%arg21 : memref<!tpu.dma_semaphore, #tpu.memory_space<semaphore_mem>>)
    %mul3A_413 = arith.constant 640 : i32
    %mul3A_414 = arith.muli %arg1, %mul3A_413 : i32
    %add3A_415 = arith.constant 160 : i32
    %add3A_416 = arith.addi %mul3A_414, %add3A_415 : i32
    %mul3A_417 = arith.constant 640 : i32
    %mul3A_418 = arith.muli %arg1, %mul3A_417 : i32
    %add3A_419 = arith.constant 0 : i32
    %add3A_420 = arith.addi %mul3A_418, %add3A_419 : i32
    %mul3A_421 = arith.constant 10240 : i32
    %mul3A_422 = arith.muli %arg0, %mul3A_421 : i32
    %add3A_423 = arith.addi %mul3A_422, %add3A_420 : i32
    %dma_wait3A_424 = arith.constant 0 : i32
    %dma_wait3A_425 = arith.constant 0 : i32
    %dma_wait3A_426 = tpu.memref_slice %arg13[%dma_wait3A_424, %dma_wait3A_425] : memref<88x128xf32, #tpu.memory_space<vmem>> -> memref<80x128xf32, #tpu.memory_space<vmem>>
    %dma_wait3A_427 = arith.constant 0 : i32
    %dma_wait3A_428 = tpu.memref_slice %arg6[%add3A_423, %dma_wait3A_427] : memref<20480x128xf32, #tpu.memory_space<hbm>> -> memref<80x128xf32, #tpu.memory_space<hbm>>
    %dma_wait3A_429 = arith.constant 0 : i32
    %dma_wait3A_430 = tpu.memref_slice %arg6[%add3A_423, %dma_wait3A_429] : memref<20480x128xf32, #tpu.memory_space<hbm>> -> memref<80x128xf32, #tpu.memory_space<hbm>>
    %dma_wait3A_431 = arith.constant 0 : i32
    %dma_wait3A_432 = arith.constant 0 : i32
    %dma_wait3A_433 = tpu.memref_slice %arg13[%dma_wait3A_431, %dma_wait3A_432] : memref<88x128xf32, #tpu.memory_space<vmem>> -> memref<80x128xf32, #tpu.memory_space<vmem>>
    tpu.wait_dma2 semaphore(%arg20 : memref<!tpu.dma_semaphore, #tpu.memory_space<semaphore_mem>>) src(%dma_wait3A_433 : memref<80x128xf32, #tpu.memory_space<vmem>>) dst(%dma_wait3A_430 : memref<80x128xf32, #tpu.memory_space<hbm>>)
    "tpu.region"() ({
      %run_scoped3A = tpu.sem_alloc : memref<!tpu.dma_semaphore, #tpu.memory_space<semaphore_mem>>
      %dma_start3A_651 = arith.constant 0 : i32
      %dma_start3A_652 = arith.constant 0 : i32
      %dma_start3A_653 = tpu.memref_slice %arg13[%dma_start3A_651, %dma_start3A_652] : memref<88x128xf32, #tpu.memory_space<vmem>> -> memref<80x128xf32, #tpu.memory_space<vmem>>
      %dma_start3A_654 = arith.constant 0 : i32
      %dma_start3A_655 = tpu.memref_slice %arg16[%add3A_416, %dma_start3A_654] : memref<10240x128xf32, #tpu.memory_space<vmem_shared>> -> memref<80x128xf32, #tpu.memory_space<vmem_shared>>
      %dma_start3A_656 = arith.constant 0 : i32
      %dma_start3A_657 = arith.constant 0 : i32
      %dma_start3A_658 = tpu.memref_slice %arg13[%dma_start3A_656, %dma_start3A_657] : memref<88x128xf32, #tpu.memory_space<vmem>> -> memref<80x128xf32, #tpu.memory_space<vmem>>
      %dma_start3A_659 = arith.constant 0 : i32
      %dma_start3A_660 = tpu.memref_slice %arg16[%add3A_416, %dma_start3A_659] : memref<10240x128xf32, #tpu.memory_space<vmem_shared>> -> memref<80x128xf32, #tpu.memory_space<vmem_shared>>
      tpu.enqueue_dma source(%dma_start3A_660 : memref<80x128xf32, #tpu.memory_space<vmem_shared>>) target(%dma_start3A_658 : memref<80x128xf32, #tpu.memory_space<vmem>>) target_semaphore(%run_scoped3A : memref<!tpu.dma_semaphore, #tpu.memory_space<semaphore_mem>>)
      %dma_wait3A_661 = arith.constant 0 : i32
      %dma_wait3A_662 = arith.constant 0 : i32
      %dma_wait3A_663 = tpu.memref_slice %arg13[%dma_wait3A_661, %dma_wait3A_662] : memref<88x128xf32, #tpu.memory_space<vmem>> -> memref<80x128xf32, #tpu.memory_space<vmem>>
      %dma_wait3A_664 = arith.constant 0 : i32
      %dma_wait3A_665 = tpu.memref_slice %arg16[%add3A_416, %dma_wait3A_664] : memref<10240x128xf32, #tpu.memory_space<vmem_shared>> -> memref<80x128xf32, #tpu.memory_space<vmem_shared>>
      %dma_wait3A_666 = arith.constant 0 : i32
      %dma_wait3A_667 = arith.constant 0 : i32
      %dma_wait3A_668 = tpu.memref_slice %arg13[%dma_wait3A_666, %dma_wait3A_667] : memref<88x128xf32, #tpu.memory_space<vmem>> -> memref<80x128xf32, #tpu.memory_space<vmem>>
      %dma_wait3A_669 = arith.constant 0 : i32
      %dma_wait3A_670 = tpu.memref_slice %arg16[%add3A_416, %dma_wait3A_669] : memref<10240x128xf32, #tpu.memory_space<vmem_shared>> -> memref<80x128xf32, #tpu.memory_space<vmem_shared>>
      tpu.wait_dma2 semaphore(%run_scoped3A : memref<!tpu.dma_semaphore, #tpu.memory_space<semaphore_mem>>) src(%dma_wait3A_670 : memref<80x128xf32, #tpu.memory_space<vmem_shared>>) dst(%dma_wait3A_668 : memref<80x128xf32, #tpu.memory_space<vmem>>)
      tpu.yield
    }) : () -> ()
    %mul3A_434 = arith.constant 10240 : i32
    %mul3A_435 = arith.muli %arg0, %mul3A_434 : i32
    %add3A_436 = arith.addi %mul3A_435, %add3A_416 : i32
    %dma_start3A_437 = arith.constant 0 : i32
    %dma_start3A_438 = arith.constant 0 : i32
    %dma_start3A_439 = tpu.memref_slice %arg13[%dma_start3A_437, %dma_start3A_438] : memref<88x128xf32, #tpu.memory_space<vmem>> -> memref<80x128xf32, #tpu.memory_space<vmem>>
    %dma_start3A_440 = arith.constant 0 : i32
    %dma_start3A_441 = tpu.memref_slice %arg6[%add3A_436, %dma_start3A_440] : memref<20480x128xf32, #tpu.memory_space<hbm>> -> memref<80x128xf32, #tpu.memory_space<hbm>>
    %dma_start3A_442 = arith.constant 0 : i32
    %dma_start3A_443 = tpu.memref_slice %arg6[%add3A_436, %dma_start3A_442] : memref<20480x128xf32, #tpu.memory_space<hbm>> -> memref<80x128xf32, #tpu.memory_space<hbm>>
    %dma_start3A_444 = arith.constant 0 : i32
    %dma_start3A_445 = arith.constant 0 : i32
    %dma_start3A_446 = tpu.memref_slice %arg13[%dma_start3A_444, %dma_start3A_445] : memref<88x128xf32, #tpu.memory_space<vmem>> -> memref<80x128xf32, #tpu.memory_space<vmem>>
    tpu.enqueue_dma source(%dma_start3A_446 : memref<80x128xf32, #tpu.memory_space<vmem>>) target(%dma_start3A_443 : memref<80x128xf32, #tpu.memory_space<hbm>>) target_semaphore(%arg20 : memref<!tpu.dma_semaphore, #tpu.memory_space<semaphore_mem>>)
    %mul3A_447 = arith.constant 640 : i32
    %mul3A_448 = arith.muli %arg1, %mul3A_447 : i32
    %add3A_449 = arith.constant 240 : i32
    %add3A_450 = arith.addi %mul3A_448, %add3A_449 : i32
    %mul3A_451 = arith.constant 640 : i32
    %mul3A_452 = arith.muli %arg1, %mul3A_451 : i32
    %add3A_453 = arith.constant 80 : i32
    %add3A_454 = arith.addi %mul3A_452, %add3A_453 : i32
    %mul3A_455 = arith.constant 10240 : i32
    %mul3A_456 = arith.muli %arg0, %mul3A_455 : i32
    %add3A_457 = arith.addi %mul3A_456, %add3A_454 : i32
    %dma_wait3A_458 = arith.constant 0 : i32
    %dma_wait3A_459 = arith.constant 0 : i32
    %dma_wait3A_460 = tpu.memref_slice %arg14[%dma_wait3A_458, %dma_wait3A_459] : memref<88x128xf32, #tpu.memory_space<vmem>> -> memref<80x128xf32, #tpu.memory_space<vmem>>
    %dma_wait3A_461 = arith.constant 0 : i32
    %dma_wait3A_462 = tpu.memref_slice %arg6[%add3A_457, %dma_wait3A_461] : memref<20480x128xf32, #tpu.memory_space<hbm>> -> memref<80x128xf32, #tpu.memory_space<hbm>>
    %dma_wait3A_463 = arith.constant 0 : i32
    %dma_wait3A_464 = tpu.memref_slice %arg6[%add3A_457, %dma_wait3A_463] : memref<20480x128xf32, #tpu.memory_space<hbm>> -> memref<80x128xf32, #tpu.memory_space<hbm>>
    %dma_wait3A_465 = arith.constant 0 : i32
    %dma_wait3A_466 = arith.constant 0 : i32
    %dma_wait3A_467 = tpu.memref_slice %arg14[%dma_wait3A_465, %dma_wait3A_466] : memref<88x128xf32, #tpu.memory_space<vmem>> -> memref<80x128xf32, #tpu.memory_space<vmem>>
    tpu.wait_dma2 semaphore(%arg21 : memref<!tpu.dma_semaphore, #tpu.memory_space<semaphore_mem>>) src(%dma_wait3A_467 : memref<80x128xf32, #tpu.memory_space<vmem>>) dst(%dma_wait3A_464 : memref<80x128xf32, #tpu.memory_space<hbm>>)
    "tpu.region"() ({
      %run_scoped3A = tpu.sem_alloc : memref<!tpu.dma_semaphore, #tpu.memory_space<semaphore_mem>>
      %dma_start3A_651 = arith.constant 0 : i32
      %dma_start3A_652 = arith.constant 0 : i32
      %dma_start3A_653 = tpu.memref_slice %arg14[%dma_start3A_651, %dma_start3A_652] : memref<88x128xf32, #tpu.memory_space<vmem>> -> memref<80x128xf32, #tpu.memory_space<vmem>>
      %dma_start3A_654 = arith.constant 0 : i32
      %dma_start3A_655 = tpu.memref_slice %arg16[%add3A_450, %dma_start3A_654] : memref<10240x128xf32, #tpu.memory_space<vmem_shared>> -> memref<80x128xf32, #tpu.memory_space<vmem_shared>>
      %dma_start3A_656 = arith.constant 0 : i32
      %dma_start3A_657 = arith.constant 0 : i32
      %dma_start3A_658 = tpu.memref_slice %arg14[%dma_start3A_656, %dma_start3A_657] : memref<88x128xf32, #tpu.memory_space<vmem>> -> memref<80x128xf32, #tpu.memory_space<vmem>>
      %dma_start3A_659 = arith.constant 0 : i32
      %dma_start3A_660 = tpu.memref_slice %arg16[%add3A_450, %dma_start3A_659] : memref<10240x128xf32, #tpu.memory_space<vmem_shared>> -> memref<80x128xf32, #tpu.memory_space<vmem_shared>>
      tpu.enqueue_dma source(%dma_start3A_660 : memref<80x128xf32, #tpu.memory_space<vmem_shared>>) target(%dma_start3A_658 : memref<80x128xf32, #tpu.memory_space<vmem>>) target_semaphore(%run_scoped3A : memref<!tpu.dma_semaphore, #tpu.memory_space<semaphore_mem>>)
      %dma_wait3A_661 = arith.constant 0 : i32
      %dma_wait3A_662 = arith.constant 0 : i32
      %dma_wait3A_663 = tpu.memref_slice %arg14[%dma_wait3A_661, %dma_wait3A_662] : memref<88x128xf32, #tpu.memory_space<vmem>> -> memref<80x128xf32, #tpu.memory_space<vmem>>
      %dma_wait3A_664 = arith.constant 0 : i32
      %dma_wait3A_665 = tpu.memref_slice %arg16[%add3A_450, %dma_wait3A_664] : memref<10240x128xf32, #tpu.memory_space<vmem_shared>> -> memref<80x128xf32, #tpu.memory_space<vmem_shared>>
      %dma_wait3A_666 = arith.constant 0 : i32
      %dma_wait3A_667 = arith.constant 0 : i32
      %dma_wait3A_668 = tpu.memref_slice %arg14[%dma_wait3A_666, %dma_wait3A_667] : memref<88x128xf32, #tpu.memory_space<vmem>> -> memref<80x128xf32, #tpu.memory_space<vmem>>
      %dma_wait3A_669 = arith.constant 0 : i32
      %dma_wait3A_670 = tpu.memref_slice %arg16[%add3A_450, %dma_wait3A_669] : memref<10240x128xf32, #tpu.memory_space<vmem_shared>> -> memref<80x128xf32, #tpu.memory_space<vmem_shared>>
      tpu.wait_dma2 semaphore(%run_scoped3A : memref<!tpu.dma_semaphore, #tpu.memory_space<semaphore_mem>>) src(%dma_wait3A_670 : memref<80x128xf32, #tpu.memory_space<vmem_shared>>) dst(%dma_wait3A_668 : memref<80x128xf32, #tpu.memory_space<vmem>>)
      tpu.yield
    }) : () -> ()
    %mul3A_468 = arith.constant 10240 : i32
    %mul3A_469 = arith.muli %arg0, %mul3A_468 : i32
    %add3A_470 = arith.addi %mul3A_469, %add3A_450 : i32
    %dma_start3A_471 = arith.constant 0 : i32
    %dma_start3A_472 = arith.constant 0 : i32
    %dma_start3A_473 = tpu.memref_slice %arg14[%dma_start3A_471, %dma_start3A_472] : memref<88x128xf32, #tpu.memory_space<vmem>> -> memref<80x128xf32, #tpu.memory_space<vmem>>
    %dma_start3A_474 = arith.constant 0 : i32
    %dma_start3A_475 = tpu.memref_slice %arg6[%add3A_470, %dma_start3A_474] : memref<20480x128xf32, #tpu.memory_space<hbm>> -> memref<80x128xf32, #tpu.memory_space<hbm>>
    %dma_start3A_476 = arith.constant 0 : i32
    %dma_start3A_477 = tpu.memref_slice %arg6[%add3A_470, %dma_start3A_476] : memref<20480x128xf32, #tpu.memory_space<hbm>> -> memref<80x128xf32, #tpu.memory_space<hbm>>
    %dma_start3A_478 = arith.constant 0 : i32
    %dma_start3A_479 = arith.constant 0 : i32
    %dma_start3A_480 = tpu.memref_slice %arg14[%dma_start3A_478, %dma_start3A_479] : memref<88x128xf32, #tpu.memory_space<vmem>> -> memref<80x128xf32, #tpu.memory_space<vmem>>
    tpu.enqueue_dma source(%dma_start3A_480 : memref<80x128xf32, #tpu.memory_space<vmem>>) target(%dma_start3A_477 : memref<80x128xf32, #tpu.memory_space<hbm>>) target_semaphore(%arg21 : memref<!tpu.dma_semaphore, #tpu.memory_space<semaphore_mem>>)
    %mul3A_481 = arith.constant 640 : i32
    %mul3A_482 = arith.muli %arg1, %mul3A_481 : i32
    %add3A_483 = arith.constant 320 : i32
    %add3A_484 = arith.addi %mul3A_482, %add3A_483 : i32
    %mul3A_485 = arith.constant 640 : i32
    %mul3A_486 = arith.muli %arg1, %mul3A_485 : i32
    %add3A_487 = arith.constant 160 : i32
    %add3A_488 = arith.addi %mul3A_486, %add3A_487 : i32
    %mul3A_489 = arith.constant 10240 : i32
    %mul3A_490 = arith.muli %arg0, %mul3A_489 : i32
    %add3A_491 = arith.addi %mul3A_490, %add3A_488 : i32
    %dma_wait3A_492 = arith.constant 0 : i32
    %dma_wait3A_493 = arith.constant 0 : i32
    %dma_wait3A_494 = tpu.memref_slice %arg13[%dma_wait3A_492, %dma_wait3A_493] : memref<88x128xf32, #tpu.memory_space<vmem>> -> memref<80x128xf32, #tpu.memory_space<vmem>>
    %dma_wait3A_495 = arith.constant 0 : i32
    %dma_wait3A_496 = tpu.memref_slice %arg6[%add3A_491, %dma_wait3A_495] : memref<20480x128xf32, #tpu.memory_space<hbm>> -> memref<80x128xf32, #tpu.memory_space<hbm>>
    %dma_wait3A_497 = arith.constant 0 : i32
    %dma_wait3A_498 = tpu.memref_slice %arg6[%add3A_491, %dma_wait3A_497] : memref<20480x128xf32, #tpu.memory_space<hbm>> -> memref<80x128xf32, #tpu.memory_space<hbm>>
    %dma_wait3A_499 = arith.constant 0 : i32
    %dma_wait3A_500 = arith.constant 0 : i32
    %dma_wait3A_501 = tpu.memref_slice %arg13[%dma_wait3A_499, %dma_wait3A_500] : memref<88x128xf32, #tpu.memory_space<vmem>> -> memref<80x128xf32, #tpu.memory_space<vmem>>
    tpu.wait_dma2 semaphore(%arg20 : memref<!tpu.dma_semaphore, #tpu.memory_space<semaphore_mem>>) src(%dma_wait3A_501 : memref<80x128xf32, #tpu.memory_space<vmem>>) dst(%dma_wait3A_498 : memref<80x128xf32, #tpu.memory_space<hbm>>)
    "tpu.region"() ({
      %run_scoped3A = tpu.sem_alloc : memref<!tpu.dma_semaphore, #tpu.memory_space<semaphore_mem>>
      %dma_start3A_651 = arith.constant 0 : i32
      %dma_start3A_652 = arith.constant 0 : i32
      %dma_start3A_653 = tpu.memref_slice %arg13[%dma_start3A_651, %dma_start3A_652] : memref<88x128xf32, #tpu.memory_space<vmem>> -> memref<80x128xf32, #tpu.memory_space<vmem>>
      %dma_start3A_654 = arith.constant 0 : i32
      %dma_start3A_655 = tpu.memref_slice %arg16[%add3A_484, %dma_start3A_654] : memref<10240x128xf32, #tpu.memory_space<vmem_shared>> -> memref<80x128xf32, #tpu.memory_space<vmem_shared>>
      %dma_start3A_656 = arith.constant 0 : i32
      %dma_start3A_657 = arith.constant 0 : i32
      %dma_start3A_658 = tpu.memref_slice %arg13[%dma_start3A_656, %dma_start3A_657] : memref<88x128xf32, #tpu.memory_space<vmem>> -> memref<80x128xf32, #tpu.memory_space<vmem>>
      %dma_start3A_659 = arith.constant 0 : i32
      %dma_start3A_660 = tpu.memref_slice %arg16[%add3A_484, %dma_start3A_659] : memref<10240x128xf32, #tpu.memory_space<vmem_shared>> -> memref<80x128xf32, #tpu.memory_space<vmem_shared>>
      tpu.enqueue_dma source(%dma_start3A_660 : memref<80x128xf32, #tpu.memory_space<vmem_shared>>) target(%dma_start3A_658 : memref<80x128xf32, #tpu.memory_space<vmem>>) target_semaphore(%run_scoped3A : memref<!tpu.dma_semaphore, #tpu.memory_space<semaphore_mem>>)
      %dma_wait3A_661 = arith.constant 0 : i32
      %dma_wait3A_662 = arith.constant 0 : i32
      %dma_wait3A_663 = tpu.memref_slice %arg13[%dma_wait3A_661, %dma_wait3A_662] : memref<88x128xf32, #tpu.memory_space<vmem>> -> memref<80x128xf32, #tpu.memory_space<vmem>>
      %dma_wait3A_664 = arith.constant 0 : i32
      %dma_wait3A_665 = tpu.memref_slice %arg16[%add3A_484, %dma_wait3A_664] : memref<10240x128xf32, #tpu.memory_space<vmem_shared>> -> memref<80x128xf32, #tpu.memory_space<vmem_shared>>
      %dma_wait3A_666 = arith.constant 0 : i32
      %dma_wait3A_667 = arith.constant 0 : i32
      %dma_wait3A_668 = tpu.memref_slice %arg13[%dma_wait3A_666, %dma_wait3A_667] : memref<88x128xf32, #tpu.memory_space<vmem>> -> memref<80x128xf32, #tpu.memory_space<vmem>>
      %dma_wait3A_669 = arith.constant 0 : i32
      %dma_wait3A_670 = tpu.memref_slice %arg16[%add3A_484, %dma_wait3A_669] : memref<10240x128xf32, #tpu.memory_space<vmem_shared>> -> memref<80x128xf32, #tpu.memory_space<vmem_shared>>
      tpu.wait_dma2 semaphore(%run_scoped3A : memref<!tpu.dma_semaphore, #tpu.memory_space<semaphore_mem>>) src(%dma_wait3A_670 : memref<80x128xf32, #tpu.memory_space<vmem_shared>>) dst(%dma_wait3A_668 : memref<80x128xf32, #tpu.memory_space<vmem>>)
      tpu.yield
    }) : () -> ()
    %mul3A_502 = arith.constant 10240 : i32
    %mul3A_503 = arith.muli %arg0, %mul3A_502 : i32
    %add3A_504 = arith.addi %mul3A_503, %add3A_484 : i32
    %dma_start3A_505 = arith.constant 0 : i32
    %dma_start3A_506 = arith.constant 0 : i32
    %dma_start3A_507 = tpu.memref_slice %arg13[%dma_start3A_505, %dma_start3A_506] : memref<88x128xf32, #tpu.memory_space<vmem>> -> memref<80x128xf32, #tpu.memory_space<vmem>>
    %dma_start3A_508 = arith.constant 0 : i32
    %dma_start3A_509 = tpu.memref_slice %arg6[%add3A_504, %dma_start3A_508] : memref<20480x128xf32, #tpu.memory_space<hbm>> -> memref<80x128xf32, #tpu.memory_space<hbm>>
    %dma_start3A_510 = arith.constant 0 : i32
    %dma_start3A_511 = tpu.memref_slice %arg6[%add3A_504, %dma_start3A_510] : memref<20480x128xf32, #tpu.memory_space<hbm>> -> memref<80x128xf32, #tpu.memory_space<hbm>>
    %dma_start3A_512 = arith.constant 0 : i32
    %dma_start3A_513 = arith.constant 0 : i32
    %dma_start3A_514 = tpu.memref_slice %arg13[%dma_start3A_512, %dma_start3A_513] : memref<88x128xf32, #tpu.memory_space<vmem>> -> memref<80x128xf32, #tpu.memory_space<vmem>>
    tpu.enqueue_dma source(%dma_start3A_514 : memref<80x128xf32, #tpu.memory_space<vmem>>) target(%dma_start3A_511 : memref<80x128xf32, #tpu.memory_space<hbm>>) target_semaphore(%arg20 : memref<!tpu.dma_semaphore, #tpu.memory_space<semaphore_mem>>)
    %mul3A_515 = arith.constant 640 : i32
    %mul3A_516 = arith.muli %arg1, %mul3A_515 : i32
    %add3A_517 = arith.constant 400 : i32
    %add3A_518 = arith.addi %mul3A_516, %add3A_517 : i32
    %mul3A_519 = arith.constant 640 : i32
    %mul3A_520 = arith.muli %arg1, %mul3A_519 : i32
    %add3A_521 = arith.constant 240 : i32
    %add3A_522 = arith.addi %mul3A_520, %add3A_521 : i32
    %mul3A_523 = arith.constant 10240 : i32
    %mul3A_524 = arith.muli %arg0, %mul3A_523 : i32
    %add3A_525 = arith.addi %mul3A_524, %add3A_522 : i32
    %dma_wait3A_526 = arith.constant 0 : i32
    %dma_wait3A_527 = arith.constant 0 : i32
    %dma_wait3A_528 = tpu.memref_slice %arg14[%dma_wait3A_526, %dma_wait3A_527] : memref<88x128xf32, #tpu.memory_space<vmem>> -> memref<80x128xf32, #tpu.memory_space<vmem>>
    %dma_wait3A_529 = arith.constant 0 : i32
    %dma_wait3A_530 = tpu.memref_slice %arg6[%add3A_525, %dma_wait3A_529] : memref<20480x128xf32, #tpu.memory_space<hbm>> -> memref<80x128xf32, #tpu.memory_space<hbm>>
    %dma_wait3A_531 = arith.constant 0 : i32
    %dma_wait3A_532 = tpu.memref_slice %arg6[%add3A_525, %dma_wait3A_531] : memref<20480x128xf32, #tpu.memory_space<hbm>> -> memref<80x128xf32, #tpu.memory_space<hbm>>
    %dma_wait3A_533 = arith.constant 0 : i32
    %dma_wait3A_534 = arith.constant 0 : i32
    %dma_wait3A_535 = tpu.memref_slice %arg14[%dma_wait3A_533, %dma_wait3A_534] : memref<88x128xf32, #tpu.memory_space<vmem>> -> memref<80x128xf32, #tpu.memory_space<vmem>>
    tpu.wait_dma2 semaphore(%arg21 : memref<!tpu.dma_semaphore, #tpu.memory_space<semaphore_mem>>) src(%dma_wait3A_535 : memref<80x128xf32, #tpu.memory_space<vmem>>) dst(%dma_wait3A_532 : memref<80x128xf32, #tpu.memory_space<hbm>>)
    "tpu.region"() ({
      %run_scoped3A = tpu.sem_alloc : memref<!tpu.dma_semaphore, #tpu.memory_space<semaphore_mem>>
      %dma_start3A_651 = arith.constant 0 : i32
      %dma_start3A_652 = arith.constant 0 : i32
      %dma_start3A_653 = tpu.memref_slice %arg14[%dma_start3A_651, %dma_start3A_652] : memref<88x128xf32, #tpu.memory_space<vmem>> -> memref<80x128xf32, #tpu.memory_space<vmem>>
      %dma_start3A_654 = arith.constant 0 : i32
      %dma_start3A_655 = tpu.memref_slice %arg16[%add3A_518, %dma_start3A_654] : memref<10240x128xf32, #tpu.memory_space<vmem_shared>> -> memref<80x128xf32, #tpu.memory_space<vmem_shared>>
      %dma_start3A_656 = arith.constant 0 : i32
      %dma_start3A_657 = arith.constant 0 : i32
      %dma_start3A_658 = tpu.memref_slice %arg14[%dma_start3A_656, %dma_start3A_657] : memref<88x128xf32, #tpu.memory_space<vmem>> -> memref<80x128xf32, #tpu.memory_space<vmem>>
      %dma_start3A_659 = arith.constant 0 : i32
      %dma_start3A_660 = tpu.memref_slice %arg16[%add3A_518, %dma_start3A_659] : memref<10240x128xf32, #tpu.memory_space<vmem_shared>> -> memref<80x128xf32, #tpu.memory_space<vmem_shared>>
      tpu.enqueue_dma source(%dma_start3A_660 : memref<80x128xf32, #tpu.memory_space<vmem_shared>>) target(%dma_start3A_658 : memref<80x128xf32, #tpu.memory_space<vmem>>) target_semaphore(%run_scoped3A : memref<!tpu.dma_semaphore, #tpu.memory_space<semaphore_mem>>)
      %dma_wait3A_661 = arith.constant 0 : i32
      %dma_wait3A_662 = arith.constant 0 : i32
      %dma_wait3A_663 = tpu.memref_slice %arg14[%dma_wait3A_661, %dma_wait3A_662] : memref<88x128xf32, #tpu.memory_space<vmem>> -> memref<80x128xf32, #tpu.memory_space<vmem>>
      %dma_wait3A_664 = arith.constant 0 : i32
      %dma_wait3A_665 = tpu.memref_slice %arg16[%add3A_518, %dma_wait3A_664] : memref<10240x128xf32, #tpu.memory_space<vmem_shared>> -> memref<80x128xf32, #tpu.memory_space<vmem_shared>>
      %dma_wait3A_666 = arith.constant 0 : i32
      %dma_wait3A_667 = arith.constant 0 : i32
      %dma_wait3A_668 = tpu.memref_slice %arg14[%dma_wait3A_666, %dma_wait3A_667] : memref<88x128xf32, #tpu.memory_space<vmem>> -> memref<80x128xf32, #tpu.memory_space<vmem>>
      %dma_wait3A_669 = arith.constant 0 : i32
      %dma_wait3A_670 = tpu.memref_slice %arg16[%add3A_518, %dma_wait3A_669] : memref<10240x128xf32, #tpu.memory_space<vmem_shared>> -> memref<80x128xf32, #tpu.memory_space<vmem_shared>>
      tpu.wait_dma2 semaphore(%run_scoped3A : memref<!tpu.dma_semaphore, #tpu.memory_space<semaphore_mem>>) src(%dma_wait3A_670 : memref<80x128xf32, #tpu.memory_space<vmem_shared>>) dst(%dma_wait3A_668 : memref<80x128xf32, #tpu.memory_space<vmem>>)
      tpu.yield
    }) : () -> ()
    %mul3A_536 = arith.constant 10240 : i32
    %mul3A_537 = arith.muli %arg0, %mul3A_536 : i32
    %add3A_538 = arith.addi %mul3A_537, %add3A_518 : i32
    %dma_start3A_539 = arith.constant 0 : i32
    %dma_start3A_540 = arith.constant 0 : i32
    %dma_start3A_541 = tpu.memref_slice %arg14[%dma_start3A_539, %dma_start3A_540] : memref<88x128xf32, #tpu.memory_space<vmem>> -> memref<80x128xf32, #tpu.memory_space<vmem>>
    %dma_start3A_542 = arith.constant 0 : i32
    %dma_start3A_543 = tpu.memref_slice %arg6[%add3A_538, %dma_start3A_542] : memref<20480x128xf32, #tpu.memory_space<hbm>> -> memref<80x128xf32, #tpu.memory_space<hbm>>
    %dma_start3A_544 = arith.constant 0 : i32
    %dma_start3A_545 = tpu.memref_slice %arg6[%add3A_538, %dma_start3A_544] : memref<20480x128xf32, #tpu.memory_space<hbm>> -> memref<80x128xf32, #tpu.memory_space<hbm>>
    %dma_start3A_546 = arith.constant 0 : i32
    %dma_start3A_547 = arith.constant 0 : i32
    %dma_start3A_548 = tpu.memref_slice %arg14[%dma_start3A_546, %dma_start3A_547] : memref<88x128xf32, #tpu.memory_space<vmem>> -> memref<80x128xf32, #tpu.memory_space<vmem>>
    tpu.enqueue_dma source(%dma_start3A_548 : memref<80x128xf32, #tpu.memory_space<vmem>>) target(%dma_start3A_545 : memref<80x128xf32, #tpu.memory_space<hbm>>) target_semaphore(%arg21 : memref<!tpu.dma_semaphore, #tpu.memory_space<semaphore_mem>>)
    %mul3A_549 = arith.constant 640 : i32
    %mul3A_550 = arith.muli %arg1, %mul3A_549 : i32
    %add3A_551 = arith.constant 480 : i32
    %add3A_552 = arith.addi %mul3A_550, %add3A_551 : i32
    %mul3A_553 = arith.constant 640 : i32
    %mul3A_554 = arith.muli %arg1, %mul3A_553 : i32
    %add3A_555 = arith.constant 320 : i32
    %add3A_556 = arith.addi %mul3A_554, %add3A_555 : i32
    %mul3A_557 = arith.constant 10240 : i32
    %mul3A_558 = arith.muli %arg0, %mul3A_557 : i32
    %add3A_559 = arith.addi %mul3A_558, %add3A_556 : i32
    %dma_wait3A_560 = arith.constant 0 : i32
    %dma_wait3A_561 = arith.constant 0 : i32
    %dma_wait3A_562 = tpu.memref_slice %arg13[%dma_wait3A_560, %dma_wait3A_561] : memref<88x128xf32, #tpu.memory_space<vmem>> -> memref<80x128xf32, #tpu.memory_space<vmem>>
    %dma_wait3A_563 = arith.constant 0 : i32
    %dma_wait3A_564 = tpu.memref_slice %arg6[%add3A_559, %dma_wait3A_563] : memref<20480x128xf32, #tpu.memory_space<hbm>> -> memref<80x128xf32, #tpu.memory_space<hbm>>
    %dma_wait3A_565 = arith.constant 0 : i32
    %dma_wait3A_566 = tpu.memref_slice %arg6[%add3A_559, %dma_wait3A_565] : memref<20480x128xf32, #tpu.memory_space<hbm>> -> memref<80x128xf32, #tpu.memory_space<hbm>>
    %dma_wait3A_567 = arith.constant 0 : i32
    %dma_wait3A_568 = arith.constant 0 : i32
    %dma_wait3A_569 = tpu.memref_slice %arg13[%dma_wait3A_567, %dma_wait3A_568] : memref<88x128xf32, #tpu.memory_space<vmem>> -> memref<80x128xf32, #tpu.memory_space<vmem>>
    tpu.wait_dma2 semaphore(%arg20 : memref<!tpu.dma_semaphore, #tpu.memory_space<semaphore_mem>>) src(%dma_wait3A_569 : memref<80x128xf32, #tpu.memory_space<vmem>>) dst(%dma_wait3A_566 : memref<80x128xf32, #tpu.memory_space<hbm>>)
    "tpu.region"() ({
      %run_scoped3A = tpu.sem_alloc : memref<!tpu.dma_semaphore, #tpu.memory_space<semaphore_mem>>
      %dma_start3A_651 = arith.constant 0 : i32
      %dma_start3A_652 = arith.constant 0 : i32
      %dma_start3A_653 = tpu.memref_slice %arg13[%dma_start3A_651, %dma_start3A_652] : memref<88x128xf32, #tpu.memory_space<vmem>> -> memref<80x128xf32, #tpu.memory_space<vmem>>
      %dma_start3A_654 = arith.constant 0 : i32
      %dma_start3A_655 = tpu.memref_slice %arg16[%add3A_552, %dma_start3A_654] : memref<10240x128xf32, #tpu.memory_space<vmem_shared>> -> memref<80x128xf32, #tpu.memory_space<vmem_shared>>
      %dma_start3A_656 = arith.constant 0 : i32
      %dma_start3A_657 = arith.constant 0 : i32
      %dma_start3A_658 = tpu.memref_slice %arg13[%dma_start3A_656, %dma_start3A_657] : memref<88x128xf32, #tpu.memory_space<vmem>> -> memref<80x128xf32, #tpu.memory_space<vmem>>
      %dma_start3A_659 = arith.constant 0 : i32
      %dma_start3A_660 = tpu.memref_slice %arg16[%add3A_552, %dma_start3A_659] : memref<10240x128xf32, #tpu.memory_space<vmem_shared>> -> memref<80x128xf32, #tpu.memory_space<vmem_shared>>
      tpu.enqueue_dma source(%dma_start3A_660 : memref<80x128xf32, #tpu.memory_space<vmem_shared>>) target(%dma_start3A_658 : memref<80x128xf32, #tpu.memory_space<vmem>>) target_semaphore(%run_scoped3A : memref<!tpu.dma_semaphore, #tpu.memory_space<semaphore_mem>>)
      %dma_wait3A_661 = arith.constant 0 : i32
      %dma_wait3A_662 = arith.constant 0 : i32
      %dma_wait3A_663 = tpu.memref_slice %arg13[%dma_wait3A_661, %dma_wait3A_662] : memref<88x128xf32, #tpu.memory_space<vmem>> -> memref<80x128xf32, #tpu.memory_space<vmem>>
      %dma_wait3A_664 = arith.constant 0 : i32
      %dma_wait3A_665 = tpu.memref_slice %arg16[%add3A_552, %dma_wait3A_664] : memref<10240x128xf32, #tpu.memory_space<vmem_shared>> -> memref<80x128xf32, #tpu.memory_space<vmem_shared>>
      %dma_wait3A_666 = arith.constant 0 : i32
      %dma_wait3A_667 = arith.constant 0 : i32
      %dma_wait3A_668 = tpu.memref_slice %arg13[%dma_wait3A_666, %dma_wait3A_667] : memref<88x128xf32, #tpu.memory_space<vmem>> -> memref<80x128xf32, #tpu.memory_space<vmem>>
      %dma_wait3A_669 = arith.constant 0 : i32
      %dma_wait3A_670 = tpu.memref_slice %arg16[%add3A_552, %dma_wait3A_669] : memref<10240x128xf32, #tpu.memory_space<vmem_shared>> -> memref<80x128xf32, #tpu.memory_space<vmem_shared>>
      tpu.wait_dma2 semaphore(%run_scoped3A : memref<!tpu.dma_semaphore, #tpu.memory_space<semaphore_mem>>) src(%dma_wait3A_670 : memref<80x128xf32, #tpu.memory_space<vmem_shared>>) dst(%dma_wait3A_668 : memref<80x128xf32, #tpu.memory_space<vmem>>)
      tpu.yield
    }) : () -> ()
    %mul3A_570 = arith.constant 10240 : i32
    %mul3A_571 = arith.muli %arg0, %mul3A_570 : i32
    %add3A_572 = arith.addi %mul3A_571, %add3A_552 : i32
    %dma_start3A_573 = arith.constant 0 : i32
    %dma_start3A_574 = arith.constant 0 : i32
    %dma_start3A_575 = tpu.memref_slice %arg13[%dma_start3A_573, %dma_start3A_574] : memref<88x128xf32, #tpu.memory_space<vmem>> -> memref<80x128xf32, #tpu.memory_space<vmem>>
    %dma_start3A_576 = arith.constant 0 : i32
    %dma_start3A_577 = tpu.memref_slice %arg6[%add3A_572, %dma_start3A_576] : memref<20480x128xf32, #tpu.memory_space<hbm>> -> memref<80x128xf32, #tpu.memory_space<hbm>>
    %dma_start3A_578 = arith.constant 0 : i32
    %dma_start3A_579 = tpu.memref_slice %arg6[%add3A_572, %dma_start3A_578] : memref<20480x128xf32, #tpu.memory_space<hbm>> -> memref<80x128xf32, #tpu.memory_space<hbm>>
    %dma_start3A_580 = arith.constant 0 : i32
    %dma_start3A_581 = arith.constant 0 : i32
    %dma_start3A_582 = tpu.memref_slice %arg13[%dma_start3A_580, %dma_start3A_581] : memref<88x128xf32, #tpu.memory_space<vmem>> -> memref<80x128xf32, #tpu.memory_space<vmem>>
    tpu.enqueue_dma source(%dma_start3A_582 : memref<80x128xf32, #tpu.memory_space<vmem>>) target(%dma_start3A_579 : memref<80x128xf32, #tpu.memory_space<hbm>>) target_semaphore(%arg20 : memref<!tpu.dma_semaphore, #tpu.memory_space<semaphore_mem>>)
    %mul3A_583 = arith.constant 640 : i32
    %mul3A_584 = arith.muli %arg1, %mul3A_583 : i32
    %add3A_585 = arith.constant 560 : i32
    %add3A_586 = arith.addi %mul3A_584, %add3A_585 : i32
    %mul3A_587 = arith.constant 640 : i32
    %mul3A_588 = arith.muli %arg1, %mul3A_587 : i32
    %add3A_589 = arith.constant 400 : i32
    %add3A_590 = arith.addi %mul3A_588, %add3A_589 : i32
    %mul3A_591 = arith.constant 10240 : i32
    %mul3A_592 = arith.muli %arg0, %mul3A_591 : i32
    %add3A_593 = arith.addi %mul3A_592, %add3A_590 : i32
    %dma_wait3A_594 = arith.constant 0 : i32
    %dma_wait3A_595 = arith.constant 0 : i32
    %dma_wait3A_596 = tpu.memref_slice %arg14[%dma_wait3A_594, %dma_wait3A_595] : memref<88x128xf32, #tpu.memory_space<vmem>> -> memref<80x128xf32, #tpu.memory_space<vmem>>
    %dma_wait3A_597 = arith.constant 0 : i32
    %dma_wait3A_598 = tpu.memref_slice %arg6[%add3A_593, %dma_wait3A_597] : memref<20480x128xf32, #tpu.memory_space<hbm>> -> memref<80x128xf32, #tpu.memory_space<hbm>>
    %dma_wait3A_599 = arith.constant 0 : i32
    %dma_wait3A_600 = tpu.memref_slice %arg6[%add3A_593, %dma_wait3A_599] : memref<20480x128xf32, #tpu.memory_space<hbm>> -> memref<80x128xf32, #tpu.memory_space<hbm>>
    %dma_wait3A_601 = arith.constant 0 : i32
    %dma_wait3A_602 = arith.constant 0 : i32
    %dma_wait3A_603 = tpu.memref_slice %arg14[%dma_wait3A_601, %dma_wait3A_602] : memref<88x128xf32, #tpu.memory_space<vmem>> -> memref<80x128xf32, #tpu.memory_space<vmem>>
    tpu.wait_dma2 semaphore(%arg21 : memref<!tpu.dma_semaphore, #tpu.memory_space<semaphore_mem>>) src(%dma_wait3A_603 : memref<80x128xf32, #tpu.memory_space<vmem>>) dst(%dma_wait3A_600 : memref<80x128xf32, #tpu.memory_space<hbm>>)
    "tpu.region"() ({
      %run_scoped3A = tpu.sem_alloc : memref<!tpu.dma_semaphore, #tpu.memory_space<semaphore_mem>>
      %dma_start3A_651 = arith.constant 0 : i32
      %dma_start3A_652 = arith.constant 0 : i32
      %dma_start3A_653 = tpu.memref_slice %arg14[%dma_start3A_651, %dma_start3A_652] : memref<88x128xf32, #tpu.memory_space<vmem>> -> memref<80x128xf32, #tpu.memory_space<vmem>>
      %dma_start3A_654 = arith.constant 0 : i32
      %dma_start3A_655 = tpu.memref_slice %arg16[%add3A_586, %dma_start3A_654] : memref<10240x128xf32, #tpu.memory_space<vmem_shared>> -> memref<80x128xf32, #tpu.memory_space<vmem_shared>>
      %dma_start3A_656 = arith.constant 0 : i32
      %dma_start3A_657 = arith.constant 0 : i32
      %dma_start3A_658 = tpu.memref_slice %arg14[%dma_start3A_656, %dma_start3A_657] : memref<88x128xf32, #tpu.memory_space<vmem>> -> memref<80x128xf32, #tpu.memory_space<vmem>>
      %dma_start3A_659 = arith.constant 0 : i32
      %dma_start3A_660 = tpu.memref_slice %arg16[%add3A_586, %dma_start3A_659] : memref<10240x128xf32, #tpu.memory_space<vmem_shared>> -> memref<80x128xf32, #tpu.memory_space<vmem_shared>>
      tpu.enqueue_dma source(%dma_start3A_660 : memref<80x128xf32, #tpu.memory_space<vmem_shared>>) target(%dma_start3A_658 : memref<80x128xf32, #tpu.memory_space<vmem>>) target_semaphore(%run_scoped3A : memref<!tpu.dma_semaphore, #tpu.memory_space<semaphore_mem>>)
      %dma_wait3A_661 = arith.constant 0 : i32
      %dma_wait3A_662 = arith.constant 0 : i32
      %dma_wait3A_663 = tpu.memref_slice %arg14[%dma_wait3A_661, %dma_wait3A_662] : memref<88x128xf32, #tpu.memory_space<vmem>> -> memref<80x128xf32, #tpu.memory_space<vmem>>
      %dma_wait3A_664 = arith.constant 0 : i32
      %dma_wait3A_665 = tpu.memref_slice %arg16[%add3A_586, %dma_wait3A_664] : memref<10240x128xf32, #tpu.memory_space<vmem_shared>> -> memref<80x128xf32, #tpu.memory_space<vmem_shared>>
      %dma_wait3A_666 = arith.constant 0 : i32
      %dma_wait3A_667 = arith.constant 0 : i32
      %dma_wait3A_668 = tpu.memref_slice %arg14[%dma_wait3A_666, %dma_wait3A_667] : memref<88x128xf32, #tpu.memory_space<vmem>> -> memref<80x128xf32, #tpu.memory_space<vmem>>
      %dma_wait3A_669 = arith.constant 0 : i32
      %dma_wait3A_670 = tpu.memref_slice %arg16[%add3A_586, %dma_wait3A_669] : memref<10240x128xf32, #tpu.memory_space<vmem_shared>> -> memref<80x128xf32, #tpu.memory_space<vmem_shared>>
      tpu.wait_dma2 semaphore(%run_scoped3A : memref<!tpu.dma_semaphore, #tpu.memory_space<semaphore_mem>>) src(%dma_wait3A_670 : memref<80x128xf32, #tpu.memory_space<vmem_shared>>) dst(%dma_wait3A_668 : memref<80x128xf32, #tpu.memory_space<vmem>>)
      tpu.yield
    }) : () -> ()
    %mul3A_604 = arith.constant 10240 : i32
    %mul3A_605 = arith.muli %arg0, %mul3A_604 : i32
    %add3A_606 = arith.addi %mul3A_605, %add3A_586 : i32
    %dma_start3A_607 = arith.constant 0 : i32
    %dma_start3A_608 = arith.constant 0 : i32
    %dma_start3A_609 = tpu.memref_slice %arg14[%dma_start3A_607, %dma_start3A_608] : memref<88x128xf32, #tpu.memory_space<vmem>> -> memref<80x128xf32, #tpu.memory_space<vmem>>
    %dma_start3A_610 = arith.constant 0 : i32
    %dma_start3A_611 = tpu.memref_slice %arg6[%add3A_606, %dma_start3A_610] : memref<20480x128xf32, #tpu.memory_space<hbm>> -> memref<80x128xf32, #tpu.memory_space<hbm>>
    %dma_start3A_612 = arith.constant 0 : i32
    %dma_start3A_613 = tpu.memref_slice %arg6[%add3A_606, %dma_start3A_612] : memref<20480x128xf32, #tpu.memory_space<hbm>> -> memref<80x128xf32, #tpu.memory_space<hbm>>
    %dma_start3A_614 = arith.constant 0 : i32
    %dma_start3A_615 = arith.constant 0 : i32
    %dma_start3A_616 = tpu.memref_slice %arg14[%dma_start3A_614, %dma_start3A_615] : memref<88x128xf32, #tpu.memory_space<vmem>> -> memref<80x128xf32, #tpu.memory_space<vmem>>
    tpu.enqueue_dma source(%dma_start3A_616 : memref<80x128xf32, #tpu.memory_space<vmem>>) target(%dma_start3A_613 : memref<80x128xf32, #tpu.memory_space<hbm>>) target_semaphore(%arg21 : memref<!tpu.dma_semaphore, #tpu.memory_space<semaphore_mem>>)
    %mul3A_617 = arith.constant 640 : i32
    %mul3A_618 = arith.muli %arg1, %mul3A_617 : i32
    %add3A_619 = arith.constant 480 : i32
    %add3A_620 = arith.addi %mul3A_618, %add3A_619 : i32
    %mul3A_621 = arith.constant 10240 : i32
    %mul3A_622 = arith.muli %arg0, %mul3A_621 : i32
    %add3A_623 = arith.addi %mul3A_622, %add3A_620 : i32
    %dma_wait3A_624 = arith.constant 0 : i32
    %dma_wait3A_625 = arith.constant 0 : i32
    %dma_wait3A_626 = tpu.memref_slice %arg13[%dma_wait3A_624, %dma_wait3A_625] : memref<88x128xf32, #tpu.memory_space<vmem>> -> memref<80x128xf32, #tpu.memory_space<vmem>>
    %dma_wait3A_627 = arith.constant 0 : i32
    %dma_wait3A_628 = tpu.memref_slice %arg6[%add3A_623, %dma_wait3A_627] : memref<20480x128xf32, #tpu.memory_space<hbm>> -> memref<80x128xf32, #tpu.memory_space<hbm>>
    %dma_wait3A_629 = arith.constant 0 : i32
    %dma_wait3A_630 = tpu.memref_slice %arg6[%add3A_623, %dma_wait3A_629] : memref<20480x128xf32, #tpu.memory_space<hbm>> -> memref<80x128xf32, #tpu.memory_space<hbm>>
    %dma_wait3A_631 = arith.constant 0 : i32
    %dma_wait3A_632 = arith.constant 0 : i32
    %dma_wait3A_633 = tpu.memref_slice %arg13[%dma_wait3A_631, %dma_wait3A_632] : memref<88x128xf32, #tpu.memory_space<vmem>> -> memref<80x128xf32, #tpu.memory_space<vmem>>
    tpu.wait_dma2 semaphore(%arg20 : memref<!tpu.dma_semaphore, #tpu.memory_space<semaphore_mem>>) src(%dma_wait3A_633 : memref<80x128xf32, #tpu.memory_space<vmem>>) dst(%dma_wait3A_630 : memref<80x128xf32, #tpu.memory_space<hbm>>)
    %mul3A_634 = arith.constant 640 : i32
    %mul3A_635 = arith.muli %arg1, %mul3A_634 : i32
    %add3A_636 = arith.constant 560 : i32
    %add3A_637 = arith.addi %mul3A_635, %add3A_636 : i32
    %mul3A_638 = arith.constant 10240 : i32
    %mul3A_639 = arith.muli %arg0, %mul3A_638 : i32
    %add3A_640 = arith.addi %mul3A_639, %add3A_637 : i32
    %dma_wait3A_641 = arith.constant 0 : i32
    %dma_wait3A_642 = arith.constant 0 : i32
    %dma_wait3A_643 = tpu.memref_slice %arg14[%dma_wait3A_641, %dma_wait3A_642] : memref<88x128xf32, #tpu.memory_space<vmem>> -> memref<80x128xf32, #tpu.memory_space<vmem>>
    %dma_wait3A_644 = arith.constant 0 : i32
    %dma_wait3A_645 = tpu.memref_slice %arg6[%add3A_640, %dma_wait3A_644] : memref<20480x128xf32, #tpu.memory_space<hbm>> -> memref<80x128xf32, #tpu.memory_space<hbm>>
    %dma_wait3A_646 = arith.constant 0 : i32
    %dma_wait3A_647 = tpu.memref_slice %arg6[%add3A_640, %dma_wait3A_646] : memref<20480x128xf32, #tpu.memory_space<hbm>> -> memref<80x128xf32, #tpu.memory_space<hbm>>
    %dma_wait3A_648 = arith.constant 0 : i32
    %dma_wait3A_649 = arith.constant 0 : i32
    %dma_wait3A_650 = tpu.memref_slice %arg14[%dma_wait3A_648, %dma_wait3A_649] : memref<88x128xf32, #tpu.memory_space<vmem>> -> memref<80x128xf32, #tpu.memory_space<vmem>>
    tpu.wait_dma2 semaphore(%arg21 : memref<!tpu.dma_semaphore, #tpu.memory_space<semaphore_mem>>) src(%dma_wait3A_650 : memref<80x128xf32, #tpu.memory_space<vmem>>) dst(%dma_wait3A_647 : memref<80x128xf32, #tpu.memory_space<hbm>>)
    return
  }
}

#map = affine_map<(d0, d1) -> (0, 0, 0)>
#map1 = affine_map<(d0, d1) -> (0)>
module attributes {stable_mosaic.version = 14 : i64} {
  func.func @_deg_kernel(%arg0: i32, %arg1: i32, %arg2: memref<32x125x80xi32, #tpu.memory_space<hbm>>, %arg3: memref<80xf32, #tpu.memory_space<hbm>>, %arg4: memref<640xf32, #tpu.memory_space<hbm>>, %arg5: memref<20480xf32, #tpu.memory_space<hbm>>, %arg6: memref<125x80xi32, #tpu.memory_space<vmem>>, %arg7: memref<80xf32, #tpu.memory_space<vmem>>, %arg8: memref<640xf32, #tpu.memory_space<vmem>>, %arg9: memref<10240xf32, #tpu.memory_space<vmem_shared>>) attributes {dimension_semantics = [#tpu.dimension_semantics<core_parallel>, #tpu.dimension_semantics<subcore_parallel>], iteration_bounds = array<i64: 2, 16>, scalar_prefetch = 0 : i64, scratch_operands = 4 : i64, tpu.core_type = #tpu.core_type<sc_vector_subcore>, window_params = [{transform_indices = #map}, {transform_indices = #map1}, {transform_indices = #map1}, {transform_indices = #map1}]} {
    %mul3A = arith.constant 16 : i32
    %mul3A_0 = arith.muli %arg0, %mul3A : i32
    %add3A = arith.addi %mul3A_0, %arg1 : i32
    "tpu.region"() ({
      %run_scoped3A = tpu.sem_alloc : memref<!tpu.dma_semaphore, #tpu.memory_space<semaphore_mem>>
      tpu.enqueue_dma source(%arg4 : memref<640xf32, #tpu.memory_space<hbm>>) target(%arg8 : memref<640xf32, #tpu.memory_space<vmem>>) target_semaphore(%run_scoped3A : memref<!tpu.dma_semaphore, #tpu.memory_space<semaphore_mem>>)
      tpu.wait_dma2 semaphore(%run_scoped3A : memref<!tpu.dma_semaphore, #tpu.memory_space<semaphore_mem>>) src(%arg4 : memref<640xf32, #tpu.memory_space<hbm>>) dst(%arg8 : memref<640xf32, #tpu.memory_space<vmem>>)
      tpu.yield
    }) : () -> ()
    %mul3A_1 = arith.constant 640 : i32
    %mul3A_2 = arith.muli %arg1, %mul3A_1 : i32
    "tpu.region"() ({
      %run_scoped3A = tpu.sem_alloc : memref<!tpu.dma_semaphore, #tpu.memory_space<semaphore_mem>>
      %dma_start3A = tpu.memref_slice %arg9[%mul3A_2] : memref<10240xf32, #tpu.memory_space<vmem_shared>> -> memref<640xf32, #tpu.memory_space<vmem_shared>>
      %dma_start3A_16 = tpu.memref_slice %arg9[%mul3A_2] : memref<10240xf32, #tpu.memory_space<vmem_shared>> -> memref<640xf32, #tpu.memory_space<vmem_shared>>
      tpu.enqueue_dma source(%arg8 : memref<640xf32, #tpu.memory_space<vmem>>) target(%dma_start3A_16 : memref<640xf32, #tpu.memory_space<vmem_shared>>) target_semaphore(%run_scoped3A : memref<!tpu.dma_semaphore, #tpu.memory_space<semaphore_mem>>)
      %dma_wait3A = tpu.memref_slice %arg9[%mul3A_2] : memref<10240xf32, #tpu.memory_space<vmem_shared>> -> memref<640xf32, #tpu.memory_space<vmem_shared>>
      %dma_wait3A_17 = tpu.memref_slice %arg9[%mul3A_2] : memref<10240xf32, #tpu.memory_space<vmem_shared>> -> memref<640xf32, #tpu.memory_space<vmem_shared>>
      tpu.wait_dma2 semaphore(%run_scoped3A : memref<!tpu.dma_semaphore, #tpu.memory_space<semaphore_mem>>) src(%arg8 : memref<640xf32, #tpu.memory_space<vmem>>) dst(%dma_wait3A_17 : memref<640xf32, #tpu.memory_space<vmem_shared>>)
      tpu.yield
    }) : () -> ()
    "tpu.region"() ({
      %run_scoped3A = tpu.sem_alloc : memref<!tpu.dma_semaphore, #tpu.memory_space<semaphore_mem>>
      tpu.enqueue_dma source(%arg3 : memref<80xf32, #tpu.memory_space<hbm>>) target(%arg7 : memref<80xf32, #tpu.memory_space<vmem>>) target_semaphore(%run_scoped3A : memref<!tpu.dma_semaphore, #tpu.memory_space<semaphore_mem>>)
      tpu.wait_dma2 semaphore(%run_scoped3A : memref<!tpu.dma_semaphore, #tpu.memory_space<semaphore_mem>>) src(%arg3 : memref<80xf32, #tpu.memory_space<hbm>>) dst(%arg7 : memref<80xf32, #tpu.memory_space<vmem>>)
      tpu.yield
    }) : () -> ()
    "tpu.region"() ({
      %run_scoped3A = tpu.sem_alloc : memref<!tpu.dma_semaphore, #tpu.memory_space<semaphore_mem>>
      %dma_start3A = arith.constant 0 : i32
      %dma_start3A_16 = arith.constant 0 : i32
      %dma_start3A_17 = tpu.memref_slice %arg2[%add3A, %dma_start3A, %dma_start3A_16] : memref<32x125x80xi32, #tpu.memory_space<hbm>> -> memref<1x125x80xi32, #tpu.memory_space<hbm>>
      %dma_start3A_18 = tpu.memref_squeeze %dma_start3A_17 : memref<1x125x80xi32, #tpu.memory_space<hbm>> -> memref<125x80xi32, #tpu.memory_space<hbm>>
      %dma_start3A_19 = arith.constant 0 : i32
      %dma_start3A_20 = arith.constant 0 : i32
      %dma_start3A_21 = tpu.memref_slice %arg2[%add3A, %dma_start3A_19, %dma_start3A_20] : memref<32x125x80xi32, #tpu.memory_space<hbm>> -> memref<1x125x80xi32, #tpu.memory_space<hbm>>
      %dma_start3A_22 = tpu.memref_squeeze %dma_start3A_21 : memref<1x125x80xi32, #tpu.memory_space<hbm>> -> memref<125x80xi32, #tpu.memory_space<hbm>>
      tpu.enqueue_dma source(%dma_start3A_22 : memref<125x80xi32, #tpu.memory_space<hbm>>) target(%arg6 : memref<125x80xi32, #tpu.memory_space<vmem>>) target_semaphore(%run_scoped3A : memref<!tpu.dma_semaphore, #tpu.memory_space<semaphore_mem>>)
      %dma_wait3A = arith.constant 0 : i32
      %dma_wait3A_23 = arith.constant 0 : i32
      %dma_wait3A_24 = tpu.memref_slice %arg2[%add3A, %dma_wait3A, %dma_wait3A_23] : memref<32x125x80xi32, #tpu.memory_space<hbm>> -> memref<1x125x80xi32, #tpu.memory_space<hbm>>
      %dma_wait3A_25 = tpu.memref_squeeze %dma_wait3A_24 : memref<1x125x80xi32, #tpu.memory_space<hbm>> -> memref<125x80xi32, #tpu.memory_space<hbm>>
      %dma_wait3A_26 = arith.constant 0 : i32
      %dma_wait3A_27 = arith.constant 0 : i32
      %dma_wait3A_28 = tpu.memref_slice %arg2[%add3A, %dma_wait3A_26, %dma_wait3A_27] : memref<32x125x80xi32, #tpu.memory_space<hbm>> -> memref<1x125x80xi32, #tpu.memory_space<hbm>>
      %dma_wait3A_29 = tpu.memref_squeeze %dma_wait3A_28 : memref<1x125x80xi32, #tpu.memory_space<hbm>> -> memref<125x80xi32, #tpu.memory_space<hbm>>
      tpu.wait_dma2 semaphore(%run_scoped3A : memref<!tpu.dma_semaphore, #tpu.memory_space<semaphore_mem>>) src(%dma_wait3A_29 : memref<125x80xi32, #tpu.memory_space<hbm>>) dst(%arg6 : memref<125x80xi32, #tpu.memory_space<vmem>>)
      tpu.yield
    }) : () -> ()
    %barrier3A = arith.constant 0 : index
    tpu.barrier barrier_id(%barrier3A)
    %scan3A = arith.constant 0 : i32
    %scan3A_3 = arith.constant 0 : i32
    %scan3A_4 = arith.constant 125 : i32
    %scan3A_5 = arith.addi %scan3A_3, %scan3A_4 : i32
    %scan3A_6 = arith.constant 1 : i32
    scf.for %scan3A_16 = %scan3A_3 to %scan3A_5 step %scan3A_6  : i32 {
      "tpu.region"() ({
        %run_scoped3A = tpu.sem_alloc : memref<!tpu.dma_semaphore, #tpu.memory_space<semaphore_mem>>
        %dma_start3A = arith.constant 0 : i32
        %dma_start3A_17 = tpu.memref_slice %arg6[%scan3A_16, %dma_start3A] : memref<125x80xi32, #tpu.memory_space<vmem>> -> memref<1x80xi32, #tpu.memory_space<vmem>>
        %dma_start3A_18 = tpu.memref_squeeze %dma_start3A_17 : memref<1x80xi32, #tpu.memory_space<vmem>> -> memref<80xi32, #tpu.memory_space<vmem>>
        %dma_start3A_19 = arith.constant 0 : i32
        %dma_start3A_20 = tpu.memref_slice %arg9[%dma_start3A_19] : memref<10240xf32, #tpu.memory_space<vmem_shared>> -> memref<10240xf32, #tpu.memory_space<vmem_shared>>
        tpu.enqueue_indirect_dma source(%arg7 : memref<80xf32, #tpu.memory_space<vmem>>) target(%dma_start3A_20 : memref<10240xf32, #tpu.memory_space<vmem_shared>>) offsets(%dma_start3A_18 : memref<80xi32, #tpu.memory_space<vmem>>) semaphore(%run_scoped3A : memref<!tpu.dma_semaphore, #tpu.memory_space<semaphore_mem>>) {add = true}
        %dma_wait3A = arith.constant 0 : i32
        %dma_wait3A_21 = tpu.memref_slice %arg6[%scan3A_16, %dma_wait3A] : memref<125x80xi32, #tpu.memory_space<vmem>> -> memref<1x80xi32, #tpu.memory_space<vmem>>
        %dma_wait3A_22 = tpu.memref_squeeze %dma_wait3A_21 : memref<1x80xi32, #tpu.memory_space<vmem>> -> memref<80xi32, #tpu.memory_space<vmem>>
        %dma_wait3A_23 = arith.constant 0 : i32
        %dma_wait3A_24 = tpu.memref_slice %arg9[%dma_wait3A_23] : memref<10240xf32, #tpu.memory_space<vmem_shared>> -> memref<10240xf32, #tpu.memory_space<vmem_shared>>
        tpu.wait_indirect_dma semaphore(%run_scoped3A : memref<!tpu.dma_semaphore, #tpu.memory_space<semaphore_mem>>) src(%arg7 : memref<80xf32, #tpu.memory_space<vmem>>) dst(%dma_wait3A_24 : memref<10240xf32, #tpu.memory_space<vmem_shared>>)
        tpu.yield
      }) : () -> ()
    }
    %scan3A_7 = arith.constant 125 : i32
    %barrier3A_8 = arith.constant 0 : index
    tpu.barrier barrier_id(%barrier3A_8)
    %mul3A_9 = arith.constant 640 : i32
    %mul3A_10 = arith.muli %arg1, %mul3A_9 : i32
    "tpu.region"() ({
      %run_scoped3A = tpu.sem_alloc : memref<!tpu.dma_semaphore, #tpu.memory_space<semaphore_mem>>
      %dma_start3A = tpu.memref_slice %arg9[%mul3A_10] : memref<10240xf32, #tpu.memory_space<vmem_shared>> -> memref<640xf32, #tpu.memory_space<vmem_shared>>
      %dma_start3A_16 = tpu.memref_slice %arg9[%mul3A_10] : memref<10240xf32, #tpu.memory_space<vmem_shared>> -> memref<640xf32, #tpu.memory_space<vmem_shared>>
      tpu.enqueue_dma source(%dma_start3A_16 : memref<640xf32, #tpu.memory_space<vmem_shared>>) target(%arg8 : memref<640xf32, #tpu.memory_space<vmem>>) target_semaphore(%run_scoped3A : memref<!tpu.dma_semaphore, #tpu.memory_space<semaphore_mem>>)
      %dma_wait3A = tpu.memref_slice %arg9[%mul3A_10] : memref<10240xf32, #tpu.memory_space<vmem_shared>> -> memref<640xf32, #tpu.memory_space<vmem_shared>>
      %dma_wait3A_17 = tpu.memref_slice %arg9[%mul3A_10] : memref<10240xf32, #tpu.memory_space<vmem_shared>> -> memref<640xf32, #tpu.memory_space<vmem_shared>>
      tpu.wait_dma2 semaphore(%run_scoped3A : memref<!tpu.dma_semaphore, #tpu.memory_space<semaphore_mem>>) src(%dma_wait3A_17 : memref<640xf32, #tpu.memory_space<vmem_shared>>) dst(%arg8 : memref<640xf32, #tpu.memory_space<vmem>>)
      tpu.yield
    }) : () -> ()
    %mul3A_11 = arith.constant 10240 : i32
    %mul3A_12 = arith.muli %arg0, %mul3A_11 : i32
    %mul3A_13 = arith.constant 640 : i32
    %mul3A_14 = arith.muli %arg1, %mul3A_13 : i32
    %add3A_15 = arith.addi %mul3A_12, %mul3A_14 : i32
    "tpu.region"() ({
      %run_scoped3A = tpu.sem_alloc : memref<!tpu.dma_semaphore, #tpu.memory_space<semaphore_mem>>
      %dma_start3A = tpu.memref_slice %arg5[%add3A_15] : memref<20480xf32, #tpu.memory_space<hbm>> -> memref<640xf32, #tpu.memory_space<hbm>>
      %dma_start3A_16 = tpu.memref_slice %arg5[%add3A_15] : memref<20480xf32, #tpu.memory_space<hbm>> -> memref<640xf32, #tpu.memory_space<hbm>>
      tpu.enqueue_dma source(%arg8 : memref<640xf32, #tpu.memory_space<vmem>>) target(%dma_start3A_16 : memref<640xf32, #tpu.memory_space<hbm>>) target_semaphore(%run_scoped3A : memref<!tpu.dma_semaphore, #tpu.memory_space<semaphore_mem>>)
      %dma_wait3A = tpu.memref_slice %arg5[%add3A_15] : memref<20480xf32, #tpu.memory_space<hbm>> -> memref<640xf32, #tpu.memory_space<hbm>>
      %dma_wait3A_17 = tpu.memref_slice %arg5[%add3A_15] : memref<20480xf32, #tpu.memory_space<hbm>> -> memref<640xf32, #tpu.memory_space<hbm>>
      tpu.wait_dma2 semaphore(%run_scoped3A : memref<!tpu.dma_semaphore, #tpu.memory_space<semaphore_mem>>) src(%arg8 : memref<640xf32, #tpu.memory_space<vmem>>) dst(%dma_wait3A_17 : memref<640xf32, #tpu.memory_space<hbm>>)
      tpu.yield
    }) : () -> ()
    return
  }
}

#map = affine_map<(d0, d1) -> (0, 0)>
#map1 = affine_map<(d0, d1) -> (0)>
module attributes {stable_mosaic.version = 14 : i64} {
  func.func @_agg_kernel(%arg0: i32, %arg1: i32, %arg2: memref<10000x128xf32, #tpu.memory_space<hbm>>, %arg3: memref<321024xi32, #tpu.memory_space<hbm>>, %arg4: memref<321024xi32, #tpu.memory_space<hbm>>, %arg5: memref<80x128xf32, #tpu.memory_space<hbm>>, %arg6: memref<20480x128xf32, #tpu.memory_space<hbm>>, %arg7: memref<88xi32, #tpu.memory_space<vmem>>, %arg8: memref<88xi32, #tpu.memory_space<vmem>>, %arg9: memref<88xi32, #tpu.memory_space<vmem>>, %arg10: memref<88xi32, #tpu.memory_space<vmem>>, %arg11: memref<88xi32, #tpu.memory_space<vmem>>, %arg12: memref<88xi32, #tpu.memory_space<vmem>>, %arg13: memref<88x128xf32, #tpu.memory_space<vmem>>, %arg14: memref<88x128xf32, #tpu.memory_space<vmem>>, %arg15: memref<88x128xf32, #tpu.memory_space<vmem>>, %arg16: memref<10240x128xf32, #tpu.memory_space<vmem_shared>>, %arg17: memref<!tpu.dma_semaphore, #tpu.memory_space<semaphore_mem>>, %arg18: memref<!tpu.dma_semaphore, #tpu.memory_space<semaphore_mem>>, %arg19: memref<!tpu.dma_semaphore, #tpu.memory_space<semaphore_mem>>, %arg20: memref<!tpu.dma_semaphore, #tpu.memory_space<semaphore_mem>>, %arg21: memref<!tpu.dma_semaphore, #tpu.memory_space<semaphore_mem>>, %arg22: memref<!tpu.dma_semaphore, #tpu.memory_space<semaphore_mem>>, %arg23: memref<!tpu.dma_semaphore, #tpu.memory_space<semaphore_mem>>, %arg24: memref<!tpu.dma_semaphore, #tpu.memory_space<semaphore_mem>>, %arg25: memref<!tpu.dma_semaphore, #tpu.memory_space<semaphore_mem>>) attributes {dimension_semantics = [#tpu.dimension_semantics<core_parallel>, #tpu.dimension_semantics<subcore_parallel>], iteration_bounds = array<i64: 2, 16>, scalar_prefetch = 0 : i64, scratch_operands = 19 : i64, tpu.core_type = #tpu.core_type<sc_vector_subcore>, window_params = [{transform_indices = #map}, {transform_indices = #map1}, {transform_indices = #map1}, {transform_indices = #map}, {transform_indices = #map}]} {
    %mul3A = arith.constant 16 : i32
    %mul3A_0 = arith.muli %arg0, %mul3A : i32
    %add3A = arith.addi %mul3A_0, %arg1 : i32
    %mul3A_1 = arith.constant 10032 : i32
    %mul3A_2 = arith.muli %add3A, %mul3A_1 : i32
    "tpu.region"() ({
      %run_scoped3A = tpu.sem_alloc : memref<!tpu.dma_semaphore, #tpu.memory_space<semaphore_mem>>
      %dma_start3A_651 = arith.constant 0 : i32
      %dma_start3A_652 = arith.constant 0 : i32
      %dma_start3A_653 = tpu.memref_slice %arg13[%dma_start3A_651, %dma_start3A_652] : memref<88x128xf32, #tpu.memory_space<vmem>> -> memref<80x128xf32, #tpu.memory_space<vmem>>
      %dma_start3A_654 = arith.constant 0 : i32
      %dma_start3A_655 = arith.constant 0 : i32
      %dma_start3A_656 = tpu.memref_slice %arg13[%dma_start3A_654, %dma_start3A_655] : memref<88x128xf32, #tpu.memory_space<vmem>> -> memref<80x128xf32, #tpu.memory_space<vmem>>
      tpu.enqueue_dma source(%arg5 : memref<80x128xf32, #tpu.memory_space<hbm>>) target(%dma_start3A_656 : memref<80x128xf32, #tpu.memory_space<vmem>>) target_semaphore(%run_scoped3A : memref<!tpu.dma_semaphore, #tpu.memory_space<semaphore_mem>>)
      %dma_wait3A_657 = arith.constant 0 : i32
      %dma_wait3A_658 = arith.constant 0 : i32
      %dma_wait3A_659 = tpu.memref_slice %arg13[%dma_wait3A_657, %dma_wait3A_658] : memref<88x128xf32, #tpu.memory_space<vmem>> -> memref<80x128xf32, #tpu.memory_space<vmem>>
      %dma_wait3A_660 = arith.constant 0 : i32
      %dma_wait3A_661 = arith.constant 0 : i32
      %dma_wait3A_662 = tpu.memref_slice %arg13[%dma_wait3A_660, %dma_wait3A_661] : memref<88x128xf32, #tpu.memory_space<vmem>> -> memref<80x128xf32, #tpu.memory_space<vmem>>
      tpu.wait_dma2 semaphore(%run_scoped3A : memref<!tpu.dma_semaphore, #tpu.memory_space<semaphore_mem>>) src(%arg5 : memref<80x128xf32, #tpu.memory_space<hbm>>) dst(%dma_wait3A_662 : memref<80x128xf32, #tpu.memory_space<vmem>>)
      tpu.yield
    }) : () -> ()
    %mul3A_3 = arith.constant 640 : i32
    %mul3A_4 = arith.muli %arg1, %mul3A_3 : i32
    %add3A_5 = arith.constant 0 : i32
    %add3A_6 = arith.addi %mul3A_4, %add3A_5 : i32
    %dma_start3A = arith.constant 0 : i32
    %dma_start3A_7 = arith.constant 0 : i32
    %dma_start3A_8 = tpu.memref_slice %arg13[%dma_start3A, %dma_start3A_7] : memref<88x128xf32, #tpu.memory_space<vmem>> -> memref<80x128xf32, #tpu.memory_space<vmem>>
    %dma_start3A_9 = arith.constant 0 : i32
    %dma_start3A_10 = tpu.memref_slice %arg16[%add3A_6, %dma_start3A_9] : memref<10240x128xf32, #tpu.memory_space<vmem_shared>> -> memref<80x128xf32, #tpu.memory_space<vmem_shared>>
    %dma_start3A_11 = arith.constant 0 : i32
    %dma_start3A_12 = tpu.memref_slice %arg16[%add3A_6, %dma_start3A_11] : memref<10240x128xf32, #tpu.memory_space<vmem_shared>> -> memref<80x128xf32, #tpu.memory_space<vmem_shared>>
    %dma_start3A_13 = arith.constant 0 : i32
    %dma_start3A_14 = arith.constant 0 : i32
    %dma_start3A_15 = tpu.memref_slice %arg13[%dma_start3A_13, %dma_start3A_14] : memref<88x128xf32, #tpu.memory_space<vmem>> -> memref<80x128xf32, #tpu.memory_space<vmem>>
    tpu.enqueue_dma source(%dma_start3A_15 : memref<80x128xf32, #tpu.memory_space<vmem>>) target(%dma_start3A_12 : memref<80x128xf32, #tpu.memory_space<vmem_shared>>) target_semaphore(%arg20 : memref<!tpu.dma_semaphore, #tpu.memory_space<semaphore_mem>>)
    %mul3A_16 = arith.constant 640 : i32
    %mul3A_17 = arith.muli %arg1, %mul3A_16 : i32
    %add3A_18 = arith.constant 80 : i32
    %add3A_19 = arith.addi %mul3A_17, %add3A_18 : i32
    %dma_start3A_20 = arith.constant 0 : i32
    %dma_start3A_21 = arith.constant 0 : i32
    %dma_start3A_22 = tpu.memref_slice %arg13[%dma_start3A_20, %dma_start3A_21] : memref<88x128xf32, #tpu.memory_space<vmem>> -> memref<80x128xf32, #tpu.memory_space<vmem>>
    %dma_start3A_23 = arith.constant 0 : i32
    %dma_start3A_24 = tpu.memref_slice %arg16[%add3A_19, %dma_start3A_23] : memref<10240x128xf32, #tpu.memory_space<vmem_shared>> -> memref<80x128xf32, #tpu.memory_space<vmem_shared>>
    %dma_start3A_25 = arith.constant 0 : i32
    %dma_start3A_26 = tpu.memref_slice %arg16[%add3A_19, %dma_start3A_25] : memref<10240x128xf32, #tpu.memory_space<vmem_shared>> -> memref<80x128xf32, #tpu.memory_space<vmem_shared>>
    %dma_start3A_27 = arith.constant 0 : i32
    %dma_start3A_28 = arith.constant 0 : i32
    %dma_start3A_29 = tpu.memref_slice %arg13[%dma_start3A_27, %dma_start3A_28] : memref<88x128xf32, #tpu.memory_space<vmem>> -> memref<80x128xf32, #tpu.memory_space<vmem>>
    tpu.enqueue_dma source(%dma_start3A_29 : memref<80x128xf32, #tpu.memory_space<vmem>>) target(%dma_start3A_26 : memref<80x128xf32, #tpu.memory_space<vmem_shared>>) target_semaphore(%arg20 : memref<!tpu.dma_semaphore, #tpu.memory_space<semaphore_mem>>)
    %mul3A_30 = arith.constant 640 : i32
    %mul3A_31 = arith.muli %arg1, %mul3A_30 : i32
    %add3A_32 = arith.constant 160 : i32
    %add3A_33 = arith.addi %mul3A_31, %add3A_32 : i32
    %dma_start3A_34 = arith.constant 0 : i32
    %dma_start3A_35 = arith.constant 0 : i32
    %dma_start3A_36 = tpu.memref_slice %arg13[%dma_start3A_34, %dma_start3A_35] : memref<88x128xf32, #tpu.memory_space<vmem>> -> memref<80x128xf32, #tpu.memory_space<vmem>>
    %dma_start3A_37 = arith.constant 0 : i32
    %dma_start3A_38 = tpu.memref_slice %arg16[%add3A_33, %dma_start3A_37] : memref<10240x128xf32, #tpu.memory_space<vmem_shared>> -> memref<80x128xf32, #tpu.memory_space<vmem_shared>>
    %dma_start3A_39 = arith.constant 0 : i32
    %dma_start3A_40 = tpu.memref_slice %arg16[%add3A_33, %dma_start3A_39] : memref<10240x128xf32, #tpu.memory_space<vmem_shared>> -> memref<80x128xf32, #tpu.memory_space<vmem_shared>>
    %dma_start3A_41 = arith.constant 0 : i32
    %dma_start3A_42 = arith.constant 0 : i32
    %dma_start3A_43 = tpu.memref_slice %arg13[%dma_start3A_41, %dma_start3A_42] : memref<88x128xf32, #tpu.memory_space<vmem>> -> memref<80x128xf32, #tpu.memory_space<vmem>>
    tpu.enqueue_dma source(%dma_start3A_43 : memref<80x128xf32, #tpu.memory_space<vmem>>) target(%dma_start3A_40 : memref<80x128xf32, #tpu.memory_space<vmem_shared>>) target_semaphore(%arg20 : memref<!tpu.dma_semaphore, #tpu.memory_space<semaphore_mem>>)
    %mul3A_44 = arith.constant 640 : i32
    %mul3A_45 = arith.muli %arg1, %mul3A_44 : i32
    %add3A_46 = arith.constant 240 : i32
    %add3A_47 = arith.addi %mul3A_45, %add3A_46 : i32
    %dma_start3A_48 = arith.constant 0 : i32
    %dma_start3A_49 = arith.constant 0 : i32
    %dma_start3A_50 = tpu.memref_slice %arg13[%dma_start3A_48, %dma_start3A_49] : memref<88x128xf32, #tpu.memory_space<vmem>> -> memref<80x128xf32, #tpu.memory_space<vmem>>
    %dma_start3A_51 = arith.constant 0 : i32
    %dma_start3A_52 = tpu.memref_slice %arg16[%add3A_47, %dma_start3A_51] : memref<10240x128xf32, #tpu.memory_space<vmem_shared>> -> memref<80x128xf32, #tpu.memory_space<vmem_shared>>
    %dma_start3A_53 = arith.constant 0 : i32
    %dma_start3A_54 = tpu.memref_slice %arg16[%add3A_47, %dma_start3A_53] : memref<10240x128xf32, #tpu.memory_space<vmem_shared>> -> memref<80x128xf32, #tpu.memory_space<vmem_shared>>
    %dma_start3A_55 = arith.constant 0 : i32
    %dma_start3A_56 = arith.constant 0 : i32
    %dma_start3A_57 = tpu.memref_slice %arg13[%dma_start3A_55, %dma_start3A_56] : memref<88x128xf32, #tpu.memory_space<vmem>> -> memref<80x128xf32, #tpu.memory_space<vmem>>
    tpu.enqueue_dma source(%dma_start3A_57 : memref<80x128xf32, #tpu.memory_space<vmem>>) target(%dma_start3A_54 : memref<80x128xf32, #tpu.memory_space<vmem_shared>>) target_semaphore(%arg20 : memref<!tpu.dma_semaphore, #tpu.memory_space<semaphore_mem>>)
    %mul3A_58 = arith.constant 640 : i32
    %mul3A_59 = arith.muli %arg1, %mul3A_58 : i32
    %add3A_60 = arith.constant 320 : i32
    %add3A_61 = arith.addi %mul3A_59, %add3A_60 : i32
    %dma_start3A_62 = arith.constant 0 : i32
    %dma_start3A_63 = arith.constant 0 : i32
    %dma_start3A_64 = tpu.memref_slice %arg13[%dma_start3A_62, %dma_start3A_63] : memref<88x128xf32, #tpu.memory_space<vmem>> -> memref<80x128xf32, #tpu.memory_space<vmem>>
    %dma_start3A_65 = arith.constant 0 : i32
    %dma_start3A_66 = tpu.memref_slice %arg16[%add3A_61, %dma_start3A_65] : memref<10240x128xf32, #tpu.memory_space<vmem_shared>> -> memref<80x128xf32, #tpu.memory_space<vmem_shared>>
    %dma_start3A_67 = arith.constant 0 : i32
    %dma_start3A_68 = tpu.memref_slice %arg16[%add3A_61, %dma_start3A_67] : memref<10240x128xf32, #tpu.memory_space<vmem_shared>> -> memref<80x128xf32, #tpu.memory_space<vmem_shared>>
    %dma_start3A_69 = arith.constant 0 : i32
    %dma_start3A_70 = arith.constant 0 : i32
    %dma_start3A_71 = tpu.memref_slice %arg13[%dma_start3A_69, %dma_start3A_70] : memref<88x128xf32, #tpu.memory_space<vmem>> -> memref<80x128xf32, #tpu.memory_space<vmem>>
    tpu.enqueue_dma source(%dma_start3A_71 : memref<80x128xf32, #tpu.memory_space<vmem>>) target(%dma_start3A_68 : memref<80x128xf32, #tpu.memory_space<vmem_shared>>) target_semaphore(%arg20 : memref<!tpu.dma_semaphore, #tpu.memory_space<semaphore_mem>>)
    %mul3A_72 = arith.constant 640 : i32
    %mul3A_73 = arith.muli %arg1, %mul3A_72 : i32
    %add3A_74 = arith.constant 400 : i32
    %add3A_75 = arith.addi %mul3A_73, %add3A_74 : i32
    %dma_start3A_76 = arith.constant 0 : i32
    %dma_start3A_77 = arith.constant 0 : i32
    %dma_start3A_78 = tpu.memref_slice %arg13[%dma_start3A_76, %dma_start3A_77] : memref<88x128xf32, #tpu.memory_space<vmem>> -> memref<80x128xf32, #tpu.memory_space<vmem>>
    %dma_start3A_79 = arith.constant 0 : i32
    %dma_start3A_80 = tpu.memref_slice %arg16[%add3A_75, %dma_start3A_79] : memref<10240x128xf32, #tpu.memory_space<vmem_shared>> -> memref<80x128xf32, #tpu.memory_space<vmem_shared>>
    %dma_start3A_81 = arith.constant 0 : i32
    %dma_start3A_82 = tpu.memref_slice %arg16[%add3A_75, %dma_start3A_81] : memref<10240x128xf32, #tpu.memory_space<vmem_shared>> -> memref<80x128xf32, #tpu.memory_space<vmem_shared>>
    %dma_start3A_83 = arith.constant 0 : i32
    %dma_start3A_84 = arith.constant 0 : i32
    %dma_start3A_85 = tpu.memref_slice %arg13[%dma_start3A_83, %dma_start3A_84] : memref<88x128xf32, #tpu.memory_space<vmem>> -> memref<80x128xf32, #tpu.memory_space<vmem>>
    tpu.enqueue_dma source(%dma_start3A_85 : memref<80x128xf32, #tpu.memory_space<vmem>>) target(%dma_start3A_82 : memref<80x128xf32, #tpu.memory_space<vmem_shared>>) target_semaphore(%arg20 : memref<!tpu.dma_semaphore, #tpu.memory_space<semaphore_mem>>)
    %mul3A_86 = arith.constant 640 : i32
    %mul3A_87 = arith.muli %arg1, %mul3A_86 : i32
    %add3A_88 = arith.constant 480 : i32
    %add3A_89 = arith.addi %mul3A_87, %add3A_88 : i32
    %dma_start3A_90 = arith.constant 0 : i32
    %dma_start3A_91 = arith.constant 0 : i32
    %dma_start3A_92 = tpu.memref_slice %arg13[%dma_start3A_90, %dma_start3A_91] : memref<88x128xf32, #tpu.memory_space<vmem>> -> memref<80x128xf32, #tpu.memory_space<vmem>>
    %dma_start3A_93 = arith.constant 0 : i32
    %dma_start3A_94 = tpu.memref_slice %arg16[%add3A_89, %dma_start3A_93] : memref<10240x128xf32, #tpu.memory_space<vmem_shared>> -> memref<80x128xf32, #tpu.memory_space<vmem_shared>>
    %dma_start3A_95 = arith.constant 0 : i32
    %dma_start3A_96 = tpu.memref_slice %arg16[%add3A_89, %dma_start3A_95] : memref<10240x128xf32, #tpu.memory_space<vmem_shared>> -> memref<80x128xf32, #tpu.memory_space<vmem_shared>>
    %dma_start3A_97 = arith.constant 0 : i32
    %dma_start3A_98 = arith.constant 0 : i32
    %dma_start3A_99 = tpu.memref_slice %arg13[%dma_start3A_97, %dma_start3A_98] : memref<88x128xf32, #tpu.memory_space<vmem>> -> memref<80x128xf32, #tpu.memory_space<vmem>>
    tpu.enqueue_dma source(%dma_start3A_99 : memref<80x128xf32, #tpu.memory_space<vmem>>) target(%dma_start3A_96 : memref<80x128xf32, #tpu.memory_space<vmem_shared>>) target_semaphore(%arg20 : memref<!tpu.dma_semaphore, #tpu.memory_space<semaphore_mem>>)
    %mul3A_100 = arith.constant 640 : i32
    %mul3A_101 = arith.muli %arg1, %mul3A_100 : i32
    %add3A_102 = arith.constant 560 : i32
    %add3A_103 = arith.addi %mul3A_101, %add3A_102 : i32
    %dma_start3A_104 = arith.constant 0 : i32
    %dma_start3A_105 = arith.constant 0 : i32
    %dma_start3A_106 = tpu.memref_slice %arg13[%dma_start3A_104, %dma_start3A_105] : memref<88x128xf32, #tpu.memory_space<vmem>> -> memref<80x128xf32, #tpu.memory_space<vmem>>
    %dma_start3A_107 = arith.constant 0 : i32
    %dma_start3A_108 = tpu.memref_slice %arg16[%add3A_103, %dma_start3A_107] : memref<10240x128xf32, #tpu.memory_space<vmem_shared>> -> memref<80x128xf32, #tpu.memory_space<vmem_shared>>
    %dma_start3A_109 = arith.constant 0 : i32
    %dma_start3A_110 = tpu.memref_slice %arg16[%add3A_103, %dma_start3A_109] : memref<10240x128xf32, #tpu.memory_space<vmem_shared>> -> memref<80x128xf32, #tpu.memory_space<vmem_shared>>
    %dma_start3A_111 = arith.constant 0 : i32
    %dma_start3A_112 = arith.constant 0 : i32
    %dma_start3A_113 = tpu.memref_slice %arg13[%dma_start3A_111, %dma_start3A_112] : memref<88x128xf32, #tpu.memory_space<vmem>> -> memref<80x128xf32, #tpu.memory_space<vmem>>
    tpu.enqueue_dma source(%dma_start3A_113 : memref<80x128xf32, #tpu.memory_space<vmem>>) target(%dma_start3A_110 : memref<80x128xf32, #tpu.memory_space<vmem_shared>>) target_semaphore(%arg20 : memref<!tpu.dma_semaphore, #tpu.memory_space<semaphore_mem>>)
    %mul3A_114 = arith.constant 640 : i32
    %mul3A_115 = arith.muli %arg1, %mul3A_114 : i32
    %add3A_116 = arith.constant 0 : i32
    %add3A_117 = arith.addi %mul3A_115, %add3A_116 : i32
    %dma_wait3A = arith.constant 0 : i32
    %dma_wait3A_118 = arith.constant 0 : i32
    %dma_wait3A_119 = tpu.memref_slice %arg13[%dma_wait3A, %dma_wait3A_118] : memref<88x128xf32, #tpu.memory_space<vmem>> -> memref<80x128xf32, #tpu.memory_space<vmem>>
    %dma_wait3A_120 = arith.constant 0 : i32
    %dma_wait3A_121 = tpu.memref_slice %arg16[%add3A_117, %dma_wait3A_120] : memref<10240x128xf32, #tpu.memory_space<vmem_shared>> -> memref<80x128xf32, #tpu.memory_space<vmem_shared>>
    %dma_wait3A_122 = arith.constant 0 : i32
    %dma_wait3A_123 = tpu.memref_slice %arg16[%add3A_117, %dma_wait3A_122] : memref<10240x128xf32, #tpu.memory_space<vmem_shared>> -> memref<80x128xf32, #tpu.memory_space<vmem_shared>>
    %dma_wait3A_124 = arith.constant 0 : i32
    %dma_wait3A_125 = arith.constant 0 : i32
    %dma_wait3A_126 = tpu.memref_slice %arg13[%dma_wait3A_124, %dma_wait3A_125] : memref<88x128xf32, #tpu.memory_space<vmem>> -> memref<80x128xf32, #tpu.memory_space<vmem>>
    tpu.wait_dma2 semaphore(%arg20 : memref<!tpu.dma_semaphore, #tpu.memory_space<semaphore_mem>>) src(%dma_wait3A_126 : memref<80x128xf32, #tpu.memory_space<vmem>>) dst(%dma_wait3A_123 : memref<80x128xf32, #tpu.memory_space<vmem_shared>>)
    %mul3A_127 = arith.constant 640 : i32
    %mul3A_128 = arith.muli %arg1, %mul3A_127 : i32
    %add3A_129 = arith.constant 80 : i32
    %add3A_130 = arith.addi %mul3A_128, %add3A_129 : i32
    %dma_wait3A_131 = arith.constant 0 : i32
    %dma_wait3A_132 = arith.constant 0 : i32
    %dma_wait3A_133 = tpu.memref_slice %arg13[%dma_wait3A_131, %dma_wait3A_132] : memref<88x128xf32, #tpu.memory_space<vmem>> -> memref<80x128xf32, #tpu.memory_space<vmem>>
    %dma_wait3A_134 = arith.constant 0 : i32
    %dma_wait3A_135 = tpu.memref_slice %arg16[%add3A_130, %dma_wait3A_134] : memref<10240x128xf32, #tpu.memory_space<vmem_shared>> -> memref<80x128xf32, #tpu.memory_space<vmem_shared>>
    %dma_wait3A_136 = arith.constant 0 : i32
    %dma_wait3A_137 = tpu.memref_slice %arg16[%add3A_130, %dma_wait3A_136] : memref<10240x128xf32, #tpu.memory_space<vmem_shared>> -> memref<80x128xf32, #tpu.memory_space<vmem_shared>>
    %dma_wait3A_138 = arith.constant 0 : i32
    %dma_wait3A_139 = arith.constant 0 : i32
    %dma_wait3A_140 = tpu.memref_slice %arg13[%dma_wait3A_138, %dma_wait3A_139] : memref<88x128xf32, #tpu.memory_space<vmem>> -> memref<80x128xf32, #tpu.memory_space<vmem>>
    tpu.wait_dma2 semaphore(%arg20 : memref<!tpu.dma_semaphore, #tpu.memory_space<semaphore_mem>>) src(%dma_wait3A_140 : memref<80x128xf32, #tpu.memory_space<vmem>>) dst(%dma_wait3A_137 : memref<80x128xf32, #tpu.memory_space<vmem_shared>>)
    %mul3A_141 = arith.constant 640 : i32
    %mul3A_142 = arith.muli %arg1, %mul3A_141 : i32
    %add3A_143 = arith.constant 160 : i32
    %add3A_144 = arith.addi %mul3A_142, %add3A_143 : i32
    %dma_wait3A_145 = arith.constant 0 : i32
    %dma_wait3A_146 = arith.constant 0 : i32
    %dma_wait3A_147 = tpu.memref_slice %arg13[%dma_wait3A_145, %dma_wait3A_146] : memref<88x128xf32, #tpu.memory_space<vmem>> -> memref<80x128xf32, #tpu.memory_space<vmem>>
    %dma_wait3A_148 = arith.constant 0 : i32
    %dma_wait3A_149 = tpu.memref_slice %arg16[%add3A_144, %dma_wait3A_148] : memref<10240x128xf32, #tpu.memory_space<vmem_shared>> -> memref<80x128xf32, #tpu.memory_space<vmem_shared>>
    %dma_wait3A_150 = arith.constant 0 : i32
    %dma_wait3A_151 = tpu.memref_slice %arg16[%add3A_144, %dma_wait3A_150] : memref<10240x128xf32, #tpu.memory_space<vmem_shared>> -> memref<80x128xf32, #tpu.memory_space<vmem_shared>>
    %dma_wait3A_152 = arith.constant 0 : i32
    %dma_wait3A_153 = arith.constant 0 : i32
    %dma_wait3A_154 = tpu.memref_slice %arg13[%dma_wait3A_152, %dma_wait3A_153] : memref<88x128xf32, #tpu.memory_space<vmem>> -> memref<80x128xf32, #tpu.memory_space<vmem>>
    tpu.wait_dma2 semaphore(%arg20 : memref<!tpu.dma_semaphore, #tpu.memory_space<semaphore_mem>>) src(%dma_wait3A_154 : memref<80x128xf32, #tpu.memory_space<vmem>>) dst(%dma_wait3A_151 : memref<80x128xf32, #tpu.memory_space<vmem_shared>>)
    %mul3A_155 = arith.constant 640 : i32
    %mul3A_156 = arith.muli %arg1, %mul3A_155 : i32
    %add3A_157 = arith.constant 240 : i32
    %add3A_158 = arith.addi %mul3A_156, %add3A_157 : i32
    %dma_wait3A_159 = arith.constant 0 : i32
    %dma_wait3A_160 = arith.constant 0 : i32
    %dma_wait3A_161 = tpu.memref_slice %arg13[%dma_wait3A_159, %dma_wait3A_160] : memref<88x128xf32, #tpu.memory_space<vmem>> -> memref<80x128xf32, #tpu.memory_space<vmem>>
    %dma_wait3A_162 = arith.constant 0 : i32
    %dma_wait3A_163 = tpu.memref_slice %arg16[%add3A_158, %dma_wait3A_162] : memref<10240x128xf32, #tpu.memory_space<vmem_shared>> -> memref<80x128xf32, #tpu.memory_space<vmem_shared>>
    %dma_wait3A_164 = arith.constant 0 : i32
    %dma_wait3A_165 = tpu.memref_slice %arg16[%add3A_158, %dma_wait3A_164] : memref<10240x128xf32, #tpu.memory_space<vmem_shared>> -> memref<80x128xf32, #tpu.memory_space<vmem_shared>>
    %dma_wait3A_166 = arith.constant 0 : i32
    %dma_wait3A_167 = arith.constant 0 : i32
    %dma_wait3A_168 = tpu.memref_slice %arg13[%dma_wait3A_166, %dma_wait3A_167] : memref<88x128xf32, #tpu.memory_space<vmem>> -> memref<80x128xf32, #tpu.memory_space<vmem>>
    tpu.wait_dma2 semaphore(%arg20 : memref<!tpu.dma_semaphore, #tpu.memory_space<semaphore_mem>>) src(%dma_wait3A_168 : memref<80x128xf32, #tpu.memory_space<vmem>>) dst(%dma_wait3A_165 : memref<80x128xf32, #tpu.memory_space<vmem_shared>>)
    %mul3A_169 = arith.constant 640 : i32
    %mul3A_170 = arith.muli %arg1, %mul3A_169 : i32
    %add3A_171 = arith.constant 320 : i32
    %add3A_172 = arith.addi %mul3A_170, %add3A_171 : i32
    %dma_wait3A_173 = arith.constant 0 : i32
    %dma_wait3A_174 = arith.constant 0 : i32
    %dma_wait3A_175 = tpu.memref_slice %arg13[%dma_wait3A_173, %dma_wait3A_174] : memref<88x128xf32, #tpu.memory_space<vmem>> -> memref<80x128xf32, #tpu.memory_space<vmem>>
    %dma_wait3A_176 = arith.constant 0 : i32
    %dma_wait3A_177 = tpu.memref_slice %arg16[%add3A_172, %dma_wait3A_176] : memref<10240x128xf32, #tpu.memory_space<vmem_shared>> -> memref<80x128xf32, #tpu.memory_space<vmem_shared>>
    %dma_wait3A_178 = arith.constant 0 : i32
    %dma_wait3A_179 = tpu.memref_slice %arg16[%add3A_172, %dma_wait3A_178] : memref<10240x128xf32, #tpu.memory_space<vmem_shared>> -> memref<80x128xf32, #tpu.memory_space<vmem_shared>>
    %dma_wait3A_180 = arith.constant 0 : i32
    %dma_wait3A_181 = arith.constant 0 : i32
    %dma_wait3A_182 = tpu.memref_slice %arg13[%dma_wait3A_180, %dma_wait3A_181] : memref<88x128xf32, #tpu.memory_space<vmem>> -> memref<80x128xf32, #tpu.memory_space<vmem>>
    tpu.wait_dma2 semaphore(%arg20 : memref<!tpu.dma_semaphore, #tpu.memory_space<semaphore_mem>>) src(%dma_wait3A_182 : memref<80x128xf32, #tpu.memory_space<vmem>>) dst(%dma_wait3A_179 : memref<80x128xf32, #tpu.memory_space<vmem_shared>>)
    %mul3A_183 = arith.constant 640 : i32
    %mul3A_184 = arith.muli %arg1, %mul3A_183 : i32
    %add3A_185 = arith.constant 400 : i32
    %add3A_186 = arith.addi %mul3A_184, %add3A_185 : i32
    %dma_wait3A_187 = arith.constant 0 : i32
    %dma_wait3A_188 = arith.constant 0 : i32
    %dma_wait3A_189 = tpu.memref_slice %arg13[%dma_wait3A_187, %dma_wait3A_188] : memref<88x128xf32, #tpu.memory_space<vmem>> -> memref<80x128xf32, #tpu.memory_space<vmem>>
    %dma_wait3A_190 = arith.constant 0 : i32
    %dma_wait3A_191 = tpu.memref_slice %arg16[%add3A_186, %dma_wait3A_190] : memref<10240x128xf32, #tpu.memory_space<vmem_shared>> -> memref<80x128xf32, #tpu.memory_space<vmem_shared>>
    %dma_wait3A_192 = arith.constant 0 : i32
    %dma_wait3A_193 = tpu.memref_slice %arg16[%add3A_186, %dma_wait3A_192] : memref<10240x128xf32, #tpu.memory_space<vmem_shared>> -> memref<80x128xf32, #tpu.memory_space<vmem_shared>>
    %dma_wait3A_194 = arith.constant 0 : i32
    %dma_wait3A_195 = arith.constant 0 : i32
    %dma_wait3A_196 = tpu.memref_slice %arg13[%dma_wait3A_194, %dma_wait3A_195] : memref<88x128xf32, #tpu.memory_space<vmem>> -> memref<80x128xf32, #tpu.memory_space<vmem>>
    tpu.wait_dma2 semaphore(%arg20 : memref<!tpu.dma_semaphore, #tpu.memory_space<semaphore_mem>>) src(%dma_wait3A_196 : memref<80x128xf32, #tpu.memory_space<vmem>>) dst(%dma_wait3A_193 : memref<80x128xf32, #tpu.memory_space<vmem_shared>>)
    %mul3A_197 = arith.constant 640 : i32
    %mul3A_198 = arith.muli %arg1, %mul3A_197 : i32
    %add3A_199 = arith.constant 480 : i32
    %add3A_200 = arith.addi %mul3A_198, %add3A_199 : i32
    %dma_wait3A_201 = arith.constant 0 : i32
    %dma_wait3A_202 = arith.constant 0 : i32
    %dma_wait3A_203 = tpu.memref_slice %arg13[%dma_wait3A_201, %dma_wait3A_202] : memref<88x128xf32, #tpu.memory_space<vmem>> -> memref<80x128xf32, #tpu.memory_space<vmem>>
    %dma_wait3A_204 = arith.constant 0 : i32
    %dma_wait3A_205 = tpu.memref_slice %arg16[%add3A_200, %dma_wait3A_204] : memref<10240x128xf32, #tpu.memory_space<vmem_shared>> -> memref<80x128xf32, #tpu.memory_space<vmem_shared>>
    %dma_wait3A_206 = arith.constant 0 : i32
    %dma_wait3A_207 = tpu.memref_slice %arg16[%add3A_200, %dma_wait3A_206] : memref<10240x128xf32, #tpu.memory_space<vmem_shared>> -> memref<80x128xf32, #tpu.memory_space<vmem_shared>>
    %dma_wait3A_208 = arith.constant 0 : i32
    %dma_wait3A_209 = arith.constant 0 : i32
    %dma_wait3A_210 = tpu.memref_slice %arg13[%dma_wait3A_208, %dma_wait3A_209] : memref<88x128xf32, #tpu.memory_space<vmem>> -> memref<80x128xf32, #tpu.memory_space<vmem>>
    tpu.wait_dma2 semaphore(%arg20 : memref<!tpu.dma_semaphore, #tpu.memory_space<semaphore_mem>>) src(%dma_wait3A_210 : memref<80x128xf32, #tpu.memory_space<vmem>>) dst(%dma_wait3A_207 : memref<80x128xf32, #tpu.memory_space<vmem_shared>>)
    %mul3A_211 = arith.constant 640 : i32
    %mul3A_212 = arith.muli %arg1, %mul3A_211 : i32
    %add3A_213 = arith.constant 560 : i32
    %add3A_214 = arith.addi %mul3A_212, %add3A_213 : i32
    %dma_wait3A_215 = arith.constant 0 : i32
    %dma_wait3A_216 = arith.constant 0 : i32
    %dma_wait3A_217 = tpu.memref_slice %arg13[%dma_wait3A_215, %dma_wait3A_216] : memref<88x128xf32, #tpu.memory_space<vmem>> -> memref<80x128xf32, #tpu.memory_space<vmem>>
    %dma_wait3A_218 = arith.constant 0 : i32
    %dma_wait3A_219 = tpu.memref_slice %arg16[%add3A_214, %dma_wait3A_218] : memref<10240x128xf32, #tpu.memory_space<vmem_shared>> -> memref<80x128xf32, #tpu.memory_space<vmem_shared>>
    %dma_wait3A_220 = arith.constant 0 : i32
    %dma_wait3A_221 = tpu.memref_slice %arg16[%add3A_214, %dma_wait3A_220] : memref<10240x128xf32, #tpu.memory_space<vmem_shared>> -> memref<80x128xf32, #tpu.memory_space<vmem_shared>>
    %dma_wait3A_222 = arith.constant 0 : i32
    %dma_wait3A_223 = arith.constant 0 : i32
    %dma_wait3A_224 = tpu.memref_slice %arg13[%dma_wait3A_222, %dma_wait3A_223] : memref<88x128xf32, #tpu.memory_space<vmem>> -> memref<80x128xf32, #tpu.memory_space<vmem>>
    tpu.wait_dma2 semaphore(%arg20 : memref<!tpu.dma_semaphore, #tpu.memory_space<semaphore_mem>>) src(%dma_wait3A_224 : memref<80x128xf32, #tpu.memory_space<vmem>>) dst(%dma_wait3A_221 : memref<80x128xf32, #tpu.memory_space<vmem_shared>>)
    %barrier3A = arith.constant 0 : index
    tpu.barrier barrier_id(%barrier3A)
    %add3A_225 = arith.constant 0 : i32
    %add3A_226 = arith.addi %mul3A_2, %add3A_225 : i32
    %dma_start3A_227 = tpu.memref_slice %arg3[%add3A_226] : memref<321024xi32, #tpu.memory_space<hbm>> -> memref<88xi32, #tpu.memory_space<hbm>>
    %dma_start3A_228 = tpu.memref_slice %arg3[%add3A_226] : memref<321024xi32, #tpu.memory_space<hbm>> -> memref<88xi32, #tpu.memory_space<hbm>>
    tpu.enqueue_dma source(%dma_start3A_228 : memref<88xi32, #tpu.memory_space<hbm>>) target(%arg7 : memref<88xi32, #tpu.memory_space<vmem>>) target_semaphore(%arg17 : memref<!tpu.dma_semaphore, #tpu.memory_space<semaphore_mem>>)
    %add3A_229 = arith.constant 0 : i32
    %add3A_230 = arith.addi %mul3A_2, %add3A_229 : i32
    %dma_start3A_231 = tpu.memref_slice %arg4[%add3A_230] : memref<321024xi32, #tpu.memory_space<hbm>> -> memref<88xi32, #tpu.memory_space<hbm>>
    %dma_start3A_232 = tpu.memref_slice %arg4[%add3A_230] : memref<321024xi32, #tpu.memory_space<hbm>> -> memref<88xi32, #tpu.memory_space<hbm>>
    tpu.enqueue_dma source(%dma_start3A_232 : memref<88xi32, #tpu.memory_space<hbm>>) target(%arg8 : memref<88xi32, #tpu.memory_space<vmem>>) target_semaphore(%arg17 : memref<!tpu.dma_semaphore, #tpu.memory_space<semaphore_mem>>)
    %add3A_233 = arith.constant 88 : i32
    %add3A_234 = arith.addi %mul3A_2, %add3A_233 : i32
    %dma_start3A_235 = tpu.memref_slice %arg3[%add3A_234] : memref<321024xi32, #tpu.memory_space<hbm>> -> memref<88xi32, #tpu.memory_space<hbm>>
    %dma_start3A_236 = tpu.memref_slice %arg3[%add3A_234] : memref<321024xi32, #tpu.memory_space<hbm>> -> memref<88xi32, #tpu.memory_space<hbm>>
    tpu.enqueue_dma source(%dma_start3A_236 : memref<88xi32, #tpu.memory_space<hbm>>) target(%arg9 : memref<88xi32, #tpu.memory_space<vmem>>) target_semaphore(%arg18 : memref<!tpu.dma_semaphore, #tpu.memory_space<semaphore_mem>>)
    %add3A_237 = arith.constant 88 : i32
    %add3A_238 = arith.addi %mul3A_2, %add3A_237 : i32
    %dma_start3A_239 = tpu.memref_slice %arg4[%add3A_238] : memref<321024xi32, #tpu.memory_space<hbm>> -> memref<88xi32, #tpu.memory_space<hbm>>
    %dma_start3A_240 = tpu.memref_slice %arg4[%add3A_238] : memref<321024xi32, #tpu.memory_space<hbm>> -> memref<88xi32, #tpu.memory_space<hbm>>
    tpu.enqueue_dma source(%dma_start3A_240 : memref<88xi32, #tpu.memory_space<hbm>>) target(%arg10 : memref<88xi32, #tpu.memory_space<vmem>>) target_semaphore(%arg18 : memref<!tpu.dma_semaphore, #tpu.memory_space<semaphore_mem>>)
    %add3A_241 = arith.constant 0 : i32
    %add3A_242 = arith.addi %mul3A_2, %add3A_241 : i32
    %dma_wait3A_243 = tpu.memref_slice %arg3[%add3A_242] : memref<321024xi32, #tpu.memory_space<hbm>> -> memref<88xi32, #tpu.memory_space<hbm>>
    %dma_wait3A_244 = tpu.memref_slice %arg3[%add3A_242] : memref<321024xi32, #tpu.memory_space<hbm>> -> memref<88xi32, #tpu.memory_space<hbm>>
    tpu.wait_dma2 semaphore(%arg17 : memref<!tpu.dma_semaphore, #tpu.memory_space<semaphore_mem>>) src(%dma_wait3A_244 : memref<88xi32, #tpu.memory_space<hbm>>) dst(%arg7 : memref<88xi32, #tpu.memory_space<vmem>>)
    %add3A_245 = arith.constant 0 : i32
    %add3A_246 = arith.addi %mul3A_2, %add3A_245 : i32
    %dma_wait3A_247 = tpu.memref_slice %arg4[%add3A_246] : memref<321024xi32, #tpu.memory_space<hbm>> -> memref<88xi32, #tpu.memory_space<hbm>>
    %dma_wait3A_248 = tpu.memref_slice %arg4[%add3A_246] : memref<321024xi32, #tpu.memory_space<hbm>> -> memref<88xi32, #tpu.memory_space<hbm>>
    tpu.wait_dma2 semaphore(%arg17 : memref<!tpu.dma_semaphore, #tpu.memory_space<semaphore_mem>>) src(%dma_wait3A_248 : memref<88xi32, #tpu.memory_space<hbm>>) dst(%arg8 : memref<88xi32, #tpu.memory_space<vmem>>)
    %dma_start3A_249 = arith.constant 0 : i32
    %dma_start3A_250 = arith.constant 0 : i32
    %dma_start3A_251 = tpu.memref_slice %arg2[%dma_start3A_249, %dma_start3A_250] : memref<10000x128xf32, #tpu.memory_space<hbm>> -> memref<10000x128xf32, #tpu.memory_space<hbm>>
    tpu.enqueue_indirect_dma source(%dma_start3A_251 : memref<10000x128xf32, #tpu.memory_space<hbm>>) target(%arg13 : memref<88x128xf32, #tpu.memory_space<vmem>>) offsets(%arg7 : memref<88xi32, #tpu.memory_space<vmem>>) semaphore(%arg20 : memref<!tpu.dma_semaphore, #tpu.memory_space<semaphore_mem>>)
    %add3A_252 = arith.constant 88 : i32
    %add3A_253 = arith.addi %mul3A_2, %add3A_252 : i32
    %dma_wait3A_254 = tpu.memref_slice %arg3[%add3A_253] : memref<321024xi32, #tpu.memory_space<hbm>> -> memref<88xi32, #tpu.memory_space<hbm>>
    %dma_wait3A_255 = tpu.memref_slice %arg3[%add3A_253] : memref<321024xi32, #tpu.memory_space<hbm>> -> memref<88xi32, #tpu.memory_space<hbm>>
    tpu.wait_dma2 semaphore(%arg18 : memref<!tpu.dma_semaphore, #tpu.memory_space<semaphore_mem>>) src(%dma_wait3A_255 : memref<88xi32, #tpu.memory_space<hbm>>) dst(%arg9 : memref<88xi32, #tpu.memory_space<vmem>>)
    %add3A_256 = arith.constant 88 : i32
    %add3A_257 = arith.addi %mul3A_2, %add3A_256 : i32
    %dma_wait3A_258 = tpu.memref_slice %arg4[%add3A_257] : memref<321024xi32, #tpu.memory_space<hbm>> -> memref<88xi32, #tpu.memory_space<hbm>>
    %dma_wait3A_259 = tpu.memref_slice %arg4[%add3A_257] : memref<321024xi32, #tpu.memory_space<hbm>> -> memref<88xi32, #tpu.memory_space<hbm>>
    tpu.wait_dma2 semaphore(%arg18 : memref<!tpu.dma_semaphore, #tpu.memory_space<semaphore_mem>>) src(%dma_wait3A_259 : memref<88xi32, #tpu.memory_space<hbm>>) dst(%arg10 : memref<88xi32, #tpu.memory_space<vmem>>)
    %dma_start3A_260 = arith.constant 0 : i32
    %dma_start3A_261 = arith.constant 0 : i32
    %dma_start3A_262 = tpu.memref_slice %arg2[%dma_start3A_260, %dma_start3A_261] : memref<10000x128xf32, #tpu.memory_space<hbm>> -> memref<10000x128xf32, #tpu.memory_space<hbm>>
    tpu.enqueue_indirect_dma source(%dma_start3A_262 : memref<10000x128xf32, #tpu.memory_space<hbm>>) target(%arg14 : memref<88x128xf32, #tpu.memory_space<vmem>>) offsets(%arg9 : memref<88xi32, #tpu.memory_space<vmem>>) semaphore(%arg21 : memref<!tpu.dma_semaphore, #tpu.memory_space<semaphore_mem>>)
    %dma_wait3A_263 = arith.constant 0 : i32
    %dma_wait3A_264 = arith.constant 0 : i32
    %dma_wait3A_265 = tpu.memref_slice %arg2[%dma_wait3A_263, %dma_wait3A_264] : memref<10000x128xf32, #tpu.memory_space<hbm>> -> memref<10000x128xf32, #tpu.memory_space<hbm>>
    tpu.wait_indirect_dma semaphore(%arg20 : memref<!tpu.dma_semaphore, #tpu.memory_space<semaphore_mem>>) src(%dma_wait3A_265 : memref<10000x128xf32, #tpu.memory_space<hbm>>) dst(%arg13 : memref<88x128xf32, #tpu.memory_space<vmem>>)
    %dma_start3A_266 = arith.constant 0 : i32
    %dma_start3A_267 = arith.constant 0 : i32
    %dma_start3A_268 = tpu.memref_slice %arg16[%dma_start3A_266, %dma_start3A_267] : memref<10240x128xf32, #tpu.memory_space<vmem_shared>> -> memref<10240x128xf32, #tpu.memory_space<vmem_shared>>
    tpu.enqueue_indirect_dma source(%arg13 : memref<88x128xf32, #tpu.memory_space<vmem>>) target(%dma_start3A_268 : memref<10240x128xf32, #tpu.memory_space<vmem_shared>>) offsets(%arg8 : memref<88xi32, #tpu.memory_space<vmem>>) semaphore(%arg23 : memref<!tpu.dma_semaphore, #tpu.memory_space<semaphore_mem>>) {add = true}
    %min3A = arith.constant 2 : i32
    %min3A_269 = arith.constant 113 : i32
    %min3A_270 = arith.minsi %min3A, %min3A_269 : i32
    %mul3A_271 = arith.constant 88 : i32
    %mul3A_272 = arith.muli %min3A_270, %mul3A_271 : i32
    %add3A_273 = arith.addi %mul3A_2, %mul3A_272 : i32
    %dma_start3A_274 = tpu.memref_slice %arg3[%add3A_273] : memref<321024xi32, #tpu.memory_space<hbm>> -> memref<88xi32, #tpu.memory_space<hbm>>
    %dma_start3A_275 = tpu.memref_slice %arg3[%add3A_273] : memref<321024xi32, #tpu.memory_space<hbm>> -> memref<88xi32, #tpu.memory_space<hbm>>
    tpu.enqueue_dma source(%dma_start3A_275 : memref<88xi32, #tpu.memory_space<hbm>>) target(%arg11 : memref<88xi32, #tpu.memory_space<vmem>>) target_semaphore(%arg19 : memref<!tpu.dma_semaphore, #tpu.memory_space<semaphore_mem>>)
    %mul3A_276 = arith.constant 88 : i32
    %mul3A_277 = arith.muli %min3A_270, %mul3A_276 : i32
    %add3A_278 = arith.addi %mul3A_2, %mul3A_277 : i32
    %dma_start3A_279 = tpu.memref_slice %arg4[%add3A_278] : memref<321024xi32, #tpu.memory_space<hbm>> -> memref<88xi32, #tpu.memory_space<hbm>>
    %dma_start3A_280 = tpu.memref_slice %arg4[%add3A_278] : memref<321024xi32, #tpu.memory_space<hbm>> -> memref<88xi32, #tpu.memory_space<hbm>>
    tpu.enqueue_dma source(%dma_start3A_280 : memref<88xi32, #tpu.memory_space<hbm>>) target(%arg12 : memref<88xi32, #tpu.memory_space<vmem>>) target_semaphore(%arg19 : memref<!tpu.dma_semaphore, #tpu.memory_space<semaphore_mem>>)
    %mul3A_281 = arith.constant 88 : i32
    %mul3A_282 = arith.muli %min3A_270, %mul3A_281 : i32
    %add3A_283 = arith.addi %mul3A_2, %mul3A_282 : i32
    %dma_wait3A_284 = tpu.memref_slice %arg3[%add3A_283] : memref<321024xi32, #tpu.memory_space<hbm>> -> memref<88xi32, #tpu.memory_space<hbm>>
    %dma_wait3A_285 = tpu.memref_slice %arg3[%add3A_283] : memref<321024xi32, #tpu.memory_space<hbm>> -> memref<88xi32, #tpu.memory_space<hbm>>
    tpu.wait_dma2 semaphore(%arg19 : memref<!tpu.dma_semaphore, #tpu.memory_space<semaphore_mem>>) src(%dma_wait3A_285 : memref<88xi32, #tpu.memory_space<hbm>>) dst(%arg11 : memref<88xi32, #tpu.memory_space<vmem>>)
    %mul3A_286 = arith.constant 88 : i32
    %mul3A_287 = arith.muli %min3A_270, %mul3A_286 : i32
    %add3A_288 = arith.addi %mul3A_2, %mul3A_287 : i32
    %dma_wait3A_289 = tpu.memref_slice %arg4[%add3A_288] : memref<321024xi32, #tpu.memory_space<hbm>> -> memref<88xi32, #tpu.memory_space<hbm>>
    %dma_wait3A_290 = tpu.memref_slice %arg4[%add3A_288] : memref<321024xi32, #tpu.memory_space<hbm>> -> memref<88xi32, #tpu.memory_space<hbm>>
    tpu.wait_dma2 semaphore(%arg19 : memref<!tpu.dma_semaphore, #tpu.memory_space<semaphore_mem>>) src(%dma_wait3A_290 : memref<88xi32, #tpu.memory_space<hbm>>) dst(%arg12 : memref<88xi32, #tpu.memory_space<vmem>>)
    %dma_start3A_291 = arith.constant 0 : i32
    %dma_start3A_292 = arith.constant 0 : i32
    %dma_start3A_293 = tpu.memref_slice %arg2[%dma_start3A_291, %dma_start3A_292] : memref<10000x128xf32, #tpu.memory_space<hbm>> -> memref<10000x128xf32, #tpu.memory_space<hbm>>
    tpu.enqueue_indirect_dma source(%dma_start3A_293 : memref<10000x128xf32, #tpu.memory_space<hbm>>) target(%arg15 : memref<88x128xf32, #tpu.memory_space<vmem>>) offsets(%arg11 : memref<88xi32, #tpu.memory_space<vmem>>) semaphore(%arg22 : memref<!tpu.dma_semaphore, #tpu.memory_space<semaphore_mem>>)
    %dma_wait3A_294 = arith.constant 0 : i32
    %dma_wait3A_295 = arith.constant 0 : i32
    %dma_wait3A_296 = tpu.memref_slice %arg2[%dma_wait3A_294, %dma_wait3A_295] : memref<10000x128xf32, #tpu.memory_space<hbm>> -> memref<10000x128xf32, #tpu.memory_space<hbm>>
    tpu.wait_indirect_dma semaphore(%arg21 : memref<!tpu.dma_semaphore, #tpu.memory_space<semaphore_mem>>) src(%dma_wait3A_296 : memref<10000x128xf32, #tpu.memory_space<hbm>>) dst(%arg14 : memref<88x128xf32, #tpu.memory_space<vmem>>)
    %dma_start3A_297 = arith.constant 0 : i32
    %dma_start3A_298 = arith.constant 0 : i32
    %dma_start3A_299 = tpu.memref_slice %arg16[%dma_start3A_297, %dma_start3A_298] : memref<10240x128xf32, #tpu.memory_space<vmem_shared>> -> memref<10240x128xf32, #tpu.memory_space<vmem_shared>>
    tpu.enqueue_indirect_dma source(%arg14 : memref<88x128xf32, #tpu.memory_space<vmem>>) target(%dma_start3A_299 : memref<10240x128xf32, #tpu.memory_space<vmem_shared>>) offsets(%arg10 : memref<88xi32, #tpu.memory_space<vmem>>) semaphore(%arg24 : memref<!tpu.dma_semaphore, #tpu.memory_space<semaphore_mem>>) {add = true}
    %dma_wait3A_300 = arith.constant 0 : i32
    %dma_wait3A_301 = arith.constant 0 : i32
    %dma_wait3A_302 = tpu.memref_slice %arg16[%dma_wait3A_300, %dma_wait3A_301] : memref<10240x128xf32, #tpu.memory_space<vmem_shared>> -> memref<10240x128xf32, #tpu.memory_space<vmem_shared>>
    tpu.wait_indirect_dma semaphore(%arg23 : memref<!tpu.dma_semaphore, #tpu.memory_space<semaphore_mem>>) src(%arg13 : memref<88x128xf32, #tpu.memory_space<vmem>>) dst(%dma_wait3A_302 : memref<10240x128xf32, #tpu.memory_space<vmem_shared>>)
    %min3A_303 = arith.constant 3 : i32
    %min3A_304 = arith.constant 113 : i32
    %min3A_305 = arith.minsi %min3A_303, %min3A_304 : i32
    %mul3A_306 = arith.constant 88 : i32
    %mul3A_307 = arith.muli %min3A_305, %mul3A_306 : i32
    %add3A_308 = arith.addi %mul3A_2, %mul3A_307 : i32
    %dma_start3A_309 = tpu.memref_slice %arg3[%add3A_308] : memref<321024xi32, #tpu.memory_space<hbm>> -> memref<88xi32, #tpu.memory_space<hbm>>
    %dma_start3A_310 = tpu.memref_slice %arg3[%add3A_308] : memref<321024xi32, #tpu.memory_space<hbm>> -> memref<88xi32, #tpu.memory_space<hbm>>
    tpu.enqueue_dma source(%dma_start3A_310 : memref<88xi32, #tpu.memory_space<hbm>>) target(%arg7 : memref<88xi32, #tpu.memory_space<vmem>>) target_semaphore(%arg17 : memref<!tpu.dma_semaphore, #tpu.memory_space<semaphore_mem>>)
    %mul3A_311 = arith.constant 88 : i32
    %mul3A_312 = arith.muli %min3A_305, %mul3A_311 : i32
    %add3A_313 = arith.addi %mul3A_2, %mul3A_312 : i32
    %dma_start3A_314 = tpu.memref_slice %arg4[%add3A_313] : memref<321024xi32, #tpu.memory_space<hbm>> -> memref<88xi32, #tpu.memory_space<hbm>>
    %dma_start3A_315 = tpu.memref_slice %arg4[%add3A_313] : memref<321024xi32, #tpu.memory_space<hbm>> -> memref<88xi32, #tpu.memory_space<hbm>>
    tpu.enqueue_dma source(%dma_start3A_315 : memref<88xi32, #tpu.memory_space<hbm>>) target(%arg8 : memref<88xi32, #tpu.memory_space<vmem>>) target_semaphore(%arg17 : memref<!tpu.dma_semaphore, #tpu.memory_space<semaphore_mem>>)
    %mul3A_316 = arith.constant 88 : i32
    %mul3A_317 = arith.muli %min3A_305, %mul3A_316 : i32
    %add3A_318 = arith.addi %mul3A_2, %mul3A_317 : i32
    %dma_wait3A_319 = tpu.memref_slice %arg3[%add3A_318] : memref<321024xi32, #tpu.memory_space<hbm>> -> memref<88xi32, #tpu.memory_space<hbm>>
    %dma_wait3A_320 = tpu.memref_slice %arg3[%add3A_318] : memref<321024xi32, #tpu.memory_space<hbm>> -> memref<88xi32, #tpu.memory_space<hbm>>
    tpu.wait_dma2 semaphore(%arg17 : memref<!tpu.dma_semaphore, #tpu.memory_space<semaphore_mem>>) src(%dma_wait3A_320 : memref<88xi32, #tpu.memory_space<hbm>>) dst(%arg7 : memref<88xi32, #tpu.memory_space<vmem>>)
    %mul3A_321 = arith.constant 88 : i32
    %mul3A_322 = arith.muli %min3A_305, %mul3A_321 : i32
    %add3A_323 = arith.addi %mul3A_2, %mul3A_322 : i32
    %dma_wait3A_324 = tpu.memref_slice %arg4[%add3A_323] : memref<321024xi32, #tpu.memory_space<hbm>> -> memref<88xi32, #tpu.memory_space<hbm>>
    %dma_wait3A_325 = tpu.memref_slice %arg4[%add3A_323] : memref<321024xi32, #tpu.memory_space<hbm>> -> memref<88xi32, #tpu.memory_space<hbm>>
    tpu.wait_dma2 semaphore(%arg17 : memref<!tpu.dma_semaphore, #tpu.memory_space<semaphore_mem>>) src(%dma_wait3A_325 : memref<88xi32, #tpu.memory_space<hbm>>) dst(%arg8 : memref<88xi32, #tpu.memory_space<vmem>>)
    %dma_start3A_326 = arith.constant 0 : i32
    %dma_start3A_327 = arith.constant 0 : i32
    %dma_start3A_328 = tpu.memref_slice %arg2[%dma_start3A_326, %dma_start3A_327] : memref<10000x128xf32, #tpu.memory_space<hbm>> -> memref<10000x128xf32, #tpu.memory_space<hbm>>
    tpu.enqueue_indirect_dma source(%dma_start3A_328 : memref<10000x128xf32, #tpu.memory_space<hbm>>) target(%arg13 : memref<88x128xf32, #tpu.memory_space<vmem>>) offsets(%arg7 : memref<88xi32, #tpu.memory_space<vmem>>) semaphore(%arg20 : memref<!tpu.dma_semaphore, #tpu.memory_space<semaphore_mem>>)
    %dma_wait3A_329 = arith.constant 0 : i32
    %dma_wait3A_330 = arith.constant 0 : i32
    %dma_wait3A_331 = tpu.memref_slice %arg2[%dma_wait3A_329, %dma_wait3A_330] : memref<10000x128xf32, #tpu.memory_space<hbm>> -> memref<10000x128xf32, #tpu.memory_space<hbm>>
    tpu.wait_indirect_dma semaphore(%arg22 : memref<!tpu.dma_semaphore, #tpu.memory_space<semaphore_mem>>) src(%dma_wait3A_331 : memref<10000x128xf32, #tpu.memory_space<hbm>>) dst(%arg15 : memref<88x128xf32, #tpu.memory_space<vmem>>)
    %dma_start3A_332 = arith.constant 0 : i32
    %dma_start3A_333 = arith.constant 0 : i32
    %dma_start3A_334 = tpu.memref_slice %arg16[%dma_start3A_332, %dma_start3A_333] : memref<10240x128xf32, #tpu.memory_space<vmem_shared>> -> memref<10240x128xf32, #tpu.memory_space<vmem_shared>>
    tpu.enqueue_indirect_dma source(%arg15 : memref<88x128xf32, #tpu.memory_space<vmem>>) target(%dma_start3A_334 : memref<10240x128xf32, #tpu.memory_space<vmem_shared>>) offsets(%arg12 : memref<88xi32, #tpu.memory_space<vmem>>) semaphore(%arg25 : memref<!tpu.dma_semaphore, #tpu.memory_space<semaphore_mem>>) {add = true}
    %dma_wait3A_335 = arith.constant 0 : i32
    %dma_wait3A_336 = arith.constant 0 : i32
    %dma_wait3A_337 = tpu.memref_slice %arg16[%dma_wait3A_335, %dma_wait3A_336] : memref<10240x128xf32, #tpu.memory_space<vmem_shared>> -> memref<10240x128xf32, #tpu.memory_space<vmem_shared>>
    tpu.wait_indirect_dma semaphore(%arg24 : memref<!tpu.dma_semaphore, #tpu.memory_space<semaphore_mem>>) src(%arg14 : memref<88x128xf32, #tpu.memory_space<vmem>>) dst(%dma_wait3A_337 : memref<10240x128xf32, #tpu.memory_space<vmem_shared>>)
    %min3A_338 = arith.constant 4 : i32
    %min3A_339 = arith.constant 113 : i32
    %min3A_340 = arith.minsi %min3A_338, %min3A_339 : i32
    %mul3A_341 = arith.constant 88 : i32
    %mul3A_342 = arith.muli %min3A_340, %mul3A_341 : i32
    %add3A_343 = arith.addi %mul3A_2, %mul3A_342 : i32
    %dma_start3A_344 = tpu.memref_slice %arg3[%add3A_343] : memref<321024xi32, #tpu.memory_space<hbm>> -> memref<88xi32, #tpu.memory_space<hbm>>
    %dma_start3A_345 = tpu.memref_slice %arg3[%add3A_343] : memref<321024xi32, #tpu.memory_space<hbm>> -> memref<88xi32, #tpu.memory_space<hbm>>
    tpu.enqueue_dma source(%dma_start3A_345 : memref<88xi32, #tpu.memory_space<hbm>>) target(%arg9 : memref<88xi32, #tpu.memory_space<vmem>>) target_semaphore(%arg18 : memref<!tpu.dma_semaphore, #tpu.memory_space<semaphore_mem>>)
    %mul3A_346 = arith.constant 88 : i32
    %mul3A_347 = arith.muli %min3A_340, %mul3A_346 : i32
    %add3A_348 = arith.addi %mul3A_2, %mul3A_347 : i32
    %dma_start3A_349 = tpu.memref_slice %arg4[%add3A_348] : memref<321024xi32, #tpu.memory_space<hbm>> -> memref<88xi32, #tpu.memory_space<hbm>>
    %dma_start3A_350 = tpu.memref_slice %arg4[%add3A_348] : memref<321024xi32, #tpu.memory_space<hbm>> -> memref<88xi32, #tpu.memory_space<hbm>>
    tpu.enqueue_dma source(%dma_start3A_350 : memref<88xi32, #tpu.memory_space<hbm>>) target(%arg10 : memref<88xi32, #tpu.memory_space<vmem>>) target_semaphore(%arg18 : memref<!tpu.dma_semaphore, #tpu.memory_space<semaphore_mem>>)
    %mul3A_351 = arith.constant 88 : i32
    %mul3A_352 = arith.muli %min3A_340, %mul3A_351 : i32
    %add3A_353 = arith.addi %mul3A_2, %mul3A_352 : i32
    %dma_wait3A_354 = tpu.memref_slice %arg3[%add3A_353] : memref<321024xi32, #tpu.memory_space<hbm>> -> memref<88xi32, #tpu.memory_space<hbm>>
    %dma_wait3A_355 = tpu.memref_slice %arg3[%add3A_353] : memref<321024xi32, #tpu.memory_space<hbm>> -> memref<88xi32, #tpu.memory_space<hbm>>
    tpu.wait_dma2 semaphore(%arg18 : memref<!tpu.dma_semaphore, #tpu.memory_space<semaphore_mem>>) src(%dma_wait3A_355 : memref<88xi32, #tpu.memory_space<hbm>>) dst(%arg9 : memref<88xi32, #tpu.memory_space<vmem>>)
    %mul3A_356 = arith.constant 88 : i32
    %mul3A_357 = arith.muli %min3A_340, %mul3A_356 : i32
    %add3A_358 = arith.addi %mul3A_2, %mul3A_357 : i32
    %dma_wait3A_359 = tpu.memref_slice %arg4[%add3A_358] : memref<321024xi32, #tpu.memory_space<hbm>> -> memref<88xi32, #tpu.memory_space<hbm>>
    %dma_wait3A_360 = tpu.memref_slice %arg4[%add3A_358] : memref<321024xi32, #tpu.memory_space<hbm>> -> memref<88xi32, #tpu.memory_space<hbm>>
    tpu.wait_dma2 semaphore(%arg18 : memref<!tpu.dma_semaphore, #tpu.memory_space<semaphore_mem>>) src(%dma_wait3A_360 : memref<88xi32, #tpu.memory_space<hbm>>) dst(%arg10 : memref<88xi32, #tpu.memory_space<vmem>>)
    %dma_start3A_361 = arith.constant 0 : i32
    %dma_start3A_362 = arith.constant 0 : i32
    %dma_start3A_363 = tpu.memref_slice %arg2[%dma_start3A_361, %dma_start3A_362] : memref<10000x128xf32, #tpu.memory_space<hbm>> -> memref<10000x128xf32, #tpu.memory_space<hbm>>
    tpu.enqueue_indirect_dma source(%dma_start3A_363 : memref<10000x128xf32, #tpu.memory_space<hbm>>) target(%arg14 : memref<88x128xf32, #tpu.memory_space<vmem>>) offsets(%arg9 : memref<88xi32, #tpu.memory_space<vmem>>) semaphore(%arg21 : memref<!tpu.dma_semaphore, #tpu.memory_space<semaphore_mem>>)
    %scan3A = arith.constant 0 : i32
    %scan3A_364 = arith.constant 1 : i32
    %scan3A_365 = arith.constant 37 : i32
    %scan3A_366 = arith.addi %scan3A_364, %scan3A_365 : i32
    %scan3A_367 = arith.constant 1 : i32
    scf.for %scan3A_651 = %scan3A_364 to %scan3A_366 step %scan3A_367  : i32 {
      %mul3A_652 = arith.constant 3 : i32
      %mul3A_653 = arith.muli %mul3A_652, %scan3A_651 : i32
      %dma_wait3A_654 = arith.constant 0 : i32
      %dma_wait3A_655 = arith.constant 0 : i32
      %dma_wait3A_656 = tpu.memref_slice %arg2[%dma_wait3A_654, %dma_wait3A_655] : memref<10000x128xf32, #tpu.memory_space<hbm>> -> memref<10000x128xf32, #tpu.memory_space<hbm>>
      tpu.wait_indirect_dma semaphore(%arg20 : memref<!tpu.dma_semaphore, #tpu.memory_space<semaphore_mem>>) src(%dma_wait3A_656 : memref<10000x128xf32, #tpu.memory_space<hbm>>) dst(%arg13 : memref<88x128xf32, #tpu.memory_space<vmem>>)
      %dma_start3A_657 = arith.constant 0 : i32
      %dma_start3A_658 = arith.constant 0 : i32
      %dma_start3A_659 = tpu.memref_slice %arg16[%dma_start3A_657, %dma_start3A_658] : memref<10240x128xf32, #tpu.memory_space<vmem_shared>> -> memref<10240x128xf32, #tpu.memory_space<vmem_shared>>
      tpu.enqueue_indirect_dma source(%arg13 : memref<88x128xf32, #tpu.memory_space<vmem>>) target(%dma_start3A_659 : memref<10240x128xf32, #tpu.memory_space<vmem_shared>>) offsets(%arg8 : memref<88xi32, #tpu.memory_space<vmem>>) semaphore(%arg23 : memref<!tpu.dma_semaphore, #tpu.memory_space<semaphore_mem>>) {add = true}
      %dma_wait3A_660 = arith.constant 0 : i32
      %dma_wait3A_661 = arith.constant 0 : i32
      %dma_wait3A_662 = tpu.memref_slice %arg16[%dma_wait3A_660, %dma_wait3A_661] : memref<10240x128xf32, #tpu.memory_space<vmem_shared>> -> memref<10240x128xf32, #tpu.memory_space<vmem_shared>>
      tpu.wait_indirect_dma semaphore(%arg25 : memref<!tpu.dma_semaphore, #tpu.memory_space<semaphore_mem>>) src(%arg15 : memref<88x128xf32, #tpu.memory_space<vmem>>) dst(%dma_wait3A_662 : memref<10240x128xf32, #tpu.memory_space<vmem_shared>>)
      %add3A_663 = arith.constant 2 : i32
      %add3A_664 = arith.addi %mul3A_653, %add3A_663 : i32
      %min3A_665 = arith.constant 113 : i32
      %min3A_666 = arith.minsi %add3A_664, %min3A_665 : i32
      %mul3A_667 = arith.constant 88 : i32
      %mul3A_668 = arith.muli %min3A_666, %mul3A_667 : i32
      %add3A_669 = arith.addi %mul3A_2, %mul3A_668 : i32
      %dma_start3A_670 = tpu.memref_slice %arg3[%add3A_669] : memref<321024xi32, #tpu.memory_space<hbm>> -> memref<88xi32, #tpu.memory_space<hbm>>
      %dma_start3A_671 = tpu.memref_slice %arg3[%add3A_669] : memref<321024xi32, #tpu.memory_space<hbm>> -> memref<88xi32, #tpu.memory_space<hbm>>
      tpu.enqueue_dma source(%dma_start3A_671 : memref<88xi32, #tpu.memory_space<hbm>>) target(%arg11 : memref<88xi32, #tpu.memory_space<vmem>>) target_semaphore(%arg19 : memref<!tpu.dma_semaphore, #tpu.memory_space<semaphore_mem>>)
      %mul3A_672 = arith.constant 88 : i32
      %mul3A_673 = arith.muli %min3A_666, %mul3A_672 : i32
      %add3A_674 = arith.addi %mul3A_2, %mul3A_673 : i32
      %dma_start3A_675 = tpu.memref_slice %arg4[%add3A_674] : memref<321024xi32, #tpu.memory_space<hbm>> -> memref<88xi32, #tpu.memory_space<hbm>>
      %dma_start3A_676 = tpu.memref_slice %arg4[%add3A_674] : memref<321024xi32, #tpu.memory_space<hbm>> -> memref<88xi32, #tpu.memory_space<hbm>>
      tpu.enqueue_dma source(%dma_start3A_676 : memref<88xi32, #tpu.memory_space<hbm>>) target(%arg12 : memref<88xi32, #tpu.memory_space<vmem>>) target_semaphore(%arg19 : memref<!tpu.dma_semaphore, #tpu.memory_space<semaphore_mem>>)
      %mul3A_677 = arith.constant 88 : i32
      %mul3A_678 = arith.muli %min3A_666, %mul3A_677 : i32
      %add3A_679 = arith.addi %mul3A_2, %mul3A_678 : i32
      %dma_wait3A_680 = tpu.memref_slice %arg3[%add3A_679] : memref<321024xi32, #tpu.memory_space<hbm>> -> memref<88xi32, #tpu.memory_space<hbm>>
      %dma_wait3A_681 = tpu.memref_slice %arg3[%add3A_679] : memref<321024xi32, #tpu.memory_space<hbm>> -> memref<88xi32, #tpu.memory_space<hbm>>
      tpu.wait_dma2 semaphore(%arg19 : memref<!tpu.dma_semaphore, #tpu.memory_space<semaphore_mem>>) src(%dma_wait3A_681 : memref<88xi32, #tpu.memory_space<hbm>>) dst(%arg11 : memref<88xi32, #tpu.memory_space<vmem>>)
      %mul3A_682 = arith.constant 88 : i32
      %mul3A_683 = arith.muli %min3A_666, %mul3A_682 : i32
      %add3A_684 = arith.addi %mul3A_2, %mul3A_683 : i32
      %dma_wait3A_685 = tpu.memref_slice %arg4[%add3A_684] : memref<321024xi32, #tpu.memory_space<hbm>> -> memref<88xi32, #tpu.memory_space<hbm>>
      %dma_wait3A_686 = tpu.memref_slice %arg4[%add3A_684] : memref<321024xi32, #tpu.memory_space<hbm>> -> memref<88xi32, #tpu.memory_space<hbm>>
      tpu.wait_dma2 semaphore(%arg19 : memref<!tpu.dma_semaphore, #tpu.memory_space<semaphore_mem>>) src(%dma_wait3A_686 : memref<88xi32, #tpu.memory_space<hbm>>) dst(%arg12 : memref<88xi32, #tpu.memory_space<vmem>>)
      %dma_start3A_687 = arith.constant 0 : i32
      %dma_start3A_688 = arith.constant 0 : i32
      %dma_start3A_689 = tpu.memref_slice %arg2[%dma_start3A_687, %dma_start3A_688] : memref<10000x128xf32, #tpu.memory_space<hbm>> -> memref<10000x128xf32, #tpu.memory_space<hbm>>
      tpu.enqueue_indirect_dma source(%dma_start3A_689 : memref<10000x128xf32, #tpu.memory_space<hbm>>) target(%arg15 : memref<88x128xf32, #tpu.memory_space<vmem>>) offsets(%arg11 : memref<88xi32, #tpu.memory_space<vmem>>) semaphore(%arg22 : memref<!tpu.dma_semaphore, #tpu.memory_space<semaphore_mem>>)
      %add3A_690 = arith.constant 1 : i32
      %add3A_691 = arith.addi %mul3A_653, %add3A_690 : i32
      %dma_wait3A_692 = arith.constant 0 : i32
      %dma_wait3A_693 = arith.constant 0 : i32
      %dma_wait3A_694 = tpu.memref_slice %arg2[%dma_wait3A_692, %dma_wait3A_693] : memref<10000x128xf32, #tpu.memory_space<hbm>> -> memref<10000x128xf32, #tpu.memory_space<hbm>>
      tpu.wait_indirect_dma semaphore(%arg21 : memref<!tpu.dma_semaphore, #tpu.memory_space<semaphore_mem>>) src(%dma_wait3A_694 : memref<10000x128xf32, #tpu.memory_space<hbm>>) dst(%arg14 : memref<88x128xf32, #tpu.memory_space<vmem>>)
      %dma_start3A_695 = arith.constant 0 : i32
      %dma_start3A_696 = arith.constant 0 : i32
      %dma_start3A_697 = tpu.memref_slice %arg16[%dma_start3A_695, %dma_start3A_696] : memref<10240x128xf32, #tpu.memory_space<vmem_shared>> -> memref<10240x128xf32, #tpu.memory_space<vmem_shared>>
      tpu.enqueue_indirect_dma source(%arg14 : memref<88x128xf32, #tpu.memory_space<vmem>>) target(%dma_start3A_697 : memref<10240x128xf32, #tpu.memory_space<vmem_shared>>) offsets(%arg10 : memref<88xi32, #tpu.memory_space<vmem>>) semaphore(%arg24 : memref<!tpu.dma_semaphore, #tpu.memory_space<semaphore_mem>>) {add = true}
      %dma_wait3A_698 = arith.constant 0 : i32
      %dma_wait3A_699 = arith.constant 0 : i32
      %dma_wait3A_700 = tpu.memref_slice %arg16[%dma_wait3A_698, %dma_wait3A_699] : memref<10240x128xf32, #tpu.memory_space<vmem_shared>> -> memref<10240x128xf32, #tpu.memory_space<vmem_shared>>
      tpu.wait_indirect_dma semaphore(%arg23 : memref<!tpu.dma_semaphore, #tpu.memory_space<semaphore_mem>>) src(%arg13 : memref<88x128xf32, #tpu.memory_space<vmem>>) dst(%dma_wait3A_700 : memref<10240x128xf32, #tpu.memory_space<vmem_shared>>)
      %add3A_701 = arith.constant 2 : i32
      %add3A_702 = arith.addi %add3A_691, %add3A_701 : i32
      %min3A_703 = arith.constant 113 : i32
      %min3A_704 = arith.minsi %add3A_702, %min3A_703 : i32
      %mul3A_705 = arith.constant 88 : i32
      %mul3A_706 = arith.muli %min3A_704, %mul3A_705 : i32
      %add3A_707 = arith.addi %mul3A_2, %mul3A_706 : i32
      %dma_start3A_708 = tpu.memref_slice %arg3[%add3A_707] : memref<321024xi32, #tpu.memory_space<hbm>> -> memref<88xi32, #tpu.memory_space<hbm>>
      %dma_start3A_709 = tpu.memref_slice %arg3[%add3A_707] : memref<321024xi32, #tpu.memory_space<hbm>> -> memref<88xi32, #tpu.memory_space<hbm>>
      tpu.enqueue_dma source(%dma_start3A_709 : memref<88xi32, #tpu.memory_space<hbm>>) target(%arg7 : memref<88xi32, #tpu.memory_space<vmem>>) target_semaphore(%arg17 : memref<!tpu.dma_semaphore, #tpu.memory_space<semaphore_mem>>)
      %mul3A_710 = arith.constant 88 : i32
      %mul3A_711 = arith.muli %min3A_704, %mul3A_710 : i32
      %add3A_712 = arith.addi %mul3A_2, %mul3A_711 : i32
      %dma_start3A_713 = tpu.memref_slice %arg4[%add3A_712] : memref<321024xi32, #tpu.memory_space<hbm>> -> memref<88xi32, #tpu.memory_space<hbm>>
      %dma_start3A_714 = tpu.memref_slice %arg4[%add3A_712] : memref<321024xi32, #tpu.memory_space<hbm>> -> memref<88xi32, #tpu.memory_space<hbm>>
      tpu.enqueue_dma source(%dma_start3A_714 : memref<88xi32, #tpu.memory_space<hbm>>) target(%arg8 : memref<88xi32, #tpu.memory_space<vmem>>) target_semaphore(%arg17 : memref<!tpu.dma_semaphore, #tpu.memory_space<semaphore_mem>>)
      %mul3A_715 = arith.constant 88 : i32
      %mul3A_716 = arith.muli %min3A_704, %mul3A_715 : i32
      %add3A_717 = arith.addi %mul3A_2, %mul3A_716 : i32
      %dma_wait3A_718 = tpu.memref_slice %arg3[%add3A_717] : memref<321024xi32, #tpu.memory_space<hbm>> -> memref<88xi32, #tpu.memory_space<hbm>>
      %dma_wait3A_719 = tpu.memref_slice %arg3[%add3A_717] : memref<321024xi32, #tpu.memory_space<hbm>> -> memref<88xi32, #tpu.memory_space<hbm>>
      tpu.wait_dma2 semaphore(%arg17 : memref<!tpu.dma_semaphore, #tpu.memory_space<semaphore_mem>>) src(%dma_wait3A_719 : memref<88xi32, #tpu.memory_space<hbm>>) dst(%arg7 : memref<88xi32, #tpu.memory_space<vmem>>)
      %mul3A_720 = arith.constant 88 : i32
      %mul3A_721 = arith.muli %min3A_704, %mul3A_720 : i32
      %add3A_722 = arith.addi %mul3A_2, %mul3A_721 : i32
      %dma_wait3A_723 = tpu.memref_slice %arg4[%add3A_722] : memref<321024xi32, #tpu.memory_space<hbm>> -> memref<88xi32, #tpu.memory_space<hbm>>
      %dma_wait3A_724 = tpu.memref_slice %arg4[%add3A_722] : memref<321024xi32, #tpu.memory_space<hbm>> -> memref<88xi32, #tpu.memory_space<hbm>>
      tpu.wait_dma2 semaphore(%arg17 : memref<!tpu.dma_semaphore, #tpu.memory_space<semaphore_mem>>) src(%dma_wait3A_724 : memref<88xi32, #tpu.memory_space<hbm>>) dst(%arg8 : memref<88xi32, #tpu.memory_space<vmem>>)
      %dma_start3A_725 = arith.constant 0 : i32
      %dma_start3A_726 = arith.constant 0 : i32
      %dma_start3A_727 = tpu.memref_slice %arg2[%dma_start3A_725, %dma_start3A_726] : memref<10000x128xf32, #tpu.memory_space<hbm>> -> memref<10000x128xf32, #tpu.memory_space<hbm>>
      tpu.enqueue_indirect_dma source(%dma_start3A_727 : memref<10000x128xf32, #tpu.memory_space<hbm>>) target(%arg13 : memref<88x128xf32, #tpu.memory_space<vmem>>) offsets(%arg7 : memref<88xi32, #tpu.memory_space<vmem>>) semaphore(%arg20 : memref<!tpu.dma_semaphore, #tpu.memory_space<semaphore_mem>>)
      %add3A_728 = arith.constant 2 : i32
      %add3A_729 = arith.addi %mul3A_653, %add3A_728 : i32
      %dma_wait3A_730 = arith.constant 0 : i32
      %dma_wait3A_731 = arith.constant 0 : i32
      %dma_wait3A_732 = tpu.memref_slice %arg2[%dma_wait3A_730, %dma_wait3A_731] : memref<10000x128xf32, #tpu.memory_space<hbm>> -> memref<10000x128xf32, #tpu.memory_space<hbm>>
      tpu.wait_indirect_dma semaphore(%arg22 : memref<!tpu.dma_semaphore, #tpu.memory_space<semaphore_mem>>) src(%dma_wait3A_732 : memref<10000x128xf32, #tpu.memory_space<hbm>>) dst(%arg15 : memref<88x128xf32, #tpu.memory_space<vmem>>)
      %dma_start3A_733 = arith.constant 0 : i32
      %dma_start3A_734 = arith.constant 0 : i32
      %dma_start3A_735 = tpu.memref_slice %arg16[%dma_start3A_733, %dma_start3A_734] : memref<10240x128xf32, #tpu.memory_space<vmem_shared>> -> memref<10240x128xf32, #tpu.memory_space<vmem_shared>>
      tpu.enqueue_indirect_dma source(%arg15 : memref<88x128xf32, #tpu.memory_space<vmem>>) target(%dma_start3A_735 : memref<10240x128xf32, #tpu.memory_space<vmem_shared>>) offsets(%arg12 : memref<88xi32, #tpu.memory_space<vmem>>) semaphore(%arg25 : memref<!tpu.dma_semaphore, #tpu.memory_space<semaphore_mem>>) {add = true}
      %dma_wait3A_736 = arith.constant 0 : i32
      %dma_wait3A_737 = arith.constant 0 : i32
      %dma_wait3A_738 = tpu.memref_slice %arg16[%dma_wait3A_736, %dma_wait3A_737] : memref<10240x128xf32, #tpu.memory_space<vmem_shared>> -> memref<10240x128xf32, #tpu.memory_space<vmem_shared>>
      tpu.wait_indirect_dma semaphore(%arg24 : memref<!tpu.dma_semaphore, #tpu.memory_space<semaphore_mem>>) src(%arg14 : memref<88x128xf32, #tpu.memory_space<vmem>>) dst(%dma_wait3A_738 : memref<10240x128xf32, #tpu.memory_space<vmem_shared>>)
      %add3A_739 = arith.constant 2 : i32
      %add3A_740 = arith.addi %add3A_729, %add3A_739 : i32
      %min3A_741 = arith.constant 113 : i32
      %min3A_742 = arith.minsi %add3A_740, %min3A_741 : i32
      %mul3A_743 = arith.constant 88 : i32
      %mul3A_744 = arith.muli %min3A_742, %mul3A_743 : i32
      %add3A_745 = arith.addi %mul3A_2, %mul3A_744 : i32
      %dma_start3A_746 = tpu.memref_slice %arg3[%add3A_745] : memref<321024xi32, #tpu.memory_space<hbm>> -> memref<88xi32, #tpu.memory_space<hbm>>
      %dma_start3A_747 = tpu.memref_slice %arg3[%add3A_745] : memref<321024xi32, #tpu.memory_space<hbm>> -> memref<88xi32, #tpu.memory_space<hbm>>
      tpu.enqueue_dma source(%dma_start3A_747 : memref<88xi32, #tpu.memory_space<hbm>>) target(%arg9 : memref<88xi32, #tpu.memory_space<vmem>>) target_semaphore(%arg18 : memref<!tpu.dma_semaphore, #tpu.memory_space<semaphore_mem>>)
      %mul3A_748 = arith.constant 88 : i32
      %mul3A_749 = arith.muli %min3A_742, %mul3A_748 : i32
      %add3A_750 = arith.addi %mul3A_2, %mul3A_749 : i32
      %dma_start3A_751 = tpu.memref_slice %arg4[%add3A_750] : memref<321024xi32, #tpu.memory_space<hbm>> -> memref<88xi32, #tpu.memory_space<hbm>>
      %dma_start3A_752 = tpu.memref_slice %arg4[%add3A_750] : memref<321024xi32, #tpu.memory_space<hbm>> -> memref<88xi32, #tpu.memory_space<hbm>>
      tpu.enqueue_dma source(%dma_start3A_752 : memref<88xi32, #tpu.memory_space<hbm>>) target(%arg10 : memref<88xi32, #tpu.memory_space<vmem>>) target_semaphore(%arg18 : memref<!tpu.dma_semaphore, #tpu.memory_space<semaphore_mem>>)
      %mul3A_753 = arith.constant 88 : i32
      %mul3A_754 = arith.muli %min3A_742, %mul3A_753 : i32
      %add3A_755 = arith.addi %mul3A_2, %mul3A_754 : i32
      %dma_wait3A_756 = tpu.memref_slice %arg3[%add3A_755] : memref<321024xi32, #tpu.memory_space<hbm>> -> memref<88xi32, #tpu.memory_space<hbm>>
      %dma_wait3A_757 = tpu.memref_slice %arg3[%add3A_755] : memref<321024xi32, #tpu.memory_space<hbm>> -> memref<88xi32, #tpu.memory_space<hbm>>
      tpu.wait_dma2 semaphore(%arg18 : memref<!tpu.dma_semaphore, #tpu.memory_space<semaphore_mem>>) src(%dma_wait3A_757 : memref<88xi32, #tpu.memory_space<hbm>>) dst(%arg9 : memref<88xi32, #tpu.memory_space<vmem>>)
      %mul3A_758 = arith.constant 88 : i32
      %mul3A_759 = arith.muli %min3A_742, %mul3A_758 : i32
      %add3A_760 = arith.addi %mul3A_2, %mul3A_759 : i32
      %dma_wait3A_761 = tpu.memref_slice %arg4[%add3A_760] : memref<321024xi32, #tpu.memory_space<hbm>> -> memref<88xi32, #tpu.memory_space<hbm>>
      %dma_wait3A_762 = tpu.memref_slice %arg4[%add3A_760] : memref<321024xi32, #tpu.memory_space<hbm>> -> memref<88xi32, #tpu.memory_space<hbm>>
      tpu.wait_dma2 semaphore(%arg18 : memref<!tpu.dma_semaphore, #tpu.memory_space<semaphore_mem>>) src(%dma_wait3A_762 : memref<88xi32, #tpu.memory_space<hbm>>) dst(%arg10 : memref<88xi32, #tpu.memory_space<vmem>>)
      %dma_start3A_763 = arith.constant 0 : i32
      %dma_start3A_764 = arith.constant 0 : i32
      %dma_start3A_765 = tpu.memref_slice %arg2[%dma_start3A_763, %dma_start3A_764] : memref<10000x128xf32, #tpu.memory_space<hbm>> -> memref<10000x128xf32, #tpu.memory_space<hbm>>
      tpu.enqueue_indirect_dma source(%dma_start3A_765 : memref<10000x128xf32, #tpu.memory_space<hbm>>) target(%arg14 : memref<88x128xf32, #tpu.memory_space<vmem>>) offsets(%arg9 : memref<88xi32, #tpu.memory_space<vmem>>) semaphore(%arg21 : memref<!tpu.dma_semaphore, #tpu.memory_space<semaphore_mem>>)
    }
    %scan3A_368 = arith.constant 37 : i32
    %dma_wait3A_369 = arith.constant 0 : i32
    %dma_wait3A_370 = arith.constant 0 : i32
    %dma_wait3A_371 = tpu.memref_slice %arg16[%dma_wait3A_369, %dma_wait3A_370] : memref<10240x128xf32, #tpu.memory_space<vmem_shared>> -> memref<10240x128xf32, #tpu.memory_space<vmem_shared>>
    tpu.wait_indirect_dma semaphore(%arg25 : memref<!tpu.dma_semaphore, #tpu.memory_space<semaphore_mem>>) src(%arg15 : memref<88x128xf32, #tpu.memory_space<vmem>>) dst(%dma_wait3A_371 : memref<10240x128xf32, #tpu.memory_space<vmem_shared>>)
    %dma_wait3A_372 = arith.constant 0 : i32
    %dma_wait3A_373 = arith.constant 0 : i32
    %dma_wait3A_374 = tpu.memref_slice %arg2[%dma_wait3A_372, %dma_wait3A_373] : memref<10000x128xf32, #tpu.memory_space<hbm>> -> memref<10000x128xf32, #tpu.memory_space<hbm>>
    tpu.wait_indirect_dma semaphore(%arg20 : memref<!tpu.dma_semaphore, #tpu.memory_space<semaphore_mem>>) src(%dma_wait3A_374 : memref<10000x128xf32, #tpu.memory_space<hbm>>) dst(%arg13 : memref<88x128xf32, #tpu.memory_space<vmem>>)
    %dma_wait3A_375 = arith.constant 0 : i32
    %dma_wait3A_376 = arith.constant 0 : i32
    %dma_wait3A_377 = tpu.memref_slice %arg2[%dma_wait3A_375, %dma_wait3A_376] : memref<10000x128xf32, #tpu.memory_space<hbm>> -> memref<10000x128xf32, #tpu.memory_space<hbm>>
    tpu.wait_indirect_dma semaphore(%arg21 : memref<!tpu.dma_semaphore, #tpu.memory_space<semaphore_mem>>) src(%dma_wait3A_377 : memref<10000x128xf32, #tpu.memory_space<hbm>>) dst(%arg14 : memref<88x128xf32, #tpu.memory_space<vmem>>)
    %barrier3A_378 = arith.constant 0 : index
    tpu.barrier barrier_id(%barrier3A_378)
    %mul3A_379 = arith.constant 640 : i32
    %mul3A_380 = arith.muli %arg1, %mul3A_379 : i32
    %add3A_381 = arith.constant 0 : i32
    %add3A_382 = arith.addi %mul3A_380, %add3A_381 : i32
    "tpu.region"() ({
      %run_scoped3A = tpu.sem_alloc : memref<!tpu.dma_semaphore, #tpu.memory_space<semaphore_mem>>
      %dma_start3A_651 = arith.constant 0 : i32
      %dma_start3A_652 = arith.constant 0 : i32
      %dma_start3A_653 = tpu.memref_slice %arg13[%dma_start3A_651, %dma_start3A_652] : memref<88x128xf32, #tpu.memory_space<vmem>> -> memref<80x128xf32, #tpu.memory_space<vmem>>
      %dma_start3A_654 = arith.constant 0 : i32
      %dma_start3A_655 = tpu.memref_slice %arg16[%add3A_382, %dma_start3A_654] : memref<10240x128xf32, #tpu.memory_space<vmem_shared>> -> memref<80x128xf32, #tpu.memory_space<vmem_shared>>
      %dma_start3A_656 = arith.constant 0 : i32
      %dma_start3A_657 = arith.constant 0 : i32
      %dma_start3A_658 = tpu.memref_slice %arg13[%dma_start3A_656, %dma_start3A_657] : memref<88x128xf32, #tpu.memory_space<vmem>> -> memref<80x128xf32, #tpu.memory_space<vmem>>
      %dma_start3A_659 = arith.constant 0 : i32
      %dma_start3A_660 = tpu.memref_slice %arg16[%add3A_382, %dma_start3A_659] : memref<10240x128xf32, #tpu.memory_space<vmem_shared>> -> memref<80x128xf32, #tpu.memory_space<vmem_shared>>
      tpu.enqueue_dma source(%dma_start3A_660 : memref<80x128xf32, #tpu.memory_space<vmem_shared>>) target(%dma_start3A_658 : memref<80x128xf32, #tpu.memory_space<vmem>>) target_semaphore(%run_scoped3A : memref<!tpu.dma_semaphore, #tpu.memory_space<semaphore_mem>>)
      %dma_wait3A_661 = arith.constant 0 : i32
      %dma_wait3A_662 = arith.constant 0 : i32
      %dma_wait3A_663 = tpu.memref_slice %arg13[%dma_wait3A_661, %dma_wait3A_662] : memref<88x128xf32, #tpu.memory_space<vmem>> -> memref<80x128xf32, #tpu.memory_space<vmem>>
      %dma_wait3A_664 = arith.constant 0 : i32
      %dma_wait3A_665 = tpu.memref_slice %arg16[%add3A_382, %dma_wait3A_664] : memref<10240x128xf32, #tpu.memory_space<vmem_shared>> -> memref<80x128xf32, #tpu.memory_space<vmem_shared>>
      %dma_wait3A_666 = arith.constant 0 : i32
      %dma_wait3A_667 = arith.constant 0 : i32
      %dma_wait3A_668 = tpu.memref_slice %arg13[%dma_wait3A_666, %dma_wait3A_667] : memref<88x128xf32, #tpu.memory_space<vmem>> -> memref<80x128xf32, #tpu.memory_space<vmem>>
      %dma_wait3A_669 = arith.constant 0 : i32
      %dma_wait3A_670 = tpu.memref_slice %arg16[%add3A_382, %dma_wait3A_669] : memref<10240x128xf32, #tpu.memory_space<vmem_shared>> -> memref<80x128xf32, #tpu.memory_space<vmem_shared>>
      tpu.wait_dma2 semaphore(%run_scoped3A : memref<!tpu.dma_semaphore, #tpu.memory_space<semaphore_mem>>) src(%dma_wait3A_670 : memref<80x128xf32, #tpu.memory_space<vmem_shared>>) dst(%dma_wait3A_668 : memref<80x128xf32, #tpu.memory_space<vmem>>)
      tpu.yield
    }) : () -> ()
    %mul3A_383 = arith.constant 10240 : i32
    %mul3A_384 = arith.muli %arg0, %mul3A_383 : i32
    %add3A_385 = arith.addi %mul3A_384, %add3A_382 : i32
    %dma_start3A_386 = arith.constant 0 : i32
    %dma_start3A_387 = arith.constant 0 : i32
    %dma_start3A_388 = tpu.memref_slice %arg13[%dma_start3A_386, %dma_start3A_387] : memref<88x128xf32, #tpu.memory_space<vmem>> -> memref<80x128xf32, #tpu.memory_space<vmem>>
    %dma_start3A_389 = arith.constant 0 : i32
    %dma_start3A_390 = tpu.memref_slice %arg6[%add3A_385, %dma_start3A_389] : memref<20480x128xf32, #tpu.memory_space<hbm>> -> memref<80x128xf32, #tpu.memory_space<hbm>>
    %dma_start3A_391 = arith.constant 0 : i32
    %dma_start3A_392 = tpu.memref_slice %arg6[%add3A_385, %dma_start3A_391] : memref<20480x128xf32, #tpu.memory_space<hbm>> -> memref<80x128xf32, #tpu.memory_space<hbm>>
    %dma_start3A_393 = arith.constant 0 : i32
    %dma_start3A_394 = arith.constant 0 : i32
    %dma_start3A_395 = tpu.memref_slice %arg13[%dma_start3A_393, %dma_start3A_394] : memref<88x128xf32, #tpu.memory_space<vmem>> -> memref<80x128xf32, #tpu.memory_space<vmem>>
    tpu.enqueue_dma source(%dma_start3A_395 : memref<80x128xf32, #tpu.memory_space<vmem>>) target(%dma_start3A_392 : memref<80x128xf32, #tpu.memory_space<hbm>>) target_semaphore(%arg20 : memref<!tpu.dma_semaphore, #tpu.memory_space<semaphore_mem>>)
    %mul3A_396 = arith.constant 640 : i32
    %mul3A_397 = arith.muli %arg1, %mul3A_396 : i32
    %add3A_398 = arith.constant 80 : i32
    %add3A_399 = arith.addi %mul3A_397, %add3A_398 : i32
    "tpu.region"() ({
      %run_scoped3A = tpu.sem_alloc : memref<!tpu.dma_semaphore, #tpu.memory_space<semaphore_mem>>
      %dma_start3A_651 = arith.constant 0 : i32
      %dma_start3A_652 = arith.constant 0 : i32
      %dma_start3A_653 = tpu.memref_slice %arg14[%dma_start3A_651, %dma_start3A_652] : memref<88x128xf32, #tpu.memory_space<vmem>> -> memref<80x128xf32, #tpu.memory_space<vmem>>
      %dma_start3A_654 = arith.constant 0 : i32
      %dma_start3A_655 = tpu.memref_slice %arg16[%add3A_399, %dma_start3A_654] : memref<10240x128xf32, #tpu.memory_space<vmem_shared>> -> memref<80x128xf32, #tpu.memory_space<vmem_shared>>
      %dma_start3A_656 = arith.constant 0 : i32
      %dma_start3A_657 = arith.constant 0 : i32
      %dma_start3A_658 = tpu.memref_slice %arg14[%dma_start3A_656, %dma_start3A_657] : memref<88x128xf32, #tpu.memory_space<vmem>> -> memref<80x128xf32, #tpu.memory_space<vmem>>
      %dma_start3A_659 = arith.constant 0 : i32
      %dma_start3A_660 = tpu.memref_slice %arg16[%add3A_399, %dma_start3A_659] : memref<10240x128xf32, #tpu.memory_space<vmem_shared>> -> memref<80x128xf32, #tpu.memory_space<vmem_shared>>
      tpu.enqueue_dma source(%dma_start3A_660 : memref<80x128xf32, #tpu.memory_space<vmem_shared>>) target(%dma_start3A_658 : memref<80x128xf32, #tpu.memory_space<vmem>>) target_semaphore(%run_scoped3A : memref<!tpu.dma_semaphore, #tpu.memory_space<semaphore_mem>>)
      %dma_wait3A_661 = arith.constant 0 : i32
      %dma_wait3A_662 = arith.constant 0 : i32
      %dma_wait3A_663 = tpu.memref_slice %arg14[%dma_wait3A_661, %dma_wait3A_662] : memref<88x128xf32, #tpu.memory_space<vmem>> -> memref<80x128xf32, #tpu.memory_space<vmem>>
      %dma_wait3A_664 = arith.constant 0 : i32
      %dma_wait3A_665 = tpu.memref_slice %arg16[%add3A_399, %dma_wait3A_664] : memref<10240x128xf32, #tpu.memory_space<vmem_shared>> -> memref<80x128xf32, #tpu.memory_space<vmem_shared>>
      %dma_wait3A_666 = arith.constant 0 : i32
      %dma_wait3A_667 = arith.constant 0 : i32
      %dma_wait3A_668 = tpu.memref_slice %arg14[%dma_wait3A_666, %dma_wait3A_667] : memref<88x128xf32, #tpu.memory_space<vmem>> -> memref<80x128xf32, #tpu.memory_space<vmem>>
      %dma_wait3A_669 = arith.constant 0 : i32
      %dma_wait3A_670 = tpu.memref_slice %arg16[%add3A_399, %dma_wait3A_669] : memref<10240x128xf32, #tpu.memory_space<vmem_shared>> -> memref<80x128xf32, #tpu.memory_space<vmem_shared>>
      tpu.wait_dma2 semaphore(%run_scoped3A : memref<!tpu.dma_semaphore, #tpu.memory_space<semaphore_mem>>) src(%dma_wait3A_670 : memref<80x128xf32, #tpu.memory_space<vmem_shared>>) dst(%dma_wait3A_668 : memref<80x128xf32, #tpu.memory_space<vmem>>)
      tpu.yield
    }) : () -> ()
    %mul3A_400 = arith.constant 10240 : i32
    %mul3A_401 = arith.muli %arg0, %mul3A_400 : i32
    %add3A_402 = arith.addi %mul3A_401, %add3A_399 : i32
    %dma_start3A_403 = arith.constant 0 : i32
    %dma_start3A_404 = arith.constant 0 : i32
    %dma_start3A_405 = tpu.memref_slice %arg14[%dma_start3A_403, %dma_start3A_404] : memref<88x128xf32, #tpu.memory_space<vmem>> -> memref<80x128xf32, #tpu.memory_space<vmem>>
    %dma_start3A_406 = arith.constant 0 : i32
    %dma_start3A_407 = tpu.memref_slice %arg6[%add3A_402, %dma_start3A_406] : memref<20480x128xf32, #tpu.memory_space<hbm>> -> memref<80x128xf32, #tpu.memory_space<hbm>>
    %dma_start3A_408 = arith.constant 0 : i32
    %dma_start3A_409 = tpu.memref_slice %arg6[%add3A_402, %dma_start3A_408] : memref<20480x128xf32, #tpu.memory_space<hbm>> -> memref<80x128xf32, #tpu.memory_space<hbm>>
    %dma_start3A_410 = arith.constant 0 : i32
    %dma_start3A_411 = arith.constant 0 : i32
    %dma_start3A_412 = tpu.memref_slice %arg14[%dma_start3A_410, %dma_start3A_411] : memref<88x128xf32, #tpu.memory_space<vmem>> -> memref<80x128xf32, #tpu.memory_space<vmem>>
    tpu.enqueue_dma source(%dma_start3A_412 : memref<80x128xf32, #tpu.memory_space<vmem>>) target(%dma_start3A_409 : memref<80x128xf32, #tpu.memory_space<hbm>>) target_semaphore(%arg21 : memref<!tpu.dma_semaphore, #tpu.memory_space<semaphore_mem>>)
    %mul3A_413 = arith.constant 640 : i32
    %mul3A_414 = arith.muli %arg1, %mul3A_413 : i32
    %add3A_415 = arith.constant 160 : i32
    %add3A_416 = arith.addi %mul3A_414, %add3A_415 : i32
    %mul3A_417 = arith.constant 640 : i32
    %mul3A_418 = arith.muli %arg1, %mul3A_417 : i32
    %add3A_419 = arith.constant 0 : i32
    %add3A_420 = arith.addi %mul3A_418, %add3A_419 : i32
    %mul3A_421 = arith.constant 10240 : i32
    %mul3A_422 = arith.muli %arg0, %mul3A_421 : i32
    %add3A_423 = arith.addi %mul3A_422, %add3A_420 : i32
    %dma_wait3A_424 = arith.constant 0 : i32
    %dma_wait3A_425 = arith.constant 0 : i32
    %dma_wait3A_426 = tpu.memref_slice %arg13[%dma_wait3A_424, %dma_wait3A_425] : memref<88x128xf32, #tpu.memory_space<vmem>> -> memref<80x128xf32, #tpu.memory_space<vmem>>
    %dma_wait3A_427 = arith.constant 0 : i32
    %dma_wait3A_428 = tpu.memref_slice %arg6[%add3A_423, %dma_wait3A_427] : memref<20480x128xf32, #tpu.memory_space<hbm>> -> memref<80x128xf32, #tpu.memory_space<hbm>>
    %dma_wait3A_429 = arith.constant 0 : i32
    %dma_wait3A_430 = tpu.memref_slice %arg6[%add3A_423, %dma_wait3A_429] : memref<20480x128xf32, #tpu.memory_space<hbm>> -> memref<80x128xf32, #tpu.memory_space<hbm>>
    %dma_wait3A_431 = arith.constant 0 : i32
    %dma_wait3A_432 = arith.constant 0 : i32
    %dma_wait3A_433 = tpu.memref_slice %arg13[%dma_wait3A_431, %dma_wait3A_432] : memref<88x128xf32, #tpu.memory_space<vmem>> -> memref<80x128xf32, #tpu.memory_space<vmem>>
    tpu.wait_dma2 semaphore(%arg20 : memref<!tpu.dma_semaphore, #tpu.memory_space<semaphore_mem>>) src(%dma_wait3A_433 : memref<80x128xf32, #tpu.memory_space<vmem>>) dst(%dma_wait3A_430 : memref<80x128xf32, #tpu.memory_space<hbm>>)
    "tpu.region"() ({
      %run_scoped3A = tpu.sem_alloc : memref<!tpu.dma_semaphore, #tpu.memory_space<semaphore_mem>>
      %dma_start3A_651 = arith.constant 0 : i32
      %dma_start3A_652 = arith.constant 0 : i32
      %dma_start3A_653 = tpu.memref_slice %arg13[%dma_start3A_651, %dma_start3A_652] : memref<88x128xf32, #tpu.memory_space<vmem>> -> memref<80x128xf32, #tpu.memory_space<vmem>>
      %dma_start3A_654 = arith.constant 0 : i32
      %dma_start3A_655 = tpu.memref_slice %arg16[%add3A_416, %dma_start3A_654] : memref<10240x128xf32, #tpu.memory_space<vmem_shared>> -> memref<80x128xf32, #tpu.memory_space<vmem_shared>>
      %dma_start3A_656 = arith.constant 0 : i32
      %dma_start3A_657 = arith.constant 0 : i32
      %dma_start3A_658 = tpu.memref_slice %arg13[%dma_start3A_656, %dma_start3A_657] : memref<88x128xf32, #tpu.memory_space<vmem>> -> memref<80x128xf32, #tpu.memory_space<vmem>>
      %dma_start3A_659 = arith.constant 0 : i32
      %dma_start3A_660 = tpu.memref_slice %arg16[%add3A_416, %dma_start3A_659] : memref<10240x128xf32, #tpu.memory_space<vmem_shared>> -> memref<80x128xf32, #tpu.memory_space<vmem_shared>>
      tpu.enqueue_dma source(%dma_start3A_660 : memref<80x128xf32, #tpu.memory_space<vmem_shared>>) target(%dma_start3A_658 : memref<80x128xf32, #tpu.memory_space<vmem>>) target_semaphore(%run_scoped3A : memref<!tpu.dma_semaphore, #tpu.memory_space<semaphore_mem>>)
      %dma_wait3A_661 = arith.constant 0 : i32
      %dma_wait3A_662 = arith.constant 0 : i32
      %dma_wait3A_663 = tpu.memref_slice %arg13[%dma_wait3A_661, %dma_wait3A_662] : memref<88x128xf32, #tpu.memory_space<vmem>> -> memref<80x128xf32, #tpu.memory_space<vmem>>
      %dma_wait3A_664 = arith.constant 0 : i32
      %dma_wait3A_665 = tpu.memref_slice %arg16[%add3A_416, %dma_wait3A_664] : memref<10240x128xf32, #tpu.memory_space<vmem_shared>> -> memref<80x128xf32, #tpu.memory_space<vmem_shared>>
      %dma_wait3A_666 = arith.constant 0 : i32
      %dma_wait3A_667 = arith.constant 0 : i32
      %dma_wait3A_668 = tpu.memref_slice %arg13[%dma_wait3A_666, %dma_wait3A_667] : memref<88x128xf32, #tpu.memory_space<vmem>> -> memref<80x128xf32, #tpu.memory_space<vmem>>
      %dma_wait3A_669 = arith.constant 0 : i32
      %dma_wait3A_670 = tpu.memref_slice %arg16[%add3A_416, %dma_wait3A_669] : memref<10240x128xf32, #tpu.memory_space<vmem_shared>> -> memref<80x128xf32, #tpu.memory_space<vmem_shared>>
      tpu.wait_dma2 semaphore(%run_scoped3A : memref<!tpu.dma_semaphore, #tpu.memory_space<semaphore_mem>>) src(%dma_wait3A_670 : memref<80x128xf32, #tpu.memory_space<vmem_shared>>) dst(%dma_wait3A_668 : memref<80x128xf32, #tpu.memory_space<vmem>>)
      tpu.yield
    }) : () -> ()
    %mul3A_434 = arith.constant 10240 : i32
    %mul3A_435 = arith.muli %arg0, %mul3A_434 : i32
    %add3A_436 = arith.addi %mul3A_435, %add3A_416 : i32
    %dma_start3A_437 = arith.constant 0 : i32
    %dma_start3A_438 = arith.constant 0 : i32
    %dma_start3A_439 = tpu.memref_slice %arg13[%dma_start3A_437, %dma_start3A_438] : memref<88x128xf32, #tpu.memory_space<vmem>> -> memref<80x128xf32, #tpu.memory_space<vmem>>
    %dma_start3A_440 = arith.constant 0 : i32
    %dma_start3A_441 = tpu.memref_slice %arg6[%add3A_436, %dma_start3A_440] : memref<20480x128xf32, #tpu.memory_space<hbm>> -> memref<80x128xf32, #tpu.memory_space<hbm>>
    %dma_start3A_442 = arith.constant 0 : i32
    %dma_start3A_443 = tpu.memref_slice %arg6[%add3A_436, %dma_start3A_442] : memref<20480x128xf32, #tpu.memory_space<hbm>> -> memref<80x128xf32, #tpu.memory_space<hbm>>
    %dma_start3A_444 = arith.constant 0 : i32
    %dma_start3A_445 = arith.constant 0 : i32
    %dma_start3A_446 = tpu.memref_slice %arg13[%dma_start3A_444, %dma_start3A_445] : memref<88x128xf32, #tpu.memory_space<vmem>> -> memref<80x128xf32, #tpu.memory_space<vmem>>
    tpu.enqueue_dma source(%dma_start3A_446 : memref<80x128xf32, #tpu.memory_space<vmem>>) target(%dma_start3A_443 : memref<80x128xf32, #tpu.memory_space<hbm>>) target_semaphore(%arg20 : memref<!tpu.dma_semaphore, #tpu.memory_space<semaphore_mem>>)
    %mul3A_447 = arith.constant 640 : i32
    %mul3A_448 = arith.muli %arg1, %mul3A_447 : i32
    %add3A_449 = arith.constant 240 : i32
    %add3A_450 = arith.addi %mul3A_448, %add3A_449 : i32
    %mul3A_451 = arith.constant 640 : i32
    %mul3A_452 = arith.muli %arg1, %mul3A_451 : i32
    %add3A_453 = arith.constant 80 : i32
    %add3A_454 = arith.addi %mul3A_452, %add3A_453 : i32
    %mul3A_455 = arith.constant 10240 : i32
    %mul3A_456 = arith.muli %arg0, %mul3A_455 : i32
    %add3A_457 = arith.addi %mul3A_456, %add3A_454 : i32
    %dma_wait3A_458 = arith.constant 0 : i32
    %dma_wait3A_459 = arith.constant 0 : i32
    %dma_wait3A_460 = tpu.memref_slice %arg14[%dma_wait3A_458, %dma_wait3A_459] : memref<88x128xf32, #tpu.memory_space<vmem>> -> memref<80x128xf32, #tpu.memory_space<vmem>>
    %dma_wait3A_461 = arith.constant 0 : i32
    %dma_wait3A_462 = tpu.memref_slice %arg6[%add3A_457, %dma_wait3A_461] : memref<20480x128xf32, #tpu.memory_space<hbm>> -> memref<80x128xf32, #tpu.memory_space<hbm>>
    %dma_wait3A_463 = arith.constant 0 : i32
    %dma_wait3A_464 = tpu.memref_slice %arg6[%add3A_457, %dma_wait3A_463] : memref<20480x128xf32, #tpu.memory_space<hbm>> -> memref<80x128xf32, #tpu.memory_space<hbm>>
    %dma_wait3A_465 = arith.constant 0 : i32
    %dma_wait3A_466 = arith.constant 0 : i32
    %dma_wait3A_467 = tpu.memref_slice %arg14[%dma_wait3A_465, %dma_wait3A_466] : memref<88x128xf32, #tpu.memory_space<vmem>> -> memref<80x128xf32, #tpu.memory_space<vmem>>
    tpu.wait_dma2 semaphore(%arg21 : memref<!tpu.dma_semaphore, #tpu.memory_space<semaphore_mem>>) src(%dma_wait3A_467 : memref<80x128xf32, #tpu.memory_space<vmem>>) dst(%dma_wait3A_464 : memref<80x128xf32, #tpu.memory_space<hbm>>)
    "tpu.region"() ({
      %run_scoped3A = tpu.sem_alloc : memref<!tpu.dma_semaphore, #tpu.memory_space<semaphore_mem>>
      %dma_start3A_651 = arith.constant 0 : i32
      %dma_start3A_652 = arith.constant 0 : i32
      %dma_start3A_653 = tpu.memref_slice %arg14[%dma_start3A_651, %dma_start3A_652] : memref<88x128xf32, #tpu.memory_space<vmem>> -> memref<80x128xf32, #tpu.memory_space<vmem>>
      %dma_start3A_654 = arith.constant 0 : i32
      %dma_start3A_655 = tpu.memref_slice %arg16[%add3A_450, %dma_start3A_654] : memref<10240x128xf32, #tpu.memory_space<vmem_shared>> -> memref<80x128xf32, #tpu.memory_space<vmem_shared>>
      %dma_start3A_656 = arith.constant 0 : i32
      %dma_start3A_657 = arith.constant 0 : i32
      %dma_start3A_658 = tpu.memref_slice %arg14[%dma_start3A_656, %dma_start3A_657] : memref<88x128xf32, #tpu.memory_space<vmem>> -> memref<80x128xf32, #tpu.memory_space<vmem>>
      %dma_start3A_659 = arith.constant 0 : i32
      %dma_start3A_660 = tpu.memref_slice %arg16[%add3A_450, %dma_start3A_659] : memref<10240x128xf32, #tpu.memory_space<vmem_shared>> -> memref<80x128xf32, #tpu.memory_space<vmem_shared>>
      tpu.enqueue_dma source(%dma_start3A_660 : memref<80x128xf32, #tpu.memory_space<vmem_shared>>) target(%dma_start3A_658 : memref<80x128xf32, #tpu.memory_space<vmem>>) target_semaphore(%run_scoped3A : memref<!tpu.dma_semaphore, #tpu.memory_space<semaphore_mem>>)
      %dma_wait3A_661 = arith.constant 0 : i32
      %dma_wait3A_662 = arith.constant 0 : i32
      %dma_wait3A_663 = tpu.memref_slice %arg14[%dma_wait3A_661, %dma_wait3A_662] : memref<88x128xf32, #tpu.memory_space<vmem>> -> memref<80x128xf32, #tpu.memory_space<vmem>>
      %dma_wait3A_664 = arith.constant 0 : i32
      %dma_wait3A_665 = tpu.memref_slice %arg16[%add3A_450, %dma_wait3A_664] : memref<10240x128xf32, #tpu.memory_space<vmem_shared>> -> memref<80x128xf32, #tpu.memory_space<vmem_shared>>
      %dma_wait3A_666 = arith.constant 0 : i32
      %dma_wait3A_667 = arith.constant 0 : i32
      %dma_wait3A_668 = tpu.memref_slice %arg14[%dma_wait3A_666, %dma_wait3A_667] : memref<88x128xf32, #tpu.memory_space<vmem>> -> memref<80x128xf32, #tpu.memory_space<vmem>>
      %dma_wait3A_669 = arith.constant 0 : i32
      %dma_wait3A_670 = tpu.memref_slice %arg16[%add3A_450, %dma_wait3A_669] : memref<10240x128xf32, #tpu.memory_space<vmem_shared>> -> memref<80x128xf32, #tpu.memory_space<vmem_shared>>
      tpu.wait_dma2 semaphore(%run_scoped3A : memref<!tpu.dma_semaphore, #tpu.memory_space<semaphore_mem>>) src(%dma_wait3A_670 : memref<80x128xf32, #tpu.memory_space<vmem_shared>>) dst(%dma_wait3A_668 : memref<80x128xf32, #tpu.memory_space<vmem>>)
      tpu.yield
    }) : () -> ()
    %mul3A_468 = arith.constant 10240 : i32
    %mul3A_469 = arith.muli %arg0, %mul3A_468 : i32
    %add3A_470 = arith.addi %mul3A_469, %add3A_450 : i32
    %dma_start3A_471 = arith.constant 0 : i32
    %dma_start3A_472 = arith.constant 0 : i32
    %dma_start3A_473 = tpu.memref_slice %arg14[%dma_start3A_471, %dma_start3A_472] : memref<88x128xf32, #tpu.memory_space<vmem>> -> memref<80x128xf32, #tpu.memory_space<vmem>>
    %dma_start3A_474 = arith.constant 0 : i32
    %dma_start3A_475 = tpu.memref_slice %arg6[%add3A_470, %dma_start3A_474] : memref<20480x128xf32, #tpu.memory_space<hbm>> -> memref<80x128xf32, #tpu.memory_space<hbm>>
    %dma_start3A_476 = arith.constant 0 : i32
    %dma_start3A_477 = tpu.memref_slice %arg6[%add3A_470, %dma_start3A_476] : memref<20480x128xf32, #tpu.memory_space<hbm>> -> memref<80x128xf32, #tpu.memory_space<hbm>>
    %dma_start3A_478 = arith.constant 0 : i32
    %dma_start3A_479 = arith.constant 0 : i32
    %dma_start3A_480 = tpu.memref_slice %arg14[%dma_start3A_478, %dma_start3A_479] : memref<88x128xf32, #tpu.memory_space<vmem>> -> memref<80x128xf32, #tpu.memory_space<vmem>>
    tpu.enqueue_dma source(%dma_start3A_480 : memref<80x128xf32, #tpu.memory_space<vmem>>) target(%dma_start3A_477 : memref<80x128xf32, #tpu.memory_space<hbm>>) target_semaphore(%arg21 : memref<!tpu.dma_semaphore, #tpu.memory_space<semaphore_mem>>)
    %mul3A_481 = arith.constant 640 : i32
    %mul3A_482 = arith.muli %arg1, %mul3A_481 : i32
    %add3A_483 = arith.constant 320 : i32
    %add3A_484 = arith.addi %mul3A_482, %add3A_483 : i32
    %mul3A_485 = arith.constant 640 : i32
    %mul3A_486 = arith.muli %arg1, %mul3A_485 : i32
    %add3A_487 = arith.constant 160 : i32
    %add3A_488 = arith.addi %mul3A_486, %add3A_487 : i32
    %mul3A_489 = arith.constant 10240 : i32
    %mul3A_490 = arith.muli %arg0, %mul3A_489 : i32
    %add3A_491 = arith.addi %mul3A_490, %add3A_488 : i32
    %dma_wait3A_492 = arith.constant 0 : i32
    %dma_wait3A_493 = arith.constant 0 : i32
    %dma_wait3A_494 = tpu.memref_slice %arg13[%dma_wait3A_492, %dma_wait3A_493] : memref<88x128xf32, #tpu.memory_space<vmem>> -> memref<80x128xf32, #tpu.memory_space<vmem>>
    %dma_wait3A_495 = arith.constant 0 : i32
    %dma_wait3A_496 = tpu.memref_slice %arg6[%add3A_491, %dma_wait3A_495] : memref<20480x128xf32, #tpu.memory_space<hbm>> -> memref<80x128xf32, #tpu.memory_space<hbm>>
    %dma_wait3A_497 = arith.constant 0 : i32
    %dma_wait3A_498 = tpu.memref_slice %arg6[%add3A_491, %dma_wait3A_497] : memref<20480x128xf32, #tpu.memory_space<hbm>> -> memref<80x128xf32, #tpu.memory_space<hbm>>
    %dma_wait3A_499 = arith.constant 0 : i32
    %dma_wait3A_500 = arith.constant 0 : i32
    %dma_wait3A_501 = tpu.memref_slice %arg13[%dma_wait3A_499, %dma_wait3A_500] : memref<88x128xf32, #tpu.memory_space<vmem>> -> memref<80x128xf32, #tpu.memory_space<vmem>>
    tpu.wait_dma2 semaphore(%arg20 : memref<!tpu.dma_semaphore, #tpu.memory_space<semaphore_mem>>) src(%dma_wait3A_501 : memref<80x128xf32, #tpu.memory_space<vmem>>) dst(%dma_wait3A_498 : memref<80x128xf32, #tpu.memory_space<hbm>>)
    "tpu.region"() ({
      %run_scoped3A = tpu.sem_alloc : memref<!tpu.dma_semaphore, #tpu.memory_space<semaphore_mem>>
      %dma_start3A_651 = arith.constant 0 : i32
      %dma_start3A_652 = arith.constant 0 : i32
      %dma_start3A_653 = tpu.memref_slice %arg13[%dma_start3A_651, %dma_start3A_652] : memref<88x128xf32, #tpu.memory_space<vmem>> -> memref<80x128xf32, #tpu.memory_space<vmem>>
      %dma_start3A_654 = arith.constant 0 : i32
      %dma_start3A_655 = tpu.memref_slice %arg16[%add3A_484, %dma_start3A_654] : memref<10240x128xf32, #tpu.memory_space<vmem_shared>> -> memref<80x128xf32, #tpu.memory_space<vmem_shared>>
      %dma_start3A_656 = arith.constant 0 : i32
      %dma_start3A_657 = arith.constant 0 : i32
      %dma_start3A_658 = tpu.memref_slice %arg13[%dma_start3A_656, %dma_start3A_657] : memref<88x128xf32, #tpu.memory_space<vmem>> -> memref<80x128xf32, #tpu.memory_space<vmem>>
      %dma_start3A_659 = arith.constant 0 : i32
      %dma_start3A_660 = tpu.memref_slice %arg16[%add3A_484, %dma_start3A_659] : memref<10240x128xf32, #tpu.memory_space<vmem_shared>> -> memref<80x128xf32, #tpu.memory_space<vmem_shared>>
      tpu.enqueue_dma source(%dma_start3A_660 : memref<80x128xf32, #tpu.memory_space<vmem_shared>>) target(%dma_start3A_658 : memref<80x128xf32, #tpu.memory_space<vmem>>) target_semaphore(%run_scoped3A : memref<!tpu.dma_semaphore, #tpu.memory_space<semaphore_mem>>)
      %dma_wait3A_661 = arith.constant 0 : i32
      %dma_wait3A_662 = arith.constant 0 : i32
      %dma_wait3A_663 = tpu.memref_slice %arg13[%dma_wait3A_661, %dma_wait3A_662] : memref<88x128xf32, #tpu.memory_space<vmem>> -> memref<80x128xf32, #tpu.memory_space<vmem>>
      %dma_wait3A_664 = arith.constant 0 : i32
      %dma_wait3A_665 = tpu.memref_slice %arg16[%add3A_484, %dma_wait3A_664] : memref<10240x128xf32, #tpu.memory_space<vmem_shared>> -> memref<80x128xf32, #tpu.memory_space<vmem_shared>>
      %dma_wait3A_666 = arith.constant 0 : i32
      %dma_wait3A_667 = arith.constant 0 : i32
      %dma_wait3A_668 = tpu.memref_slice %arg13[%dma_wait3A_666, %dma_wait3A_667] : memref<88x128xf32, #tpu.memory_space<vmem>> -> memref<80x128xf32, #tpu.memory_space<vmem>>
      %dma_wait3A_669 = arith.constant 0 : i32
      %dma_wait3A_670 = tpu.memref_slice %arg16[%add3A_484, %dma_wait3A_669] : memref<10240x128xf32, #tpu.memory_space<vmem_shared>> -> memref<80x128xf32, #tpu.memory_space<vmem_shared>>
      tpu.wait_dma2 semaphore(%run_scoped3A : memref<!tpu.dma_semaphore, #tpu.memory_space<semaphore_mem>>) src(%dma_wait3A_670 : memref<80x128xf32, #tpu.memory_space<vmem_shared>>) dst(%dma_wait3A_668 : memref<80x128xf32, #tpu.memory_space<vmem>>)
      tpu.yield
    }) : () -> ()
    %mul3A_502 = arith.constant 10240 : i32
    %mul3A_503 = arith.muli %arg0, %mul3A_502 : i32
    %add3A_504 = arith.addi %mul3A_503, %add3A_484 : i32
    %dma_start3A_505 = arith.constant 0 : i32
    %dma_start3A_506 = arith.constant 0 : i32
    %dma_start3A_507 = tpu.memref_slice %arg13[%dma_start3A_505, %dma_start3A_506] : memref<88x128xf32, #tpu.memory_space<vmem>> -> memref<80x128xf32, #tpu.memory_space<vmem>>
    %dma_start3A_508 = arith.constant 0 : i32
    %dma_start3A_509 = tpu.memref_slice %arg6[%add3A_504, %dma_start3A_508] : memref<20480x128xf32, #tpu.memory_space<hbm>> -> memref<80x128xf32, #tpu.memory_space<hbm>>
    %dma_start3A_510 = arith.constant 0 : i32
    %dma_start3A_511 = tpu.memref_slice %arg6[%add3A_504, %dma_start3A_510] : memref<20480x128xf32, #tpu.memory_space<hbm>> -> memref<80x128xf32, #tpu.memory_space<hbm>>
    %dma_start3A_512 = arith.constant 0 : i32
    %dma_start3A_513 = arith.constant 0 : i32
    %dma_start3A_514 = tpu.memref_slice %arg13[%dma_start3A_512, %dma_start3A_513] : memref<88x128xf32, #tpu.memory_space<vmem>> -> memref<80x128xf32, #tpu.memory_space<vmem>>
    tpu.enqueue_dma source(%dma_start3A_514 : memref<80x128xf32, #tpu.memory_space<vmem>>) target(%dma_start3A_511 : memref<80x128xf32, #tpu.memory_space<hbm>>) target_semaphore(%arg20 : memref<!tpu.dma_semaphore, #tpu.memory_space<semaphore_mem>>)
    %mul3A_515 = arith.constant 640 : i32
    %mul3A_516 = arith.muli %arg1, %mul3A_515 : i32
    %add3A_517 = arith.constant 400 : i32
    %add3A_518 = arith.addi %mul3A_516, %add3A_517 : i32
    %mul3A_519 = arith.constant 640 : i32
    %mul3A_520 = arith.muli %arg1, %mul3A_519 : i32
    %add3A_521 = arith.constant 240 : i32
    %add3A_522 = arith.addi %mul3A_520, %add3A_521 : i32
    %mul3A_523 = arith.constant 10240 : i32
    %mul3A_524 = arith.muli %arg0, %mul3A_523 : i32
    %add3A_525 = arith.addi %mul3A_524, %add3A_522 : i32
    %dma_wait3A_526 = arith.constant 0 : i32
    %dma_wait3A_527 = arith.constant 0 : i32
    %dma_wait3A_528 = tpu.memref_slice %arg14[%dma_wait3A_526, %dma_wait3A_527] : memref<88x128xf32, #tpu.memory_space<vmem>> -> memref<80x128xf32, #tpu.memory_space<vmem>>
    %dma_wait3A_529 = arith.constant 0 : i32
    %dma_wait3A_530 = tpu.memref_slice %arg6[%add3A_525, %dma_wait3A_529] : memref<20480x128xf32, #tpu.memory_space<hbm>> -> memref<80x128xf32, #tpu.memory_space<hbm>>
    %dma_wait3A_531 = arith.constant 0 : i32
    %dma_wait3A_532 = tpu.memref_slice %arg6[%add3A_525, %dma_wait3A_531] : memref<20480x128xf32, #tpu.memory_space<hbm>> -> memref<80x128xf32, #tpu.memory_space<hbm>>
    %dma_wait3A_533 = arith.constant 0 : i32
    %dma_wait3A_534 = arith.constant 0 : i32
    %dma_wait3A_535 = tpu.memref_slice %arg14[%dma_wait3A_533, %dma_wait3A_534] : memref<88x128xf32, #tpu.memory_space<vmem>> -> memref<80x128xf32, #tpu.memory_space<vmem>>
    tpu.wait_dma2 semaphore(%arg21 : memref<!tpu.dma_semaphore, #tpu.memory_space<semaphore_mem>>) src(%dma_wait3A_535 : memref<80x128xf32, #tpu.memory_space<vmem>>) dst(%dma_wait3A_532 : memref<80x128xf32, #tpu.memory_space<hbm>>)
    "tpu.region"() ({
      %run_scoped3A = tpu.sem_alloc : memref<!tpu.dma_semaphore, #tpu.memory_space<semaphore_mem>>
      %dma_start3A_651 = arith.constant 0 : i32
      %dma_start3A_652 = arith.constant 0 : i32
      %dma_start3A_653 = tpu.memref_slice %arg14[%dma_start3A_651, %dma_start3A_652] : memref<88x128xf32, #tpu.memory_space<vmem>> -> memref<80x128xf32, #tpu.memory_space<vmem>>
      %dma_start3A_654 = arith.constant 0 : i32
      %dma_start3A_655 = tpu.memref_slice %arg16[%add3A_518, %dma_start3A_654] : memref<10240x128xf32, #tpu.memory_space<vmem_shared>> -> memref<80x128xf32, #tpu.memory_space<vmem_shared>>
      %dma_start3A_656 = arith.constant 0 : i32
      %dma_start3A_657 = arith.constant 0 : i32
      %dma_start3A_658 = tpu.memref_slice %arg14[%dma_start3A_656, %dma_start3A_657] : memref<88x128xf32, #tpu.memory_space<vmem>> -> memref<80x128xf32, #tpu.memory_space<vmem>>
      %dma_start3A_659 = arith.constant 0 : i32
      %dma_start3A_660 = tpu.memref_slice %arg16[%add3A_518, %dma_start3A_659] : memref<10240x128xf32, #tpu.memory_space<vmem_shared>> -> memref<80x128xf32, #tpu.memory_space<vmem_shared>>
      tpu.enqueue_dma source(%dma_start3A_660 : memref<80x128xf32, #tpu.memory_space<vmem_shared>>) target(%dma_start3A_658 : memref<80x128xf32, #tpu.memory_space<vmem>>) target_semaphore(%run_scoped3A : memref<!tpu.dma_semaphore, #tpu.memory_space<semaphore_mem>>)
      %dma_wait3A_661 = arith.constant 0 : i32
      %dma_wait3A_662 = arith.constant 0 : i32
      %dma_wait3A_663 = tpu.memref_slice %arg14[%dma_wait3A_661, %dma_wait3A_662] : memref<88x128xf32, #tpu.memory_space<vmem>> -> memref<80x128xf32, #tpu.memory_space<vmem>>
      %dma_wait3A_664 = arith.constant 0 : i32
      %dma_wait3A_665 = tpu.memref_slice %arg16[%add3A_518, %dma_wait3A_664] : memref<10240x128xf32, #tpu.memory_space<vmem_shared>> -> memref<80x128xf32, #tpu.memory_space<vmem_shared>>
      %dma_wait3A_666 = arith.constant 0 : i32
      %dma_wait3A_667 = arith.constant 0 : i32
      %dma_wait3A_668 = tpu.memref_slice %arg14[%dma_wait3A_666, %dma_wait3A_667] : memref<88x128xf32, #tpu.memory_space<vmem>> -> memref<80x128xf32, #tpu.memory_space<vmem>>
      %dma_wait3A_669 = arith.constant 0 : i32
      %dma_wait3A_670 = tpu.memref_slice %arg16[%add3A_518, %dma_wait3A_669] : memref<10240x128xf32, #tpu.memory_space<vmem_shared>> -> memref<80x128xf32, #tpu.memory_space<vmem_shared>>
      tpu.wait_dma2 semaphore(%run_scoped3A : memref<!tpu.dma_semaphore, #tpu.memory_space<semaphore_mem>>) src(%dma_wait3A_670 : memref<80x128xf32, #tpu.memory_space<vmem_shared>>) dst(%dma_wait3A_668 : memref<80x128xf32, #tpu.memory_space<vmem>>)
      tpu.yield
    }) : () -> ()
    %mul3A_536 = arith.constant 10240 : i32
    %mul3A_537 = arith.muli %arg0, %mul3A_536 : i32
    %add3A_538 = arith.addi %mul3A_537, %add3A_518 : i32
    %dma_start3A_539 = arith.constant 0 : i32
    %dma_start3A_540 = arith.constant 0 : i32
    %dma_start3A_541 = tpu.memref_slice %arg14[%dma_start3A_539, %dma_start3A_540] : memref<88x128xf32, #tpu.memory_space<vmem>> -> memref<80x128xf32, #tpu.memory_space<vmem>>
    %dma_start3A_542 = arith.constant 0 : i32
    %dma_start3A_543 = tpu.memref_slice %arg6[%add3A_538, %dma_start3A_542] : memref<20480x128xf32, #tpu.memory_space<hbm>> -> memref<80x128xf32, #tpu.memory_space<hbm>>
    %dma_start3A_544 = arith.constant 0 : i32
    %dma_start3A_545 = tpu.memref_slice %arg6[%add3A_538, %dma_start3A_544] : memref<20480x128xf32, #tpu.memory_space<hbm>> -> memref<80x128xf32, #tpu.memory_space<hbm>>
    %dma_start3A_546 = arith.constant 0 : i32
    %dma_start3A_547 = arith.constant 0 : i32
    %dma_start3A_548 = tpu.memref_slice %arg14[%dma_start3A_546, %dma_start3A_547] : memref<88x128xf32, #tpu.memory_space<vmem>> -> memref<80x128xf32, #tpu.memory_space<vmem>>
    tpu.enqueue_dma source(%dma_start3A_548 : memref<80x128xf32, #tpu.memory_space<vmem>>) target(%dma_start3A_545 : memref<80x128xf32, #tpu.memory_space<hbm>>) target_semaphore(%arg21 : memref<!tpu.dma_semaphore, #tpu.memory_space<semaphore_mem>>)
    %mul3A_549 = arith.constant 640 : i32
    %mul3A_550 = arith.muli %arg1, %mul3A_549 : i32
    %add3A_551 = arith.constant 480 : i32
    %add3A_552 = arith.addi %mul3A_550, %add3A_551 : i32
    %mul3A_553 = arith.constant 640 : i32
    %mul3A_554 = arith.muli %arg1, %mul3A_553 : i32
    %add3A_555 = arith.constant 320 : i32
    %add3A_556 = arith.addi %mul3A_554, %add3A_555 : i32
    %mul3A_557 = arith.constant 10240 : i32
    %mul3A_558 = arith.muli %arg0, %mul3A_557 : i32
    %add3A_559 = arith.addi %mul3A_558, %add3A_556 : i32
    %dma_wait3A_560 = arith.constant 0 : i32
    %dma_wait3A_561 = arith.constant 0 : i32
    %dma_wait3A_562 = tpu.memref_slice %arg13[%dma_wait3A_560, %dma_wait3A_561] : memref<88x128xf32, #tpu.memory_space<vmem>> -> memref<80x128xf32, #tpu.memory_space<vmem>>
    %dma_wait3A_563 = arith.constant 0 : i32
    %dma_wait3A_564 = tpu.memref_slice %arg6[%add3A_559, %dma_wait3A_563] : memref<20480x128xf32, #tpu.memory_space<hbm>> -> memref<80x128xf32, #tpu.memory_space<hbm>>
    %dma_wait3A_565 = arith.constant 0 : i32
    %dma_wait3A_566 = tpu.memref_slice %arg6[%add3A_559, %dma_wait3A_565] : memref<20480x128xf32, #tpu.memory_space<hbm>> -> memref<80x128xf32, #tpu.memory_space<hbm>>
    %dma_wait3A_567 = arith.constant 0 : i32
    %dma_wait3A_568 = arith.constant 0 : i32
    %dma_wait3A_569 = tpu.memref_slice %arg13[%dma_wait3A_567, %dma_wait3A_568] : memref<88x128xf32, #tpu.memory_space<vmem>> -> memref<80x128xf32, #tpu.memory_space<vmem>>
    tpu.wait_dma2 semaphore(%arg20 : memref<!tpu.dma_semaphore, #tpu.memory_space<semaphore_mem>>) src(%dma_wait3A_569 : memref<80x128xf32, #tpu.memory_space<vmem>>) dst(%dma_wait3A_566 : memref<80x128xf32, #tpu.memory_space<hbm>>)
    "tpu.region"() ({
      %run_scoped3A = tpu.sem_alloc : memref<!tpu.dma_semaphore, #tpu.memory_space<semaphore_mem>>
      %dma_start3A_651 = arith.constant 0 : i32
      %dma_start3A_652 = arith.constant 0 : i32
      %dma_start3A_653 = tpu.memref_slice %arg13[%dma_start3A_651, %dma_start3A_652] : memref<88x128xf32, #tpu.memory_space<vmem>> -> memref<80x128xf32, #tpu.memory_space<vmem>>
      %dma_start3A_654 = arith.constant 0 : i32
      %dma_start3A_655 = tpu.memref_slice %arg16[%add3A_552, %dma_start3A_654] : memref<10240x128xf32, #tpu.memory_space<vmem_shared>> -> memref<80x128xf32, #tpu.memory_space<vmem_shared>>
      %dma_start3A_656 = arith.constant 0 : i32
      %dma_start3A_657 = arith.constant 0 : i32
      %dma_start3A_658 = tpu.memref_slice %arg13[%dma_start3A_656, %dma_start3A_657] : memref<88x128xf32, #tpu.memory_space<vmem>> -> memref<80x128xf32, #tpu.memory_space<vmem>>
      %dma_start3A_659 = arith.constant 0 : i32
      %dma_start3A_660 = tpu.memref_slice %arg16[%add3A_552, %dma_start3A_659] : memref<10240x128xf32, #tpu.memory_space<vmem_shared>> -> memref<80x128xf32, #tpu.memory_space<vmem_shared>>
      tpu.enqueue_dma source(%dma_start3A_660 : memref<80x128xf32, #tpu.memory_space<vmem_shared>>) target(%dma_start3A_658 : memref<80x128xf32, #tpu.memory_space<vmem>>) target_semaphore(%run_scoped3A : memref<!tpu.dma_semaphore, #tpu.memory_space<semaphore_mem>>)
      %dma_wait3A_661 = arith.constant 0 : i32
      %dma_wait3A_662 = arith.constant 0 : i32
      %dma_wait3A_663 = tpu.memref_slice %arg13[%dma_wait3A_661, %dma_wait3A_662] : memref<88x128xf32, #tpu.memory_space<vmem>> -> memref<80x128xf32, #tpu.memory_space<vmem>>
      %dma_wait3A_664 = arith.constant 0 : i32
      %dma_wait3A_665 = tpu.memref_slice %arg16[%add3A_552, %dma_wait3A_664] : memref<10240x128xf32, #tpu.memory_space<vmem_shared>> -> memref<80x128xf32, #tpu.memory_space<vmem_shared>>
      %dma_wait3A_666 = arith.constant 0 : i32
      %dma_wait3A_667 = arith.constant 0 : i32
      %dma_wait3A_668 = tpu.memref_slice %arg13[%dma_wait3A_666, %dma_wait3A_667] : memref<88x128xf32, #tpu.memory_space<vmem>> -> memref<80x128xf32, #tpu.memory_space<vmem>>
      %dma_wait3A_669 = arith.constant 0 : i32
      %dma_wait3A_670 = tpu.memref_slice %arg16[%add3A_552, %dma_wait3A_669] : memref<10240x128xf32, #tpu.memory_space<vmem_shared>> -> memref<80x128xf32, #tpu.memory_space<vmem_shared>>
      tpu.wait_dma2 semaphore(%run_scoped3A : memref<!tpu.dma_semaphore, #tpu.memory_space<semaphore_mem>>) src(%dma_wait3A_670 : memref<80x128xf32, #tpu.memory_space<vmem_shared>>) dst(%dma_wait3A_668 : memref<80x128xf32, #tpu.memory_space<vmem>>)
      tpu.yield
    }) : () -> ()
    %mul3A_570 = arith.constant 10240 : i32
    %mul3A_571 = arith.muli %arg0, %mul3A_570 : i32
    %add3A_572 = arith.addi %mul3A_571, %add3A_552 : i32
    %dma_start3A_573 = arith.constant 0 : i32
    %dma_start3A_574 = arith.constant 0 : i32
    %dma_start3A_575 = tpu.memref_slice %arg13[%dma_start3A_573, %dma_start3A_574] : memref<88x128xf32, #tpu.memory_space<vmem>> -> memref<80x128xf32, #tpu.memory_space<vmem>>
    %dma_start3A_576 = arith.constant 0 : i32
    %dma_start3A_577 = tpu.memref_slice %arg6[%add3A_572, %dma_start3A_576] : memref<20480x128xf32, #tpu.memory_space<hbm>> -> memref<80x128xf32, #tpu.memory_space<hbm>>
    %dma_start3A_578 = arith.constant 0 : i32
    %dma_start3A_579 = tpu.memref_slice %arg6[%add3A_572, %dma_start3A_578] : memref<20480x128xf32, #tpu.memory_space<hbm>> -> memref<80x128xf32, #tpu.memory_space<hbm>>
    %dma_start3A_580 = arith.constant 0 : i32
    %dma_start3A_581 = arith.constant 0 : i32
    %dma_start3A_582 = tpu.memref_slice %arg13[%dma_start3A_580, %dma_start3A_581] : memref<88x128xf32, #tpu.memory_space<vmem>> -> memref<80x128xf32, #tpu.memory_space<vmem>>
    tpu.enqueue_dma source(%dma_start3A_582 : memref<80x128xf32, #tpu.memory_space<vmem>>) target(%dma_start3A_579 : memref<80x128xf32, #tpu.memory_space<hbm>>) target_semaphore(%arg20 : memref<!tpu.dma_semaphore, #tpu.memory_space<semaphore_mem>>)
    %mul3A_583 = arith.constant 640 : i32
    %mul3A_584 = arith.muli %arg1, %mul3A_583 : i32
    %add3A_585 = arith.constant 560 : i32
    %add3A_586 = arith.addi %mul3A_584, %add3A_585 : i32
    %mul3A_587 = arith.constant 640 : i32
    %mul3A_588 = arith.muli %arg1, %mul3A_587 : i32
    %add3A_589 = arith.constant 400 : i32
    %add3A_590 = arith.addi %mul3A_588, %add3A_589 : i32
    %mul3A_591 = arith.constant 10240 : i32
    %mul3A_592 = arith.muli %arg0, %mul3A_591 : i32
    %add3A_593 = arith.addi %mul3A_592, %add3A_590 : i32
    %dma_wait3A_594 = arith.constant 0 : i32
    %dma_wait3A_595 = arith.constant 0 : i32
    %dma_wait3A_596 = tpu.memref_slice %arg14[%dma_wait3A_594, %dma_wait3A_595] : memref<88x128xf32, #tpu.memory_space<vmem>> -> memref<80x128xf32, #tpu.memory_space<vmem>>
    %dma_wait3A_597 = arith.constant 0 : i32
    %dma_wait3A_598 = tpu.memref_slice %arg6[%add3A_593, %dma_wait3A_597] : memref<20480x128xf32, #tpu.memory_space<hbm>> -> memref<80x128xf32, #tpu.memory_space<hbm>>
    %dma_wait3A_599 = arith.constant 0 : i32
    %dma_wait3A_600 = tpu.memref_slice %arg6[%add3A_593, %dma_wait3A_599] : memref<20480x128xf32, #tpu.memory_space<hbm>> -> memref<80x128xf32, #tpu.memory_space<hbm>>
    %dma_wait3A_601 = arith.constant 0 : i32
    %dma_wait3A_602 = arith.constant 0 : i32
    %dma_wait3A_603 = tpu.memref_slice %arg14[%dma_wait3A_601, %dma_wait3A_602] : memref<88x128xf32, #tpu.memory_space<vmem>> -> memref<80x128xf32, #tpu.memory_space<vmem>>
    tpu.wait_dma2 semaphore(%arg21 : memref<!tpu.dma_semaphore, #tpu.memory_space<semaphore_mem>>) src(%dma_wait3A_603 : memref<80x128xf32, #tpu.memory_space<vmem>>) dst(%dma_wait3A_600 : memref<80x128xf32, #tpu.memory_space<hbm>>)
    "tpu.region"() ({
      %run_scoped3A = tpu.sem_alloc : memref<!tpu.dma_semaphore, #tpu.memory_space<semaphore_mem>>
      %dma_start3A_651 = arith.constant 0 : i32
      %dma_start3A_652 = arith.constant 0 : i32
      %dma_start3A_653 = tpu.memref_slice %arg14[%dma_start3A_651, %dma_start3A_652] : memref<88x128xf32, #tpu.memory_space<vmem>> -> memref<80x128xf32, #tpu.memory_space<vmem>>
      %dma_start3A_654 = arith.constant 0 : i32
      %dma_start3A_655 = tpu.memref_slice %arg16[%add3A_586, %dma_start3A_654] : memref<10240x128xf32, #tpu.memory_space<vmem_shared>> -> memref<80x128xf32, #tpu.memory_space<vmem_shared>>
      %dma_start3A_656 = arith.constant 0 : i32
      %dma_start3A_657 = arith.constant 0 : i32
      %dma_start3A_658 = tpu.memref_slice %arg14[%dma_start3A_656, %dma_start3A_657] : memref<88x128xf32, #tpu.memory_space<vmem>> -> memref<80x128xf32, #tpu.memory_space<vmem>>
      %dma_start3A_659 = arith.constant 0 : i32
      %dma_start3A_660 = tpu.memref_slice %arg16[%add3A_586, %dma_start3A_659] : memref<10240x128xf32, #tpu.memory_space<vmem_shared>> -> memref<80x128xf32, #tpu.memory_space<vmem_shared>>
      tpu.enqueue_dma source(%dma_start3A_660 : memref<80x128xf32, #tpu.memory_space<vmem_shared>>) target(%dma_start3A_658 : memref<80x128xf32, #tpu.memory_space<vmem>>) target_semaphore(%run_scoped3A : memref<!tpu.dma_semaphore, #tpu.memory_space<semaphore_mem>>)
      %dma_wait3A_661 = arith.constant 0 : i32
      %dma_wait3A_662 = arith.constant 0 : i32
      %dma_wait3A_663 = tpu.memref_slice %arg14[%dma_wait3A_661, %dma_wait3A_662] : memref<88x128xf32, #tpu.memory_space<vmem>> -> memref<80x128xf32, #tpu.memory_space<vmem>>
      %dma_wait3A_664 = arith.constant 0 : i32
      %dma_wait3A_665 = tpu.memref_slice %arg16[%add3A_586, %dma_wait3A_664] : memref<10240x128xf32, #tpu.memory_space<vmem_shared>> -> memref<80x128xf32, #tpu.memory_space<vmem_shared>>
      %dma_wait3A_666 = arith.constant 0 : i32
      %dma_wait3A_667 = arith.constant 0 : i32
      %dma_wait3A_668 = tpu.memref_slice %arg14[%dma_wait3A_666, %dma_wait3A_667] : memref<88x128xf32, #tpu.memory_space<vmem>> -> memref<80x128xf32, #tpu.memory_space<vmem>>
      %dma_wait3A_669 = arith.constant 0 : i32
      %dma_wait3A_670 = tpu.memref_slice %arg16[%add3A_586, %dma_wait3A_669] : memref<10240x128xf32, #tpu.memory_space<vmem_shared>> -> memref<80x128xf32, #tpu.memory_space<vmem_shared>>
      tpu.wait_dma2 semaphore(%run_scoped3A : memref<!tpu.dma_semaphore, #tpu.memory_space<semaphore_mem>>) src(%dma_wait3A_670 : memref<80x128xf32, #tpu.memory_space<vmem_shared>>) dst(%dma_wait3A_668 : memref<80x128xf32, #tpu.memory_space<vmem>>)
      tpu.yield
    }) : () -> ()
    %mul3A_604 = arith.constant 10240 : i32
    %mul3A_605 = arith.muli %arg0, %mul3A_604 : i32
    %add3A_606 = arith.addi %mul3A_605, %add3A_586 : i32
    %dma_start3A_607 = arith.constant 0 : i32
    %dma_start3A_608 = arith.constant 0 : i32
    %dma_start3A_609 = tpu.memref_slice %arg14[%dma_start3A_607, %dma_start3A_608] : memref<88x128xf32, #tpu.memory_space<vmem>> -> memref<80x128xf32, #tpu.memory_space<vmem>>
    %dma_start3A_610 = arith.constant 0 : i32
    %dma_start3A_611 = tpu.memref_slice %arg6[%add3A_606, %dma_start3A_610] : memref<20480x128xf32, #tpu.memory_space<hbm>> -> memref<80x128xf32, #tpu.memory_space<hbm>>
    %dma_start3A_612 = arith.constant 0 : i32
    %dma_start3A_613 = tpu.memref_slice %arg6[%add3A_606, %dma_start3A_612] : memref<20480x128xf32, #tpu.memory_space<hbm>> -> memref<80x128xf32, #tpu.memory_space<hbm>>
    %dma_start3A_614 = arith.constant 0 : i32
    %dma_start3A_615 = arith.constant 0 : i32
    %dma_start3A_616 = tpu.memref_slice %arg14[%dma_start3A_614, %dma_start3A_615] : memref<88x128xf32, #tpu.memory_space<vmem>> -> memref<80x128xf32, #tpu.memory_space<vmem>>
    tpu.enqueue_dma source(%dma_start3A_616 : memref<80x128xf32, #tpu.memory_space<vmem>>) target(%dma_start3A_613 : memref<80x128xf32, #tpu.memory_space<hbm>>) target_semaphore(%arg21 : memref<!tpu.dma_semaphore, #tpu.memory_space<semaphore_mem>>)
    %mul3A_617 = arith.constant 640 : i32
    %mul3A_618 = arith.muli %arg1, %mul3A_617 : i32
    %add3A_619 = arith.constant 480 : i32
    %add3A_620 = arith.addi %mul3A_618, %add3A_619 : i32
    %mul3A_621 = arith.constant 10240 : i32
    %mul3A_622 = arith.muli %arg0, %mul3A_621 : i32
    %add3A_623 = arith.addi %mul3A_622, %add3A_620 : i32
    %dma_wait3A_624 = arith.constant 0 : i32
    %dma_wait3A_625 = arith.constant 0 : i32
    %dma_wait3A_626 = tpu.memref_slice %arg13[%dma_wait3A_624, %dma_wait3A_625] : memref<88x128xf32, #tpu.memory_space<vmem>> -> memref<80x128xf32, #tpu.memory_space<vmem>>
    %dma_wait3A_627 = arith.constant 0 : i32
    %dma_wait3A_628 = tpu.memref_slice %arg6[%add3A_623, %dma_wait3A_627] : memref<20480x128xf32, #tpu.memory_space<hbm>> -> memref<80x128xf32, #tpu.memory_space<hbm>>
    %dma_wait3A_629 = arith.constant 0 : i32
    %dma_wait3A_630 = tpu.memref_slice %arg6[%add3A_623, %dma_wait3A_629] : memref<20480x128xf32, #tpu.memory_space<hbm>> -> memref<80x128xf32, #tpu.memory_space<hbm>>
    %dma_wait3A_631 = arith.constant 0 : i32
    %dma_wait3A_632 = arith.constant 0 : i32
    %dma_wait3A_633 = tpu.memref_slice %arg13[%dma_wait3A_631, %dma_wait3A_632] : memref<88x128xf32, #tpu.memory_space<vmem>> -> memref<80x128xf32, #tpu.memory_space<vmem>>
    tpu.wait_dma2 semaphore(%arg20 : memref<!tpu.dma_semaphore, #tpu.memory_space<semaphore_mem>>) src(%dma_wait3A_633 : memref<80x128xf32, #tpu.memory_space<vmem>>) dst(%dma_wait3A_630 : memref<80x128xf32, #tpu.memory_space<hbm>>)
    %mul3A_634 = arith.constant 640 : i32
    %mul3A_635 = arith.muli %arg1, %mul3A_634 : i32
    %add3A_636 = arith.constant 560 : i32
    %add3A_637 = arith.addi %mul3A_635, %add3A_636 : i32
    %mul3A_638 = arith.constant 10240 : i32
    %mul3A_639 = arith.muli %arg0, %mul3A_638 : i32
    %add3A_640 = arith.addi %mul3A_639, %add3A_637 : i32
    %dma_wait3A_641 = arith.constant 0 : i32
    %dma_wait3A_642 = arith.constant 0 : i32
    %dma_wait3A_643 = tpu.memref_slice %arg14[%dma_wait3A_641, %dma_wait3A_642] : memref<88x128xf32, #tpu.memory_space<vmem>> -> memref<80x128xf32, #tpu.memory_space<vmem>>
    %dma_wait3A_644 = arith.constant 0 : i32
    %dma_wait3A_645 = tpu.memref_slice %arg6[%add3A_640, %dma_wait3A_644] : memref<20480x128xf32, #tpu.memory_space<hbm>> -> memref<80x128xf32, #tpu.memory_space<hbm>>
    %dma_wait3A_646 = arith.constant 0 : i32
    %dma_wait3A_647 = tpu.memref_slice %arg6[%add3A_640, %dma_wait3A_646] : memref<20480x128xf32, #tpu.memory_space<hbm>> -> memref<80x128xf32, #tpu.memory_space<hbm>>
    %dma_wait3A_648 = arith.constant 0 : i32
    %dma_wait3A_649 = arith.constant 0 : i32
    %dma_wait3A_650 = tpu.memref_slice %arg14[%dma_wait3A_648, %dma_wait3A_649] : memref<88x128xf32, #tpu.memory_space<vmem>> -> memref<80x128xf32, #tpu.memory_space<vmem>>
    tpu.wait_dma2 semaphore(%arg21 : memref<!tpu.dma_semaphore, #tpu.memory_space<semaphore_mem>>) src(%dma_wait3A_650 : memref<80x128xf32, #tpu.memory_space<vmem>>) dst(%dma_wait3A_647 : memref<80x128xf32, #tpu.memory_space<hbm>>)
    return
  }
}

module attributes {stable_mosaic.version = 14 : i64} {
  func.func @_dense2_body(%arg0: memref<20480x128xf32, #tpu.memory_space<vmem>>, %arg1: memref<10000x128xf32, #tpu.memory_space<vmem>>, %arg2: memref<10000x1xf32, #tpu.memory_space<vmem>>, %arg3: memref<10000x1xf32, #tpu.memory_space<vmem>>, %arg4: memref<128x128xf32, #tpu.memory_space<vmem>>, %arg5: memref<1x128xf32, #tpu.memory_space<vmem>>, %arg6: memref<10000x128xf32, #tpu.memory_space<vmem>>) attributes {dimension_semantics = [], scalar_prefetch = 0 : i64, scratch_operands = 0 : i64, tpu.core_type = #tpu.core_type<tc>} {
    %get3A = arith.constant 0 : index
    %get3A_0 = arith.constant 0 : index
    %get3A_1 = vector.load %arg2[%get3A, %get3A_0] : memref<10000x1xf32, #tpu.memory_space<vmem>>, vector<10000x1xf32>
    %get3A_2 = arith.constant 0 : index
    %get3A_3 = arith.constant 0 : index
    %get3A_4 = vector.load %arg3[%get3A_2, %get3A_3] : memref<10000x1xf32, #tpu.memory_space<vmem>>, vector<10000x1xf32>
    %add3A = arith.addf %get3A_1, %get3A_4 : vector<10000x1xf32>
    %add3A_5 = arith.constant 1.000000e+00 : f32
    %add3A_6 = vector.broadcast %add3A_5 : f32 to vector<10000x1xf32>
    %add3A_7 = arith.addf %add3A, %add3A_6 : vector<10000x1xf32>
    %rsqrt3A = math.rsqrt %add3A_7 : vector<10000x1xf32>
    %get3A_8 = arith.constant 0 : index
    %get3A_9 = arith.constant 0 : index
    %get3A_10 = vector.load %arg0[%get3A_8, %get3A_9] : memref<20480x128xf32, #tpu.memory_space<vmem>>, vector<10000x128xf32>
    %get3A_11 = arith.constant 10240 : index
    %get3A_12 = arith.constant 0 : index
    %get3A_13 = vector.load %arg0[%get3A_11, %get3A_12] : memref<20480x128xf32, #tpu.memory_space<vmem>>, vector<10000x128xf32>
    %add3A_14 = arith.addf %get3A_10, %get3A_13 : vector<10000x128xf32>
    %get3A_15 = arith.constant 0 : index
    %get3A_16 = arith.constant 0 : index
    %get3A_17 = vector.load %arg1[%get3A_15, %get3A_16] : memref<10000x128xf32, #tpu.memory_space<vmem>>, vector<10000x128xf32>
    %add3A_18 = arith.addf %add3A_14, %get3A_17 : vector<10000x128xf32>
    %mul3A = vector.broadcast %rsqrt3A : vector<10000x1xf32> to vector<10000x128xf32>
    %mul3A_19 = arith.mulf %add3A_18, %mul3A : vector<10000x128xf32>
    %get3A_20 = arith.constant 0 : index
    %get3A_21 = arith.constant 0 : index
    %get3A_22 = vector.load %arg5[%get3A_20, %get3A_21] : memref<1x128xf32, #tpu.memory_space<vmem>>, vector<1x128xf32>
    %add3A_23 = vector.broadcast %get3A_22 : vector<1x128xf32> to vector<10000x128xf32>
    %add3A_24 = arith.addf %mul3A_19, %add3A_23 : vector<10000x128xf32>
    %max3A = arith.constant 0.000000e+00 : f32
    %max3A_25 = vector.broadcast %max3A : f32 to vector<10000x128xf32>
    %max3A_26 = arith.maximumf %add3A_24, %max3A_25 : vector<10000x128xf32>
    %get3A_27 = arith.constant 0 : index
    %get3A_28 = arith.constant 0 : index
    %get3A_29 = vector.load %arg4[%get3A_27, %get3A_28] : memref<128x128xf32, #tpu.memory_space<vmem>>, vector<128x128xf32>
    %dot_general3A = arith.constant dense<0.000000e+00> : vector<10000x128xf32>
    %dot_general3A_30 = tpu.matmul %max3A_26, %get3A_29, %dot_general3A {dimension_numbers = #tpu.dot_dimension_numbers<[1], [0], [0], [1], [0, 0, 1, 1], [], []>, transpose_lhs_hint = false} : vector<10000x128xf32>, vector<128x128xf32>, vector<10000x128xf32> -> vector<10000x128xf32>
    %mul3A_31 = vector.broadcast %rsqrt3A : vector<10000x1xf32> to vector<10000x128xf32>
    %mul3A_32 = arith.mulf %dot_general3A_30, %mul3A_31 : vector<10000x128xf32>
    %swap3A = arith.constant 0 : index
    %swap3A_33 = arith.constant 0 : index
    %swap3A_34 = vector.load %arg6[%swap3A, %swap3A_33] : memref<10000x128xf32, #tpu.memory_space<vmem>>, vector<10000x128xf32>
    tpu.vector_store %arg6[%swap3A, %swap3A_33], %mul3A_32 {strides = array<i32>} : memref<10000x128xf32, #tpu.memory_space<vmem>>, vector<10000x128xf32>,
    return
  }
}

module attributes {stable_mosaic.version = 14 : i64} {
  func.func @_dense1_body(%arg0: memref<10000x128xf32, #tpu.memory_space<vmem>>, %arg1: memref<128x128xf32, #tpu.memory_space<vmem>>, %arg2: memref<10000x1xf32, #tpu.memory_space<vmem>>, %arg3: memref<10000x1xf32, #tpu.memory_space<vmem>>, %arg4: memref<10000x128xf32, #tpu.memory_space<vmem>>) attributes {dimension_semantics = [], scalar_prefetch = 0 : i64, scratch_operands = 0 : i64, tpu.core_type = #tpu.core_type<tc>} {
    %get3A = arith.constant 0 : index
    %get3A_0 = arith.constant 0 : index
    %get3A_1 = vector.load %arg2[%get3A, %get3A_0] : memref<10000x1xf32, #tpu.memory_space<vmem>>, vector<10000x1xf32>
    %get3A_2 = arith.constant 0 : index
    %get3A_3 = arith.constant 0 : index
    %get3A_4 = vector.load %arg3[%get3A_2, %get3A_3] : memref<10000x1xf32, #tpu.memory_space<vmem>>, vector<10000x1xf32>
    %add3A = arith.addf %get3A_1, %get3A_4 : vector<10000x1xf32>
    %add3A_5 = arith.constant 1.000000e+00 : f32
    %add3A_6 = vector.broadcast %add3A_5 : f32 to vector<10000x1xf32>
    %add3A_7 = arith.addf %add3A, %add3A_6 : vector<10000x1xf32>
    %rsqrt3A = math.rsqrt %add3A_7 : vector<10000x1xf32>
    %get3A_8 = arith.constant 0 : index
    %get3A_9 = arith.constant 0 : index
    %get3A_10 = vector.load %arg0[%get3A_8, %get3A_9] : memref<10000x128xf32, #tpu.memory_space<vmem>>, vector<10000x128xf32>
    %get3A_11 = arith.constant 0 : index
    %get3A_12 = arith.constant 0 : index
    %get3A_13 = vector.load %arg1[%get3A_11, %get3A_12] : memref<128x128xf32, #tpu.memory_space<vmem>>, vector<128x128xf32>
    %dot_general3A = arith.constant dense<0.000000e+00> : vector<10000x128xf32>
    %dot_general3A_14 = tpu.matmul %get3A_10, %get3A_13, %dot_general3A {dimension_numbers = #tpu.dot_dimension_numbers<[1], [0], [0], [1], [0, 0, 1, 1], [], []>, transpose_lhs_hint = false} : vector<10000x128xf32>, vector<128x128xf32>, vector<10000x128xf32> -> vector<10000x128xf32>
    %mul3A = vector.broadcast %rsqrt3A : vector<10000x1xf32> to vector<10000x128xf32>
    %mul3A_15 = arith.mulf %dot_general3A_14, %mul3A : vector<10000x128xf32>
    %swap3A = arith.constant 0 : index
    %swap3A_16 = arith.constant 0 : index
    %swap3A_17 = vector.load %arg4[%swap3A, %swap3A_16] : memref<10000x128xf32, #tpu.memory_space<vmem>>, vector<10000x128xf32>
    tpu.vector_store %arg4[%swap3A, %swap3A_16], %mul3A_15 {strides = array<i32>} : memref<10000x128xf32, #tpu.memory_space<vmem>>, vector<10000x128xf32>,
    return
  }
}

module attributes {stable_mosaic.version = 14 : i64} {
  func.func @_final_body(%arg0: memref<20480x128xf32, #tpu.memory_space<vmem>>, %arg1: memref<10000x128xf32, #tpu.memory_space<vmem>>, %arg2: memref<10000x1xf32, #tpu.memory_space<vmem>>, %arg3: memref<10000x1xf32, #tpu.memory_space<vmem>>, %arg4: memref<1x128xf32, #tpu.memory_space<vmem>>, %arg5: memref<1x10000xi32, #tpu.memory_space<vmem>>, %arg6: memref<64x128xf32, #tpu.memory_space<vmem>>) attributes {dimension_semantics = [], scalar_prefetch = 0 : i64, scratch_operands = 0 : i64, tpu.core_type = #tpu.core_type<tc>} {
    %get3A = arith.constant 0 : index
    %get3A_0 = arith.constant 0 : index
    %get3A_1 = vector.load %arg2[%get3A, %get3A_0] : memref<10000x1xf32, #tpu.memory_space<vmem>>, vector<10000x1xf32>
    %get3A_2 = arith.constant 0 : index
    %get3A_3 = arith.constant 0 : index
    %get3A_4 = vector.load %arg3[%get3A_2, %get3A_3] : memref<10000x1xf32, #tpu.memory_space<vmem>>, vector<10000x1xf32>
    %add3A = arith.addf %get3A_1, %get3A_4 : vector<10000x1xf32>
    %add3A_5 = arith.constant 1.000000e+00 : f32
    %add3A_6 = vector.broadcast %add3A_5 : f32 to vector<10000x1xf32>
    %add3A_7 = arith.addf %add3A, %add3A_6 : vector<10000x1xf32>
    %rsqrt3A = math.rsqrt %add3A_7 : vector<10000x1xf32>
    %get3A_8 = arith.constant 0 : index
    %get3A_9 = arith.constant 0 : index
    %get3A_10 = vector.load %arg0[%get3A_8, %get3A_9] : memref<20480x128xf32, #tpu.memory_space<vmem>>, vector<10000x128xf32>
    %get3A_11 = arith.constant 10240 : index
    %get3A_12 = arith.constant 0 : index
    %get3A_13 = vector.load %arg0[%get3A_11, %get3A_12] : memref<20480x128xf32, #tpu.memory_space<vmem>>, vector<10000x128xf32>
    %add3A_14 = arith.addf %get3A_10, %get3A_13 : vector<10000x128xf32>
    %get3A_15 = arith.constant 0 : index
    %get3A_16 = arith.constant 0 : index
    %get3A_17 = vector.load %arg1[%get3A_15, %get3A_16] : memref<10000x128xf32, #tpu.memory_space<vmem>>, vector<10000x128xf32>
    %add3A_18 = arith.addf %add3A_14, %get3A_17 : vector<10000x128xf32>
    %mul3A = vector.broadcast %rsqrt3A : vector<10000x1xf32> to vector<10000x128xf32>
    %mul3A_19 = arith.mulf %add3A_18, %mul3A : vector<10000x128xf32>
    %get3A_20 = arith.constant 0 : index
    %get3A_21 = arith.constant 0 : index
    %get3A_22 = vector.load %arg4[%get3A_20, %get3A_21] : memref<1x128xf32, #tpu.memory_space<vmem>>, vector<1x128xf32>
    %add3A_23 = vector.broadcast %get3A_22 : vector<1x128xf32> to vector<10000x128xf32>
    %add3A_24 = arith.addf %mul3A_19, %add3A_23 : vector<10000x128xf32>
    %max3A = arith.constant 0.000000e+00 : f32
    %max3A_25 = vector.broadcast %max3A : f32 to vector<10000x128xf32>
    %max3A_26 = arith.maximumf %add3A_24, %max3A_25 : vector<10000x128xf32>
    %iota3A = tpu.iota {dimensions = array<i32: 0>} : vector<64x10000xi32>
    %get3A_27 = arith.constant 0 : index
    %get3A_28 = arith.constant 0 : index
    %get3A_29 = vector.load %arg5[%get3A_27, %get3A_28] : memref<1x10000xi32, #tpu.memory_space<vmem>>, vector<1x10000xi32>
    %eq3A = vector.broadcast %get3A_29 : vector<1x10000xi32> to vector<64x10000xi32>
    %eq3A_30 = arith.cmpi eq, %iota3A, %eq3A : vector<64x10000xi32>
    %convert_element_type3A = arith.extui %eq3A_30 : vector<64x10000xi1> to vector<64x10000xi32>
    %convert_element_type3A_31 = arith.sitofp %convert_element_type3A : vector<64x10000xi32> to vector<64x10000xf32>
    %dot_general3A = arith.constant dense<0.000000e+00> : vector<64x128xf32>
    %dot_general3A_32 = tpu.matmul %convert_element_type3A_31, %max3A_26, %dot_general3A {dimension_numbers = #tpu.dot_dimension_numbers<[1], [0], [0], [1], [0, 0, 1, 1], [], []>, transpose_lhs_hint = false} : vector<64x10000xf32>, vector<10000x128xf32>, vector<64x128xf32> -> vector<64x128xf32>
    %reduce_sum3A = arith.constant dense<0.000000e+00> : vector<64xf32>
    %reduce_sum3A_33 = vector.multi_reduction <add>, %convert_element_type3A_31, %reduce_sum3A [1] : vector<64x10000xf32> to vector<64xf32>
    %broadcast_in_dim3A = vector.shape_cast %reduce_sum3A_33 : vector<64xf32> to vector<64x1xf32>
    %max3A_34 = arith.constant 1.000000e+00 : f32
    %max3A_35 = vector.broadcast %max3A_34 : f32 to vector<64x1xf32>
    %max3A_36 = arith.maximumf %broadcast_in_dim3A, %max3A_35 : vector<64x1xf32>
    %div3A = vector.broadcast %max3A_36 : vector<64x1xf32> to vector<64x128xf32>
    %div3A_37 = arith.divf %dot_general3A_32, %div3A : vector<64x128xf32>
    %swap3A = arith.constant 0 : index
    %swap3A_38 = arith.constant 0 : index
    %swap3A_39 = vector.load %arg6[%swap3A, %swap3A_38] : memref<64x128xf32, #tpu.memory_space<vmem>>, vector<64x128xf32>
    tpu.vector_store %arg6[%swap3A, %swap3A_38], %div3A_37 {strides = array<i32>} : memref<64x128xf32, #tpu.memory_space<vmem>>, vector<64x128xf32>,
    return
  }
}

</mosaic_0001>

<sc_bundles>
// kernel: kernel.11.cloned.1.call-start
scs
__scs_entry_jumppad:
0x0: {  	(pc) =	sbr.rel $0x88, $3  }
0x1: {  	(tag) =	ssettag $0x0;
	lr =	simm.s32 $0x1  }
0x2: {  	[smem:$0x3F9A] =	sst lr;
	_ =	strace $0xD0000000  }
0x3: {  	_ = 	snop  }
0x4: {  	_ = 	snop  }
0x5: {  	_ = 	snop  }
0x6: {  	_ = 	snop  }
0x7: {  	_ = 	snop  }
__scs_overlays_trampoline_lowered:
0x8: {  	[smem:$0x3FA9] =	sst s0  }
0x9: {  	[smem:$0x3FAA] =	sst s1  }
0xa: {  	[smem:$0x3FAB] =	sst s2  }
0xb: {  	[smem:$0x3FAC] =	sst s3  }
0xc: {  	[smem:$0x3FAD] =	sst s4  }
0xd: {  	[smem:$0x3FAE] =	sst s5  }
0xe: {  	[smem:$0x3FAF] =	sst s6  }
0xf: {  	[smem:$0x3FB0] =	sst s7  }
0x10: {  	[smem:$0x3FB1] =	sst s8  }
0x11: {  	[smem:$0x3FB2] =	sst s9;
	s0 =	simm.s32 @!p0 $0x0  }
0x12: {  	s1 =	sld [smem:$0x3F98];
	s0 =	simm.s32 @p0 $0x1  }
0x13: {  	[smem:$0x3FB3] =	sst s0;
	s0 =	simm.s32 @!p1 $0x0  }
0x14: {  	s2 =	sld [smem:$0x3F97];
	s0 =	simm.s32 @p1 $0x1  }
0x15: {  	[smem:$0x3FB4] =	sst s0;
	s0 =	simm.s32 @!p2 $0x0  }
0x16: {  	s3 =	sld [smem:$0x3FDB];
	s0 =	simm.s32 @p2 $0x1  }
0x17: {  	s4 =	simm.s32 $0x1BF5;
	[smem:$0x3FB6] =	sst s0  }
0x18: {  	s0 =	sld [smem:$0x3F99];
	_ =	swait.ge [sflag:s4], $0x0  }
0x19: {  	s7 =	sld [smem:$0x3F9A]  }
0x1a: {  	s8 =	sadd.s32 $0xFFFFE003, lr  }
0x1b: {  	s9 =	sadd.s32 $0xFFFFFEF7, lr;
	s5 =	simm.s32 $0xFFFFFFFF;
	p2 =	slt.u32 s8, $0xFFFFF086  }
0x1c: {  	p1 =	slt.u32 s9, $0xF7A;
	s5 =	simm.s32 @!p2 $0x0  }
0x1d: {  	s5 =	simm.s32 @p1 $0x1;
	p0 =	seq.s32 s7, s2  }
0x1e: {  	s7 =	smul.u32 @!p0 $0xF7A, s2;
	p2 =	seq.s32 @!p0 s5, $0x0  }
0x1f: {  	s9 =	smul.u32 $0xF7A, s1;
	s8 =	simm.s32 @!p0 $0x1BF5;
	p2 =	por !p2, p0  }
0x20: {  	[sflag:s8] =	ssyncset.s32 @!p0 $0xFFFFF086;
	s6 =	sadd.s32 @!p0 s3, s7;
	s7 =	simm.s32 @!p0 $0x108  }
0x21: {  	s3 =	sadd.s32 s3, s9;
	s6 =	sadd.s32 @!p0 $0x88, s6;
	s7 =	simm.s32 @p2 $0x1082  }
0x22: {  	[simem:s7], [sflag:s8] =	dma.local @!p0 [hbm:s6], $0xF7A  }
0x23: {  	s9 =	sor.u32 $0xD0000000, s2;
	s6 =	simm.s32 $0x108;
	_ =	swait.ge @!p0 [sflag:s8], $0x0  }
0x24: {  	s3 =	sadd.s32 $0x88, s3;
	s6 =	simm.s32 @!p1 $0x1082;
	[sflag:s4] =	ssyncset.s32 $0xFFFFF086  }
0x25: {  	[simem:s6], [sflag:s4] =	dma.local [hbm:s3], $0xF7A  }
0x26: {  	[smem:$0x3F9A] =	sst s1;
	(tag) =	ssettag s2;
	_ =	strace s9  }
0x27: {  	s1 =	sld [smem:$0x3FAA]  }
0x28: {  	s2 =	sld [smem:$0x3FAB]  }
0x29: {  	s4 =	sld [smem:$0x3FAD]  }
0x2a: {  	p0 =	seq.s32 s5, $0x0;
	s5 =	sld [smem:$0x3FAE]  }
0x2b: {  	s6 =	sld [smem:$0x3FAF]  }
0x2c: {  	s7 =	sld [smem:$0x3FB0]  }
0x2d: {  	s3 =	simm.s32 $0x108;
	s8 =	sld [smem:$0x3FB1]  }
0x2e: {  	s3 =	simm.s32 @!p0 $0x1082;
	s9 =	sld [smem:$0x3FB2]  }
0x2f: {  	lr =	sadd.s32 s0, s3;
	s0 =	sld [smem:$0x3FA9]  }
0x30: {  	s3 =	sld [smem:$0x3FAC]  }
0x31: {  	[smem:$0x3FB5] =	sst s10  }
0x32: {  	s10 =	sld [smem:$0x3FB3];
	_ =	sdelay $0x3  }
0x33: {  	p0 =	seq.s32 s10, $0x1;
	s10 =	sld [smem:$0x3FB5];
	_ =	sdelay $0x3  }
0x34: {  	[smem:$0x3FB5] =	sst s10  }
0x35: {  	s10 =	sld [smem:$0x3FB4];
	_ =	sdelay $0x3  }
0x36: {  	p1 =	seq.s32 s10, $0x1;
	s10 =	sld [smem:$0x3FB5];
	_ =	sdelay $0x3  }
0x37: {  	[smem:$0x3FB5] =	sst s10  }
0x38: {  	s10 =	sld [smem:$0x3FB6]  }
0x39: {  	_ = 	snop;
	(pc) =	sbr.ind lr, $3  }
0x3a: {  	_ = 	snop  }
0x3b: {  	_ = 	snop  }
0x3c: {  	p2 =	seq.s32 s10, $0x1;
	s10 =	sld [smem:$0x3FB5]  }
0x3d: {  	_ =	shalt  }
0x3e: {  	_ =	shalt  }
0x3f: {  	_ =	shalt  }
0x40: {  	_ =	shalt  }
0x41: {  	_ =	shalt  }
0x42: {  	_ =	shalt  }
0x43: {  	_ =	shalt  }
0x44: {  	_ =	shalt  }
0x45: {  	_ =	shalt  }
0x46: {  	_ =	shalt  }
0x47: {  	_ =	shalt  }
0x48: {  	_ =	shalt  }
0x49: {  	_ =	shalt  }
0x4a: {  	_ =	shalt  }
0x4b: {  	_ =	shalt  }
0x4c: {  	_ =	shalt  }
0x4d: {  	_ =	shalt  }
0x4e: {  	_ =	shalt  }
0x4f: {  	_ =	shalt  }
0x50: {  	_ =	shalt  }
0x51: {  	_ =	shalt  }
0x52: {  	_ =	shalt  }
0x53: {  	_ =	shalt  }
0x54: {  	_ =	shalt  }
0x55: {  	_ =	shalt  }
0x56: {  	_ =	shalt  }
0x57: {  	_ =	shalt  }
0x58: {  	_ =	shalt  }
0x59: {  	_ =	shalt  }
0x5a: {  	_ =	shalt  }
0x5b: {  	_ =	shalt  }
0x5c: {  	_ =	shalt  }
0x5d: {  	_ =	shalt  }
0x5e: {  	_ =	shalt  }
0x5f: {  	_ =	shalt  }
0x60: {  	_ =	shalt  }
0x61: {  	_ =	shalt  }
0x62: {  	_ =	shalt  }
0x63: {  	_ =	shalt  }
0x64: {  	_ =	shalt  }
0x65: {  	_ =	shalt  }
0x66: {  	_ =	shalt  }
0x67: {  	_ =	shalt  }
0x68: {  	_ =	shalt  }
0x69: {  	_ =	shalt  }
0x6a: {  	_ =	shalt  }
0x6b: {  	_ =	shalt  }
0x6c: {  	_ =	shalt  }
0x6d: {  	_ =	shalt  }
0x6e: {  	_ =	shalt  }
0x6f: {  	_ =	shalt  }
0x70: {  	_ =	shalt  }
0x71: {  	_ =	shalt  }
0x72: {  	_ =	shalt  }
0x73: {  	_ =	shalt  }
0x74: {  	_ =	shalt  }
0x75: {  	_ =	shalt  }
0x76: {  	_ =	shalt  }
0x77: {  	_ =	shalt  }
0x78: {  	_ =	shalt  }
0x79: {  	_ =	shalt  }
0x7a: {  	_ =	shalt  }
0x7b: {  	_ =	shalt  }
0x7c: {  	_ =	shalt  }
0x7d: {  	_ =	shalt  }
0x7e: {  	_ =	shalt  }
0x7f: {  	_ =	shalt  }
0x80: {  	_ =	shalt  }
0x81: {  	_ =	shalt  }
0x82: {  	_ =	shalt  }
0x83: {  	_ =	shalt  }
0x84: {  	_ =	shalt  }
0x85: {  	_ =	shalt  }
0x86: {  	_ =	shalt  }
0x87: {  	_ =	shalt  }
.Lfunc_end0:
.L_simem_size_0:
called_computation.1_lowered:
.L_overlay_start_0:
0x88: {  	s2 =	sld [smem:$0x3FD9]  }
0x89: {  	s3 =	sld [smem:$0x3FFE];
	_ =	sdelay $0x1  }
0x8a: {  	s1 =	srdreg.scid  }
0x8b: {  	s0 =	sand.u32 $0x1, s1  }
0x8c: {  	s16 =	sshll.u32 s0, $0xA;
	s2 =	sadd.s32 s3, s2  }
0x8d: {  	s2 =	sadd.s32 s2, s16  }
0x8e: {  	[smem:$0x3FC1] =	sst s2  }
0x8f: {  	_ = 	snop  }
0x90: {  	(tm) =	ssettm $0x1  }
0x91: {  	s17 =	sld [smem:$0x3FFB];
	_ =	sdelay $0x3  }
0x92: {  	_ =	strace s17  }
0x93: {  	s2 =	sld [smem:$0x3FFC];
	_ =	sdelay $0x3  }
0x94: {  	_ =	strace s2  }
0x95: {  	s2 =	sld [smem:$0x3FFD];
	_ =	sdelay $0x3  }
0x96: {  	_ =	strace s2  }
0x97: {  	_ =	strace $0x8FFFFFFF  }
0x98: {  	s18 =	sld [smem:$0x3FDB];
	_ =	sdelay $0x1  }
0x99: {  	s19 =	simm.s32 $_scs_section_size  }
0x9a: {  	s4 =	simm.s32 $_size__tile_overlayer_lowered;
	s5 =	simm.s32 $_tile_overlayer_lowered  }
0x9b: {  	s22 =	simm.s32 $0x1BFF;
	s21 =	sshll.u32 s5, $0x1;
	s2 =	sadd.s32 s19, s18  }
0x9c: {  	s6 =	simm.s32 $0x0;
	s20 =	sshll.u32 s4, $0x1;
	s4 =	sadd.s32 s21, s2  }
0x9d: {  	[timem:s6], [sflag:s22] =	dma.local [hbm:s4], s20  }
0x9e: {  	_ =	swait.ge [sflag:s22], s20  }
0x9f: {  	s3 =	ssub.s32 $0x0, s20;
	[sflag:s22] =	ssyncset.done $0x0  }
0xa0: {  	[sflag:s22] =	ssyncadd.s32 s3;
	_ =	sdelay $0x1  }
0xa1: {  	s23 =	simm.s32 $0x1B8B  }
0xa2: {  	_ =	swait.ge [sflag:s23], $0x1  }
0xa3: {  	[sflag:s23] =	ssyncset.done $0x0  }
0xa4: {  	s25 =	simm.s32 $0x1B8E;
	s24 =	sld [smem:$0x3FFE];
	[sflag:s23] =	ssyncadd.s32 $0xFFFFFFFF  }
0xa5: {  	s26 =	simm.s32 $execute0_lowered;
	[smem:$0x3FD2] =	sst s25  }
0xa6: {  	s4 =	sshll.u32 s26, $0x1;
	_ =	strace $0x80000049;
	[dreg:$0x1] =	wrdreg $0xFFFFFFFF  }
0xa7: {  	s28 =	simm.s32 $_size_execute0_lowered;
	s2 =	sadd.s32 s2, s4;
	[dreg:$0x0] =	wrdreg $0x0  }
0xa8: {  	s4 =	sshll.u32 s28, $0x1;
	[dreg:$0x2] =	wrdreg s2  }
0xa9: {  	[dreg:$0x3] =	wrdreg s4  }
0xaa: {  	[dreg:$0x4] =	wrdreg $0xC0  }
0xab: {  	_ =	task [dreg:s6], $0x5FFFF  }
0xac: {  	[dreg:$0x1] =	wrdreg $0xFFFFFFFF  }
0xad: {  	[dreg:$0x0] =	wrdreg $0x60  }
0xae: {  	[dreg:$0x2] =	wrdreg s24  }
0xaf: {  	[dreg:$0x3] =	wrdreg $0x87000  }
0xb0: {  	[dreg:$0x4] =	wrdreg $0x9  }
0xb1: {  	_ =	task.clear_ibuf [dreg:s6], $0x5FFFF;
	_ =	strace $0x90000049  }
0xb2: {  	s29 =	simm.s32 $0x9;
	_ =	strace $0x8000004B  }
0xb3: {  	_ =	swait.ge [sflag:s29], $0x1  }
0xb4: {  	[sflag:s29] =	ssyncadd.s32 $0xFFFFFFFF  }
0xb5: {  	_ =	strace $0x9000004B  }
0xb6: {  	_ =	sfence  }
0xb7: {  	s30 =	sld [smem:$0x0];
	_ =	sdelay $0x2  }
0xb8: {  	s31 =	sshll.u32 s1, $0xD;
	s1 =	sshrl.u32 s1, $0x2  }
0xb9: {  	s3 =	sand.u32 $0x4000, s31;
	s1 =	sadd.s32 s1, s30  }
0xba: {  	s0 =	sor.u32 s3, s0;
	s1 =	sshll.u32 s1, $0x11  }
0xbb: {  	s0 =	sor.u32 s1, s0  }
0xbc: {  	s0 =	sadd.s32 $0x8F2B, s0  }
0xbd: {  	[sflag:s0] =	ssyncadd.remote.s32 $0x1  }
0xbe: {  	_ =	sfence.sel $0xFFFF  }
0xbf: {  	[dreg:$0x0] =	wrdreg $0xFFFFFFFF;
	(pc) =	sbr.abs _section_cstart, $3  }
0xc0: {  	[dreg:$0x1] =	wrdreg $0xFFFFFFFF  }
0xc1: {  	_ =	task.clear_ibuf [dreg:s6], $0x2FFFF;
	_ =	strace $0x9FFFFFFF  }
0xc2: {  	(tm) =	ssettm $0x7FFFFFFF  }
0xc3: {  	_ =	shalt  }
tec
execute0_lowered:
.L_overlay_start_1:
0x0: {  	(tag) =	ssettag $0x1  }
0x1: {  	s0 =	rddreg [dreg:$0x0]  }
0x2: {  	s1 =	rddreg [dreg:$0x1]  }
0x3: {  	s3 =	simm.s32 $0x0;
	s2 =	srdreg.scid;
	s18 =	stileid.u32  }
0x4: {  	s28 =	simm.s32 $0x1;
	s29 =	simm.s32 $0x58;
	s31 =	simm.s32 $0x2  }
0x5: {  	[smem:$0x7FF] =	sst s3;
	s5 =	sand.u32 $0x1, s2;
	s6 =	smul.u32 $0x280, s18  }
0x6: {  	s4 =	sadd.s32 $0x26E00, s0;
	s7 =	sadd.s32 $0x4E000, s0;
	s21 =	smul.u32 $0x2730, s18  }
0x7: {  	_ =	strace $0x8000004A;
	s2 =	ssub.s32 $0x2, s5;
	s12 =	smul.u32 $0x2800, s5  }
0x8: {  	s20 =	smul.u32 $0x27300, s5;
	s5 =	sshll.u32 s5, $0x4;
	s8 =	sshrl.u32 s2, $0x1  }
0x9: {  	s9 =	sadd.s32 $0xA0, s6;
	s10 =	sadd.s32 $0xF0, s6;
	s11 =	sadd.s32 $0x140, s6  }
0xa: {  	s15 =	sadd.s32 $0x190, s6;
	s16 =	sadd.s32 $0x1E0, s6;
	s17 =	sadd.s32 $0x230, s6  }
0xb: {  	s5 =	sor.u32 s18, s5;
	s2 =	ssub.s32 s2, s8;
	s8 =	sor.u32 $0x50, s6  }
0xc: {  	s6 =	sadd.s32 s6, s12;
	s14 =	sadd.s32 s12, s9;
	s24 =	sadd.s32 s12, s10  }
0xd: {  	s25 =	sadd.s32 s12, s11;
	s26 =	sadd.s32 s12, s15;
	s19 =	sadd.s32 s12, s16  }
0xe: {  	s15 =	sshll.u32 s15, $0x7;
	s13 =	sadd.s32 s12, s8;
	s6 =	sshll.u32 s6, $0x4  }
0xf: {  	s14 =	sshll.u32 s14, $0x4;
	s12 =	sadd.s32 s12, s17;
	s2 =	smax.u32 s2, $0x1  }
0x10: {  	s13 =	sshll.u32 s13, $0x4;
	s6 =	sadd.s32 s7, s6;
	s23 =	sadd.s32 s7, s14  }
0x11: {  	s14 =	sshll.u32 s26, $0x4;
	s12 =	sshll.u32 s12, $0x4;
	[dreg:$0x1e] =	wrdreg s2  }
0x12: {  	s26 =	sshll.u32 s10, $0x7;
	s2 =	simm.s32 $0x2F00;
	[dreg:$0x3] =	wrdreg s6  }
0x13: {  	s22 =	sadd.s32 s7, s13;
	[dreg:$0x5] =	wrdreg s23;
	s6 =	sshll.u32 s24, $0x4  }
0x14: {  	s13 =	sshll.u32 s25, $0x4;
	s14 =	sadd.s32 s7, s14;
	s23 =	smul.u32 $0x50000, s18  }
0x15: {  	s24 =	sshll.u32 s8, $0x7;
	s25 =	sshll.u32 s9, $0x7;
	[dreg:$0x4] =	wrdreg s22  }
0x16: {  	s10 =	sadd.s32 s26, s1;
	s18 =	sshll.u32 s16, $0x7;
	[dreg:$0x8] =	wrdreg s14  }
0x17: {  	s8 =	simm.s32 $0x5;
	s6 =	sadd.s32 s7, s6;
	[dreg:$0xf] =	wrdreg s10  }
0x18: {  	s13 =	sadd.s32 s7, s13;
	s22 =	sadd.s32 s7, s12;
	[dreg:$0x6] =	wrdreg s6  }
0x19: {  	s14 =	sadd.s32 $0x13200, s0;
	s9 =	sadd.s32 s25, s1;
	[dreg:$0x7] =	wrdreg s13  }
0x1a: {  	s12 =	sshll.u32 s11, $0x7;
	s10 =	sadd.s32 s18, s1;
	[dreg:$0xa] =	wrdreg s22  }
0x1b: {  	s6 =	sshll.u32 s19, $0x4;
	s13 =	sadd.s32 $0x1D000, s0;
	[dreg:$0xe] =	wrdreg s9  }
0x1c: {  	s0 =	sadd.s32 $0x2600, s0;
	s19 =	sshll.u32 s17, $0x7;
	[dreg:$0x12] =	wrdreg s10  }
0x1d: {  	s6 =	sadd.s32 s7, s6;
	s7 =	sadd.s32 s21, s20;
	[dreg:$0xb] =	wrdreg s0  }
0x1e: {  	s0 =	smul.u32 $0x2730, s5;
	s5 =	sadd.s32 s24, s1;
	[dreg:$0x9] =	wrdreg s6  }
0x1f: {  	s21 =	sadd.s32 s19, s1;
	s6 =	sshrl.u32 s23, $0x2;
	[dreg:$0xd] =	wrdreg s5  }
0x20: {  	s5 =	sadd.s32 s12, s1;
	s12 =	sadd.s32 s15, s1;
	[dreg:$0x13] =	wrdreg s21  }
0x21: {  	s17 =	sadd.s32 $0x1B8, s7;
	s7 =	simm.s32 $0x5B00;
	[dreg:$0x10] =	wrdreg s5  }
0x22: {  	s23 =	sadd.s32 s6, s1;
	s20 =	sshrl.u32 s0, $0x3;
	[dreg:$0x11] =	wrdreg s12  }
0x23: {  	s22 =	sadd.s32 $0x58, s0;
	s25 =	sadd.s32 s13, s20;
	[dreg:$0xc] =	wrdreg s23  }
0x24: {  	s24 =	sshrl.u32 s22, $0x3;
	s26 =	sadd.s32 s14, s20;
	[dreg:$0x14] =	wrdreg s25  }
0x25: {  	s30 =	sadd.s32 $0x108, s0;
	[dreg:$0x15] =	wrdreg s26;
	s9 =	sadd.s32 s13, s24  }
0x26: {  	s6 =	sadd.s32 $0x16, s20;
	s5 =	sadd.s32 s14, s24;
	[dreg:$0x16] =	wrdreg s9  }
0x27: {  	s0 =	sadd.s32 $0x160, s0;
	s11 =	sadd.s32 s13, s6;
	[dreg:$0x17] =	wrdreg s5  }
0x28: {  	s16 =	sshrl.u32 s30, $0x3;
	s15 =	sadd.s32 s14, s6;
	[dreg:$0x18] =	wrdreg s11  }
0x29: {  	s19 =	sshrl.u32 s0, $0x3;
	s18 =	sadd.s32 s13, s16;
	[dreg:$0x19] =	wrdreg s15  }
0x2a: {  	s20 =	sshrl.u32 s17, $0x3;
	s22 =	sadd.s32 s13, s19;
	[dreg:$0x1a] =	wrdreg s18  }
0x2b: {  	s17 =	simm.s32 $0x6;
	s24 =	sadd.s32 s14, s19;
	[dreg:$0x1c] =	wrdreg s22  }
0x2c: {  	s25 =	sadd.s32 s20, s14;
	s26 =	sadd.s32 s20, s13;
	[dreg:$0x1d] =	wrdreg s24  }
0x2d: {  	s6 =	simm.s32 $0x280;
	s19 =	simm.s32 $0x9;
	[dreg:$0x1f] =	wrdreg s25  }
0x2e: {  	s20 =	simm.s32 $0x3;
	s5 =	sadd.s32 s14, s16;
	[smem:$0x7FC] =	sst s26  }
0x2f: {  	s11 =	simm.s32 $0x300;
	s22 =	simm.s32 $0xA;
	s15 =	simm.s32 $0x4  }
0x30: {  	s24 =	simm.s32 $0x80;
	s25 =	simm.s32 $0x100;
	s26 =	simm.s32 $0x180  }
0x31: {  	s16 =	simm.s32 $0x7;
	s9 =	simm.s32 $0x0;
	[dreg:$0x1b] =	wrdreg s5  }
0x32: {  	s18 =	simm.s32 $0x8;
	s5 =	simm.s32 $0x200;
	[smem:$0x7FD] =	sst s9  }
.LBB2_1:
0x33: {  	s9 =	rddreg [dreg:$0xb]  }
0x34: {  	[tilespmem:s11], [sflag:$0xA] =	stream.linear.gather [hbm4b:s9+s3], $0x2800, $0x38;
	[tilespmem:$0x1C700] =	vst v63  }
0x35: {  	_ =	swait.ge [sflag:s22], $0x2800  }
0x36: {  	[sflag:s22] =	ssyncset.done $0x0  }
0x37: {  	[sflag:s22] =	ssyncadd.s32 $0xFFFFD800  }
0x38: {  	[spmem:s23] =	stream.linear.scatter [tilespmem:s11], [sflag:$0x4], $0x2800, $0x38;
	[tilespmem:$0x1C700] =	vst v63  }
0x39: {  	s22 =	rddreg [dreg:$0xd]  }
0x3a: {  	[spmem:s22] =	stream.linear.scatter [tilespmem:s11], [sflag:$0x4], $0x2800, $0x38;
	[tilespmem:$0x1C700] =	vst v63  }
0x3b: {  	s23 =	rddreg [dreg:$0xe]  }
0x3c: {  	[spmem:s23] =	stream.linear.scatter [tilespmem:s11], [sflag:$0x4], $0x2800, $0x38;
	[tilespmem:$0x1C700] =	vst v63  }
0x3d: {  	s22 =	rddreg [dreg:$0xf]  }
0x3e: {  	[spmem:s22] =	stream.linear.scatter [tilespmem:s11], [sflag:$0x4], $0x2800, $0x38;
	[tilespmem:$0x1C700] =	vst v63  }
0x3f: {  	s23 =	rddreg [dreg:$0x10]  }
0x40: {  	[spmem:s23] =	stream.linear.scatter [tilespmem:s11], [sflag:$0x4], $0x2800, $0x38;
	[tilespmem:$0x1C700] =	vst v63  }
0x41: {  	_ = 	snop  }
0x42: {  	[spmem:s12] =	stream.linear.scatter [tilespmem:s11], [sflag:$0x4], $0x2800, $0x38;
	[tilespmem:$0x1C700] =	vst v63  }
0x43: {  	_ = 	snop  }
0x44: {  	[spmem:s10] =	stream.linear.scatter [tilespmem:s11], [sflag:$0x4], $0x2800, $0x38;
	[tilespmem:$0x1C700] =	vst v63  }
0x45: {  	_ = 	snop  }
0x46: {  	[spmem:s21] =	stream.linear.scatter [tilespmem:s11], [sflag:$0x4], $0x2800, $0x38;
	[tilespmem:$0x1C700] =	vst v63  }
0x47: {  	_ =	swait.ge [sflag:s15], $0x2800  }
0x48: {  	[sflag:s15] =	ssyncset.done $0x0  }
0x49: {  	[sflag:s15] =	ssyncadd.s32 $0xFFFFD800  }
0x4a: {  	_ =	swait.ge [sflag:s15], $0x2800  }
0x4b: {  	[sflag:s15] =	ssyncset.done $0x0  }
0x4c: {  	[sflag:s15] =	ssyncadd.s32 $0xFFFFD800  }
0x4d: {  	_ =	swait.ge [sflag:s15], $0x2800  }
0x4e: {  	[sflag:s15] =	ssyncset.done $0x0  }
0x4f: {  	[sflag:s15] =	ssyncadd.s32 $0xFFFFD800  }
0x50: {  	_ =	swait.ge [sflag:s15], $0x2800  }
0x51: {  	[sflag:s15] =	ssyncset.done $0x0  }
0x52: {  	[sflag:s15] =	ssyncadd.s32 $0xFFFFD800  }
0x53: {  	_ =	swait.ge [sflag:s15], $0x2800  }
0x54: {  	[sflag:s15] =	ssyncset.done $0x0  }
0x55: {  	[sflag:s15] =	ssyncadd.s32 $0xFFFFD800  }
0x56: {  	_ =	swait.ge [sflag:s15], $0x2800  }
0x57: {  	[sflag:s15] =	ssyncset.done $0x0  }
0x58: {  	[sflag:s15] =	ssyncadd.s32 $0xFFFFD800  }
0x59: {  	_ =	swait.ge [sflag:s15], $0x2800  }
0x5a: {  	[sflag:s15] =	ssyncset.done $0x0  }
0x5b: {  	[sflag:s15] =	ssyncadd.s32 $0xFFFFD800  }
0x5c: {  	_ =	swait.ge [sflag:s15], $0x2800  }
0x5d: {  	[sflag:s15] =	ssyncset.done $0x0  }
0x5e: {  	[sflag:s15] =	ssyncadd.s32 $0xFFFFD800  }
0x5f: {  	[bflag:$0x0] =	sbarrier.arrive $0xFFFF  }
0x60: {  	s22 =	rddreg [dreg:$0x14]  }
0x61: {  	[tilespmem:s3], [sflag:$0x1] =	stream.linear.gather [hbm4b:s22+s3], $0x58, $0x38;
	[tilespmem:$0x1C700] =	vst v63  }
0x62: {  	s23 =	rddreg [dreg:$0x15]  }
0x63: {  	[tilespmem:s24], [sflag:$0x1] =	stream.linear.gather [hbm4b:s23+s3], $0x58, $0x38;
	[tilespmem:$0x1C700] =	vst v63  }
0x64: {  	s10 =	rddreg [dreg:$0x16]  }
0x65: {  	[tilespmem:s25], [sflag:$0x2] =	stream.linear.gather [hbm4b:s10+s3], $0x58, $0x38;
	[tilespmem:$0x1C700] =	vst v63  }
0x66: {  	s12 =	rddreg [dreg:$0x17]  }
0x67: {  	[tilespmem:s26], [sflag:$0x2] =	stream.linear.gather [hbm4b:s12+s3], $0x58, $0x38;
	[tilespmem:$0x1C700] =	vst v63  }
0x68: {  	_ =	swait.ge [sflag:s28], $0x58  }
0x69: {  	[sflag:s28] =	ssyncset.done $0x0  }
0x6a: {  	[sflag:s28] =	ssyncadd.s32 $0xFFFFFFA8  }
0x6b: {  	_ =	swait.ge [sflag:s28], $0x58  }
0x6c: {  	[sflag:s28] =	ssyncset.done $0x0  }
0x6d: {  	[sflag:s28] =	ssyncadd.s32 $0xFFFFFFA8  }
0x6e: {  	[tilespmem:s11], [sflag:$0x4] =	stream.indirect.gather [hbm4b:s4+s29], $0x80, s3, s29, $0xb8;
	[tilespmem:$0x1C700] =	vst v63  }
0x6f: {  	_ =	swait.ge [sflag:s31], $0x58  }
0x70: {  	[sflag:s31] =	ssyncset.done $0x0  }
0x71: {  	[sflag:s31] =	ssyncadd.s32 $0xFFFFFFA8  }
0x72: {  	_ =	swait.ge [sflag:s31], $0x58  }
0x73: {  	[sflag:s31] =	ssyncset.done $0x0  }
0x74: {  	[sflag:s31] =	ssyncadd.s32 $0xFFFFFFA8  }
0x75: {  	[tilespmem:s2], [sflag:$0x5] =	stream.indirect.gather [hbm4b:s4+s29], $0x80, s25, s29, $0xb8;
	[tilespmem:$0x1C700] =	vst v63  }
0x76: {  	_ =	swait.ge [sflag:s15], $0x2C00  }
0x77: {  	[sflag:s15] =	ssyncset.done $0x0  }
0x78: {  	[sflag:s15] =	ssyncadd.s32 $0xFFFFD400  }
0x79: {  	[spmem:s1] =	stream.indirect.scatter.add.f32 [tilespmem:s11], [sflag:$0x7], $0x80, s24, s29, $0xb8;
	[tilespmem:$0x1C700] =	vst v63  }
0x7a: {  	s21 =	rddreg [dreg:$0x18]  }
0x7b: {  	[tilespmem:s5], [sflag:$0x3] =	stream.linear.gather [hbm4b:s21+s3], $0x58, $0x38;
	[tilespmem:$0x1C700] =	vst v63  }
0x7c: {  	s22 =	rddreg [dreg:$0x19]  }
0x7d: {  	[tilespmem:s6], [sflag:$0x3] =	stream.linear.gather [hbm4b:s22+s3], $0x58, $0x38;
	[tilespmem:$0x1C700] =	vst v63  }
0x7e: {  	_ =	swait.ge [sflag:s20], $0x58  }
0x7f: {  	[sflag:s20] =	ssyncset.done $0x0  }
0x80: {  	[sflag:s20] =	ssyncadd.s32 $0xFFFFFFA8  }
0x81: {  	_ =	swait.ge [sflag:s20], $0x58  }
0x82: {  	[sflag:s20] =	ssyncset.done $0x0  }
0x83: {  	[sflag:s20] =	ssyncadd.s32 $0xFFFFFFA8  }
0x84: {  	[tilespmem:s7], [sflag:$0x6] =	stream.indirect.gather [hbm4b:s4+s29], $0x80, s5, s29, $0xb8;
	[tilespmem:$0x1C700] =	vst v63  }
0x85: {  	_ =	swait.ge [sflag:s8], $0x2C00  }
0x86: {  	[sflag:s8] =	ssyncset.done $0x0  }
0x87: {  	[sflag:s8] =	ssyncadd.s32 $0xFFFFD400  }
0x88: {  	[spmem:s1] =	stream.indirect.scatter.add.f32 [tilespmem:s2], [sflag:$0x8], $0x80, s26, s29, $0xb8;
	[tilespmem:$0x1C700] =	vst v63  }
0x89: {  	_ =	swait.ge [sflag:s16], $0x2C00  }
0x8a: {  	[sflag:s16] =	ssyncset.done $0x0  }
0x8b: {  	s23 =	rddreg [dreg:$0x1a];
	[sflag:s16] =	ssyncadd.s32 $0xFFFFD400  }
0x8c: {  	[tilespmem:s3], [sflag:$0x1] =	stream.linear.gather [hbm4b:s23+s3], $0x58, $0x38;
	[tilespmem:$0x1C700] =	vst v63  }
0x8d: {  	s10 =	rddreg [dreg:$0x1b]  }
0x8e: {  	[tilespmem:s24], [sflag:$0x1] =	stream.linear.gather [hbm4b:s10+s3], $0x58, $0x38;
	[tilespmem:$0x1C700] =	vst v63  }
0x8f: {  	_ =	swait.ge [sflag:s28], $0x58  }
0x90: {  	[sflag:s28] =	ssyncset.done $0x0  }
0x91: {  	[sflag:s28] =	ssyncadd.s32 $0xFFFFFFA8  }
0x92: {  	_ =	swait.ge [sflag:s28], $0x58  }
0x93: {  	[sflag:s28] =	ssyncset.done $0x0  }
0x94: {  	[sflag:s28] =	ssyncadd.s32 $0xFFFFFFA8  }
0x95: {  	[tilespmem:s11], [sflag:$0x4] =	stream.indirect.gather [hbm4b:s4+s29], $0x80, s3, s29, $0xb8;
	[tilespmem:$0x1C700] =	vst v63  }
0x96: {  	_ =	swait.ge [sflag:s17], $0x2C00  }
0x97: {  	[sflag:s17] =	ssyncset.done $0x0  }
0x98: {  	[sflag:s17] =	ssyncadd.s32 $0xFFFFD400  }
0x99: {  	[spmem:s1] =	stream.indirect.scatter.add.f32 [tilespmem:s7], [sflag:$0x9], $0x80, s6, s29, $0xb8;
	[tilespmem:$0x1C700] =	vst v63  }
0x9a: {  	_ =	swait.ge [sflag:s18], $0x2C00  }
0x9b: {  	[sflag:s18] =	ssyncset.done $0x0  }
0x9c: {  	s12 =	rddreg [dreg:$0x1c];
	[sflag:s18] =	ssyncadd.s32 $0xFFFFD400  }
0x9d: {  	[tilespmem:s25], [sflag:$0x2] =	stream.linear.gather [hbm4b:s12+s3], $0x58, $0x38;
	[tilespmem:$0x1C700] =	vst v63  }
0x9e: {  	s21 =	rddreg [dreg:$0x1d]  }
0x9f: {  	[tilespmem:s26], [sflag:$0x2] =	stream.linear.gather [hbm4b:s21+s3], $0x58, $0x38;
	[tilespmem:$0x1C700] =	vst v63  }
0xa0: {  	_ =	swait.ge [sflag:s31], $0x58  }
0xa1: {  	[sflag:s31] =	ssyncset.done $0x0  }
0xa2: {  	[sflag:s31] =	ssyncadd.s32 $0xFFFFFFA8  }
0xa3: {  	_ =	swait.ge [sflag:s31], $0x58  }
0xa4: {  	[sflag:s31] =	ssyncset.done $0x0  }
0xa5: {  	[sflag:s31] =	ssyncadd.s32 $0xFFFFFFA8  }
0xa6: {  	[tilespmem:s2], [sflag:$0x5] =	stream.indirect.gather [hbm4b:s4+s29], $0x80, s25, s29, $0xb8;
	[tilespmem:$0x1C700] =	vst v63  }
0xa7: {  	_ =	swait.ge [sflag:s15], $0x2C00  }
0xa8: {  	[sflag:s15] =	ssyncset.done $0x0  }
0xa9: {  	[sflag:s15] =	ssyncadd.s32 $0xFFFFD400  }
0xaa: {  	[spmem:s1] =	stream.indirect.scatter.add.f32 [tilespmem:s11], [sflag:$0x7], $0x80, s24, s29, $0xb8;
	[tilespmem:$0x1C700] =	vst v63  }
0xab: {  	_ =	swait.ge [sflag:s19], $0x2C00  }
0xac: {  	s21 =	sld [smem:$0x7FC]  }
0xad: {  	[sflag:s19] =	ssyncset.done $0x0  }
0xae: {  	[sflag:s19] =	ssyncadd.s32 $0xFFFFD400  }
0xaf: {  	[tilespmem:s5], [sflag:$0x3] =	stream.linear.gather [hbm4b:s21+s3], $0x58, $0x38;
	[tilespmem:$0x1C700] =	vst v63  }
0xb0: {  	s12 =	rddreg [dreg:$0x1f]  }
0xb1: {  	[tilespmem:s6], [sflag:$0x3] =	stream.linear.gather [hbm4b:s12+s3], $0x58, $0x38;
	[tilespmem:$0x1C700] =	vst v63  }
0xb2: {  	_ =	swait.ge [sflag:s20], $0x58  }
0xb3: {  	[sflag:s20] =	ssyncset.done $0x0  }
0xb4: {  	[sflag:s20] =	ssyncadd.s32 $0xFFFFFFA8  }
0xb5: {  	_ =	swait.ge [sflag:s20], $0x58  }
0xb6: {  	[sflag:s20] =	ssyncset.done $0x0  }
0xb7: {  	[sflag:s20] =	ssyncadd.s32 $0xFFFFFFA8  }
0xb8: {  	[tilespmem:s7], [sflag:$0x6] =	stream.indirect.gather [hbm4b:s4+s29], $0x80, s5, s29, $0xb8;
	[tilespmem:$0x1C700] =	vst v63  }
0xb9: {  	_ =	swait.ge [sflag:s8], $0x2C00  }
0xba: {  	s22 =	smin.u32 s20, $0x6E;
	[sflag:s8] =	ssyncset.done $0x0  }
0xbb: {  	s9 =	smul.u32 $0x58, s22;
	[sflag:s8] =	ssyncadd.s32 $0xFFFFD400  }
0xbc: {  	[spmem:s1] =	stream.indirect.scatter.add.f32 [tilespmem:s2], [sflag:$0x8], $0x80, s26, s29, $0xb8;
	[tilespmem:$0x1C700] =	vst v63  }
0xbd: {  	s9 =	sadd.s32 s9, s30;
	_ =	swait.ge [sflag:s16], $0x2C00  }
0xbe: {  	s9 =	sshrl.u32 s9, $0x3;
	[sflag:s16] =	ssyncset.done $0x0  }
0xbf: {  	s23 =	sadd.s32 s13, s9;
	[sflag:s16] =	ssyncadd.s32 $0xFFFFD400  }
0xc0: {  	[tilespmem:s3], [sflag:$0x1] =	stream.linear.gather [hbm4b:s23+s3], $0x58, $0x38;
	[tilespmem:$0x1C700] =	vst v63  }
0xc1: {  	s9 =	sadd.s32 s14, s9  }
0xc2: {  	[tilespmem:s24], [sflag:$0x1] =	stream.linear.gather [hbm4b:s9+s3], $0x58, $0x38;
	[tilespmem:$0x1C700] =	vst v63  }
0xc3: {  	_ =	swait.ge [sflag:s28], $0x58  }
0xc4: {  	[sflag:s28] =	ssyncset.done $0x0  }
0xc5: {  	[sflag:s28] =	ssyncadd.s32 $0xFFFFFFA8  }
0xc6: {  	_ =	swait.ge [sflag:s28], $0x58  }
0xc7: {  	[sflag:s28] =	ssyncset.done $0x0  }
0xc8: {  	[sflag:s28] =	ssyncadd.s32 $0xFFFFFFA8  }
0xc9: {  	[tilespmem:s11], [sflag:$0x4] =	stream.indirect.gather [hbm4b:s4+s29], $0x80, s3, s29, $0xb8;
	[tilespmem:$0x1C700] =	vst v63  }
0xca: {  	_ =	swait.ge [sflag:s17], $0x2C00  }
0xcb: {  	s22 =	smin.u32 s20, $0x6D;
	[sflag:s17] =	ssyncset.done $0x0  }
0xcc: {  	s9 =	smul.u32 $0x58, s22;
	[sflag:s17] =	ssyncadd.s32 $0xFFFFD400  }
0xcd: {  	[spmem:s1] =	stream.indirect.scatter.add.f32 [tilespmem:s7], [sflag:$0x9], $0x80, s6, s29, $0xb8;
	[tilespmem:$0x1C700] =	vst v63  }
0xce: {  	s9 =	sadd.s32 s9, s0;
	_ =	swait.ge [sflag:s18], $0x2C00  }
0xcf: {  	s9 =	sshrl.u32 s9, $0x3;
	[sflag:s18] =	ssyncset.done $0x0  }
0xd0: {  	s23 =	sadd.s32 s13, s9;
	[sflag:s18] =	ssyncadd.s32 $0xFFFFD400  }
0xd1: {  	[tilespmem:s25], [sflag:$0x2] =	stream.linear.gather [hbm4b:s23+s3], $0x58, $0x38;
	[tilespmem:$0x1C700] =	vst v63  }
0xd2: {  	s9 =	sadd.s32 s14, s9  }
0xd3: {  	[tilespmem:s26], [sflag:$0x2] =	stream.linear.gather [hbm4b:s9+s3], $0x58, $0x38;
	[tilespmem:$0x1C700] =	vst v63  }
0xd4: {  	_ =	swait.ge [sflag:s31], $0x58  }
0xd5: {  	[sflag:s31] =	ssyncset.done $0x0  }
0xd6: {  	[sflag:s31] =	ssyncadd.s32 $0xFFFFFFA8  }
0xd7: {  	_ =	swait.ge [sflag:s31], $0x58  }
0xd8: {  	s22 =	simm.s32 $0x6;
	[sflag:s31] =	ssyncset.done $0x0  }
0xd9: {  	s23 =	sadd.s32 $0x21, s12;
	s9 =	sadd.s32 $0x21, s21;
	[sflag:s31] =	ssyncadd.s32 $0xFFFFFFA8  }
.LBB2_2:
0xda: {  	[tilespmem:s2], [sflag:$0x5] =	stream.indirect.gather [hbm4b:s4+s29], $0x80, s25, s29, $0xb8;
	[tilespmem:$0x1C700] =	vst v63  }
0xdb: {  	s10 =	smov.u32 s22  }
0xdc: {  	p0 =	sne.s32 s22, $0x6F;
	s22 =	sadd.s32 $0x3, s22;
	_ =	swait.ge [sflag:s15], $0x2C00  }
0xdd: {  	[sflag:s15] =	ssyncset.done $0x0  }
0xde: {  	[sflag:s15] =	ssyncadd.s32 $0xFFFFD400  }
0xdf: {  	[spmem:s1] =	stream.indirect.scatter.add.f32 [tilespmem:s11], [sflag:$0x7], $0x80, s24, s29, $0xb8;
	[tilespmem:$0x1C700] =	vst v63  }
0xe0: {  	_ =	swait.ge [sflag:s19], $0x2C00  }
0xe1: {  	[sflag:s19] =	ssyncset.done $0x0  }
0xe2: {  	[sflag:s19] =	ssyncadd.s32 $0xFFFFD400  }
0xe3: {  	[tilespmem:s5], [sflag:$0x3] =	stream.linear.gather [hbm4b:s9+s3], $0x58, $0x38;
	[tilespmem:$0x1C700] =	vst v63  }
0xe4: {  	_ = 	snop  }
0xe5: {  	[tilespmem:s6], [sflag:$0x3] =	stream.linear.gather [hbm4b:s23+s3], $0x58, $0x38;
	[tilespmem:$0x1C700] =	vst v63  }
0xe6: {  	_ =	swait.ge [sflag:s20], $0x58  }
0xe7: {  	[sflag:s20] =	ssyncset.done $0x0  }
0xe8: {  	[sflag:s20] =	ssyncadd.s32 $0xFFFFFFA8  }
0xe9: {  	_ =	swait.ge [sflag:s20], $0x58  }
0xea: {  	[sflag:s20] =	ssyncset.done $0x0  }
0xeb: {  	[sflag:s20] =	ssyncadd.s32 $0xFFFFFFA8  }
0xec: {  	[tilespmem:s7], [sflag:$0x6] =	stream.indirect.gather [hbm4b:s4+s29], $0x80, s5, s29, $0xb8;
	[tilespmem:$0x1C700] =	vst v63  }
0xed: {  	_ =	swait.ge [sflag:s8], $0x2C00  }
0xee: {  	s21 =	smin.u32 s10, $0x6E;
	[sflag:s8] =	ssyncset.done $0x0  }
0xef: {  	s21 =	smul.u32 $0x58, s21;
	[sflag:s8] =	ssyncadd.s32 $0xFFFFD400  }
0xf0: {  	[spmem:s1] =	stream.indirect.scatter.add.f32 [tilespmem:s2], [sflag:$0x8], $0x80, s26, s29, $0xb8;
	[tilespmem:$0x1C700] =	vst v63  }
0xf1: {  	s21 =	sadd.s32 s21, s30;
	_ =	swait.ge [sflag:s16], $0x2C00  }
0xf2: {  	s21 =	sshrl.u32 s21, $0x3;
	[sflag:s16] =	ssyncset.done $0x0  }
0xf3: {  	s12 =	sadd.s32 s13, s21;
	[sflag:s16] =	ssyncadd.s32 $0xFFFFD400  }
0xf4: {  	[tilespmem:s3], [sflag:$0x1] =	stream.linear.gather [hbm4b:s12+s3], $0x58, $0x38;
	[tilespmem:$0x1C700] =	vst v63  }
0xf5: {  	s12 =	sadd.s32 s14, s21  }
0xf6: {  	[tilespmem:s24], [sflag:$0x1] =	stream.linear.gather [hbm4b:s12+s3], $0x58, $0x38;
	[tilespmem:$0x1C700] =	vst v63  }
0xf7: {  	_ =	swait.ge [sflag:s28], $0x58  }
0xf8: {  	[sflag:s28] =	ssyncset.done $0x0  }
0xf9: {  	[sflag:s28] =	ssyncadd.s32 $0xFFFFFFA8  }
0xfa: {  	_ =	swait.ge [sflag:s28], $0x58  }
0xfb: {  	[sflag:s28] =	ssyncset.done $0x0  }
0xfc: {  	[sflag:s28] =	ssyncadd.s32 $0xFFFFFFA8  }
0xfd: {  	[tilespmem:s11], [sflag:$0x4] =	stream.indirect.gather [hbm4b:s4+s29], $0x80, s3, s29, $0xb8;
	[tilespmem:$0x1C700] =	vst v63  }
0xfe: {  	_ =	swait.ge [sflag:s17], $0x2C00  }
0xff: {  	s10 =	smin.u32 s10, $0x6D;
	[sflag:s17] =	ssyncset.done $0x0  }
0x100: {  	s10 =	smul.u32 $0x58, s10;
	[sflag:s17] =	ssyncadd.s32 $0xFFFFD400  }
0x101: {  	[spmem:s1] =	stream.indirect.scatter.add.f32 [tilespmem:s7], [sflag:$0x9], $0x80, s6, s29, $0xb8;
	[tilespmem:$0x1C700] =	vst v63  }
0x102: {  	s10 =	sadd.s32 s10, s0;
	_ =	swait.ge [sflag:s18], $0x2C00  }
0x103: {  	s10 =	sshrl.u32 s10, $0x3;
	[sflag:s18] =	ssyncset.done $0x0  }
0x104: {  	s12 =	sadd.s32 s13, s10;
	[sflag:s18] =	ssyncadd.s32 $0xFFFFD400  }
0x105: {  	[tilespmem:s25], [sflag:$0x2] =	stream.linear.gather [hbm4b:s12+s3], $0x58, $0x38;
	[tilespmem:$0x1C700] =	vst v63  }
0x106: {  	s10 =	sadd.s32 s14, s10  }
0x107: {  	[tilespmem:s26], [sflag:$0x2] =	stream.linear.gather [hbm4b:s10+s3], $0x58, $0x38;
	[tilespmem:$0x1C700] =	vst v63  }
0x108: {  	_ =	swait.ge [sflag:s31], $0x58  }
.Ltmp0:
0x109: {  	[sflag:s31] =	ssyncset.done $0x0;
	(pc) =	sbr.rel @p0 .LBB2_2-.Ltmp0, $4  }
0x10a: {  	[sflag:s31] =	ssyncadd.s32 $0xFFFFFFA8  }
0x10b: {  	_ =	swait.ge [sflag:s31], $0x58  }
0x10c: {  	[sflag:s31] =	ssyncset.done $0x0  }
0x10d: {  	s9 =	sadd.s32 $0x21, s9;
	s23 =	sadd.s32 $0x21, s23;
	[sflag:s31] =	ssyncadd.s32 $0xFFFFFFA8  }
0x10e: {  	[tilespmem:s2], [sflag:$0x5] =	stream.indirect.gather [hbm4b:s4+s29], $0x80, s25, s29, $0xb8;
	[tilespmem:$0x1C700] =	vst v63  }
0x10f: {  	_ =	swait.ge [sflag:s19], $0x2C00  }
0x110: {  	[sflag:s19] =	ssyncset.done $0x0  }
0x111: {  	[sflag:s19] =	ssyncadd.s32 $0xFFFFD400  }
0x112: {  	_ =	swait.ge [sflag:s15], $0x2C00  }
0x113: {  	[sflag:s15] =	ssyncset.done $0x0  }
0x114: {  	[sflag:s15] =	ssyncadd.s32 $0xFFFFD400  }
0x115: {  	_ =	swait.ge [sflag:s8], $0x2C00  }
0x116: {  	[sflag:s8] =	ssyncset.done $0x0  }
0x117: {  	[sflag:s8] =	ssyncadd.s32 $0xFFFFD400  }
0x118: {  	[bflag:$0x0] =	sbarrier.arrive $0xFFFF  }
0x119: {  	s22 =	simm.s32 $0xA;
	s9 =	rddreg [dreg:$0xc]  }
0x11a: {  	[tilespmem:s11], [sflag:$0xA] =	stream.linear.gather [spmem:s9], $0x2800, $0x38;
	[tilespmem:$0x1C700] =	vst v63  }
0x11b: {  	_ =	swait.ge [sflag:s22], $0x2800  }
0x11c: {  	[sflag:s22] =	ssyncset.done $0x0  }
0x11d: {  	s23 =	rddreg [dreg:$0x3];
	[sflag:s22] =	ssyncadd.s32 $0xFFFFD800  }
0x11e: {  	[hbm4b:s23+s3] =	stream.linear.scatter [tilespmem:s11], [sflag:$0x4], $0x2800, $0x38;
	[tilespmem:$0x1C700] =	vst v63  }
0x11f: {  	s10 =	rddreg [dreg:$0xd]  }
0x120: {  	[tilespmem:s2], [sflag:$0xA] =	stream.linear.gather [spmem:s10], $0x2800, $0x38;
	[tilespmem:$0x1C700] =	vst v63  }
0x121: {  	_ =	swait.ge [sflag:s22], $0x2800  }
0x122: {  	[sflag:s22] =	ssyncset.done $0x0  }
0x123: {  	s12 =	rddreg [dreg:$0x4];
	[sflag:s22] =	ssyncadd.s32 $0xFFFFD800  }
0x124: {  	[hbm4b:s12+s3] =	stream.linear.scatter [tilespmem:s2], [sflag:$0x5], $0x2800, $0x38;
	[tilespmem:$0x1C700] =	vst v63  }
0x125: {  	_ =	swait.ge [sflag:s15], $0x2800  }
0x126: {  	[sflag:s15] =	ssyncset.done $0x0  }
0x127: {  	s21 =	rddreg [dreg:$0xe];
	[sflag:s15] =	ssyncadd.s32 $0xFFFFD800  }
0x128: {  	[tilespmem:s11], [sflag:$0xA] =	stream.linear.gather [spmem:s21], $0x2800, $0x38;
	[tilespmem:$0x1C700] =	vst v63  }
0x129: {  	_ =	swait.ge [sflag:s22], $0x2800  }
0x12a: {  	[sflag:s22] =	ssyncset.done $0x0  }
0x12b: {  	s23 =	rddreg [dreg:$0x5];
	[sflag:s22] =	ssyncadd.s32 $0xFFFFD800  }
0x12c: {  	[hbm4b:s23+s3] =	stream.linear.scatter [tilespmem:s11], [sflag:$0x4], $0x2800, $0x38;
	[tilespmem:$0x1C700] =	vst v63  }
0x12d: {  	_ =	swait.ge [sflag:s8], $0x2800  }
0x12e: {  	[sflag:s8] =	ssyncset.done $0x0  }
0x12f: {  	s10 =	rddreg [dreg:$0xf];
	[sflag:s8] =	ssyncadd.s32 $0xFFFFD800  }
0x130: {  	[tilespmem:s2], [sflag:$0xA] =	stream.linear.gather [spmem:s10], $0x2800, $0x38;
	[tilespmem:$0x1C700] =	vst v63  }
0x131: {  	_ =	swait.ge [sflag:s22], $0x2800  }
0x132: {  	[sflag:s22] =	ssyncset.done $0x0  }
0x133: {  	s12 =	rddreg [dreg:$0x6];
	[sflag:s22] =	ssyncadd.s32 $0xFFFFD800  }
0x134: {  	[hbm4b:s12+s3] =	stream.linear.scatter [tilespmem:s2], [sflag:$0x5], $0x2800, $0x38;
	[tilespmem:$0x1C700] =	vst v63  }
0x135: {  	_ =	swait.ge [sflag:s15], $0x2800  }
0x136: {  	[sflag:s15] =	ssyncset.done $0x0  }
0x137: {  	s21 =	rddreg [dreg:$0x10];
	[sflag:s15] =	ssyncadd.s32 $0xFFFFD800  }
0x138: {  	[tilespmem:s11], [sflag:$0xA] =	stream.linear.gather [spmem:s21], $0x2800, $0x38;
	[tilespmem:$0x1C700] =	vst v63  }
0x139: {  	_ =	swait.ge [sflag:s22], $0x2800  }
0x13a: {  	[sflag:s22] =	ssyncset.done $0x0  }
0x13b: {  	s23 =	rddreg [dreg:$0x7];
	[sflag:s22] =	ssyncadd.s32 $0xFFFFD800  }
0x13c: {  	[hbm4b:s23+s3] =	stream.linear.scatter [tilespmem:s11], [sflag:$0x4], $0x2800, $0x38;
	[tilespmem:$0x1C700] =	vst v63  }
0x13d: {  	_ =	swait.ge [sflag:s8], $0x2800  }
0x13e: {  	[sflag:s8] =	ssyncset.done $0x0  }
0x13f: {  	s12 =	rddreg [dreg:$0x11];
	[sflag:s8] =	ssyncadd.s32 $0xFFFFD800  }
0x140: {  	[tilespmem:s2], [sflag:$0xA] =	stream.linear.gather [spmem:s12], $0x2800, $0x38;
	[tilespmem:$0x1C700] =	vst v63  }
0x141: {  	_ =	swait.ge [sflag:s22], $0x2800  }
0x142: {  	[sflag:s22] =	ssyncset.done $0x0  }
0x143: {  	s10 =	rddreg [dreg:$0x8];
	[sflag:s22] =	ssyncadd.s32 $0xFFFFD800  }
0x144: {  	[hbm4b:s10+s3] =	stream.linear.scatter [tilespmem:s2], [sflag:$0x5], $0x2800, $0x38;
	[tilespmem:$0x1C700] =	vst v63  }
0x145: {  	_ =	swait.ge [sflag:s15], $0x2800  }
0x146: {  	[sflag:s15] =	ssyncset.done $0x0  }
0x147: {  	s10 =	rddreg [dreg:$0x12];
	[sflag:s15] =	ssyncadd.s32 $0xFFFFD800  }
0x148: {  	[tilespmem:s11], [sflag:$0xA] =	stream.linear.gather [spmem:s10], $0x2800, $0x38;
	[tilespmem:$0x1C700] =	vst v63  }
0x149: {  	_ =	swait.ge [sflag:s22], $0x2800  }
0x14a: {  	[sflag:s22] =	ssyncset.done $0x0  }
0x14b: {  	s21 =	rddreg [dreg:$0x9];
	[sflag:s22] =	ssyncadd.s32 $0xFFFFD800  }
0x14c: {  	[hbm4b:s21+s3] =	stream.linear.scatter [tilespmem:s11], [sflag:$0x4], $0x2800, $0x38;
	[tilespmem:$0x1C700] =	vst v63  }
0x14d: {  	_ =	swait.ge [sflag:s8], $0x2800  }
0x14e: {  	[sflag:s8] =	ssyncset.done $0x0  }
0x14f: {  	s21 =	rddreg [dreg:$0x13];
	[sflag:s8] =	ssyncadd.s32 $0xFFFFD800  }
0x150: {  	[tilespmem:s2], [sflag:$0xA] =	stream.linear.gather [spmem:s21], $0x2800, $0x38;
	[tilespmem:$0x1C700] =	vst v63  }
0x151: {  	_ =	swait.ge [sflag:s22], $0x2800  }
0x152: {  	[sflag:s22] =	ssyncset.done $0x0  }
0x153: {  	s23 =	rddreg [dreg:$0xa];
	[sflag:s22] =	ssyncadd.s32 $0xFFFFD800  }
0x154: {  	[hbm4b:s23+s3] =	stream.linear.scatter [tilespmem:s2], [sflag:$0x5], $0x2800, $0x38;
	[tilespmem:$0x1C700] =	vst v63  }
0x155: {  	_ =	swait.ge [sflag:s15], $0x2800  }
0x156: {  	[sflag:s15] =	ssyncset.done $0x0  }
0x157: {  	[sflag:s15] =	ssyncadd.s32 $0xFFFFD800  }
0x158: {  	_ =	swait.ge [sflag:s8], $0x2800  }
0x159: {  	s23 =	sld [smem:$0x7FD];
	_ =	sdelay $0x2  }
0x15a: {  	s9 =	rddreg [dreg:$0x1e];
	s23 =	sadd.s32 $0x1, s23  }
0x15b: {  	p0 =	sne.s32 s23, s9  }
.Ltmp1:
0x15c: {  	_ = 	snop;
	(pc) =	sbr.rel @p0 .LBB2_1-.Ltmp1, $3  }
0x15d: {  	_ =	sdelay $0x1  }
0x15e: {  	[sflag:s8] =	ssyncset.done $0x0;
	[smem:$0x7FD] =	sst s23  }
0x15f: {  	[sflag:s8] =	ssyncadd.s32 $0xFFFFD800;
	s23 =	rddreg [dreg:$0xc]  }
0x160: {  	_ =	sfence.sel $0x180000  }
0x161: {  	[bflag:$0x0] =	sbarrier.arrive $0xFFFF  }
0x162: {  	_ =	strace $0x9000004A  }
0x163: {  	s0 =	stileid.u32;
	[bflag:$0x2] =	sbarrier.arrive $0xFFFF  }
0x164: {  	p0 =	sne.s32 s0, $0x0;
	s0 =	rddreg [dreg:$0x2]  }
0x165: {  	s0 =	sadd.s32 @!p0 $0x100000, s0  }
0x166: {  	[sflag:s0] =	ssyncadd.tile.s32 @!p0 $0x1;
	_ =	shalt  }
.Lfunc_end2:
_tile_overlayer_lowered:
.L_overlay_start_2:
0x167: {  	(tag) =	ssettag $0x2  }
0x168: {  	s0 =	rddreg [dreg:$0x0];
	s2 =	stileid.u32  }
0x169: {  	s1 =	rddreg [dreg:$0x1];
	p0 =	sne.s32 s2, $0x0  }
0x16a: {  	s3 =	rddreg [dreg:$0x2];
	[bflag:$0x3] =	sbarrier.arrive $0xFFFF;
	s2 =	simm.s32 @!p0 $0x1C0A  }
0x16b: {  	[timem:s3], [sflag:s2] =	dma.local @!p0 [hbm:s0], s1  }
0x16c: {  	s0 =	simm.s32 @!p0 $0xA  }
0x16d: {  	_ =	swait.ge @!p0 [sflag:s0], s1  }
0x16e: {  	s1 =	ssub.s32 @!p0 $0x0, s1;
	[sflag:s0] =	ssyncset.done @!p0 $0x0  }
0x16f: {  	[sflag:s0] =	ssyncadd.s32 @!p0 s1  }
0x170: {  	[bflag:$0x3] =	sbarrier.arrive $0xFFFF  }
0x171: {  	_ =	shalt  }

// kernel: kernel.14.cloned.1.call-start
scs
__scs_entry_jumppad:
0x0: {  	(pc) =	sbr.rel $0x88, $3  }
0x1: {  	(tag) =	ssettag $0x0;
	lr =	simm.s32 $0x1  }
0x2: {  	[smem:$0x3F9A] =	sst lr;
	_ =	strace $0xD0000000  }
0x3: {  	_ = 	snop  }
0x4: {  	_ = 	snop  }
0x5: {  	_ = 	snop  }
0x6: {  	_ = 	snop  }
0x7: {  	_ = 	snop  }
__scs_overlays_trampoline_lowered:
0x8: {  	[smem:$0x3FA9] =	sst s0  }
0x9: {  	[smem:$0x3FAA] =	sst s1  }
0xa: {  	[smem:$0x3FAB] =	sst s2  }
0xb: {  	[smem:$0x3FAC] =	sst s3  }
0xc: {  	[smem:$0x3FAD] =	sst s4  }
0xd: {  	[smem:$0x3FAE] =	sst s5  }
0xe: {  	[smem:$0x3FAF] =	sst s6  }
0xf: {  	[smem:$0x3FB0] =	sst s7  }
0x10: {  	[smem:$0x3FB1] =	sst s8  }
0x11: {  	[smem:$0x3FB2] =	sst s9;
	s0 =	simm.s32 @!p0 $0x0  }
0x12: {  	s1 =	sld [smem:$0x3F98];
	s0 =	simm.s32 @p0 $0x1  }
0x13: {  	[smem:$0x3FB3] =	sst s0;
	s0 =	simm.s32 @!p1 $0x0  }
0x14: {  	s2 =	sld [smem:$0x3F97];
	s0 =	simm.s32 @p1 $0x1  }
0x15: {  	[smem:$0x3FB4] =	sst s0;
	s0 =	simm.s32 @!p2 $0x0  }
0x16: {  	s3 =	sld [smem:$0x3FDB];
	s0 =	simm.s32 @p2 $0x1  }
0x17: {  	s4 =	simm.s32 $0x1BF5;
	[smem:$0x3FB6] =	sst s0  }
0x18: {  	s0 =	sld [smem:$0x3F99];
	_ =	swait.ge [sflag:s4], $0x0  }
0x19: {  	s7 =	sld [smem:$0x3F9A]  }
0x1a: {  	s8 =	sadd.s32 $0xFFFFE003, lr  }
0x1b: {  	s9 =	sadd.s32 $0xFFFFFEF7, lr;
	s5 =	simm.s32 $0xFFFFFFFF;
	p2 =	slt.u32 s8, $0xFFFFF086  }
0x1c: {  	p1 =	slt.u32 s9, $0xF7A;
	s5 =	simm.s32 @!p2 $0x0  }
0x1d: {  	s5 =	simm.s32 @p1 $0x1;
	p0 =	seq.s32 s7, s2  }
0x1e: {  	s7 =	smul.u32 @!p0 $0xF7A, s2;
	p2 =	seq.s32 @!p0 s5, $0x0  }
0x1f: {  	s9 =	smul.u32 $0xF7A, s1;
	s8 =	simm.s32 @!p0 $0x1BF5;
	p2 =	por !p2, p0  }
0x20: {  	[sflag:s8] =	ssyncset.s32 @!p0 $0xFFFFF086;
	s6 =	sadd.s32 @!p0 s3, s7;
	s7 =	simm.s32 @!p0 $0x108  }
0x21: {  	s3 =	sadd.s32 s3, s9;
	s6 =	sadd.s32 @!p0 $0x88, s6;
	s7 =	simm.s32 @p2 $0x1082  }
0x22: {  	[simem:s7], [sflag:s8] =	dma.local @!p0 [hbm:s6], $0xF7A  }
0x23: {  	s9 =	sor.u32 $0xD0000000, s2;
	s6 =	simm.s32 $0x108;
	_ =	swait.ge @!p0 [sflag:s8], $0x0  }
0x24: {  	s3 =	sadd.s32 $0x88, s3;
	s6 =	simm.s32 @!p1 $0x1082;
	[sflag:s4] =	ssyncset.s32 $0xFFFFF086  }
0x25: {  	[simem:s6], [sflag:s4] =	dma.local [hbm:s3], $0xF7A  }
0x26: {  	[smem:$0x3F9A] =	sst s1;
	(tag) =	ssettag s2;
	_ =	strace s9  }
0x27: {  	s1 =	sld [smem:$0x3FAA]  }
0x28: {  	s2 =	sld [smem:$0x3FAB]  }
0x29: {  	s4 =	sld [smem:$0x3FAD]  }
0x2a: {  	p0 =	seq.s32 s5, $0x0;
	s5 =	sld [smem:$0x3FAE]  }
0x2b: {  	s6 =	sld [smem:$0x3FAF]  }
0x2c: {  	s7 =	sld [smem:$0x3FB0]  }
0x2d: {  	s3 =	simm.s32 $0x108;
	s8 =	sld [smem:$0x3FB1]  }
0x2e: {  	s3 =	simm.s32 @!p0 $0x1082;
	s9 =	sld [smem:$0x3FB2]  }
0x2f: {  	lr =	sadd.s32 s0, s3;
	s0 =	sld [smem:$0x3FA9]  }
0x30: {  	s3 =	sld [smem:$0x3FAC]  }
0x31: {  	[smem:$0x3FB5] =	sst s10  }
0x32: {  	s10 =	sld [smem:$0x3FB3];
	_ =	sdelay $0x3  }
0x33: {  	p0 =	seq.s32 s10, $0x1;
	s10 =	sld [smem:$0x3FB5];
	_ =	sdelay $0x3  }
0x34: {  	[smem:$0x3FB5] =	sst s10  }
0x35: {  	s10 =	sld [smem:$0x3FB4];
	_ =	sdelay $0x3  }
0x36: {  	p1 =	seq.s32 s10, $0x1;
	s10 =	sld [smem:$0x3FB5];
	_ =	sdelay $0x3  }
0x37: {  	[smem:$0x3FB5] =	sst s10  }
0x38: {  	s10 =	sld [smem:$0x3FB6]  }
0x39: {  	_ = 	snop;
	(pc) =	sbr.ind lr, $3  }
0x3a: {  	_ = 	snop  }
0x3b: {  	_ = 	snop  }
0x3c: {  	p2 =	seq.s32 s10, $0x1;
	s10 =	sld [smem:$0x3FB5]  }
0x3d: {  	_ =	shalt  }
0x3e: {  	_ =	shalt  }
0x3f: {  	_ =	shalt  }
0x40: {  	_ =	shalt  }
0x41: {  	_ =	shalt  }
0x42: {  	_ =	shalt  }
0x43: {  	_ =	shalt  }
0x44: {  	_ =	shalt  }
0x45: {  	_ =	shalt  }
0x46: {  	_ =	shalt  }
0x47: {  	_ =	shalt  }
0x48: {  	_ =	shalt  }
0x49: {  	_ =	shalt  }
0x4a: {  	_ =	shalt  }
0x4b: {  	_ =	shalt  }
0x4c: {  	_ =	shalt  }
0x4d: {  	_ =	shalt  }
0x4e: {  	_ =	shalt  }
0x4f: {  	_ =	shalt  }
0x50: {  	_ =	shalt  }
0x51: {  	_ =	shalt  }
0x52: {  	_ =	shalt  }
0x53: {  	_ =	shalt  }
0x54: {  	_ =	shalt  }
0x55: {  	_ =	shalt  }
0x56: {  	_ =	shalt  }
0x57: {  	_ =	shalt  }
0x58: {  	_ =	shalt  }
0x59: {  	_ =	shalt  }
0x5a: {  	_ =	shalt  }
0x5b: {  	_ =	shalt  }
0x5c: {  	_ =	shalt  }
0x5d: {  	_ =	shalt  }
0x5e: {  	_ =	shalt  }
0x5f: {  	_ =	shalt  }
0x60: {  	_ =	shalt  }
0x61: {  	_ =	shalt  }
0x62: {  	_ =	shalt  }
0x63: {  	_ =	shalt  }
0x64: {  	_ =	shalt  }
0x65: {  	_ =	shalt  }
0x66: {  	_ =	shalt  }
0x67: {  	_ =	shalt  }
0x68: {  	_ =	shalt  }
0x69: {  	_ =	shalt  }
0x6a: {  	_ =	shalt  }
0x6b: {  	_ =	shalt  }
0x6c: {  	_ =	shalt  }
0x6d: {  	_ =	shalt  }
0x6e: {  	_ =	shalt  }
0x6f: {  	_ =	shalt  }
0x70: {  	_ =	shalt  }
0x71: {  	_ =	shalt  }
0x72: {  	_ =	shalt  }
0x73: {  	_ =	shalt  }
0x74: {  	_ =	shalt  }
0x75: {  	_ =	shalt  }
0x76: {  	_ =	shalt  }
0x77: {  	_ =	shalt  }
0x78: {  	_ =	shalt  }
0x79: {  	_ =	shalt  }
0x7a: {  	_ =	shalt  }
0x7b: {  	_ =	shalt  }
0x7c: {  	_ =	shalt  }
0x7d: {  	_ =	shalt  }
0x7e: {  	_ =	shalt  }
0x7f: {  	_ =	shalt  }
0x80: {  	_ =	shalt  }
0x81: {  	_ =	shalt  }
0x82: {  	_ =	shalt  }
0x83: {  	_ =	shalt  }
0x84: {  	_ =	shalt  }
0x85: {  	_ =	shalt  }
0x86: {  	_ =	shalt  }
0x87: {  	_ =	shalt  }
.Lfunc_end0:
.L_simem_size_0:
called_computation.2_lowered:
.L_overlay_start_0:
0x88: {  	s2 =	sld [smem:$0x3FD9]  }
0x89: {  	s3 =	sld [smem:$0x3FFE];
	_ =	sdelay $0x1  }
0x8a: {  	s1 =	srdreg.scid  }
0x8b: {  	s0 =	sand.u32 $0x1, s1  }
0x8c: {  	s16 =	sshll.u32 s0, $0xA;
	s2 =	sadd.s32 s3, s2  }
0x8d: {  	s2 =	sadd.s32 s2, s16  }
0x8e: {  	[smem:$0x3FC1] =	sst s2  }
0x8f: {  	_ = 	snop  }
0x90: {  	(tm) =	ssettm $0x1  }
0x91: {  	s17 =	sld [smem:$0x3FFB];
	_ =	sdelay $0x3  }
0x92: {  	_ =	strace s17  }
0x93: {  	s2 =	sld [smem:$0x3FFC];
	_ =	sdelay $0x3  }
0x94: {  	_ =	strace s2  }
0x95: {  	s2 =	sld [smem:$0x3FFD];
	_ =	sdelay $0x3  }
0x96: {  	_ =	strace s2  }
0x97: {  	_ =	strace $0x8FFFFFFF  }
0x98: {  	s18 =	sld [smem:$0x3FDB];
	_ =	sdelay $0x1  }
0x99: {  	s19 =	simm.s32 $_scs_section_size  }
0x9a: {  	s4 =	simm.s32 $_size__tile_overlayer_lowered;
	s5 =	simm.s32 $_tile_overlayer_lowered  }
0x9b: {  	s22 =	simm.s32 $0x1BFF;
	s21 =	sshll.u32 s5, $0x1;
	s2 =	sadd.s32 s19, s18  }
0x9c: {  	s6 =	simm.s32 $0x0;
	s20 =	sshll.u32 s4, $0x1;
	s4 =	sadd.s32 s21, s2  }
0x9d: {  	[timem:s6], [sflag:s22] =	dma.local [hbm:s4], s20  }
0x9e: {  	_ =	swait.ge [sflag:s22], s20  }
0x9f: {  	s3 =	ssub.s32 $0x0, s20;
	[sflag:s22] =	ssyncset.done $0x0  }
0xa0: {  	[sflag:s22] =	ssyncadd.s32 s3;
	_ =	sdelay $0x1  }
0xa1: {  	s23 =	simm.s32 $0x1B8B  }
0xa2: {  	_ =	swait.ge [sflag:s23], $0x1  }
0xa3: {  	[sflag:s23] =	ssyncset.done $0x0  }
0xa4: {  	s25 =	simm.s32 $0x1B8E;
	s24 =	sld [smem:$0x3FFE];
	[sflag:s23] =	ssyncadd.s32 $0xFFFFFFFF  }
0xa5: {  	s26 =	simm.s32 $execute0_lowered;
	[smem:$0x3FD2] =	sst s25  }
0xa6: {  	s4 =	sshll.u32 s26, $0x1;
	_ =	strace $0x8000004C;
	[dreg:$0x1] =	wrdreg $0xFFFFFFFF  }
0xa7: {  	s28 =	simm.s32 $_size_execute0_lowered;
	s2 =	sadd.s32 s2, s4;
	[dreg:$0x0] =	wrdreg $0x0  }
0xa8: {  	s4 =	sshll.u32 s28, $0x1;
	[dreg:$0x2] =	wrdreg s2  }
0xa9: {  	[dreg:$0x3] =	wrdreg s4  }
0xaa: {  	[dreg:$0x4] =	wrdreg $0xC0  }
0xab: {  	_ =	task [dreg:s6], $0x5FFFF  }
0xac: {  	[dreg:$0x1] =	wrdreg $0xFFFFFFFF  }
0xad: {  	[dreg:$0x0] =	wrdreg $0x60  }
0xae: {  	[dreg:$0x2] =	wrdreg s24  }
0xaf: {  	[dreg:$0x3] =	wrdreg $0x87000  }
0xb0: {  	[dreg:$0x4] =	wrdreg $0x9  }
0xb1: {  	_ =	task.clear_ibuf [dreg:s6], $0x5FFFF;
	_ =	strace $0x9000004C  }
0xb2: {  	s29 =	simm.s32 $0x9;
	_ =	strace $0x8000004E  }
0xb3: {  	_ =	swait.ge [sflag:s29], $0x1  }
0xb4: {  	[sflag:s29] =	ssyncadd.s32 $0xFFFFFFFF  }
0xb5: {  	_ =	strace $0x9000004E  }
0xb6: {  	_ =	sfence  }
0xb7: {  	s30 =	sld [smem:$0x0];
	_ =	sdelay $0x2  }
0xb8: {  	s31 =	sshll.u32 s1, $0xD;
	s1 =	sshrl.u32 s1, $0x2  }
0xb9: {  	s3 =	sand.u32 $0x4000, s31;
	s1 =	sadd.s32 s1, s30  }
0xba: {  	s0 =	sor.u32 s3, s0;
	s1 =	sshll.u32 s1, $0x11  }
0xbb: {  	s0 =	sor.u32 s1, s0  }
0xbc: {  	s0 =	sadd.s32 $0x8F2B, s0  }
0xbd: {  	[sflag:s0] =	ssyncadd.remote.s32 $0x1  }
0xbe: {  	_ =	sfence.sel $0xFFFF  }
0xbf: {  	[dreg:$0x0] =	wrdreg $0xFFFFFFFF;
	(pc) =	sbr.abs _section_cstart, $3  }
0xc0: {  	[dreg:$0x1] =	wrdreg $0xFFFFFFFF  }
0xc1: {  	_ =	task.clear_ibuf [dreg:s6], $0x2FFFF;
	_ =	strace $0x9FFFFFFF  }
0xc2: {  	(tm) =	ssettm $0x7FFFFFFF  }
0xc3: {  	_ =	shalt  }
tec
execute0_lowered:
.L_overlay_start_1:
0x0: {  	(tag) =	ssettag $0x1  }
0x1: {  	s0 =	rddreg [dreg:$0x0]  }
0x2: {  	s1 =	rddreg [dreg:$0x1]  }
0x3: {  	s3 =	simm.s32 $0x0;
	s2 =	srdreg.scid;
	s18 =	stileid.u32  }
0x4: {  	s28 =	simm.s32 $0x1;
	s29 =	simm.s32 $0x58;
	s31 =	simm.s32 $0x2  }
0x5: {  	[smem:$0x7FF] =	sst s3;
	s5 =	sand.u32 $0x1, s2;
	s6 =	smul.u32 $0x280, s18  }
0x6: {  	s4 =	sadd.s32 $0x26E00, s0;
	s7 =	sadd.s32 $0x4E000, s0;
	s21 =	smul.u32 $0x2730, s18  }
0x7: {  	_ =	strace $0x8000004D;
	s2 =	ssub.s32 $0x2, s5;
	s12 =	smul.u32 $0x2800, s5  }
0x8: {  	s20 =	smul.u32 $0x27300, s5;
	s5 =	sshll.u32 s5, $0x4;
	s8 =	sshrl.u32 s2, $0x1  }
0x9: {  	s9 =	sadd.s32 $0xA0, s6;
	s10 =	sadd.s32 $0xF0, s6;
	s11 =	sadd.s32 $0x140, s6  }
0xa: {  	s15 =	sadd.s32 $0x190, s6;
	s16 =	sadd.s32 $0x1E0, s6;
	s17 =	sadd.s32 $0x230, s6  }
0xb: {  	s5 =	sor.u32 s18, s5;
	s2 =	ssub.s32 s2, s8;
	s8 =	sor.u32 $0x50, s6  }
0xc: {  	s6 =	sadd.s32 s6, s12;
	s14 =	sadd.s32 s12, s9;
	s24 =	sadd.s32 s12, s10  }
0xd: {  	s25 =	sadd.s32 s12, s11;
	s26 =	sadd.s32 s12, s15;
	s19 =	sadd.s32 s12, s16  }
0xe: {  	s15 =	sshll.u32 s15, $0x7;
	s13 =	sadd.s32 s12, s8;
	s6 =	sshll.u32 s6, $0x4  }
0xf: {  	s14 =	sshll.u32 s14, $0x4;
	s12 =	sadd.s32 s12, s17;
	s2 =	smax.u32 s2, $0x1  }
0x10: {  	s13 =	sshll.u32 s13, $0x4;
	s6 =	sadd.s32 s7, s6;
	s23 =	sadd.s32 s7, s14  }
0x11: {  	s14 =	sshll.u32 s26, $0x4;
	s12 =	sshll.u32 s12, $0x4;
	[dreg:$0x1e] =	wrdreg s2  }
0x12: {  	s26 =	sshll.u32 s10, $0x7;
	s2 =	simm.s32 $0x2F00;
	[dreg:$0x3] =	wrdreg s6  }
0x13: {  	s22 =	sadd.s32 s7, s13;
	[dreg:$0x5] =	wrdreg s23;
	s6 =	sshll.u32 s24, $0x4  }
0x14: {  	s13 =	sshll.u32 s25, $0x4;
	s14 =	sadd.s32 s7, s14;
	s23 =	smul.u32 $0x50000, s18  }
0x15: {  	s24 =	sshll.u32 s8, $0x7;
	s25 =	sshll.u32 s9, $0x7;
	[dreg:$0x4] =	wrdreg s22  }
0x16: {  	s10 =	sadd.s32 s26, s1;
	s18 =	sshll.u32 s16, $0x7;
	[dreg:$0x8] =	wrdreg s14  }
0x17: {  	s8 =	simm.s32 $0x5;
	s6 =	sadd.s32 s7, s6;
	[dreg:$0xf] =	wrdreg s10  }
0x18: {  	s13 =	sadd.s32 s7, s13;
	s22 =	sadd.s32 s7, s12;
	[dreg:$0x6] =	wrdreg s6  }
0x19: {  	s14 =	sadd.s32 $0x13200, s0;
	s9 =	sadd.s32 s25, s1;
	[dreg:$0x7] =	wrdreg s13  }
0x1a: {  	s12 =	sshll.u32 s11, $0x7;
	s10 =	sadd.s32 s18, s1;
	[dreg:$0xa] =	wrdreg s22  }
0x1b: {  	s6 =	sshll.u32 s19, $0x4;
	s13 =	sadd.s32 $0x1D000, s0;
	[dreg:$0xe] =	wrdreg s9  }
0x1c: {  	s0 =	sadd.s32 $0x2600, s0;
	s19 =	sshll.u32 s17, $0x7;
	[dreg:$0x12] =	wrdreg s10  }
0x1d: {  	s6 =	sadd.s32 s7, s6;
	s7 =	sadd.s32 s21, s20;
	[dreg:$0xb] =	wrdreg s0  }
0x1e: {  	s0 =	smul.u32 $0x2730, s5;
	s5 =	sadd.s32 s24, s1;
	[dreg:$0x9] =	wrdreg s6  }
0x1f: {  	s21 =	sadd.s32 s19, s1;
	s6 =	sshrl.u32 s23, $0x2;
	[dreg:$0xd] =	wrdreg s5  }
0x20: {  	s5 =	sadd.s32 s12, s1;
	s12 =	sadd.s32 s15, s1;
	[dreg:$0x13] =	wrdreg s21  }
0x21: {  	s17 =	sadd.s32 $0x1B8, s7;
	s7 =	simm.s32 $0x5B00;
	[dreg:$0x10] =	wrdreg s5  }
0x22: {  	s23 =	sadd.s32 s6, s1;
	s20 =	sshrl.u32 s0, $0x3;
	[dreg:$0x11] =	wrdreg s12  }
0x23: {  	s22 =	sadd.s32 $0x58, s0;
	s25 =	sadd.s32 s13, s20;
	[dreg:$0xc] =	wrdreg s23  }
0x24: {  	s24 =	sshrl.u32 s22, $0x3;
	s26 =	sadd.s32 s14, s20;
	[dreg:$0x14] =	wrdreg s25  }
0x25: {  	s30 =	sadd.s32 $0x108, s0;
	[dreg:$0x15] =	wrdreg s26;
	s9 =	sadd.s32 s13, s24  }
0x26: {  	s6 =	sadd.s32 $0x16, s20;
	s5 =	sadd.s32 s14, s24;
	[dreg:$0x16] =	wrdreg s9  }
0x27: {  	s0 =	sadd.s32 $0x160, s0;
	s11 =	sadd.s32 s13, s6;
	[dreg:$0x17] =	wrdreg s5  }
0x28: {  	s16 =	sshrl.u32 s30, $0x3;
	s15 =	sadd.s32 s14, s6;
	[dreg:$0x18] =	wrdreg s11  }
0x29: {  	s19 =	sshrl.u32 s0, $0x3;
	s18 =	sadd.s32 s13, s16;
	[dreg:$0x19] =	wrdreg s15  }
0x2a: {  	s20 =	sshrl.u32 s17, $0x3;
	s22 =	sadd.s32 s13, s19;
	[dreg:$0x1a] =	wrdreg s18  }
0x2b: {  	s17 =	simm.s32 $0x6;
	s24 =	sadd.s32 s14, s19;
	[dreg:$0x1c] =	wrdreg s22  }
0x2c: {  	s25 =	sadd.s32 s20, s14;
	s26 =	sadd.s32 s20, s13;
	[dreg:$0x1d] =	wrdreg s24  }
0x2d: {  	s6 =	simm.s32 $0x280;
	s19 =	simm.s32 $0x9;
	[dreg:$0x1f] =	wrdreg s25  }
0x2e: {  	s20 =	simm.s32 $0x3;
	s5 =	sadd.s32 s14, s16;
	[smem:$0x7FC] =	sst s26  }
0x2f: {  	s11 =	simm.s32 $0x300;
	s22 =	simm.s32 $0xA;
	s15 =	simm.s32 $0x4  }
0x30: {  	s24 =	simm.s32 $0x80;
	s25 =	simm.s32 $0x100;
	s26 =	simm.s32 $0x180  }
0x31: {  	s16 =	simm.s32 $0x7;
	s9 =	simm.s32 $0x0;
	[dreg:$0x1b] =	wrdreg s5  }
0x32: {  	s18 =	simm.s32 $0x8;
	s5 =	simm.s32 $0x200;
	[smem:$0x7FD] =	sst s9  }
.LBB2_1:
0x33: {  	s9 =	rddreg [dreg:$0xb]  }
0x34: {  	[tilespmem:s11], [sflag:$0xA] =	stream.linear.gather [hbm4b:s9+s3], $0x2800, $0x38;
	[tilespmem:$0x1C700] =	vst v63  }
0x35: {  	_ =	swait.ge [sflag:s22], $0x2800  }
0x36: {  	[sflag:s22] =	ssyncset.done $0x0  }
0x37: {  	[sflag:s22] =	ssyncadd.s32 $0xFFFFD800  }
0x38: {  	[spmem:s23] =	stream.linear.scatter [tilespmem:s11], [sflag:$0x4], $0x2800, $0x38;
	[tilespmem:$0x1C700] =	vst v63  }
0x39: {  	s22 =	rddreg [dreg:$0xd]  }
0x3a: {  	[spmem:s22] =	stream.linear.scatter [tilespmem:s11], [sflag:$0x4], $0x2800, $0x38;
	[tilespmem:$0x1C700] =	vst v63  }
0x3b: {  	s23 =	rddreg [dreg:$0xe]  }
0x3c: {  	[spmem:s23] =	stream.linear.scatter [tilespmem:s11], [sflag:$0x4], $0x2800, $0x38;
	[tilespmem:$0x1C700] =	vst v63  }
0x3d: {  	s22 =	rddreg [dreg:$0xf]  }
0x3e: {  	[spmem:s22] =	stream.linear.scatter [tilespmem:s11], [sflag:$0x4], $0x2800, $0x38;
	[tilespmem:$0x1C700] =	vst v63  }
0x3f: {  	s23 =	rddreg [dreg:$0x10]  }
0x40: {  	[spmem:s23] =	stream.linear.scatter [tilespmem:s11], [sflag:$0x4], $0x2800, $0x38;
	[tilespmem:$0x1C700] =	vst v63  }
0x41: {  	_ = 	snop  }
0x42: {  	[spmem:s12] =	stream.linear.scatter [tilespmem:s11], [sflag:$0x4], $0x2800, $0x38;
	[tilespmem:$0x1C700] =	vst v63  }
0x43: {  	_ = 	snop  }
0x44: {  	[spmem:s10] =	stream.linear.scatter [tilespmem:s11], [sflag:$0x4], $0x2800, $0x38;
	[tilespmem:$0x1C700] =	vst v63  }
0x45: {  	_ = 	snop  }
0x46: {  	[spmem:s21] =	stream.linear.scatter [tilespmem:s11], [sflag:$0x4], $0x2800, $0x38;
	[tilespmem:$0x1C700] =	vst v63  }
0x47: {  	_ =	swait.ge [sflag:s15], $0x2800  }
0x48: {  	[sflag:s15] =	ssyncset.done $0x0  }
0x49: {  	[sflag:s15] =	ssyncadd.s32 $0xFFFFD800  }
0x4a: {  	_ =	swait.ge [sflag:s15], $0x2800  }
0x4b: {  	[sflag:s15] =	ssyncset.done $0x0  }
0x4c: {  	[sflag:s15] =	ssyncadd.s32 $0xFFFFD800  }
0x4d: {  	_ =	swait.ge [sflag:s15], $0x2800  }
0x4e: {  	[sflag:s15] =	ssyncset.done $0x0  }
0x4f: {  	[sflag:s15] =	ssyncadd.s32 $0xFFFFD800  }
0x50: {  	_ =	swait.ge [sflag:s15], $0x2800  }
0x51: {  	[sflag:s15] =	ssyncset.done $0x0  }
0x52: {  	[sflag:s15] =	ssyncadd.s32 $0xFFFFD800  }
0x53: {  	_ =	swait.ge [sflag:s15], $0x2800  }
0x54: {  	[sflag:s15] =	ssyncset.done $0x0  }
0x55: {  	[sflag:s15] =	ssyncadd.s32 $0xFFFFD800  }
0x56: {  	_ =	swait.ge [sflag:s15], $0x2800  }
0x57: {  	[sflag:s15] =	ssyncset.done $0x0  }
0x58: {  	[sflag:s15] =	ssyncadd.s32 $0xFFFFD800  }
0x59: {  	_ =	swait.ge [sflag:s15], $0x2800  }
0x5a: {  	[sflag:s15] =	ssyncset.done $0x0  }
0x5b: {  	[sflag:s15] =	ssyncadd.s32 $0xFFFFD800  }
0x5c: {  	_ =	swait.ge [sflag:s15], $0x2800  }
0x5d: {  	[sflag:s15] =	ssyncset.done $0x0  }
0x5e: {  	[sflag:s15] =	ssyncadd.s32 $0xFFFFD800  }
0x5f: {  	[bflag:$0x0] =	sbarrier.arrive $0xFFFF  }
0x60: {  	s22 =	rddreg [dreg:$0x14]  }
0x61: {  	[tilespmem:s3], [sflag:$0x1] =	stream.linear.gather [hbm4b:s22+s3], $0x58, $0x38;
	[tilespmem:$0x1C700] =	vst v63  }
0x62: {  	s23 =	rddreg [dreg:$0x15]  }
0x63: {  	[tilespmem:s24], [sflag:$0x1] =	stream.linear.gather [hbm4b:s23+s3], $0x58, $0x38;
	[tilespmem:$0x1C700] =	vst v63  }
0x64: {  	s10 =	rddreg [dreg:$0x16]  }
0x65: {  	[tilespmem:s25], [sflag:$0x2] =	stream.linear.gather [hbm4b:s10+s3], $0x58, $0x38;
	[tilespmem:$0x1C700] =	vst v63  }
0x66: {  	s12 =	rddreg [dreg:$0x17]  }
0x67: {  	[tilespmem:s26], [sflag:$0x2] =	stream.linear.gather [hbm4b:s12+s3], $0x58, $0x38;
	[tilespmem:$0x1C700] =	vst v63  }
0x68: {  	_ =	swait.ge [sflag:s28], $0x58  }
0x69: {  	[sflag:s28] =	ssyncset.done $0x0  }
0x6a: {  	[sflag:s28] =	ssyncadd.s32 $0xFFFFFFA8  }
0x6b: {  	_ =	swait.ge [sflag:s28], $0x58  }
0x6c: {  	[sflag:s28] =	ssyncset.done $0x0  }
0x6d: {  	[sflag:s28] =	ssyncadd.s32 $0xFFFFFFA8  }
0x6e: {  	[tilespmem:s11], [sflag:$0x4] =	stream.indirect.gather [hbm4b:s4+s29], $0x80, s3, s29, $0xb8;
	[tilespmem:$0x1C700] =	vst v63  }
0x6f: {  	_ =	swait.ge [sflag:s31], $0x58  }
0x70: {  	[sflag:s31] =	ssyncset.done $0x0  }
0x71: {  	[sflag:s31] =	ssyncadd.s32 $0xFFFFFFA8  }
0x72: {  	_ =	swait.ge [sflag:s31], $0x58  }
0x73: {  	[sflag:s31] =	ssyncset.done $0x0  }
0x74: {  	[sflag:s31] =	ssyncadd.s32 $0xFFFFFFA8  }
0x75: {  	[tilespmem:s2], [sflag:$0x5] =	stream.indirect.gather [hbm4b:s4+s29], $0x80, s25, s29, $0xb8;
	[tilespmem:$0x1C700] =	vst v63  }
0x76: {  	_ =	swait.ge [sflag:s15], $0x2C00  }
0x77: {  	[sflag:s15] =	ssyncset.done $0x0  }
0x78: {  	[sflag:s15] =	ssyncadd.s32 $0xFFFFD400  }
0x79: {  	[spmem:s1] =	stream.indirect.scatter.add.f32 [tilespmem:s11], [sflag:$0x7], $0x80, s24, s29, $0xb8;
	[tilespmem:$0x1C700] =	vst v63  }
0x7a: {  	s21 =	rddreg [dreg:$0x18]  }
0x7b: {  	[tilespmem:s5], [sflag:$0x3] =	stream.linear.gather [hbm4b:s21+s3], $0x58, $0x38;
	[tilespmem:$0x1C700] =	vst v63  }
0x7c: {  	s22 =	rddreg [dreg:$0x19]  }
0x7d: {  	[tilespmem:s6], [sflag:$0x3] =	stream.linear.gather [hbm4b:s22+s3], $0x58, $0x38;
	[tilespmem:$0x1C700] =	vst v63  }
0x7e: {  	_ =	swait.ge [sflag:s20], $0x58  }
0x7f: {  	[sflag:s20] =	ssyncset.done $0x0  }
0x80: {  	[sflag:s20] =	ssyncadd.s32 $0xFFFFFFA8  }
0x81: {  	_ =	swait.ge [sflag:s20], $0x58  }
0x82: {  	[sflag:s20] =	ssyncset.done $0x0  }
0x83: {  	[sflag:s20] =	ssyncadd.s32 $0xFFFFFFA8  }
0x84: {  	[tilespmem:s7], [sflag:$0x6] =	stream.indirect.gather [hbm4b:s4+s29], $0x80, s5, s29, $0xb8;
	[tilespmem:$0x1C700] =	vst v63  }
0x85: {  	_ =	swait.ge [sflag:s8], $0x2C00  }
0x86: {  	[sflag:s8] =	ssyncset.done $0x0  }
0x87: {  	[sflag:s8] =	ssyncadd.s32 $0xFFFFD400  }
0x88: {  	[spmem:s1] =	stream.indirect.scatter.add.f32 [tilespmem:s2], [sflag:$0x8], $0x80, s26, s29, $0xb8;
	[tilespmem:$0x1C700] =	vst v63  }
0x89: {  	_ =	swait.ge [sflag:s16], $0x2C00  }
0x8a: {  	[sflag:s16] =	ssyncset.done $0x0  }
0x8b: {  	s23 =	rddreg [dreg:$0x1a];
	[sflag:s16] =	ssyncadd.s32 $0xFFFFD400  }
0x8c: {  	[tilespmem:s3], [sflag:$0x1] =	stream.linear.gather [hbm4b:s23+s3], $0x58, $0x38;
	[tilespmem:$0x1C700] =	vst v63  }
0x8d: {  	s10 =	rddreg [dreg:$0x1b]  }
0x8e: {  	[tilespmem:s24], [sflag:$0x1] =	stream.linear.gather [hbm4b:s10+s3], $0x58, $0x38;
	[tilespmem:$0x1C700] =	vst v63  }
0x8f: {  	_ =	swait.ge [sflag:s28], $0x58  }
0x90: {  	[sflag:s28] =	ssyncset.done $0x0  }
0x91: {  	[sflag:s28] =	ssyncadd.s32 $0xFFFFFFA8  }
0x92: {  	_ =	swait.ge [sflag:s28], $0x58  }
0x93: {  	[sflag:s28] =	ssyncset.done $0x0  }
0x94: {  	[sflag:s28] =	ssyncadd.s32 $0xFFFFFFA8  }
0x95: {  	[tilespmem:s11], [sflag:$0x4] =	stream.indirect.gather [hbm4b:s4+s29], $0x80, s3, s29, $0xb8;
	[tilespmem:$0x1C700] =	vst v63  }
0x96: {  	_ =	swait.ge [sflag:s17], $0x2C00  }
0x97: {  	[sflag:s17] =	ssyncset.done $0x0  }
0x98: {  	[sflag:s17] =	ssyncadd.s32 $0xFFFFD400  }
0x99: {  	[spmem:s1] =	stream.indirect.scatter.add.f32 [tilespmem:s7], [sflag:$0x9], $0x80, s6, s29, $0xb8;
	[tilespmem:$0x1C700] =	vst v63  }
0x9a: {  	_ =	swait.ge [sflag:s18], $0x2C00  }
0x9b: {  	[sflag:s18] =	ssyncset.done $0x0  }
0x9c: {  	s12 =	rddreg [dreg:$0x1c];
	[sflag:s18] =	ssyncadd.s32 $0xFFFFD400  }
0x9d: {  	[tilespmem:s25], [sflag:$0x2] =	stream.linear.gather [hbm4b:s12+s3], $0x58, $0x38;
	[tilespmem:$0x1C700] =	vst v63  }
0x9e: {  	s21 =	rddreg [dreg:$0x1d]  }
0x9f: {  	[tilespmem:s26], [sflag:$0x2] =	stream.linear.gather [hbm4b:s21+s3], $0x58, $0x38;
	[tilespmem:$0x1C700] =	vst v63  }
0xa0: {  	_ =	swait.ge [sflag:s31], $0x58  }
0xa1: {  	[sflag:s31] =	ssyncset.done $0x0  }
0xa2: {  	[sflag:s31] =	ssyncadd.s32 $0xFFFFFFA8  }
0xa3: {  	_ =	swait.ge [sflag:s31], $0x58  }
0xa4: {  	[sflag:s31] =	ssyncset.done $0x0  }
0xa5: {  	[sflag:s31] =	ssyncadd.s32 $0xFFFFFFA8  }
0xa6: {  	[tilespmem:s2], [sflag:$0x5] =	stream.indirect.gather [hbm4b:s4+s29], $0x80, s25, s29, $0xb8;
	[tilespmem:$0x1C700] =	vst v63  }
0xa7: {  	_ =	swait.ge [sflag:s15], $0x2C00  }
0xa8: {  	[sflag:s15] =	ssyncset.done $0x0  }
0xa9: {  	[sflag:s15] =	ssyncadd.s32 $0xFFFFD400  }
0xaa: {  	[spmem:s1] =	stream.indirect.scatter.add.f32 [tilespmem:s11], [sflag:$0x7], $0x80, s24, s29, $0xb8;
	[tilespmem:$0x1C700] =	vst v63  }
0xab: {  	_ =	swait.ge [sflag:s19], $0x2C00  }
0xac: {  	s21 =	sld [smem:$0x7FC]  }
0xad: {  	[sflag:s19] =	ssyncset.done $0x0  }
0xae: {  	[sflag:s19] =	ssyncadd.s32 $0xFFFFD400  }
0xaf: {  	[tilespmem:s5], [sflag:$0x3] =	stream.linear.gather [hbm4b:s21+s3], $0x58, $0x38;
	[tilespmem:$0x1C700] =	vst v63  }
0xb0: {  	s12 =	rddreg [dreg:$0x1f]  }
0xb1: {  	[tilespmem:s6], [sflag:$0x3] =	stream.linear.gather [hbm4b:s12+s3], $0x58, $0x38;
	[tilespmem:$0x1C700] =	vst v63  }
0xb2: {  	_ =	swait.ge [sflag:s20], $0x58  }
0xb3: {  	[sflag:s20] =	ssyncset.done $0x0  }
0xb4: {  	[sflag:s20] =	ssyncadd.s32 $0xFFFFFFA8  }
0xb5: {  	_ =	swait.ge [sflag:s20], $0x58  }
0xb6: {  	[sflag:s20] =	ssyncset.done $0x0  }
0xb7: {  	[sflag:s20] =	ssyncadd.s32 $0xFFFFFFA8  }
0xb8: {  	[tilespmem:s7], [sflag:$0x6] =	stream.indirect.gather [hbm4b:s4+s29], $0x80, s5, s29, $0xb8;
	[tilespmem:$0x1C700] =	vst v63  }
0xb9: {  	_ =	swait.ge [sflag:s8], $0x2C00  }
0xba: {  	s22 =	smin.u32 s20, $0x6E;
	[sflag:s8] =	ssyncset.done $0x0  }
0xbb: {  	s9 =	smul.u32 $0x58, s22;
	[sflag:s8] =	ssyncadd.s32 $0xFFFFD400  }
0xbc: {  	[spmem:s1] =	stream.indirect.scatter.add.f32 [tilespmem:s2], [sflag:$0x8], $0x80, s26, s29, $0xb8;
	[tilespmem:$0x1C700] =	vst v63  }
0xbd: {  	s9 =	sadd.s32 s9, s30;
	_ =	swait.ge [sflag:s16], $0x2C00  }
0xbe: {  	s9 =	sshrl.u32 s9, $0x3;
	[sflag:s16] =	ssyncset.done $0x0  }
0xbf: {  	s23 =	sadd.s32 s13, s9;
	[sflag:s16] =	ssyncadd.s32 $0xFFFFD400  }
0xc0: {  	[tilespmem:s3], [sflag:$0x1] =	stream.linear.gather [hbm4b:s23+s3], $0x58, $0x38;
	[tilespmem:$0x1C700] =	vst v63  }
0xc1: {  	s9 =	sadd.s32 s14, s9  }
0xc2: {  	[tilespmem:s24], [sflag:$0x1] =	stream.linear.gather [hbm4b:s9+s3], $0x58, $0x38;
	[tilespmem:$0x1C700] =	vst v63  }
0xc3: {  	_ =	swait.ge [sflag:s28], $0x58  }
0xc4: {  	[sflag:s28] =	ssyncset.done $0x0  }
0xc5: {  	[sflag:s28] =	ssyncadd.s32 $0xFFFFFFA8  }
0xc6: {  	_ =	swait.ge [sflag:s28], $0x58  }
0xc7: {  	[sflag:s28] =	ssyncset.done $0x0  }
0xc8: {  	[sflag:s28] =	ssyncadd.s32 $0xFFFFFFA8  }
0xc9: {  	[tilespmem:s11], [sflag:$0x4] =	stream.indirect.gather [hbm4b:s4+s29], $0x80, s3, s29, $0xb8;
	[tilespmem:$0x1C700] =	vst v63  }
0xca: {  	_ =	swait.ge [sflag:s17], $0x2C00  }
0xcb: {  	s22 =	smin.u32 s20, $0x6D;
	[sflag:s17] =	ssyncset.done $0x0  }
0xcc: {  	s9 =	smul.u32 $0x58, s22;
	[sflag:s17] =	ssyncadd.s32 $0xFFFFD400  }
0xcd: {  	[spmem:s1] =	stream.indirect.scatter.add.f32 [tilespmem:s7], [sflag:$0x9], $0x80, s6, s29, $0xb8;
	[tilespmem:$0x1C700] =	vst v63  }
0xce: {  	s9 =	sadd.s32 s9, s0;
	_ =	swait.ge [sflag:s18], $0x2C00  }
0xcf: {  	s9 =	sshrl.u32 s9, $0x3;
	[sflag:s18] =	ssyncset.done $0x0  }
0xd0: {  	s23 =	sadd.s32 s13, s9;
	[sflag:s18] =	ssyncadd.s32 $0xFFFFD400  }
0xd1: {  	[tilespmem:s25], [sflag:$0x2] =	stream.linear.gather [hbm4b:s23+s3], $0x58, $0x38;
	[tilespmem:$0x1C700] =	vst v63  }
0xd2: {  	s9 =	sadd.s32 s14, s9  }
0xd3: {  	[tilespmem:s26], [sflag:$0x2] =	stream.linear.gather [hbm4b:s9+s3], $0x58, $0x38;
	[tilespmem:$0x1C700] =	vst v63  }
0xd4: {  	_ =	swait.ge [sflag:s31], $0x58  }
0xd5: {  	[sflag:s31] =	ssyncset.done $0x0  }
0xd6: {  	[sflag:s31] =	ssyncadd.s32 $0xFFFFFFA8  }
0xd7: {  	_ =	swait.ge [sflag:s31], $0x58  }
0xd8: {  	s22 =	simm.s32 $0x6;
	[sflag:s31] =	ssyncset.done $0x0  }
0xd9: {  	s23 =	sadd.s32 $0x21, s12;
	s9 =	sadd.s32 $0x21, s21;
	[sflag:s31] =	ssyncadd.s32 $0xFFFFFFA8  }
.LBB2_2:
0xda: {  	[tilespmem:s2], [sflag:$0x5] =	stream.indirect.gather [hbm4b:s4+s29], $0x80, s25, s29, $0xb8;
	[tilespmem:$0x1C700] =	vst v63  }
0xdb: {  	s10 =	smov.u32 s22  }
0xdc: {  	p0 =	sne.s32 s22, $0x6F;
	s22 =	sadd.s32 $0x3, s22;
	_ =	swait.ge [sflag:s15], $0x2C00  }
0xdd: {  	[sflag:s15] =	ssyncset.done $0x0  }
0xde: {  	[sflag:s15] =	ssyncadd.s32 $0xFFFFD400  }
0xdf: {  	[spmem:s1] =	stream.indirect.scatter.add.f32 [tilespmem:s11], [sflag:$0x7], $0x80, s24, s29, $0xb8;
	[tilespmem:$0x1C700] =	vst v63  }
0xe0: {  	_ =	swait.ge [sflag:s19], $0x2C00  }
0xe1: {  	[sflag:s19] =	ssyncset.done $0x0  }
0xe2: {  	[sflag:s19] =	ssyncadd.s32 $0xFFFFD400  }
0xe3: {  	[tilespmem:s5], [sflag:$0x3] =	stream.linear.gather [hbm4b:s9+s3], $0x58, $0x38;
	[tilespmem:$0x1C700] =	vst v63  }
0xe4: {  	_ = 	snop  }
0xe5: {  	[tilespmem:s6], [sflag:$0x3] =	stream.linear.gather [hbm4b:s23+s3], $0x58, $0x38;
	[tilespmem:$0x1C700] =	vst v63  }
0xe6: {  	_ =	swait.ge [sflag:s20], $0x58  }
0xe7: {  	[sflag:s20] =	ssyncset.done $0x0  }
0xe8: {  	[sflag:s20] =	ssyncadd.s32 $0xFFFFFFA8  }
0xe9: {  	_ =	swait.ge [sflag:s20], $0x58  }
0xea: {  	[sflag:s20] =	ssyncset.done $0x0  }
0xeb: {  	[sflag:s20] =	ssyncadd.s32 $0xFFFFFFA8  }
0xec: {  	[tilespmem:s7], [sflag:$0x6] =	stream.indirect.gather [hbm4b:s4+s29], $0x80, s5, s29, $0xb8;
	[tilespmem:$0x1C700] =	vst v63  }
0xed: {  	_ =	swait.ge [sflag:s8], $0x2C00  }
0xee: {  	s21 =	smin.u32 s10, $0x6E;
	[sflag:s8] =	ssyncset.done $0x0  }
0xef: {  	s21 =	smul.u32 $0x58, s21;
	[sflag:s8] =	ssyncadd.s32 $0xFFFFD400  }
0xf0: {  	[spmem:s1] =	stream.indirect.scatter.add.f32 [tilespmem:s2], [sflag:$0x8], $0x80, s26, s29, $0xb8;
	[tilespmem:$0x1C700] =	vst v63  }
0xf1: {  	s21 =	sadd.s32 s21, s30;
	_ =	swait.ge [sflag:s16], $0x2C00  }
0xf2: {  	s21 =	sshrl.u32 s21, $0x3;
	[sflag:s16] =	ssyncset.done $0x0  }
0xf3: {  	s12 =	sadd.s32 s13, s21;
	[sflag:s16] =	ssyncadd.s32 $0xFFFFD400  }
0xf4: {  	[tilespmem:s3], [sflag:$0x1] =	stream.linear.gather [hbm4b:s12+s3], $0x58, $0x38;
	[tilespmem:$0x1C700] =	vst v63  }
0xf5: {  	s12 =	sadd.s32 s14, s21  }
0xf6: {  	[tilespmem:s24], [sflag:$0x1] =	stream.linear.gather [hbm4b:s12+s3], $0x58, $0x38;
	[tilespmem:$0x1C700] =	vst v63  }
0xf7: {  	_ =	swait.ge [sflag:s28], $0x58  }
0xf8: {  	[sflag:s28] =	ssyncset.done $0x0  }
0xf9: {  	[sflag:s28] =	ssyncadd.s32 $0xFFFFFFA8  }
0xfa: {  	_ =	swait.ge [sflag:s28], $0x58  }
0xfb: {  	[sflag:s28] =	ssyncset.done $0x0  }
0xfc: {  	[sflag:s28] =	ssyncadd.s32 $0xFFFFFFA8  }
0xfd: {  	[tilespmem:s11], [sflag:$0x4] =	stream.indirect.gather [hbm4b:s4+s29], $0x80, s3, s29, $0xb8;
	[tilespmem:$0x1C700] =	vst v63  }
0xfe: {  	_ =	swait.ge [sflag:s17], $0x2C00  }
0xff: {  	s10 =	smin.u32 s10, $0x6D;
	[sflag:s17] =	ssyncset.done $0x0  }
0x100: {  	s10 =	smul.u32 $0x58, s10;
	[sflag:s17] =	ssyncadd.s32 $0xFFFFD400  }
0x101: {  	[spmem:s1] =	stream.indirect.scatter.add.f32 [tilespmem:s7], [sflag:$0x9], $0x80, s6, s29, $0xb8;
	[tilespmem:$0x1C700] =	vst v63  }
0x102: {  	s10 =	sadd.s32 s10, s0;
	_ =	swait.ge [sflag:s18], $0x2C00  }
0x103: {  	s10 =	sshrl.u32 s10, $0x3;
	[sflag:s18] =	ssyncset.done $0x0  }
0x104: {  	s12 =	sadd.s32 s13, s10;
	[sflag:s18] =	ssyncadd.s32 $0xFFFFD400  }
0x105: {  	[tilespmem:s25], [sflag:$0x2] =	stream.linear.gather [hbm4b:s12+s3], $0x58, $0x38;
	[tilespmem:$0x1C700] =	vst v63  }
0x106: {  	s10 =	sadd.s32 s14, s10  }
0x107: {  	[tilespmem:s26], [sflag:$0x2] =	stream.linear.gather [hbm4b:s10+s3], $0x58, $0x38;
	[tilespmem:$0x1C700] =	vst v63  }
0x108: {  	_ =	swait.ge [sflag:s31], $0x58  }
.Ltmp0:
0x109: {  	[sflag:s31] =	ssyncset.done $0x0;
	(pc) =	sbr.rel @p0 .LBB2_2-.Ltmp0, $4  }
0x10a: {  	[sflag:s31] =	ssyncadd.s32 $0xFFFFFFA8  }
0x10b: {  	_ =	swait.ge [sflag:s31], $0x58  }
0x10c: {  	[sflag:s31] =	ssyncset.done $0x0  }
0x10d: {  	s9 =	sadd.s32 $0x21, s9;
	s23 =	sadd.s32 $0x21, s23;
	[sflag:s31] =	ssyncadd.s32 $0xFFFFFFA8  }
0x10e: {  	[tilespmem:s2], [sflag:$0x5] =	stream.indirect.gather [hbm4b:s4+s29], $0x80, s25, s29, $0xb8;
	[tilespmem:$0x1C700] =	vst v63  }
0x10f: {  	_ =	swait.ge [sflag:s19], $0x2C00  }
0x110: {  	[sflag:s19] =	ssyncset.done $0x0  }
0x111: {  	[sflag:s19] =	ssyncadd.s32 $0xFFFFD400  }
0x112: {  	_ =	swait.ge [sflag:s15], $0x2C00  }
0x113: {  	[sflag:s15] =	ssyncset.done $0x0  }
0x114: {  	[sflag:s15] =	ssyncadd.s32 $0xFFFFD400  }
0x115: {  	_ =	swait.ge [sflag:s8], $0x2C00  }
0x116: {  	[sflag:s8] =	ssyncset.done $0x0  }
0x117: {  	[sflag:s8] =	ssyncadd.s32 $0xFFFFD400  }
0x118: {  	[bflag:$0x0] =	sbarrier.arrive $0xFFFF  }
0x119: {  	s22 =	simm.s32 $0xA;
	s9 =	rddreg [dreg:$0xc]  }
0x11a: {  	[tilespmem:s11], [sflag:$0xA] =	stream.linear.gather [spmem:s9], $0x2800, $0x38;
	[tilespmem:$0x1C700] =	vst v63  }
0x11b: {  	_ =	swait.ge [sflag:s22], $0x2800  }
0x11c: {  	[sflag:s22] =	ssyncset.done $0x0  }
0x11d: {  	s23 =	rddreg [dreg:$0x3];
	[sflag:s22] =	ssyncadd.s32 $0xFFFFD800  }
0x11e: {  	[hbm4b:s23+s3] =	stream.linear.scatter [tilespmem:s11], [sflag:$0x4], $0x2800, $0x38;
	[tilespmem:$0x1C700] =	vst v63  }
0x11f: {  	s10 =	rddreg [dreg:$0xd]  }
0x120: {  	[tilespmem:s2], [sflag:$0xA] =	stream.linear.gather [spmem:s10], $0x2800, $0x38;
	[tilespmem:$0x1C700] =	vst v63  }
0x121: {  	_ =	swait.ge [sflag:s22], $0x2800  }
0x122: {  	[sflag:s22] =	ssyncset.done $0x0  }
0x123: {  	s12 =	rddreg [dreg:$0x4];
	[sflag:s22] =	ssyncadd.s32 $0xFFFFD800  }
0x124: {  	[hbm4b:s12+s3] =	stream.linear.scatter [tilespmem:s2], [sflag:$0x5], $0x2800, $0x38;
	[tilespmem:$0x1C700] =	vst v63  }
0x125: {  	_ =	swait.ge [sflag:s15], $0x2800  }
0x126: {  	[sflag:s15] =	ssyncset.done $0x0  }
0x127: {  	s21 =	rddreg [dreg:$0xe];
	[sflag:s15] =	ssyncadd.s32 $0xFFFFD800  }
0x128: {  	[tilespmem:s11], [sflag:$0xA] =	stream.linear.gather [spmem:s21], $0x2800, $0x38;
	[tilespmem:$0x1C700] =	vst v63  }
0x129: {  	_ =	swait.ge [sflag:s22], $0x2800  }
0x12a: {  	[sflag:s22] =	ssyncset.done $0x0  }
0x12b: {  	s23 =	rddreg [dreg:$0x5];
	[sflag:s22] =	ssyncadd.s32 $0xFFFFD800  }
0x12c: {  	[hbm4b:s23+s3] =	stream.linear.scatter [tilespmem:s11], [sflag:$0x4], $0x2800, $0x38;
	[tilespmem:$0x1C700] =	vst v63  }
0x12d: {  	_ =	swait.ge [sflag:s8], $0x2800  }
0x12e: {  	[sflag:s8] =	ssyncset.done $0x0  }
0x12f: {  	s10 =	rddreg [dreg:$0xf];
	[sflag:s8] =	ssyncadd.s32 $0xFFFFD800  }
0x130: {  	[tilespmem:s2], [sflag:$0xA] =	stream.linear.gather [spmem:s10], $0x2800, $0x38;
	[tilespmem:$0x1C700] =	vst v63  }
0x131: {  	_ =	swait.ge [sflag:s22], $0x2800  }
0x132: {  	[sflag:s22] =	ssyncset.done $0x0  }
0x133: {  	s12 =	rddreg [dreg:$0x6];
	[sflag:s22] =	ssyncadd.s32 $0xFFFFD800  }
0x134: {  	[hbm4b:s12+s3] =	stream.linear.scatter [tilespmem:s2], [sflag:$0x5], $0x2800, $0x38;
	[tilespmem:$0x1C700] =	vst v63  }
0x135: {  	_ =	swait.ge [sflag:s15], $0x2800  }
0x136: {  	[sflag:s15] =	ssyncset.done $0x0  }
0x137: {  	s21 =	rddreg [dreg:$0x10];
	[sflag:s15] =	ssyncadd.s32 $0xFFFFD800  }
0x138: {  	[tilespmem:s11], [sflag:$0xA] =	stream.linear.gather [spmem:s21], $0x2800, $0x38;
	[tilespmem:$0x1C700] =	vst v63  }
0x139: {  	_ =	swait.ge [sflag:s22], $0x2800  }
0x13a: {  	[sflag:s22] =	ssyncset.done $0x0  }
0x13b: {  	s23 =	rddreg [dreg:$0x7];
	[sflag:s22] =	ssyncadd.s32 $0xFFFFD800  }
0x13c: {  	[hbm4b:s23+s3] =	stream.linear.scatter [tilespmem:s11], [sflag:$0x4], $0x2800, $0x38;
	[tilespmem:$0x1C700] =	vst v63  }
0x13d: {  	_ =	swait.ge [sflag:s8], $0x2800  }
0x13e: {  	[sflag:s8] =	ssyncset.done $0x0  }
0x13f: {  	s12 =	rddreg [dreg:$0x11];
	[sflag:s8] =	ssyncadd.s32 $0xFFFFD800  }
0x140: {  	[tilespmem:s2], [sflag:$0xA] =	stream.linear.gather [spmem:s12], $0x2800, $0x38;
	[tilespmem:$0x1C700] =	vst v63  }
0x141: {  	_ =	swait.ge [sflag:s22], $0x2800  }
0x142: {  	[sflag:s22] =	ssyncset.done $0x0  }
0x143: {  	s10 =	rddreg [dreg:$0x8];
	[sflag:s22] =	ssyncadd.s32 $0xFFFFD800  }
0x144: {  	[hbm4b:s10+s3] =	stream.linear.scatter [tilespmem:s2], [sflag:$0x5], $0x2800, $0x38;
	[tilespmem:$0x1C700] =	vst v63  }
0x145: {  	_ =	swait.ge [sflag:s15], $0x2800  }
0x146: {  	[sflag:s15] =	ssyncset.done $0x0  }
0x147: {  	s10 =	rddreg [dreg:$0x12];
	[sflag:s15] =	ssyncadd.s32 $0xFFFFD800  }
0x148: {  	[tilespmem:s11], [sflag:$0xA] =	stream.linear.gather [spmem:s10], $0x2800, $0x38;
	[tilespmem:$0x1C700] =	vst v63  }
0x149: {  	_ =	swait.ge [sflag:s22], $0x2800  }
0x14a: {  	[sflag:s22] =	ssyncset.done $0x0  }
0x14b: {  	s21 =	rddreg [dreg:$0x9];
	[sflag:s22] =	ssyncadd.s32 $0xFFFFD800  }
0x14c: {  	[hbm4b:s21+s3] =	stream.linear.scatter [tilespmem:s11], [sflag:$0x4], $0x2800, $0x38;
	[tilespmem:$0x1C700] =	vst v63  }
0x14d: {  	_ =	swait.ge [sflag:s8], $0x2800  }
0x14e: {  	[sflag:s8] =	ssyncset.done $0x0  }
0x14f: {  	s21 =	rddreg [dreg:$0x13];
	[sflag:s8] =	ssyncadd.s32 $0xFFFFD800  }
0x150: {  	[tilespmem:s2], [sflag:$0xA] =	stream.linear.gather [spmem:s21], $0x2800, $0x38;
	[tilespmem:$0x1C700] =	vst v63  }
0x151: {  	_ =	swait.ge [sflag:s22], $0x2800  }
0x152: {  	[sflag:s22] =	ssyncset.done $0x0  }
0x153: {  	s23 =	rddreg [dreg:$0xa];
	[sflag:s22] =	ssyncadd.s32 $0xFFFFD800  }
0x154: {  	[hbm4b:s23+s3] =	stream.linear.scatter [tilespmem:s2], [sflag:$0x5], $0x2800, $0x38;
	[tilespmem:$0x1C700] =	vst v63  }
0x155: {  	_ =	swait.ge [sflag:s15], $0x2800  }
0x156: {  	[sflag:s15] =	ssyncset.done $0x0  }
0x157: {  	[sflag:s15] =	ssyncadd.s32 $0xFFFFD800  }
0x158: {  	_ =	swait.ge [sflag:s8], $0x2800  }
0x159: {  	s23 =	sld [smem:$0x7FD];
	_ =	sdelay $0x2  }
0x15a: {  	s9 =	rddreg [dreg:$0x1e];
	s23 =	sadd.s32 $0x1, s23  }
0x15b: {  	p0 =	sne.s32 s23, s9  }
.Ltmp1:
0x15c: {  	_ = 	snop;
	(pc) =	sbr.rel @p0 .LBB2_1-.Ltmp1, $3  }
0x15d: {  	_ =	sdelay $0x1  }
0x15e: {  	[sflag:s8] =	ssyncset.done $0x0;
	[smem:$0x7FD] =	sst s23  }
0x15f: {  	[sflag:s8] =	ssyncadd.s32 $0xFFFFD800;
	s23 =	rddreg [dreg:$0xc]  }
0x160: {  	_ =	sfence.sel $0x180000  }
0x161: {  	[bflag:$0x0] =	sbarrier.arrive $0xFFFF  }
0x162: {  	_ =	strace $0x9000004D  }
0x163: {  	s0 =	stileid.u32;
	[bflag:$0x2] =	sbarrier.arrive $0xFFFF  }
0x164: {  	p0 =	sne.s32 s0, $0x0;
	s0 =	rddreg [dreg:$0x2]  }
0x165: {  	s0 =	sadd.s32 @!p0 $0x100000, s0  }
0x166: {  	[sflag:s0] =	ssyncadd.tile.s32 @!p0 $0x1;
	_ =	shalt  }
.Lfunc_end2:
_tile_overlayer_lowered:
.L_overlay_start_2:
0x167: {  	(tag) =	ssettag $0x2  }
0x168: {  	s0 =	rddreg [dreg:$0x0];
	s2 =	stileid.u32  }
0x169: {  	s1 =	rddreg [dreg:$0x1];
	p0 =	sne.s32 s2, $0x0  }
0x16a: {  	s3 =	rddreg [dreg:$0x2];
	[bflag:$0x3] =	sbarrier.arrive $0xFFFF;
	s2 =	simm.s32 @!p0 $0x1C0A  }
0x16b: {  	[timem:s3], [sflag:s2] =	dma.local @!p0 [hbm:s0], s1  }
0x16c: {  	s0 =	simm.s32 @!p0 $0xA  }
0x16d: {  	_ =	swait.ge @!p0 [sflag:s0], s1  }
0x16e: {  	s1 =	ssub.s32 @!p0 $0x0, s1;
	[sflag:s0] =	ssyncset.done @!p0 $0x0  }
0x16f: {  	[sflag:s0] =	ssyncadd.s32 @!p0 s1  }
0x170: {  	[bflag:$0x3] =	sbarrier.arrive $0xFFFF  }
0x171: {  	_ =	shalt  }

// kernel: kernel.8.cloned.1.call-start
scs
__scs_entry_jumppad:
0x0: {  	(pc) =	sbr.rel $0x88, $3  }
0x1: {  	(tag) =	ssettag $0x0;
	lr =	simm.s32 $0x1  }
0x2: {  	[smem:$0x3F9A] =	sst lr;
	_ =	strace $0xD0000000  }
0x3: {  	_ = 	snop  }
0x4: {  	_ = 	snop  }
0x5: {  	_ = 	snop  }
0x6: {  	_ = 	snop  }
0x7: {  	_ = 	snop  }
__scs_overlays_trampoline_lowered:
0x8: {  	[smem:$0x3FA9] =	sst s0  }
0x9: {  	[smem:$0x3FAA] =	sst s1  }
0xa: {  	[smem:$0x3FAB] =	sst s2  }
0xb: {  	[smem:$0x3FAC] =	sst s3  }
0xc: {  	[smem:$0x3FAD] =	sst s4  }
0xd: {  	[smem:$0x3FAE] =	sst s5  }
0xe: {  	[smem:$0x3FAF] =	sst s6  }
0xf: {  	[smem:$0x3FB0] =	sst s7  }
0x10: {  	[smem:$0x3FB1] =	sst s8  }
0x11: {  	[smem:$0x3FB2] =	sst s9;
	s0 =	simm.s32 @!p0 $0x0  }
0x12: {  	s1 =	sld [smem:$0x3F98];
	s0 =	simm.s32 @p0 $0x1  }
0x13: {  	[smem:$0x3FB3] =	sst s0;
	s0 =	simm.s32 @!p1 $0x0  }
0x14: {  	s2 =	sld [smem:$0x3F97];
	s0 =	simm.s32 @p1 $0x1  }
0x15: {  	[smem:$0x3FB4] =	sst s0;
	s0 =	simm.s32 @!p2 $0x0  }
0x16: {  	s3 =	sld [smem:$0x3FDB];
	s0 =	simm.s32 @p2 $0x1  }
0x17: {  	s4 =	simm.s32 $0x1BF5;
	[smem:$0x3FB6] =	sst s0  }
0x18: {  	s0 =	sld [smem:$0x3F99];
	_ =	swait.ge [sflag:s4], $0x0  }
0x19: {  	s7 =	sld [smem:$0x3F9A]  }
0x1a: {  	s8 =	sadd.s32 $0xFFFFE003, lr  }
0x1b: {  	s9 =	sadd.s32 $0xFFFFFEF7, lr;
	s5 =	simm.s32 $0xFFFFFFFF;
	p2 =	slt.u32 s8, $0xFFFFF086  }
0x1c: {  	p1 =	slt.u32 s9, $0xF7A;
	s5 =	simm.s32 @!p2 $0x0  }
0x1d: {  	s5 =	simm.s32 @p1 $0x1;
	p0 =	seq.s32 s7, s2  }
0x1e: {  	s7 =	smul.u32 @!p0 $0xF7A, s2;
	p2 =	seq.s32 @!p0 s5, $0x0  }
0x1f: {  	s9 =	smul.u32 $0xF7A, s1;
	s8 =	simm.s32 @!p0 $0x1BF5;
	p2 =	por !p2, p0  }
0x20: {  	[sflag:s8] =	ssyncset.s32 @!p0 $0xFFFFF086;
	s6 =	sadd.s32 @!p0 s3, s7;
	s7 =	simm.s32 @!p0 $0x108  }
0x21: {  	s3 =	sadd.s32 s3, s9;
	s6 =	sadd.s32 @!p0 $0x88, s6;
	s7 =	simm.s32 @p2 $0x1082  }
0x22: {  	[simem:s7], [sflag:s8] =	dma.local @!p0 [hbm:s6], $0xF7A  }
0x23: {  	s9 =	sor.u32 $0xD0000000, s2;
	s6 =	simm.s32 $0x108;
	_ =	swait.ge @!p0 [sflag:s8], $0x0  }
0x24: {  	s3 =	sadd.s32 $0x88, s3;
	s6 =	simm.s32 @!p1 $0x1082;
	[sflag:s4] =	ssyncset.s32 $0xFFFFF086  }
0x25: {  	[simem:s6], [sflag:s4] =	dma.local [hbm:s3], $0xF7A  }
0x26: {  	[smem:$0x3F9A] =	sst s1;
	(tag) =	ssettag s2;
	_ =	strace s9  }
0x27: {  	s1 =	sld [smem:$0x3FAA]  }
0x28: {  	s2 =	sld [smem:$0x3FAB]  }
0x29: {  	s4 =	sld [smem:$0x3FAD]  }
0x2a: {  	p0 =	seq.s32 s5, $0x0;
	s5 =	sld [smem:$0x3FAE]  }
0x2b: {  	s6 =	sld [smem:$0x3FAF]  }
0x2c: {  	s7 =	sld [smem:$0x3FB0]  }
0x2d: {  	s3 =	simm.s32 $0x108;
	s8 =	sld [smem:$0x3FB1]  }
0x2e: {  	s3 =	simm.s32 @!p0 $0x1082;
	s9 =	sld [smem:$0x3FB2]  }
0x2f: {  	lr =	sadd.s32 s0, s3;
	s0 =	sld [smem:$0x3FA9]  }
0x30: {  	s3 =	sld [smem:$0x3FAC]  }
0x31: {  	[smem:$0x3FB5] =	sst s10  }
0x32: {  	s10 =	sld [smem:$0x3FB3];
	_ =	sdelay $0x3  }
0x33: {  	p0 =	seq.s32 s10, $0x1;
	s10 =	sld [smem:$0x3FB5];
	_ =	sdelay $0x3  }
0x34: {  	[smem:$0x3FB5] =	sst s10  }
0x35: {  	s10 =	sld [smem:$0x3FB4];
	_ =	sdelay $0x3  }
0x36: {  	p1 =	seq.s32 s10, $0x1;
	s10 =	sld [smem:$0x3FB5];
	_ =	sdelay $0x3  }
0x37: {  	[smem:$0x3FB5] =	sst s10  }
0x38: {  	s10 =	sld [smem:$0x3FB6]  }
0x39: {  	_ = 	snop;
	(pc) =	sbr.ind lr, $3  }
0x3a: {  	_ = 	snop  }
0x3b: {  	_ = 	snop  }
0x3c: {  	p2 =	seq.s32 s10, $0x1;
	s10 =	sld [smem:$0x3FB5]  }
0x3d: {  	_ =	shalt  }
0x3e: {  	_ =	shalt  }
0x3f: {  	_ =	shalt  }
0x40: {  	_ =	shalt  }
0x41: {  	_ =	shalt  }
0x42: {  	_ =	shalt  }
0x43: {  	_ =	shalt  }
0x44: {  	_ =	shalt  }
0x45: {  	_ =	shalt  }
0x46: {  	_ =	shalt  }
0x47: {  	_ =	shalt  }
0x48: {  	_ =	shalt  }
0x49: {  	_ =	shalt  }
0x4a: {  	_ =	shalt  }
0x4b: {  	_ =	shalt  }
0x4c: {  	_ =	shalt  }
0x4d: {  	_ =	shalt  }
0x4e: {  	_ =	shalt  }
0x4f: {  	_ =	shalt  }
0x50: {  	_ =	shalt  }
0x51: {  	_ =	shalt  }
0x52: {  	_ =	shalt  }
0x53: {  	_ =	shalt  }
0x54: {  	_ =	shalt  }
0x55: {  	_ =	shalt  }
0x56: {  	_ =	shalt  }
0x57: {  	_ =	shalt  }
0x58: {  	_ =	shalt  }
0x59: {  	_ =	shalt  }
0x5a: {  	_ =	shalt  }
0x5b: {  	_ =	shalt  }
0x5c: {  	_ =	shalt  }
0x5d: {  	_ =	shalt  }
0x5e: {  	_ =	shalt  }
0x5f: {  	_ =	shalt  }
0x60: {  	_ =	shalt  }
0x61: {  	_ =	shalt  }
0x62: {  	_ =	shalt  }
0x63: {  	_ =	shalt  }
0x64: {  	_ =	shalt  }
0x65: {  	_ =	shalt  }
0x66: {  	_ =	shalt  }
0x67: {  	_ =	shalt  }
0x68: {  	_ =	shalt  }
0x69: {  	_ =	shalt  }
0x6a: {  	_ =	shalt  }
0x6b: {  	_ =	shalt  }
0x6c: {  	_ =	shalt  }
0x6d: {  	_ =	shalt  }
0x6e: {  	_ =	shalt  }
0x6f: {  	_ =	shalt  }
0x70: {  	_ =	shalt  }
0x71: {  	_ =	shalt  }
0x72: {  	_ =	shalt  }
0x73: {  	_ =	shalt  }
0x74: {  	_ =	shalt  }
0x75: {  	_ =	shalt  }
0x76: {  	_ =	shalt  }
0x77: {  	_ =	shalt  }
0x78: {  	_ =	shalt  }
0x79: {  	_ =	shalt  }
0x7a: {  	_ =	shalt  }
0x7b: {  	_ =	shalt  }
0x7c: {  	_ =	shalt  }
0x7d: {  	_ =	shalt  }
0x7e: {  	_ =	shalt  }
0x7f: {  	_ =	shalt  }
0x80: {  	_ =	shalt  }
0x81: {  	_ =	shalt  }
0x82: {  	_ =	shalt  }
0x83: {  	_ =	shalt  }
0x84: {  	_ =	shalt  }
0x85: {  	_ =	shalt  }
0x86: {  	_ =	shalt  }
0x87: {  	_ =	shalt  }
.Lfunc_end0:
.L_simem_size_0:
called_computation_lowered:
.L_overlay_start_0:
0x88: {  	s2 =	sld [smem:$0x3FD9]  }
0x89: {  	s3 =	sld [smem:$0x3FFE];
	_ =	sdelay $0x1  }
0x8a: {  	s1 =	srdreg.scid  }
0x8b: {  	s0 =	sand.u32 $0x1, s1  }
0x8c: {  	s17 =	sshll.u32 s0, $0xA;
	s2 =	sadd.s32 s3, s2  }
0x8d: {  	s2 =	sadd.s32 s2, s17  }
0x8e: {  	[smem:$0x3FC1] =	sst s2  }
0x8f: {  	_ = 	snop  }
0x90: {  	s2 =	sld [smem:$0x3FD0];
	(tm) =	ssettm $0x1  }
0x91: {  	s18 =	sld [smem:$0x3FFB];
	_ =	sdelay $0x3  }
0x92: {  	_ =	strace s18  }
0x93: {  	s3 =	sld [smem:$0x3FFC];
	_ =	sdelay $0x3  }
0x94: {  	_ =	strace s3  }
0x95: {  	s3 =	sld [smem:$0x3FFD];
	_ =	sdelay $0x3  }
0x96: {  	_ =	strace s3  }
0x97: {  	_ =	strace $0x8FFFFFFF  }
0x98: {  	s19 =	sld [smem:$0x3FDB];
	_ =	sdelay $0x1  }
0x99: {  	s4 =	simm.s32 $_scs_section_size  }
0x9a: {  	s5 =	simm.s32 $_size__tile_overlayer_lowered;
	s6 =	simm.s32 $_tile_overlayer_lowered  }
0x9b: {  	s22 =	simm.s32 $0x1BFF;
	s21 =	sshll.u32 s6, $0x1;
	s3 =	sadd.s32 s4, s19  }
0x9c: {  	s7 =	simm.s32 $0x0;
	s20 =	sshll.u32 s5, $0x1;
	s5 =	sadd.s32 s21, s3  }
0x9d: {  	[timem:s7], [sflag:s22] =	dma.local [hbm:s5], s20  }
0x9e: {  	_ =	swait.ge [sflag:s22], s20  }
0x9f: {  	s4 =	ssub.s32 $0x0, s20;
	[sflag:s22] =	ssyncset.done $0x0  }
0xa0: {  	[sflag:s22] =	ssyncadd.s32 s4;
	_ =	sdelay $0x1  }
0xa1: {  	s23 =	simm.s32 $0x1B8B  }
0xa2: {  	_ =	swait.ge [sflag:s23], $0x1  }
0xa3: {  	[sflag:s23] =	ssyncset.done $0x0  }
0xa4: {  	s25 =	simm.s32 $0x1B8E;
	s24 =	sld [smem:$0x3FFE];
	[sflag:s23] =	ssyncadd.s32 $0xFFFFFFFF  }
0xa5: {  	s26 =	simm.s32 $execute0_lowered;
	[smem:$0x3FD2] =	sst s25  }
0xa6: {  	s5 =	sshll.u32 s26, $0x1;
	_ =	strace $0x80000046;
	[dreg:$0x1] =	wrdreg $0xFFFFFFFF  }
0xa7: {  	s28 =	simm.s32 $_size_execute0_lowered;
	s3 =	sadd.s32 s3, s5;
	[dreg:$0x0] =	wrdreg $0x0  }
0xa8: {  	s5 =	sshll.u32 s28, $0x1;
	[dreg:$0x2] =	wrdreg s3  }
0xa9: {  	[dreg:$0x3] =	wrdreg s5  }
0xaa: {  	[dreg:$0x4] =	wrdreg $0xC0  }
0xab: {  	_ =	task [dreg:s7], $0x5FFFF  }
0xac: {  	[dreg:$0x1] =	wrdreg $0xFFFFFFFF  }
0xad: {  	[dreg:$0x0] =	wrdreg $0x60  }
0xae: {  	[dreg:$0x2] =	wrdreg s24  }
0xaf: {  	[dreg:$0x3] =	wrdreg s2  }
0xb0: {  	[dreg:$0x4] =	wrdreg $0x43000  }
0xb1: {  	[dreg:$0x5] =	wrdreg $0x9  }
0xb2: {  	_ =	task.clear_ibuf [dreg:s7], $0x6FFFF;
	_ =	strace $0x90000046  }
0xb3: {  	s29 =	simm.s32 $0x9;
	_ =	strace $0x80000048  }
0xb4: {  	_ =	swait.ge [sflag:s29], $0x1  }
0xb5: {  	[sflag:s29] =	ssyncadd.s32 $0xFFFFFFFF  }
0xb6: {  	_ =	strace $0x90000048  }
0xb7: {  	_ =	sfence  }
0xb8: {  	s30 =	sld [smem:$0x0];
	_ =	sdelay $0x2  }
0xb9: {  	s31 =	sshll.u32 s1, $0xD;
	s1 =	sshrl.u32 s1, $0x2  }
0xba: {  	s3 =	sand.u32 $0x4000, s31;
	s1 =	sadd.s32 s1, s30  }
0xbb: {  	s0 =	sor.u32 s3, s0;
	s1 =	sshll.u32 s1, $0x11  }
0xbc: {  	s0 =	sor.u32 s1, s0  }
0xbd: {  	s0 =	sadd.s32 $0x8F2B, s0  }
0xbe: {  	[sflag:s0] =	ssyncadd.remote.s32 $0x1  }
0xbf: {  	_ =	sfence.sel $0xFFFF  }
0xc0: {  	[dreg:$0x0] =	wrdreg $0xFFFFFFFF;
	(pc) =	sbr.abs _section_cstart, $3  }
0xc1: {  	[dreg:$0x1] =	wrdreg $0xFFFFFFFF  }
0xc2: {  	_ =	task.clear_ibuf [dreg:s7], $0x2FFFF;
	_ =	strace $0x9FFFFFFF  }
0xc3: {  	(tm) =	ssettm $0x7FFFFFFF  }
tec
execute0_lowered:
.L_overlay_start_1:
0x0: {  	(tag) =	ssettag $0x1  }
0x1: {  	s6 =	rddreg [dreg:$0x0]  }
0x2: {  	s2 =	rddreg [dreg:$0x1]  }
0x3: {  	s3 =	rddreg [dreg:$0x2]  }
0x4: {  	s0 =	rddreg [dreg:$0x3];
	s1 =	stileid.u32  }
0x5: {  	s5 =	srdreg.scid;
	s4 =	simm.s32 $0x0;
	s13 =	simm.s32 $0x50  }
0x6: {  	s14 =	simm.s32 $0x0;
	s7 =	sand.u32 $0x1, s5;
	s8 =	smul.u32 $0x280, s1  }
0x7: {  	[smem:$0x7FF] =	sst s4;
	s31 =	sshll.u32 s1, $0xB;
	s5 =	sadd.s32 $0x12600, s6  }
0x8: {  	s9 =	smul.u32 $0x2800, s7;
	_ =	strace $0x80000047;
	s11 =	ssub.s32 $0x2, s7  }
0x9: {  	s10 =	sadd.s32 s31, s6;
	s7 =	sshll.u32 s7, $0xF;
	s12 =	sshrl.u32 s11, $0x1  }
0xa: {  	s7 =	sadd.s32 s7, s10;
	s10 =	simm.s32 $0x4080;
	s9 =	sadd.s32 s8, s9  }
0xb: {  	s11 =	ssub.s32 s11, s12;
	s7 =	sadd.s32 $0x2600, s7;
	s9 =	sshrl.u32 s9, $0x3  }
0xc: {  	s12 =	simm.s32 $0x4000;
	s9 =	sadd.s32 s9, s6;
	s6 =	sadd.s32 s8, s3  }
0xd: {  	s8 =	sadd.s32 $0x12800, s9;
	s9 =	smax.u32 s11, $0x1;
	s11 =	simm.s32 $0x1  }
.LBB2_1:
0xe: {  	[tilespmem:s10], [sflag:$0x1] =	stream.linear.gather [hbm4b:s2+s4], $0x280, $0x38;
	[tilespmem:$0x4580] =	vst v63  }
0xf: {  	_ =	swait.ge [sflag:s11], $0x280  }
0x10: {  	[sflag:s11] =	ssyncset.done $0x0  }
0x11: {  	[sflag:s11] =	ssyncadd.s32 $0xFFFFFD80  }
0x12: {  	[spmem:s6] =	stream.linear.scatter [tilespmem:s10], [sflag:$0x1], $0x280, $0x38;
	[tilespmem:$0x4580] =	vst v63  }
0x13: {  	_ =	swait.ge [sflag:s11], $0x280  }
0x14: {  	[sflag:s11] =	ssyncset.done $0x0  }
0x15: {  	[sflag:s11] =	ssyncadd.s32 $0xFFFFFD80  }
0x16: {  	[tilespmem:s12], [sflag:$0x1] =	stream.linear.gather [hbm4b:s5+s4], $0x80, $0x38;
	[tilespmem:$0x4580] =	vst v63  }
0x17: {  	_ =	swait.ge [sflag:s11], $0x80  }
0x18: {  	[sflag:s11] =	ssyncset.done $0x0  }
0x19: {  	[sflag:s11] =	ssyncadd.s32 $0xFFFFFF80  }
0x1a: {  	[tilespmem:s4], [sflag:$0x1] =	stream.linear.gather [hbm4b:s7+s4], $0x3E80, $0x38;
	[tilespmem:$0x4580] =	vst v63  }
0x1b: {  	_ =	swait.ge [sflag:s11], $0x3E80  }
0x1c: {  	[sflag:s11] =	ssyncset.done $0x0  }
0x1d: {  	[sflag:s11] =	ssyncadd.s32 $0xFFFFC180  }
0x1e: {  	s15 =	simm.s32 $0x0;
	[bflag:$0x0] =	sbarrier.arrive $0xFFFF  }
0x1f: {  	[spmem:s3] =	stream.indirect.scatter.add.f32 [tilespmem:s12], [sflag:$0x1], $0x1, s15, s13, $0xb8;
	[tilespmem:$0x4580] =	vst v63  }
0x20: {  	_ =	swait.ge [sflag:s11], $0x50  }
0x21: {  	s15 =	simm.s32 $0x200;
	[sflag:s11] =	ssyncset.done $0x0  }
.LBB2_2:
0x22: {  	s16 =	sshra.s32 s15, $0x2;
	[sflag:s11] =	ssyncadd.s32 $0xFFFFFFB0;
	p0 =	sne.s32 s15, $0xF800  }
0x23: {  	[spmem:s3] =	stream.indirect.scatter.add.f32 [tilespmem:s12], [sflag:$0x1], $0x1, s16, s13, $0xb8;
	[tilespmem:$0x4580] =	vst v63  }
.Ltmp0:
0x24: {  	_ = 	snop;
	(pc) =	sbr.rel @p0 .LBB2_2-.Ltmp0, $4  }
0x25: {  	_ = 	snop  }
0x26: {  	s15 =	sadd.s32 $0x200, s15  }
0x27: {  	_ =	swait.ge [sflag:s11], $0x50  }
0x28: {  	[sflag:s11] =	ssyncset.done $0x0  }
0x29: {  	[sflag:s11] =	ssyncadd.s32 $0xFFFFFFB0  }
0x2a: {  	[bflag:$0x0] =	sbarrier.arrive $0xFFFF  }
0x2b: {  	[tilespmem:s10], [sflag:$0x1] =	stream.linear.gather [spmem:s6], $0x280, $0x38;
	[tilespmem:$0x4580] =	vst v63  }
0x2c: {  	s14 =	sadd.s32 $0x1, s14;
	_ =	swait.ge [sflag:s11], $0x280  }
0x2d: {  	p0 =	sne.s32 s14, s9;
	[sflag:s11] =	ssyncset.done $0x0  }
.Ltmp1:
0x2e: {  	[sflag:s11] =	ssyncadd.s32 $0xFFFFFD80;
	(pc) =	sbr.rel @p0 .LBB2_1-.Ltmp1, $4  }
0x2f: {  	[hbm4b:s8+s4] =	stream.linear.scatter [tilespmem:s10], [sflag:$0x1], $0x280, $0x38;
	[tilespmem:$0x4580] =	vst v63  }
0x30: {  	_ =	swait.ge [sflag:s11], $0x280  }
0x31: {  	[sflag:s11] =	ssyncset.done $0x0  }
0x32: {  	[sflag:s11] =	ssyncadd.s32 $0xFFFFFD80  }
0x33: {  	_ =	sfence.sel $0x180000  }
0x34: {  	[bflag:$0x0] =	sbarrier.arrive $0xFFFF  }
0x35: {  	p0 =	sne.s32 s1, $0x0;
	_ =	strace $0x90000047  }
0x36: {  	s0 =	sadd.s32 @!p0 $0x100000, s0;
	[bflag:$0x2] =	sbarrier.arrive $0xFFFF  }
0x37: {  	[sflag:s0] =	ssyncadd.tile.s32 @!p0 $0x1;
	_ =	shalt  }
.Lfunc_end2:
_tile_overlayer_lowered:
.L_overlay_start_2:
0x38: {  	(tag) =	ssettag $0x2  }
0x39: {  	s0 =	rddreg [dreg:$0x0];
	s2 =	stileid.u32  }
0x3a: {  	s1 =	rddreg [dreg:$0x1];
	p0 =	sne.s32 s2, $0x0  }
0x3b: {  	s3 =	rddreg [dreg:$0x2];
	[bflag:$0x3] =	sbarrier.arrive $0xFFFF;
	s2 =	simm.s32 @!p0 $0x1C01  }
0x3c: {  	[timem:s3], [sflag:s2] =	dma.local @!p0 [hbm:s0], s1  }
0x3d: {  	s0 =	simm.s32 @!p0 $0x1  }
0x3e: {  	_ =	swait.ge @!p0 [sflag:s0], s1  }
0x3f: {  	s1 =	ssub.s32 @!p0 $0x0, s1;
	[sflag:s0] =	ssyncset.done @!p0 $0x0  }
0x40: {  	[sflag:s0] =	ssyncadd.s32 @!p0 s1  }
0x41: {  	[bflag:$0x3] =	sbarrier.arrive $0xFFFF  }
0x42: {  	_ =	shalt  }

</sc_bundles>
